<compile_context>
chip_gen: v7x
topology: tpu7x:2x2x1
jax: 0.10.2.dev20260603
libtpu: 0.0.44.dev20260713+nightly
codegen_flags: <defaults>
</compile_context>

<pallas_src>
import functools

import jax
import jax.numpy as jnp
from jax import lax
from jax.experimental import pallas as pl
from jax.experimental.pallas import tpu as pltpu
from jax.experimental.pallas import tpu_sc as plsc

N = 10000
F = 128
E = 320000
NW = 32
EPW = E // NW
CH = 80
NCH = EPW // CH
SCH = 25
NSC = NCH // SCH
RPT = 624
TAIL_OFF = RPT * 16
TAIL = N - TAIL_OFF


def _sc_segment_sum(h, src3, dst3, zeros):
  mesh = plsc.VectorSubcoreMesh(core_axis_name="c", subcore_axis_name="s")

  @functools.partial(
      pl.kernel,
      out_type=jax.ShapeDtypeStruct((2, N, F), jnp.float32),
      mesh=mesh,
      scratch_types=[
          pltpu.VMEM((SCH, CH), jnp.int32),
          pltpu.VMEM((SCH, CH), jnp.int32),
          pltpu.VMEM((CH, F), jnp.float32),
          pltpu.VMEM((CH, F), jnp.float32),
          pltpu.VMEM((CH, F), jnp.float32),
          pltpu.VMEM((CH, F), jnp.float32),
          pltpu.VMEM_SHARED((N, F), jnp.float32),
          pltpu.SemaphoreType.DMA,
          pltpu.SemaphoreType.DMA,
          pltpu.SemaphoreType.DMA,
          pltpu.SemaphoreType.DMA,
      ],
  )
  def k(h_hbm, src_hbm, dst_hbm, z_hbm, out_hbm, src_v, dst_v, rows0_v,
        rows1_v, rows2_v, rows3_v, agg_s, sem0, sem1, sem2, sem3):
    cid = lax.axis_index("c")
    sid = lax.axis_index("s")
    wid = cid * 16 + sid
    pltpu.sync_copy(z_hbm.at[pl.ds(sid * RPT, RPT)],
                    agg_s.at[pl.ds(sid * RPT, RPT)])

    @pl.when(sid == 15)
    def _zero_tail():
      pltpu.sync_copy(z_hbm.at[pl.ds(TAIL_OFF, TAIL)],
                      agg_s.at[pl.ds(TAIL_OFF, TAIL)])

    plsc.subcore_barrier()

    def gather(j, buf, sem):
      return pltpu.async_copy(h_hbm.at[src_v.at[j]], buf, sem)

    def wait_gather(j, buf, sem):
      pltpu.make_async_copy(h_hbm.at[src_v.at[j]], buf, sem).wait()

    def scatter(j, buf):
      pltpu.sync_copy(buf, agg_s.at[dst_v.at[j]], add=True)

    def superchunk(s, carry):
      pltpu.sync_copy(src_hbm.at[wid, s], src_v)
      pltpu.sync_copy(dst_hbm.at[wid, s], dst_v)
      gather(0, rows0_v, sem0)
      gather(1, rows1_v, sem1)
      gather(2, rows2_v, sem2)

      def body(i, c):
        j = 4 * i
        gather(j + 3, rows3_v, sem3)
        wait_gather(j, rows0_v, sem0)
        scatter(j, rows0_v)
        gather(j + 4, rows0_v, sem0)
        wait_gather(j + 1, rows1_v, sem1)
        scatter(j + 1, rows1_v)
        gather(j + 5, rows1_v, sem1)
        wait_gather(j + 2, rows2_v, sem2)
        scatter(j + 2, rows2_v)
        gather(j + 6, rows2_v, sem2)
        wait_gather(j + 3, rows3_v, sem3)
        scatter(j + 3, rows3_v)
        return c

      lax.fori_loop(0, 5, body, 0)
      gather(23, rows3_v, sem3)
      wait_gather(20, rows0_v, sem0)
      scatter(20, rows0_v)
      gather(24, rows0_v, sem0)
      wait_gather(21, rows1_v, sem1)
      scatter(21, rows1_v)
      wait_gather(22, rows2_v, sem2)
      scatter(22, rows2_v)
      wait_gather(23, rows3_v, sem3)
      scatter(23, rows3_v)
      wait_gather(24, rows0_v, sem0)
      scatter(24, rows0_v)
      return carry

    lax.fori_loop(0, NSC, superchunk, 0)
    plsc.subcore_barrier()
    pltpu.sync_copy(agg_s.at[pl.ds(sid * RPT, RPT)],
                    out_hbm.at[cid, pl.ds(sid * RPT, RPT)])

    @pl.when(sid == 15)
    def _out_tail():
      pltpu.sync_copy(agg_s.at[pl.ds(TAIL_OFF, TAIL)],
                      out_hbm.at[cid, pl.ds(TAIL_OFF, TAIL)])

  return k(h, src3, dst3, zeros)


def _bn_cols(z, gamma, beta):
  mu = jnp.mean(z, axis=0, keepdims=True)
  var = jnp.mean((z - mu) * (z - mu), axis=0, keepdims=True)
  return gamma * (z - mu) / jnp.sqrt(var + 1e-5) + beta


def _mlp_mid(scale_ref, h_ref, a0_ref, a1_ref, w1_ref, b1_ref, g1_ref,
             be1_ref, w2_ref, b2_ref, go_ref, bo_ref, out_ref):
  z = scale_ref[0, 0] * h_ref[...] + a0_ref[...] + a1_ref[...]
  z = jnp.dot(z, w1_ref[...], preferred_element_type=jnp.float32) + b1_ref[...]
  z = _bn_cols(z, g1_ref[...], be1_ref[...])
  z = jnp.maximum(z, 0.0)
  z = jnp.dot(z, w2_ref[...], preferred_element_type=jnp.float32) + b2_ref[...]
  z = _bn_cols(z, go_ref[...], bo_ref[...])
  out_ref[...] = jnp.maximum(z, 0.0)


def _mlp_last(scale_ref, h_ref, a0_ref, a1_ref, w1_ref, b1_ref, g1_ref,
              be1_ref, w2_ref, b2_ref, out_ref):
  z = scale_ref[0, 0] * h_ref[...] + a0_ref[...] + a1_ref[...]
  z = jnp.dot(z, w1_ref[...], preferred_element_type=jnp.float32) + b1_ref[...]
  z = _bn_cols(z, g1_ref[...], be1_ref[...])
  z = jnp.maximum(z, 0.0)
  z = jnp.dot(z, w2_ref[...], preferred_element_type=jnp.float32) + b2_ref[...]
  m = jnp.max(z, axis=-1, keepdims=True)
  s = z - m
  out_ref[...] = s - jnp.log(jnp.sum(jnp.exp(s), axis=-1, keepdims=True))


def _tc_mlp(scale, h, a0, a1, *weights, last):
  body = _mlp_last if last else _mlp_mid
  n_vmem = 3 + len(weights)
  return pl.pallas_call(
      body,
      out_shape=jax.ShapeDtypeStruct((N, F), jnp.float32),
      in_specs=[pl.BlockSpec(memory_space=pltpu.SMEM)]
      + [pl.BlockSpec(memory_space=pltpu.VMEM)] * n_vmem,
      out_specs=pl.BlockSpec(memory_space=pltpu.VMEM),
  )(scale, h, a0, a1, *weights)


def kernel(x, edge_index, eps, W1, b1, g1, be1, W2, b2, go, bo):
  src3 = edge_index[0].reshape(NW, NSC, SCH, CH)
  dst3 = edge_index[1].reshape(NW, NSC, SCH, CH)
  zeros = jnp.zeros((N, F), jnp.float32)
  h = x
  for l in range(3):
    parts = _sc_segment_sum(h, src3, dst3, zeros)
    scale = (1.0 + eps[l]).reshape(1, 1)
    row = lambda v: v.reshape(1, -1)
    if l < 2:
      h = _tc_mlp(scale, h, parts[0], parts[1], W1[l], row(b1[l]),
                  row(g1[l]), row(be1[l]), W2[l], row(b2[l]), row(go[l]),
                  row(bo[l]), last=False)
    else:
      h = _tc_mlp(scale, h, parts[0], parts[1], W1[l], row(b1[l]),
                  row(g1[l]), row(be1[l]), W2[l], row(b2[l]), last=True)
  return h

# --- scband reference (transcript-rebuilt; emitter-appended) ---
"""Pipeline reference for scband-gin-70188355551832 (READ-ONLY COPY).

The authoritative reference and input builder live on the scoring server;
editing this copy changes nothing except your own understanding.
"""

import jax, jax.numpy as jnp
import numpy as np

N_NODES = 10000
N_EDGES = 320000
NFEAT = 128
NHID = 128
NLAYER = 3


def setup_inputs(seed: int = 0) -> dict:
    key = jax.random.key(seed)
    ks = jax.random.split(key, 12)
    x = jax.random.normal(ks[0], (N_NODES, NFEAT), dtype=jnp.float32)
    edge_index = jax.random.randint(ks[1], (2, N_EDGES), 0, N_NODES, dtype=jnp.int32)
    eps = jnp.zeros((NLAYER,), dtype=jnp.float32)
    W1 = jax.random.normal(ks[2], (NLAYER, NFEAT, 2 * NHID), dtype=jnp.float32) * 0.05
    b1 = jnp.zeros((NLAYER, 2 * NHID), dtype=jnp.float32)
    g1 = jnp.ones((NLAYER, 2 * NHID), dtype=jnp.float32)
    be1 = jnp.zeros((NLAYER, 2 * NHID), dtype=jnp.float32)
    W2 = jax.random.normal(ks[3], (NLAYER, 2 * NHID, NHID), dtype=jnp.float32) * 0.05
    b2 = jnp.zeros((NLAYER, NHID), dtype=jnp.float32)
    go = jnp.ones((NLAYER - 1, NHID), dtype=jnp.float32)
    bo = jnp.zeros((NLAYER - 1, NHID), dtype=jnp.float32)
    return {"x": x, "edge_index": edge_index, "eps": eps, "W1": W1, "b1": b1,
            "g1": g1, "be1": be1, "W2": W2, "b2": b2, "go": go, "bo": bo}


def _bn(h, gamma, beta):
    # torch BatchNorm1d in training mode: batch stats, biased variance, eps=1e-5
    mu = jnp.mean(h, axis=0)
    var = jnp.var(h, axis=0)
    return gamma * (h - mu) / jnp.sqrt(var + 1e-5) + beta


def reference(x, edge_index, eps, W1, b1, g1, be1, W2, b2, go, bo):
    src = edge_index[0]
    dst = edge_index[1]
    h = x
    for l in range(NLAYER):
        if l > 0:
            h = jax.nn.relu(h)
        # GINConv: mlp((1+eps)*x + sum_{j in N(i)} x_j)
        agg = jax.ops.segment_sum(h[src], dst, num_segments=N_NODES)
        z = (1.0 + eps[l]) * h + agg
        z = z @ W1[l] + b1[l]
        z = _bn(z, g1[l], be1[l])
        z = jax.nn.relu(z)
        z = z @ W2[l] + b2[l]
        if l < NLAYER - 1:
            z = _bn(z, go[l], bo[l])
        h = z
    return jax.nn.log_softmax(h, axis=-1)

if __name__ == "__main__":
    import jax
    _d = setup_inputs()
    print(jax.jit(kernel)(*tuple(_d.values())))

</pallas_src>

<mosaic_0001>
#map = affine_map<(d0, d1) -> (0, 0)>
#map1 = affine_map<(d0, d1) -> (0, 0, 0, 0)>
#map2 = affine_map<(d0, d1) -> (0, 0, 0)>
module attributes {stable_mosaic.version = 14 : i64} {
  func.func @k(%arg0: i32, %arg1: i32, %arg2: memref<10000x128xf32, #tpu.memory_space<hbm>>, %arg3: memref<32x5x25x80xi32, #tpu.memory_space<hbm>>, %arg4: memref<32x5x25x80xi32, #tpu.memory_space<hbm>>, %arg5: memref<10000x128xf32, #tpu.memory_space<hbm>>, %arg6: memref<2x10000x128xf32, #tpu.memory_space<hbm>>, %arg7: memref<25x80xi32, #tpu.memory_space<vmem>>, %arg8: memref<25x80xi32, #tpu.memory_space<vmem>>, %arg9: memref<80x128xf32, #tpu.memory_space<vmem>>, %arg10: memref<80x128xf32, #tpu.memory_space<vmem>>, %arg11: memref<80x128xf32, #tpu.memory_space<vmem>>, %arg12: memref<80x128xf32, #tpu.memory_space<vmem>>, %arg13: memref<10000x128xf32, #tpu.memory_space<vmem_shared>>, %arg14: memref<!tpu.dma_semaphore, #tpu.memory_space<semaphore_mem>>, %arg15: memref<!tpu.dma_semaphore, #tpu.memory_space<semaphore_mem>>, %arg16: memref<!tpu.dma_semaphore, #tpu.memory_space<semaphore_mem>>, %arg17: memref<!tpu.dma_semaphore, #tpu.memory_space<semaphore_mem>>) attributes {dimension_semantics = [#tpu.dimension_semantics<core_parallel>, #tpu.dimension_semantics<subcore_parallel>], iteration_bounds = array<i64: 2, 16>, scalar_prefetch = 0 : i64, scratch_operands = 11 : i64, tpu.core_type = #tpu.core_type<sc_vector_subcore>, window_params = [{transform_indices = #map}, {transform_indices = #map1}, {transform_indices = #map1}, {transform_indices = #map}, {transform_indices = #map2}]} {
    %mul3A = arith.constant 16 : i32
    %mul3A_0 = arith.muli %arg0, %mul3A : i32
    %add3A = arith.addi %mul3A_0, %arg1 : i32
    %mul3A_1 = arith.constant 624 : i32
    %mul3A_2 = arith.muli %arg1, %mul3A_1 : i32
    %mul3A_3 = arith.constant 624 : i32
    %mul3A_4 = arith.muli %arg1, %mul3A_3 : i32
    "tpu.region"() ({
      %run_scoped3A = tpu.sem_alloc : memref<!tpu.dma_semaphore, #tpu.memory_space<semaphore_mem>>
      %dma_start3A = arith.constant 0 : i32
      %dma_start3A_22 = tpu.memref_slice %arg13[%mul3A_4, %dma_start3A] : memref<10000x128xf32, #tpu.memory_space<vmem_shared>> -> memref<624x128xf32, #tpu.memory_space<vmem_shared>>
      %dma_start3A_23 = arith.constant 0 : i32
      %dma_start3A_24 = tpu.memref_slice %arg5[%mul3A_2, %dma_start3A_23] : memref<10000x128xf32, #tpu.memory_space<hbm>> -> memref<624x128xf32, #tpu.memory_space<hbm>>
      tpu.enqueue_dma source(%dma_start3A_24 : memref<624x128xf32, #tpu.memory_space<hbm>>) target(%dma_start3A_22 : memref<624x128xf32, #tpu.memory_space<vmem_shared>>) target_semaphore(%run_scoped3A : memref<!tpu.dma_semaphore, #tpu.memory_space<semaphore_mem>>)
      %dma_wait3A = arith.constant 0 : i32
      %dma_wait3A_25 = tpu.memref_slice %arg13[%mul3A_4, %dma_wait3A] : memref<10000x128xf32, #tpu.memory_space<vmem_shared>> -> memref<624x128xf32, #tpu.memory_space<vmem_shared>>
      %dma_wait3A_26 = arith.constant 0 : i32
      %dma_wait3A_27 = tpu.memref_slice %arg5[%mul3A_2, %dma_wait3A_26] : memref<10000x128xf32, #tpu.memory_space<hbm>> -> memref<624x128xf32, #tpu.memory_space<hbm>>
      tpu.wait_dma2 semaphore(%run_scoped3A : memref<!tpu.dma_semaphore, #tpu.memory_space<semaphore_mem>>) src(%dma_wait3A_27 : memref<624x128xf32, #tpu.memory_space<hbm>>) dst(%dma_wait3A_25 : memref<624x128xf32, #tpu.memory_space<vmem_shared>>)
      tpu.yield
    }) : () -> ()
    %eq3A = arith.constant 15 : i32
    %eq3A_5 = arith.cmpi eq, %arg1, %eq3A : i32
    %convert_element_type3A = arith.extui %eq3A_5 : i1 to i32
    %cond3A = arith.constant 0 : i32
    %cond3A_6 = arith.cmpi ne, %convert_element_type3A, %cond3A : i32
    scf.if %cond3A_6 {
      "tpu.region"() ({
        %run_scoped3A = tpu.sem_alloc : memref<!tpu.dma_semaphore, #tpu.memory_space<semaphore_mem>>
        %dma_start3A = arith.constant 9984 : i32
        %dma_start3A_22 = arith.constant 0 : i32
        %dma_start3A_23 = tpu.memref_slice %arg13[%dma_start3A, %dma_start3A_22] : memref<10000x128xf32, #tpu.memory_space<vmem_shared>> -> memref<16x128xf32, #tpu.memory_space<vmem_shared>>
        %dma_start3A_24 = arith.constant 9984 : i32
        %dma_start3A_25 = arith.constant 0 : i32
        %dma_start3A_26 = tpu.memref_slice %arg5[%dma_start3A_24, %dma_start3A_25] : memref<10000x128xf32, #tpu.memory_space<hbm>> -> memref<16x128xf32, #tpu.memory_space<hbm>>
        tpu.enqueue_dma source(%dma_start3A_26 : memref<16x128xf32, #tpu.memory_space<hbm>>) target(%dma_start3A_23 : memref<16x128xf32, #tpu.memory_space<vmem_shared>>) target_semaphore(%run_scoped3A : memref<!tpu.dma_semaphore, #tpu.memory_space<semaphore_mem>>)
        %dma_wait3A = arith.constant 9984 : i32
        %dma_wait3A_27 = arith.constant 0 : i32
        %dma_wait3A_28 = tpu.memref_slice %arg13[%dma_wait3A, %dma_wait3A_27] : memref<10000x128xf32, #tpu.memory_space<vmem_shared>> -> memref<16x128xf32, #tpu.memory_space<vmem_shared>>
        %dma_wait3A_29 = arith.constant 9984 : i32
        %dma_wait3A_30 = arith.constant 0 : i32
        %dma_wait3A_31 = tpu.memref_slice %arg5[%dma_wait3A_29, %dma_wait3A_30] : memref<10000x128xf32, #tpu.memory_space<hbm>> -> memref<16x128xf32, #tpu.memory_space<hbm>>
        tpu.wait_dma2 semaphore(%run_scoped3A : memref<!tpu.dma_semaphore, #tpu.memory_space<semaphore_mem>>) src(%dma_wait3A_31 : memref<16x128xf32, #tpu.memory_space<hbm>>) dst(%dma_wait3A_28 : memref<16x128xf32, #tpu.memory_space<vmem_shared>>)
        tpu.yield
      }) : () -> ()
    } else {
    }
    %barrier3A = arith.constant 0 : index
    tpu.barrier barrier_id(%barrier3A)
    %scan3A = arith.constant 0 : i32
    %scan3A_7 = arith.constant 0 : i32
    %scan3A_8 = arith.constant 5 : i32
    %scan3A_9 = arith.addi %scan3A_7, %scan3A_8 : i32
    %scan3A_10 = arith.constant 1 : i32
    scf.for %scan3A_22 = %scan3A_7 to %scan3A_9 step %scan3A_10  : i32 {
      "tpu.region"() ({
        %run_scoped3A_101 = tpu.sem_alloc : memref<!tpu.dma_semaphore, #tpu.memory_space<semaphore_mem>>
        %dma_start3A_102 = arith.constant 0 : i32
        %dma_start3A_103 = arith.constant 0 : i32
        %dma_start3A_104 = tpu.memref_slice %arg3[%add3A, %scan3A_22, %dma_start3A_102, %dma_start3A_103] : memref<32x5x25x80xi32, #tpu.memory_space<hbm>> -> memref<1x1x25x80xi32, #tpu.memory_space<hbm>>
        %dma_start3A_105 = tpu.memref_squeeze %dma_start3A_104 : memref<1x1x25x80xi32, #tpu.memory_space<hbm>> -> memref<25x80xi32, #tpu.memory_space<hbm>>
        %dma_start3A_106 = arith.constant 0 : i32
        %dma_start3A_107 = arith.constant 0 : i32
        %dma_start3A_108 = tpu.memref_slice %arg3[%add3A, %scan3A_22, %dma_start3A_106, %dma_start3A_107] : memref<32x5x25x80xi32, #tpu.memory_space<hbm>> -> memref<1x1x25x80xi32, #tpu.memory_space<hbm>>
        %dma_start3A_109 = tpu.memref_squeeze %dma_start3A_108 : memref<1x1x25x80xi32, #tpu.memory_space<hbm>> -> memref<25x80xi32, #tpu.memory_space<hbm>>
        tpu.enqueue_dma source(%dma_start3A_109 : memref<25x80xi32, #tpu.memory_space<hbm>>) target(%arg7 : memref<25x80xi32, #tpu.memory_space<vmem>>) target_semaphore(%run_scoped3A_101 : memref<!tpu.dma_semaphore, #tpu.memory_space<semaphore_mem>>)
        %dma_wait3A_110 = arith.constant 0 : i32
        %dma_wait3A_111 = arith.constant 0 : i32
        %dma_wait3A_112 = tpu.memref_slice %arg3[%add3A, %scan3A_22, %dma_wait3A_110, %dma_wait3A_111] : memref<32x5x25x80xi32, #tpu.memory_space<hbm>> -> memref<1x1x25x80xi32, #tpu.memory_space<hbm>>
        %dma_wait3A_113 = tpu.memref_squeeze %dma_wait3A_112 : memref<1x1x25x80xi32, #tpu.memory_space<hbm>> -> memref<25x80xi32, #tpu.memory_space<hbm>>
        %dma_wait3A_114 = arith.constant 0 : i32
        %dma_wait3A_115 = arith.constant 0 : i32
        %dma_wait3A_116 = tpu.memref_slice %arg3[%add3A, %scan3A_22, %dma_wait3A_114, %dma_wait3A_115] : memref<32x5x25x80xi32, #tpu.memory_space<hbm>> -> memref<1x1x25x80xi32, #tpu.memory_space<hbm>>
        %dma_wait3A_117 = tpu.memref_squeeze %dma_wait3A_116 : memref<1x1x25x80xi32, #tpu.memory_space<hbm>> -> memref<25x80xi32, #tpu.memory_space<hbm>>
        tpu.wait_dma2 semaphore(%run_scoped3A_101 : memref<!tpu.dma_semaphore, #tpu.memory_space<semaphore_mem>>) src(%dma_wait3A_117 : memref<25x80xi32, #tpu.memory_space<hbm>>) dst(%arg7 : memref<25x80xi32, #tpu.memory_space<vmem>>)
        tpu.yield
      }) : () -> ()
      "tpu.region"() ({
        %run_scoped3A_101 = tpu.sem_alloc : memref<!tpu.dma_semaphore, #tpu.memory_space<semaphore_mem>>
        %dma_start3A_102 = arith.constant 0 : i32
        %dma_start3A_103 = arith.constant 0 : i32
        %dma_start3A_104 = tpu.memref_slice %arg4[%add3A, %scan3A_22, %dma_start3A_102, %dma_start3A_103] : memref<32x5x25x80xi32, #tpu.memory_space<hbm>> -> memref<1x1x25x80xi32, #tpu.memory_space<hbm>>
        %dma_start3A_105 = tpu.memref_squeeze %dma_start3A_104 : memref<1x1x25x80xi32, #tpu.memory_space<hbm>> -> memref<25x80xi32, #tpu.memory_space<hbm>>
        %dma_start3A_106 = arith.constant 0 : i32
        %dma_start3A_107 = arith.constant 0 : i32
        %dma_start3A_108 = tpu.memref_slice %arg4[%add3A, %scan3A_22, %dma_start3A_106, %dma_start3A_107] : memref<32x5x25x80xi32, #tpu.memory_space<hbm>> -> memref<1x1x25x80xi32, #tpu.memory_space<hbm>>
        %dma_start3A_109 = tpu.memref_squeeze %dma_start3A_108 : memref<1x1x25x80xi32, #tpu.memory_space<hbm>> -> memref<25x80xi32, #tpu.memory_space<hbm>>
        tpu.enqueue_dma source(%dma_start3A_109 : memref<25x80xi32, #tpu.memory_space<hbm>>) target(%arg8 : memref<25x80xi32, #tpu.memory_space<vmem>>) target_semaphore(%run_scoped3A_101 : memref<!tpu.dma_semaphore, #tpu.memory_space<semaphore_mem>>)
        %dma_wait3A_110 = arith.constant 0 : i32
        %dma_wait3A_111 = arith.constant 0 : i32
        %dma_wait3A_112 = tpu.memref_slice %arg4[%add3A, %scan3A_22, %dma_wait3A_110, %dma_wait3A_111] : memref<32x5x25x80xi32, #tpu.memory_space<hbm>> -> memref<1x1x25x80xi32, #tpu.memory_space<hbm>>
        %dma_wait3A_113 = tpu.memref_squeeze %dma_wait3A_112 : memref<1x1x25x80xi32, #tpu.memory_space<hbm>> -> memref<25x80xi32, #tpu.memory_space<hbm>>
        %dma_wait3A_114 = arith.constant 0 : i32
        %dma_wait3A_115 = arith.constant 0 : i32
        %dma_wait3A_116 = tpu.memref_slice %arg4[%add3A, %scan3A_22, %dma_wait3A_114, %dma_wait3A_115] : memref<32x5x25x80xi32, #tpu.memory_space<hbm>> -> memref<1x1x25x80xi32, #tpu.memory_space<hbm>>
        %dma_wait3A_117 = tpu.memref_squeeze %dma_wait3A_116 : memref<1x1x25x80xi32, #tpu.memory_space<hbm>> -> memref<25x80xi32, #tpu.memory_space<hbm>>
        tpu.wait_dma2 semaphore(%run_scoped3A_101 : memref<!tpu.dma_semaphore, #tpu.memory_space<semaphore_mem>>) src(%dma_wait3A_117 : memref<25x80xi32, #tpu.memory_space<hbm>>) dst(%arg8 : memref<25x80xi32, #tpu.memory_space<vmem>>)
        tpu.yield
      }) : () -> ()
      %dma_start3A = arith.constant 0 : i32
      %dma_start3A_23 = arith.constant 0 : i32
      %dma_start3A_24 = tpu.memref_slice %arg7[%dma_start3A, %dma_start3A_23] : memref<25x80xi32, #tpu.memory_space<vmem>> -> memref<1x80xi32, #tpu.memory_space<vmem>>
      %dma_start3A_25 = tpu.memref_squeeze %dma_start3A_24 : memref<1x80xi32, #tpu.memory_space<vmem>> -> memref<80xi32, #tpu.memory_space<vmem>>
      %dma_start3A_26 = arith.constant 0 : i32
      %dma_start3A_27 = arith.constant 0 : i32
      %dma_start3A_28 = tpu.memref_slice %arg2[%dma_start3A_26, %dma_start3A_27] : memref<10000x128xf32, #tpu.memory_space<hbm>> -> memref<10000x128xf32, #tpu.memory_space<hbm>>
      tpu.enqueue_indirect_dma source(%dma_start3A_28 : memref<10000x128xf32, #tpu.memory_space<hbm>>) target(%arg9 : memref<80x128xf32, #tpu.memory_space<vmem>>) offsets(%dma_start3A_25 : memref<80xi32, #tpu.memory_space<vmem>>) semaphore(%arg14 : memref<!tpu.dma_semaphore, #tpu.memory_space<semaphore_mem>>)
      %dma_start3A_29 = arith.constant 1 : i32
      %dma_start3A_30 = arith.constant 0 : i32
      %dma_start3A_31 = tpu.memref_slice %arg7[%dma_start3A_29, %dma_start3A_30] : memref<25x80xi32, #tpu.memory_space<vmem>> -> memref<1x80xi32, #tpu.memory_space<vmem>>
      %dma_start3A_32 = tpu.memref_squeeze %dma_start3A_31 : memref<1x80xi32, #tpu.memory_space<vmem>> -> memref<80xi32, #tpu.memory_space<vmem>>
      %dma_start3A_33 = arith.constant 0 : i32
      %dma_start3A_34 = arith.constant 0 : i32
      %dma_start3A_35 = tpu.memref_slice %arg2[%dma_start3A_33, %dma_start3A_34] : memref<10000x128xf32, #tpu.memory_space<hbm>> -> memref<10000x128xf32, #tpu.memory_space<hbm>>
      tpu.enqueue_indirect_dma source(%dma_start3A_35 : memref<10000x128xf32, #tpu.memory_space<hbm>>) target(%arg10 : memref<80x128xf32, #tpu.memory_space<vmem>>) offsets(%dma_start3A_32 : memref<80xi32, #tpu.memory_space<vmem>>) semaphore(%arg15 : memref<!tpu.dma_semaphore, #tpu.memory_space<semaphore_mem>>)
      %dma_start3A_36 = arith.constant 2 : i32
      %dma_start3A_37 = arith.constant 0 : i32
      %dma_start3A_38 = tpu.memref_slice %arg7[%dma_start3A_36, %dma_start3A_37] : memref<25x80xi32, #tpu.memory_space<vmem>> -> memref<1x80xi32, #tpu.memory_space<vmem>>
      %dma_start3A_39 = tpu.memref_squeeze %dma_start3A_38 : memref<1x80xi32, #tpu.memory_space<vmem>> -> memref<80xi32, #tpu.memory_space<vmem>>
      %dma_start3A_40 = arith.constant 0 : i32
      %dma_start3A_41 = arith.constant 0 : i32
      %dma_start3A_42 = tpu.memref_slice %arg2[%dma_start3A_40, %dma_start3A_41] : memref<10000x128xf32, #tpu.memory_space<hbm>> -> memref<10000x128xf32, #tpu.memory_space<hbm>>
      tpu.enqueue_indirect_dma source(%dma_start3A_42 : memref<10000x128xf32, #tpu.memory_space<hbm>>) target(%arg11 : memref<80x128xf32, #tpu.memory_space<vmem>>) offsets(%dma_start3A_39 : memref<80xi32, #tpu.memory_space<vmem>>) semaphore(%arg16 : memref<!tpu.dma_semaphore, #tpu.memory_space<semaphore_mem>>)
      %scan3A_43 = arith.constant 0 : i32
      %scan3A_44 = arith.constant 0 : i32
      %scan3A_45 = arith.constant 5 : i32
      %scan3A_46 = arith.addi %scan3A_44, %scan3A_45 : i32
      %scan3A_47 = arith.constant 1 : i32
      scf.for %scan3A_101 = %scan3A_44 to %scan3A_46 step %scan3A_47  : i32 {
        %mul3A_102 = arith.constant 4 : i32
        %mul3A_103 = arith.muli %mul3A_102, %scan3A_101 : i32
        %add3A_104 = arith.constant 3 : i32
        %add3A_105 = arith.addi %mul3A_103, %add3A_104 : i32
        %dma_start3A_106 = arith.constant 0 : i32
        %dma_start3A_107 = tpu.memref_slice %arg7[%add3A_105, %dma_start3A_106] : memref<25x80xi32, #tpu.memory_space<vmem>> -> memref<1x80xi32, #tpu.memory_space<vmem>>
        %dma_start3A_108 = tpu.memref_squeeze %dma_start3A_107 : memref<1x80xi32, #tpu.memory_space<vmem>> -> memref<80xi32, #tpu.memory_space<vmem>>
        %dma_start3A_109 = arith.constant 0 : i32
        %dma_start3A_110 = arith.constant 0 : i32
        %dma_start3A_111 = tpu.memref_slice %arg2[%dma_start3A_109, %dma_start3A_110] : memref<10000x128xf32, #tpu.memory_space<hbm>> -> memref<10000x128xf32, #tpu.memory_space<hbm>>
        tpu.enqueue_indirect_dma source(%dma_start3A_111 : memref<10000x128xf32, #tpu.memory_space<hbm>>) target(%arg12 : memref<80x128xf32, #tpu.memory_space<vmem>>) offsets(%dma_start3A_108 : memref<80xi32, #tpu.memory_space<vmem>>) semaphore(%arg17 : memref<!tpu.dma_semaphore, #tpu.memory_space<semaphore_mem>>)
        %dma_wait3A_112 = arith.constant 0 : i32
        %dma_wait3A_113 = tpu.memref_slice %arg7[%mul3A_103, %dma_wait3A_112] : memref<25x80xi32, #tpu.memory_space<vmem>> -> memref<1x80xi32, #tpu.memory_space<vmem>>
        %dma_wait3A_114 = tpu.memref_squeeze %dma_wait3A_113 : memref<1x80xi32, #tpu.memory_space<vmem>> -> memref<80xi32, #tpu.memory_space<vmem>>
        %dma_wait3A_115 = arith.constant 0 : i32
        %dma_wait3A_116 = arith.constant 0 : i32
        %dma_wait3A_117 = tpu.memref_slice %arg2[%dma_wait3A_115, %dma_wait3A_116] : memref<10000x128xf32, #tpu.memory_space<hbm>> -> memref<10000x128xf32, #tpu.memory_space<hbm>>
        tpu.wait_indirect_dma semaphore(%arg14 : memref<!tpu.dma_semaphore, #tpu.memory_space<semaphore_mem>>) src(%dma_wait3A_117 : memref<10000x128xf32, #tpu.memory_space<hbm>>) dst(%arg9 : memref<80x128xf32, #tpu.memory_space<vmem>>)
        "tpu.region"() ({
          %run_scoped3A_172 = tpu.sem_alloc : memref<!tpu.dma_semaphore, #tpu.memory_space<semaphore_mem>>
          %dma_start3A_173 = arith.constant 0 : i32
          %dma_start3A_174 = tpu.memref_slice %arg8[%mul3A_103, %dma_start3A_173] : memref<25x80xi32, #tpu.memory_space<vmem>> -> memref<1x80xi32, #tpu.memory_space<vmem>>
          %dma_start3A_175 = tpu.memref_squeeze %dma_start3A_174 : memref<1x80xi32, #tpu.memory_space<vmem>> -> memref<80xi32, #tpu.memory_space<vmem>>
          %dma_start3A_176 = arith.constant 0 : i32
          %dma_start3A_177 = arith.constant 0 : i32
          %dma_start3A_178 = tpu.memref_slice %arg13[%dma_start3A_176, %dma_start3A_177] : memref<10000x128xf32, #tpu.memory_space<vmem_shared>> -> memref<10000x128xf32, #tpu.memory_space<vmem_shared>>
          tpu.enqueue_indirect_dma source(%arg9 : memref<80x128xf32, #tpu.memory_space<vmem>>) target(%dma_start3A_178 : memref<10000x128xf32, #tpu.memory_space<vmem_shared>>) offsets(%dma_start3A_175 : memref<80xi32, #tpu.memory_space<vmem>>) semaphore(%run_scoped3A_172 : memref<!tpu.dma_semaphore, #tpu.memory_space<semaphore_mem>>) {add = true}
          %dma_wait3A_179 = arith.constant 0 : i32
          %dma_wait3A_180 = tpu.memref_slice %arg8[%mul3A_103, %dma_wait3A_179] : memref<25x80xi32, #tpu.memory_space<vmem>> -> memref<1x80xi32, #tpu.memory_space<vmem>>
          %dma_wait3A_181 = tpu.memref_squeeze %dma_wait3A_180 : memref<1x80xi32, #tpu.memory_space<vmem>> -> memref<80xi32, #tpu.memory_space<vmem>>
          %dma_wait3A_182 = arith.constant 0 : i32
          %dma_wait3A_183 = arith.constant 0 : i32
          %dma_wait3A_184 = tpu.memref_slice %arg13[%dma_wait3A_182, %dma_wait3A_183] : memref<10000x128xf32, #tpu.memory_space<vmem_shared>> -> memref<10000x128xf32, #tpu.memory_space<vmem_shared>>
          tpu.wait_indirect_dma semaphore(%run_scoped3A_172 : memref<!tpu.dma_semaphore, #tpu.memory_space<semaphore_mem>>) src(%arg9 : memref<80x128xf32, #tpu.memory_space<vmem>>) dst(%dma_wait3A_184 : memref<10000x128xf32, #tpu.memory_space<vmem_shared>>)
          tpu.yield
        }) : () -> ()
        %add3A_118 = arith.constant 4 : i32
        %add3A_119 = arith.addi %mul3A_103, %add3A_118 : i32
        %dma_start3A_120 = arith.constant 0 : i32
        %dma_start3A_121 = tpu.memref_slice %arg7[%add3A_119, %dma_start3A_120] : memref<25x80xi32, #tpu.memory_space<vmem>> -> memref<1x80xi32, #tpu.memory_space<vmem>>
        %dma_start3A_122 = tpu.memref_squeeze %dma_start3A_121 : memref<1x80xi32, #tpu.memory_space<vmem>> -> memref<80xi32, #tpu.memory_space<vmem>>
        %dma_start3A_123 = arith.constant 0 : i32
        %dma_start3A_124 = arith.constant 0 : i32
        %dma_start3A_125 = tpu.memref_slice %arg2[%dma_start3A_123, %dma_start3A_124] : memref<10000x128xf32, #tpu.memory_space<hbm>> -> memref<10000x128xf32, #tpu.memory_space<hbm>>
        tpu.enqueue_indirect_dma source(%dma_start3A_125 : memref<10000x128xf32, #tpu.memory_space<hbm>>) target(%arg9 : memref<80x128xf32, #tpu.memory_space<vmem>>) offsets(%dma_start3A_122 : memref<80xi32, #tpu.memory_space<vmem>>) semaphore(%arg14 : memref<!tpu.dma_semaphore, #tpu.memory_space<semaphore_mem>>)
        %add3A_126 = arith.constant 1 : i32
        %add3A_127 = arith.addi %mul3A_103, %add3A_126 : i32
        %dma_wait3A_128 = arith.constant 0 : i32
        %dma_wait3A_129 = tpu.memref_slice %arg7[%add3A_127, %dma_wait3A_128] : memref<25x80xi32, #tpu.memory_space<vmem>> -> memref<1x80xi32, #tpu.memory_space<vmem>>
        %dma_wait3A_130 = tpu.memref_squeeze %dma_wait3A_129 : memref<1x80xi32, #tpu.memory_space<vmem>> -> memref<80xi32, #tpu.memory_space<vmem>>
        %dma_wait3A_131 = arith.constant 0 : i32
        %dma_wait3A_132 = arith.constant 0 : i32
        %dma_wait3A_133 = tpu.memref_slice %arg2[%dma_wait3A_131, %dma_wait3A_132] : memref<10000x128xf32, #tpu.memory_space<hbm>> -> memref<10000x128xf32, #tpu.memory_space<hbm>>
        tpu.wait_indirect_dma semaphore(%arg15 : memref<!tpu.dma_semaphore, #tpu.memory_space<semaphore_mem>>) src(%dma_wait3A_133 : memref<10000x128xf32, #tpu.memory_space<hbm>>) dst(%arg10 : memref<80x128xf32, #tpu.memory_space<vmem>>)
        %add3A_134 = arith.constant 1 : i32
        %add3A_135 = arith.addi %mul3A_103, %add3A_134 : i32
        "tpu.region"() ({
          %run_scoped3A_172 = tpu.sem_alloc : memref<!tpu.dma_semaphore, #tpu.memory_space<semaphore_mem>>
          %dma_start3A_173 = arith.constant 0 : i32
          %dma_start3A_174 = tpu.memref_slice %arg8[%add3A_135, %dma_start3A_173] : memref<25x80xi32, #tpu.memory_space<vmem>> -> memref<1x80xi32, #tpu.memory_space<vmem>>
          %dma_start3A_175 = tpu.memref_squeeze %dma_start3A_174 : memref<1x80xi32, #tpu.memory_space<vmem>> -> memref<80xi32, #tpu.memory_space<vmem>>
          %dma_start3A_176 = arith.constant 0 : i32
          %dma_start3A_177 = arith.constant 0 : i32
          %dma_start3A_178 = tpu.memref_slice %arg13[%dma_start3A_176, %dma_start3A_177] : memref<10000x128xf32, #tpu.memory_space<vmem_shared>> -> memref<10000x128xf32, #tpu.memory_space<vmem_shared>>
          tpu.enqueue_indirect_dma source(%arg10 : memref<80x128xf32, #tpu.memory_space<vmem>>) target(%dma_start3A_178 : memref<10000x128xf32, #tpu.memory_space<vmem_shared>>) offsets(%dma_start3A_175 : memref<80xi32, #tpu.memory_space<vmem>>) semaphore(%run_scoped3A_172 : memref<!tpu.dma_semaphore, #tpu.memory_space<semaphore_mem>>) {add = true}
          %dma_wait3A_179 = arith.constant 0 : i32
          %dma_wait3A_180 = tpu.memref_slice %arg8[%add3A_135, %dma_wait3A_179] : memref<25x80xi32, #tpu.memory_space<vmem>> -> memref<1x80xi32, #tpu.memory_space<vmem>>
          %dma_wait3A_181 = tpu.memref_squeeze %dma_wait3A_180 : memref<1x80xi32, #tpu.memory_space<vmem>> -> memref<80xi32, #tpu.memory_space<vmem>>
          %dma_wait3A_182 = arith.constant 0 : i32
          %dma_wait3A_183 = arith.constant 0 : i32
          %dma_wait3A_184 = tpu.memref_slice %arg13[%dma_wait3A_182, %dma_wait3A_183] : memref<10000x128xf32, #tpu.memory_space<vmem_shared>> -> memref<10000x128xf32, #tpu.memory_space<vmem_shared>>
          tpu.wait_indirect_dma semaphore(%run_scoped3A_172 : memref<!tpu.dma_semaphore, #tpu.memory_space<semaphore_mem>>) src(%arg10 : memref<80x128xf32, #tpu.memory_space<vmem>>) dst(%dma_wait3A_184 : memref<10000x128xf32, #tpu.memory_space<vmem_shared>>)
          tpu.yield
        }) : () -> ()
        %add3A_136 = arith.constant 5 : i32
        %add3A_137 = arith.addi %mul3A_103, %add3A_136 : i32
        %dma_start3A_138 = arith.constant 0 : i32
        %dma_start3A_139 = tpu.memref_slice %arg7[%add3A_137, %dma_start3A_138] : memref<25x80xi32, #tpu.memory_space<vmem>> -> memref<1x80xi32, #tpu.memory_space<vmem>>
        %dma_start3A_140 = tpu.memref_squeeze %dma_start3A_139 : memref<1x80xi32, #tpu.memory_space<vmem>> -> memref<80xi32, #tpu.memory_space<vmem>>
        %dma_start3A_141 = arith.constant 0 : i32
        %dma_start3A_142 = arith.constant 0 : i32
        %dma_start3A_143 = tpu.memref_slice %arg2[%dma_start3A_141, %dma_start3A_142] : memref<10000x128xf32, #tpu.memory_space<hbm>> -> memref<10000x128xf32, #tpu.memory_space<hbm>>
        tpu.enqueue_indirect_dma source(%dma_start3A_143 : memref<10000x128xf32, #tpu.memory_space<hbm>>) target(%arg10 : memref<80x128xf32, #tpu.memory_space<vmem>>) offsets(%dma_start3A_140 : memref<80xi32, #tpu.memory_space<vmem>>) semaphore(%arg15 : memref<!tpu.dma_semaphore, #tpu.memory_space<semaphore_mem>>)
        %add3A_144 = arith.constant 2 : i32
        %add3A_145 = arith.addi %mul3A_103, %add3A_144 : i32
        %dma_wait3A_146 = arith.constant 0 : i32
        %dma_wait3A_147 = tpu.memref_slice %arg7[%add3A_145, %dma_wait3A_146] : memref<25x80xi32, #tpu.memory_space<vmem>> -> memref<1x80xi32, #tpu.memory_space<vmem>>
        %dma_wait3A_148 = tpu.memref_squeeze %dma_wait3A_147 : memref<1x80xi32, #tpu.memory_space<vmem>> -> memref<80xi32, #tpu.memory_space<vmem>>
        %dma_wait3A_149 = arith.constant 0 : i32
        %dma_wait3A_150 = arith.constant 0 : i32
        %dma_wait3A_151 = tpu.memref_slice %arg2[%dma_wait3A_149, %dma_wait3A_150] : memref<10000x128xf32, #tpu.memory_space<hbm>> -> memref<10000x128xf32, #tpu.memory_space<hbm>>
        tpu.wait_indirect_dma semaphore(%arg16 : memref<!tpu.dma_semaphore, #tpu.memory_space<semaphore_mem>>) src(%dma_wait3A_151 : memref<10000x128xf32, #tpu.memory_space<hbm>>) dst(%arg11 : memref<80x128xf32, #tpu.memory_space<vmem>>)
        %add3A_152 = arith.constant 2 : i32
        %add3A_153 = arith.addi %mul3A_103, %add3A_152 : i32
        "tpu.region"() ({
          %run_scoped3A_172 = tpu.sem_alloc : memref<!tpu.dma_semaphore, #tpu.memory_space<semaphore_mem>>
          %dma_start3A_173 = arith.constant 0 : i32
          %dma_start3A_174 = tpu.memref_slice %arg8[%add3A_153, %dma_start3A_173] : memref<25x80xi32, #tpu.memory_space<vmem>> -> memref<1x80xi32, #tpu.memory_space<vmem>>
          %dma_start3A_175 = tpu.memref_squeeze %dma_start3A_174 : memref<1x80xi32, #tpu.memory_space<vmem>> -> memref<80xi32, #tpu.memory_space<vmem>>
          %dma_start3A_176 = arith.constant 0 : i32
          %dma_start3A_177 = arith.constant 0 : i32
          %dma_start3A_178 = tpu.memref_slice %arg13[%dma_start3A_176, %dma_start3A_177] : memref<10000x128xf32, #tpu.memory_space<vmem_shared>> -> memref<10000x128xf32, #tpu.memory_space<vmem_shared>>
          tpu.enqueue_indirect_dma source(%arg11 : memref<80x128xf32, #tpu.memory_space<vmem>>) target(%dma_start3A_178 : memref<10000x128xf32, #tpu.memory_space<vmem_shared>>) offsets(%dma_start3A_175 : memref<80xi32, #tpu.memory_space<vmem>>) semaphore(%run_scoped3A_172 : memref<!tpu.dma_semaphore, #tpu.memory_space<semaphore_mem>>) {add = true}
          %dma_wait3A_179 = arith.constant 0 : i32
          %dma_wait3A_180 = tpu.memref_slice %arg8[%add3A_153, %dma_wait3A_179] : memref<25x80xi32, #tpu.memory_space<vmem>> -> memref<1x80xi32, #tpu.memory_space<vmem>>
          %dma_wait3A_181 = tpu.memref_squeeze %dma_wait3A_180 : memref<1x80xi32, #tpu.memory_space<vmem>> -> memref<80xi32, #tpu.memory_space<vmem>>
          %dma_wait3A_182 = arith.constant 0 : i32
          %dma_wait3A_183 = arith.constant 0 : i32
          %dma_wait3A_184 = tpu.memref_slice %arg13[%dma_wait3A_182, %dma_wait3A_183] : memref<10000x128xf32, #tpu.memory_space<vmem_shared>> -> memref<10000x128xf32, #tpu.memory_space<vmem_shared>>
          tpu.wait_indirect_dma semaphore(%run_scoped3A_172 : memref<!tpu.dma_semaphore, #tpu.memory_space<semaphore_mem>>) src(%arg11 : memref<80x128xf32, #tpu.memory_space<vmem>>) dst(%dma_wait3A_184 : memref<10000x128xf32, #tpu.memory_space<vmem_shared>>)
          tpu.yield
        }) : () -> ()
        %add3A_154 = arith.constant 6 : i32
        %add3A_155 = arith.addi %mul3A_103, %add3A_154 : i32
        %dma_start3A_156 = arith.constant 0 : i32
        %dma_start3A_157 = tpu.memref_slice %arg7[%add3A_155, %dma_start3A_156] : memref<25x80xi32, #tpu.memory_space<vmem>> -> memref<1x80xi32, #tpu.memory_space<vmem>>
        %dma_start3A_158 = tpu.memref_squeeze %dma_start3A_157 : memref<1x80xi32, #tpu.memory_space<vmem>> -> memref<80xi32, #tpu.memory_space<vmem>>
        %dma_start3A_159 = arith.constant 0 : i32
        %dma_start3A_160 = arith.constant 0 : i32
        %dma_start3A_161 = tpu.memref_slice %arg2[%dma_start3A_159, %dma_start3A_160] : memref<10000x128xf32, #tpu.memory_space<hbm>> -> memref<10000x128xf32, #tpu.memory_space<hbm>>
        tpu.enqueue_indirect_dma source(%dma_start3A_161 : memref<10000x128xf32, #tpu.memory_space<hbm>>) target(%arg11 : memref<80x128xf32, #tpu.memory_space<vmem>>) offsets(%dma_start3A_158 : memref<80xi32, #tpu.memory_space<vmem>>) semaphore(%arg16 : memref<!tpu.dma_semaphore, #tpu.memory_space<semaphore_mem>>)
        %add3A_162 = arith.constant 3 : i32
        %add3A_163 = arith.addi %mul3A_103, %add3A_162 : i32
        %dma_wait3A_164 = arith.constant 0 : i32
        %dma_wait3A_165 = tpu.memref_slice %arg7[%add3A_163, %dma_wait3A_164] : memref<25x80xi32, #tpu.memory_space<vmem>> -> memref<1x80xi32, #tpu.memory_space<vmem>>
        %dma_wait3A_166 = tpu.memref_squeeze %dma_wait3A_165 : memref<1x80xi32, #tpu.memory_space<vmem>> -> memref<80xi32, #tpu.memory_space<vmem>>
        %dma_wait3A_167 = arith.constant 0 : i32
        %dma_wait3A_168 = arith.constant 0 : i32
        %dma_wait3A_169 = tpu.memref_slice %arg2[%dma_wait3A_167, %dma_wait3A_168] : memref<10000x128xf32, #tpu.memory_space<hbm>> -> memref<10000x128xf32, #tpu.memory_space<hbm>>
        tpu.wait_indirect_dma semaphore(%arg17 : memref<!tpu.dma_semaphore, #tpu.memory_space<semaphore_mem>>) src(%dma_wait3A_169 : memref<10000x128xf32, #tpu.memory_space<hbm>>) dst(%arg12 : memref<80x128xf32, #tpu.memory_space<vmem>>)
        %add3A_170 = arith.constant 3 : i32
        %add3A_171 = arith.addi %mul3A_103, %add3A_170 : i32
        "tpu.region"() ({
          %run_scoped3A_172 = tpu.sem_alloc : memref<!tpu.dma_semaphore, #tpu.memory_space<semaphore_mem>>
          %dma_start3A_173 = arith.constant 0 : i32
          %dma_start3A_174 = tpu.memref_slice %arg8[%add3A_171, %dma_start3A_173] : memref<25x80xi32, #tpu.memory_space<vmem>> -> memref<1x80xi32, #tpu.memory_space<vmem>>
          %dma_start3A_175 = tpu.memref_squeeze %dma_start3A_174 : memref<1x80xi32, #tpu.memory_space<vmem>> -> memref<80xi32, #tpu.memory_space<vmem>>
          %dma_start3A_176 = arith.constant 0 : i32
          %dma_start3A_177 = arith.constant 0 : i32
          %dma_start3A_178 = tpu.memref_slice %arg13[%dma_start3A_176, %dma_start3A_177] : memref<10000x128xf32, #tpu.memory_space<vmem_shared>> -> memref<10000x128xf32, #tpu.memory_space<vmem_shared>>
          tpu.enqueue_indirect_dma source(%arg12 : memref<80x128xf32, #tpu.memory_space<vmem>>) target(%dma_start3A_178 : memref<10000x128xf32, #tpu.memory_space<vmem_shared>>) offsets(%dma_start3A_175 : memref<80xi32, #tpu.memory_space<vmem>>) semaphore(%run_scoped3A_172 : memref<!tpu.dma_semaphore, #tpu.memory_space<semaphore_mem>>) {add = true}
          %dma_wait3A_179 = arith.constant 0 : i32
          %dma_wait3A_180 = tpu.memref_slice %arg8[%add3A_171, %dma_wait3A_179] : memref<25x80xi32, #tpu.memory_space<vmem>> -> memref<1x80xi32, #tpu.memory_space<vmem>>
          %dma_wait3A_181 = tpu.memref_squeeze %dma_wait3A_180 : memref<1x80xi32, #tpu.memory_space<vmem>> -> memref<80xi32, #tpu.memory_space<vmem>>
          %dma_wait3A_182 = arith.constant 0 : i32
          %dma_wait3A_183 = arith.constant 0 : i32
          %dma_wait3A_184 = tpu.memref_slice %arg13[%dma_wait3A_182, %dma_wait3A_183] : memref<10000x128xf32, #tpu.memory_space<vmem_shared>> -> memref<10000x128xf32, #tpu.memory_space<vmem_shared>>
          tpu.wait_indirect_dma semaphore(%run_scoped3A_172 : memref<!tpu.dma_semaphore, #tpu.memory_space<semaphore_mem>>) src(%arg12 : memref<80x128xf32, #tpu.memory_space<vmem>>) dst(%dma_wait3A_184 : memref<10000x128xf32, #tpu.memory_space<vmem_shared>>)
          tpu.yield
        }) : () -> ()
      }
      %scan3A_48 = arith.constant 5 : i32
      %dma_start3A_49 = arith.constant 23 : i32
      %dma_start3A_50 = arith.constant 0 : i32
      %dma_start3A_51 = tpu.memref_slice %arg7[%dma_start3A_49, %dma_start3A_50] : memref<25x80xi32, #tpu.memory_space<vmem>> -> memref<1x80xi32, #tpu.memory_space<vmem>>
      %dma_start3A_52 = tpu.memref_squeeze %dma_start3A_51 : memref<1x80xi32, #tpu.memory_space<vmem>> -> memref<80xi32, #tpu.memory_space<vmem>>
      %dma_start3A_53 = arith.constant 0 : i32
      %dma_start3A_54 = arith.constant 0 : i32
      %dma_start3A_55 = tpu.memref_slice %arg2[%dma_start3A_53, %dma_start3A_54] : memref<10000x128xf32, #tpu.memory_space<hbm>> -> memref<10000x128xf32, #tpu.memory_space<hbm>>
      tpu.enqueue_indirect_dma source(%dma_start3A_55 : memref<10000x128xf32, #tpu.memory_space<hbm>>) target(%arg12 : memref<80x128xf32, #tpu.memory_space<vmem>>) offsets(%dma_start3A_52 : memref<80xi32, #tpu.memory_space<vmem>>) semaphore(%arg17 : memref<!tpu.dma_semaphore, #tpu.memory_space<semaphore_mem>>)
      %dma_wait3A = arith.constant 20 : i32
      %dma_wait3A_56 = arith.constant 0 : i32
      %dma_wait3A_57 = tpu.memref_slice %arg7[%dma_wait3A, %dma_wait3A_56] : memref<25x80xi32, #tpu.memory_space<vmem>> -> memref<1x80xi32, #tpu.memory_space<vmem>>
      %dma_wait3A_58 = tpu.memref_squeeze %dma_wait3A_57 : memref<1x80xi32, #tpu.memory_space<vmem>> -> memref<80xi32, #tpu.memory_space<vmem>>
      %dma_wait3A_59 = arith.constant 0 : i32
      %dma_wait3A_60 = arith.constant 0 : i32
      %dma_wait3A_61 = tpu.memref_slice %arg2[%dma_wait3A_59, %dma_wait3A_60] : memref<10000x128xf32, #tpu.memory_space<hbm>> -> memref<10000x128xf32, #tpu.memory_space<hbm>>
      tpu.wait_indirect_dma semaphore(%arg14 : memref<!tpu.dma_semaphore, #tpu.memory_space<semaphore_mem>>) src(%dma_wait3A_61 : memref<10000x128xf32, #tpu.memory_space<hbm>>) dst(%arg9 : memref<80x128xf32, #tpu.memory_space<vmem>>)
      %run_scoped3A = arith.constant 20 : i32
      "tpu.region"() ({
        %run_scoped3A_101 = tpu.sem_alloc : memref<!tpu.dma_semaphore, #tpu.memory_space<semaphore_mem>>
        %dma_start3A_102 = arith.constant 0 : i32
        %dma_start3A_103 = tpu.memref_slice %arg8[%run_scoped3A, %dma_start3A_102] : memref<25x80xi32, #tpu.memory_space<vmem>> -> memref<1x80xi32, #tpu.memory_space<vmem>>
        %dma_start3A_104 = tpu.memref_squeeze %dma_start3A_103 : memref<1x80xi32, #tpu.memory_space<vmem>> -> memref<80xi32, #tpu.memory_space<vmem>>
        %dma_start3A_105 = arith.constant 0 : i32
        %dma_start3A_106 = arith.constant 0 : i32
        %dma_start3A_107 = tpu.memref_slice %arg13[%dma_start3A_105, %dma_start3A_106] : memref<10000x128xf32, #tpu.memory_space<vmem_shared>> -> memref<10000x128xf32, #tpu.memory_space<vmem_shared>>
        tpu.enqueue_indirect_dma source(%arg9 : memref<80x128xf32, #tpu.memory_space<vmem>>) target(%dma_start3A_107 : memref<10000x128xf32, #tpu.memory_space<vmem_shared>>) offsets(%dma_start3A_104 : memref<80xi32, #tpu.memory_space<vmem>>) semaphore(%run_scoped3A_101 : memref<!tpu.dma_semaphore, #tpu.memory_space<semaphore_mem>>) {add = true}
        %dma_wait3A_108 = arith.constant 0 : i32
        %dma_wait3A_109 = tpu.memref_slice %arg8[%run_scoped3A, %dma_wait3A_108] : memref<25x80xi32, #tpu.memory_space<vmem>> -> memref<1x80xi32, #tpu.memory_space<vmem>>
        %dma_wait3A_110 = tpu.memref_squeeze %dma_wait3A_109 : memref<1x80xi32, #tpu.memory_space<vmem>> -> memref<80xi32, #tpu.memory_space<vmem>>
        %dma_wait3A_111 = arith.constant 0 : i32
        %dma_wait3A_112 = arith.constant 0 : i32
        %dma_wait3A_113 = tpu.memref_slice %arg13[%dma_wait3A_111, %dma_wait3A_112] : memref<10000x128xf32, #tpu.memory_space<vmem_shared>> -> memref<10000x128xf32, #tpu.memory_space<vmem_shared>>
        tpu.wait_indirect_dma semaphore(%run_scoped3A_101 : memref<!tpu.dma_semaphore, #tpu.memory_space<semaphore_mem>>) src(%arg9 : memref<80x128xf32, #tpu.memory_space<vmem>>) dst(%dma_wait3A_113 : memref<10000x128xf32, #tpu.memory_space<vmem_shared>>)
        tpu.yield
      }) : () -> ()
      %dma_start3A_62 = arith.constant 24 : i32
      %dma_start3A_63 = arith.constant 0 : i32
      %dma_start3A_64 = tpu.memref_slice %arg7[%dma_start3A_62, %dma_start3A_63] : memref<25x80xi32, #tpu.memory_space<vmem>> -> memref<1x80xi32, #tpu.memory_space<vmem>>
      %dma_start3A_65 = tpu.memref_squeeze %dma_start3A_64 : memref<1x80xi32, #tpu.memory_space<vmem>> -> memref<80xi32, #tpu.memory_space<vmem>>
      %dma_start3A_66 = arith.constant 0 : i32
      %dma_start3A_67 = arith.constant 0 : i32
      %dma_start3A_68 = tpu.memref_slice %arg2[%dma_start3A_66, %dma_start3A_67] : memref<10000x128xf32, #tpu.memory_space<hbm>> -> memref<10000x128xf32, #tpu.memory_space<hbm>>
      tpu.enqueue_indirect_dma source(%dma_start3A_68 : memref<10000x128xf32, #tpu.memory_space<hbm>>) target(%arg9 : memref<80x128xf32, #tpu.memory_space<vmem>>) offsets(%dma_start3A_65 : memref<80xi32, #tpu.memory_space<vmem>>) semaphore(%arg14 : memref<!tpu.dma_semaphore, #tpu.memory_space<semaphore_mem>>)
      %dma_wait3A_69 = arith.constant 21 : i32
      %dma_wait3A_70 = arith.constant 0 : i32
      %dma_wait3A_71 = tpu.memref_slice %arg7[%dma_wait3A_69, %dma_wait3A_70] : memref<25x80xi32, #tpu.memory_space<vmem>> -> memref<1x80xi32, #tpu.memory_space<vmem>>
      %dma_wait3A_72 = tpu.memref_squeeze %dma_wait3A_71 : memref<1x80xi32, #tpu.memory_space<vmem>> -> memref<80xi32, #tpu.memory_space<vmem>>
      %dma_wait3A_73 = arith.constant 0 : i32
      %dma_wait3A_74 = arith.constant 0 : i32
      %dma_wait3A_75 = tpu.memref_slice %arg2[%dma_wait3A_73, %dma_wait3A_74] : memref<10000x128xf32, #tpu.memory_space<hbm>> -> memref<10000x128xf32, #tpu.memory_space<hbm>>
      tpu.wait_indirect_dma semaphore(%arg15 : memref<!tpu.dma_semaphore, #tpu.memory_space<semaphore_mem>>) src(%dma_wait3A_75 : memref<10000x128xf32, #tpu.memory_space<hbm>>) dst(%arg10 : memref<80x128xf32, #tpu.memory_space<vmem>>)
      %run_scoped3A_76 = arith.constant 21 : i32
      "tpu.region"() ({
        %run_scoped3A_101 = tpu.sem_alloc : memref<!tpu.dma_semaphore, #tpu.memory_space<semaphore_mem>>
        %dma_start3A_102 = arith.constant 0 : i32
        %dma_start3A_103 = tpu.memref_slice %arg8[%run_scoped3A_76, %dma_start3A_102] : memref<25x80xi32, #tpu.memory_space<vmem>> -> memref<1x80xi32, #tpu.memory_space<vmem>>
        %dma_start3A_104 = tpu.memref_squeeze %dma_start3A_103 : memref<1x80xi32, #tpu.memory_space<vmem>> -> memref<80xi32, #tpu.memory_space<vmem>>
        %dma_start3A_105 = arith.constant 0 : i32
        %dma_start3A_106 = arith.constant 0 : i32
        %dma_start3A_107 = tpu.memref_slice %arg13[%dma_start3A_105, %dma_start3A_106] : memref<10000x128xf32, #tpu.memory_space<vmem_shared>> -> memref<10000x128xf32, #tpu.memory_space<vmem_shared>>
        tpu.enqueue_indirect_dma source(%arg10 : memref<80x128xf32, #tpu.memory_space<vmem>>) target(%dma_start3A_107 : memref<10000x128xf32, #tpu.memory_space<vmem_shared>>) offsets(%dma_start3A_104 : memref<80xi32, #tpu.memory_space<vmem>>) semaphore(%run_scoped3A_101 : memref<!tpu.dma_semaphore, #tpu.memory_space<semaphore_mem>>) {add = true}
        %dma_wait3A_108 = arith.constant 0 : i32
        %dma_wait3A_109 = tpu.memref_slice %arg8[%run_scoped3A_76, %dma_wait3A_108] : memref<25x80xi32, #tpu.memory_space<vmem>> -> memref<1x80xi32, #tpu.memory_space<vmem>>
        %dma_wait3A_110 = tpu.memref_squeeze %dma_wait3A_109 : memref<1x80xi32, #tpu.memory_space<vmem>> -> memref<80xi32, #tpu.memory_space<vmem>>
        %dma_wait3A_111 = arith.constant 0 : i32
        %dma_wait3A_112 = arith.constant 0 : i32
        %dma_wait3A_113 = tpu.memref_slice %arg13[%dma_wait3A_111, %dma_wait3A_112] : memref<10000x128xf32, #tpu.memory_space<vmem_shared>> -> memref<10000x128xf32, #tpu.memory_space<vmem_shared>>
        tpu.wait_indirect_dma semaphore(%run_scoped3A_101 : memref<!tpu.dma_semaphore, #tpu.memory_space<semaphore_mem>>) src(%arg10 : memref<80x128xf32, #tpu.memory_space<vmem>>) dst(%dma_wait3A_113 : memref<10000x128xf32, #tpu.memory_space<vmem_shared>>)
        tpu.yield
      }) : () -> ()
      %dma_wait3A_77 = arith.constant 22 : i32
      %dma_wait3A_78 = arith.constant 0 : i32
      %dma_wait3A_79 = tpu.memref_slice %arg7[%dma_wait3A_77, %dma_wait3A_78] : memref<25x80xi32, #tpu.memory_space<vmem>> -> memref<1x80xi32, #tpu.memory_space<vmem>>
      %dma_wait3A_80 = tpu.memref_squeeze %dma_wait3A_79 : memref<1x80xi32, #tpu.memory_space<vmem>> -> memref<80xi32, #tpu.memory_space<vmem>>
      %dma_wait3A_81 = arith.constant 0 : i32
      %dma_wait3A_82 = arith.constant 0 : i32
      %dma_wait3A_83 = tpu.memref_slice %arg2[%dma_wait3A_81, %dma_wait3A_82] : memref<10000x128xf32, #tpu.memory_space<hbm>> -> memref<10000x128xf32, #tpu.memory_space<hbm>>
      tpu.wait_indirect_dma semaphore(%arg16 : memref<!tpu.dma_semaphore, #tpu.memory_space<semaphore_mem>>) src(%dma_wait3A_83 : memref<10000x128xf32, #tpu.memory_space<hbm>>) dst(%arg11 : memref<80x128xf32, #tpu.memory_space<vmem>>)
      %run_scoped3A_84 = arith.constant 22 : i32
      "tpu.region"() ({
        %run_scoped3A_101 = tpu.sem_alloc : memref<!tpu.dma_semaphore, #tpu.memory_space<semaphore_mem>>
        %dma_start3A_102 = arith.constant 0 : i32
        %dma_start3A_103 = tpu.memref_slice %arg8[%run_scoped3A_84, %dma_start3A_102] : memref<25x80xi32, #tpu.memory_space<vmem>> -> memref<1x80xi32, #tpu.memory_space<vmem>>
        %dma_start3A_104 = tpu.memref_squeeze %dma_start3A_103 : memref<1x80xi32, #tpu.memory_space<vmem>> -> memref<80xi32, #tpu.memory_space<vmem>>
        %dma_start3A_105 = arith.constant 0 : i32
        %dma_start3A_106 = arith.constant 0 : i32
        %dma_start3A_107 = tpu.memref_slice %arg13[%dma_start3A_105, %dma_start3A_106] : memref<10000x128xf32, #tpu.memory_space<vmem_shared>> -> memref<10000x128xf32, #tpu.memory_space<vmem_shared>>
        tpu.enqueue_indirect_dma source(%arg11 : memref<80x128xf32, #tpu.memory_space<vmem>>) target(%dma_start3A_107 : memref<10000x128xf32, #tpu.memory_space<vmem_shared>>) offsets(%dma_start3A_104 : memref<80xi32, #tpu.memory_space<vmem>>) semaphore(%run_scoped3A_101 : memref<!tpu.dma_semaphore, #tpu.memory_space<semaphore_mem>>) {add = true}
        %dma_wait3A_108 = arith.constant 0 : i32
        %dma_wait3A_109 = tpu.memref_slice %arg8[%run_scoped3A_84, %dma_wait3A_108] : memref<25x80xi32, #tpu.memory_space<vmem>> -> memref<1x80xi32, #tpu.memory_space<vmem>>
        %dma_wait3A_110 = tpu.memref_squeeze %dma_wait3A_109 : memref<1x80xi32, #tpu.memory_space<vmem>> -> memref<80xi32, #tpu.memory_space<vmem>>
        %dma_wait3A_111 = arith.constant 0 : i32
        %dma_wait3A_112 = arith.constant 0 : i32
        %dma_wait3A_113 = tpu.memref_slice %arg13[%dma_wait3A_111, %dma_wait3A_112] : memref<10000x128xf32, #tpu.memory_space<vmem_shared>> -> memref<10000x128xf32, #tpu.memory_space<vmem_shared>>
        tpu.wait_indirect_dma semaphore(%run_scoped3A_101 : memref<!tpu.dma_semaphore, #tpu.memory_space<semaphore_mem>>) src(%arg11 : memref<80x128xf32, #tpu.memory_space<vmem>>) dst(%dma_wait3A_113 : memref<10000x128xf32, #tpu.memory_space<vmem_shared>>)
        tpu.yield
      }) : () -> ()
      %dma_wait3A_85 = arith.constant 23 : i32
      %dma_wait3A_86 = arith.constant 0 : i32
      %dma_wait3A_87 = tpu.memref_slice %arg7[%dma_wait3A_85, %dma_wait3A_86] : memref<25x80xi32, #tpu.memory_space<vmem>> -> memref<1x80xi32, #tpu.memory_space<vmem>>
      %dma_wait3A_88 = tpu.memref_squeeze %dma_wait3A_87 : memref<1x80xi32, #tpu.memory_space<vmem>> -> memref<80xi32, #tpu.memory_space<vmem>>
      %dma_wait3A_89 = arith.constant 0 : i32
      %dma_wait3A_90 = arith.constant 0 : i32
      %dma_wait3A_91 = tpu.memref_slice %arg2[%dma_wait3A_89, %dma_wait3A_90] : memref<10000x128xf32, #tpu.memory_space<hbm>> -> memref<10000x128xf32, #tpu.memory_space<hbm>>
      tpu.wait_indirect_dma semaphore(%arg17 : memref<!tpu.dma_semaphore, #tpu.memory_space<semaphore_mem>>) src(%dma_wait3A_91 : memref<10000x128xf32, #tpu.memory_space<hbm>>) dst(%arg12 : memref<80x128xf32, #tpu.memory_space<vmem>>)
      %run_scoped3A_92 = arith.constant 23 : i32
      "tpu.region"() ({
        %run_scoped3A_101 = tpu.sem_alloc : memref<!tpu.dma_semaphore, #tpu.memory_space<semaphore_mem>>
        %dma_start3A_102 = arith.constant 0 : i32
        %dma_start3A_103 = tpu.memref_slice %arg8[%run_scoped3A_92, %dma_start3A_102] : memref<25x80xi32, #tpu.memory_space<vmem>> -> memref<1x80xi32, #tpu.memory_space<vmem>>
        %dma_start3A_104 = tpu.memref_squeeze %dma_start3A_103 : memref<1x80xi32, #tpu.memory_space<vmem>> -> memref<80xi32, #tpu.memory_space<vmem>>
        %dma_start3A_105 = arith.constant 0 : i32
        %dma_start3A_106 = arith.constant 0 : i32
        %dma_start3A_107 = tpu.memref_slice %arg13[%dma_start3A_105, %dma_start3A_106] : memref<10000x128xf32, #tpu.memory_space<vmem_shared>> -> memref<10000x128xf32, #tpu.memory_space<vmem_shared>>
        tpu.enqueue_indirect_dma source(%arg12 : memref<80x128xf32, #tpu.memory_space<vmem>>) target(%dma_start3A_107 : memref<10000x128xf32, #tpu.memory_space<vmem_shared>>) offsets(%dma_start3A_104 : memref<80xi32, #tpu.memory_space<vmem>>) semaphore(%run_scoped3A_101 : memref<!tpu.dma_semaphore, #tpu.memory_space<semaphore_mem>>) {add = true}
        %dma_wait3A_108 = arith.constant 0 : i32
        %dma_wait3A_109 = tpu.memref_slice %arg8[%run_scoped3A_92, %dma_wait3A_108] : memref<25x80xi32, #tpu.memory_space<vmem>> -> memref<1x80xi32, #tpu.memory_space<vmem>>
        %dma_wait3A_110 = tpu.memref_squeeze %dma_wait3A_109 : memref<1x80xi32, #tpu.memory_space<vmem>> -> memref<80xi32, #tpu.memory_space<vmem>>
        %dma_wait3A_111 = arith.constant 0 : i32
        %dma_wait3A_112 = arith.constant 0 : i32
        %dma_wait3A_113 = tpu.memref_slice %arg13[%dma_wait3A_111, %dma_wait3A_112] : memref<10000x128xf32, #tpu.memory_space<vmem_shared>> -> memref<10000x128xf32, #tpu.memory_space<vmem_shared>>
        tpu.wait_indirect_dma semaphore(%run_scoped3A_101 : memref<!tpu.dma_semaphore, #tpu.memory_space<semaphore_mem>>) src(%arg12 : memref<80x128xf32, #tpu.memory_space<vmem>>) dst(%dma_wait3A_113 : memref<10000x128xf32, #tpu.memory_space<vmem_shared>>)
        tpu.yield
      }) : () -> ()
      %dma_wait3A_93 = arith.constant 24 : i32
      %dma_wait3A_94 = arith.constant 0 : i32
      %dma_wait3A_95 = tpu.memref_slice %arg7[%dma_wait3A_93, %dma_wait3A_94] : memref<25x80xi32, #tpu.memory_space<vmem>> -> memref<1x80xi32, #tpu.memory_space<vmem>>
      %dma_wait3A_96 = tpu.memref_squeeze %dma_wait3A_95 : memref<1x80xi32, #tpu.memory_space<vmem>> -> memref<80xi32, #tpu.memory_space<vmem>>
      %dma_wait3A_97 = arith.constant 0 : i32
      %dma_wait3A_98 = arith.constant 0 : i32
      %dma_wait3A_99 = tpu.memref_slice %arg2[%dma_wait3A_97, %dma_wait3A_98] : memref<10000x128xf32, #tpu.memory_space<hbm>> -> memref<10000x128xf32, #tpu.memory_space<hbm>>
      tpu.wait_indirect_dma semaphore(%arg14 : memref<!tpu.dma_semaphore, #tpu.memory_space<semaphore_mem>>) src(%dma_wait3A_99 : memref<10000x128xf32, #tpu.memory_space<hbm>>) dst(%arg9 : memref<80x128xf32, #tpu.memory_space<vmem>>)
      %run_scoped3A_100 = arith.constant 24 : i32
      "tpu.region"() ({
        %run_scoped3A_101 = tpu.sem_alloc : memref<!tpu.dma_semaphore, #tpu.memory_space<semaphore_mem>>
        %dma_start3A_102 = arith.constant 0 : i32
        %dma_start3A_103 = tpu.memref_slice %arg8[%run_scoped3A_100, %dma_start3A_102] : memref<25x80xi32, #tpu.memory_space<vmem>> -> memref<1x80xi32, #tpu.memory_space<vmem>>
        %dma_start3A_104 = tpu.memref_squeeze %dma_start3A_103 : memref<1x80xi32, #tpu.memory_space<vmem>> -> memref<80xi32, #tpu.memory_space<vmem>>
        %dma_start3A_105 = arith.constant 0 : i32
        %dma_start3A_106 = arith.constant 0 : i32
        %dma_start3A_107 = tpu.memref_slice %arg13[%dma_start3A_105, %dma_start3A_106] : memref<10000x128xf32, #tpu.memory_space<vmem_shared>> -> memref<10000x128xf32, #tpu.memory_space<vmem_shared>>
        tpu.enqueue_indirect_dma source(%arg9 : memref<80x128xf32, #tpu.memory_space<vmem>>) target(%dma_start3A_107 : memref<10000x128xf32, #tpu.memory_space<vmem_shared>>) offsets(%dma_start3A_104 : memref<80xi32, #tpu.memory_space<vmem>>) semaphore(%run_scoped3A_101 : memref<!tpu.dma_semaphore, #tpu.memory_space<semaphore_mem>>) {add = true}
        %dma_wait3A_108 = arith.constant 0 : i32
        %dma_wait3A_109 = tpu.memref_slice %arg8[%run_scoped3A_100, %dma_wait3A_108] : memref<25x80xi32, #tpu.memory_space<vmem>> -> memref<1x80xi32, #tpu.memory_space<vmem>>
        %dma_wait3A_110 = tpu.memref_squeeze %dma_wait3A_109 : memref<1x80xi32, #tpu.memory_space<vmem>> -> memref<80xi32, #tpu.memory_space<vmem>>
        %dma_wait3A_111 = arith.constant 0 : i32
        %dma_wait3A_112 = arith.constant 0 : i32
        %dma_wait3A_113 = tpu.memref_slice %arg13[%dma_wait3A_111, %dma_wait3A_112] : memref<10000x128xf32, #tpu.memory_space<vmem_shared>> -> memref<10000x128xf32, #tpu.memory_space<vmem_shared>>
        tpu.wait_indirect_dma semaphore(%run_scoped3A_101 : memref<!tpu.dma_semaphore, #tpu.memory_space<semaphore_mem>>) src(%arg9 : memref<80x128xf32, #tpu.memory_space<vmem>>) dst(%dma_wait3A_113 : memref<10000x128xf32, #tpu.memory_space<vmem_shared>>)
        tpu.yield
      }) : () -> ()
    }
    %scan3A_11 = arith.constant 5 : i32
    %barrier3A_12 = arith.constant 0 : index
    tpu.barrier barrier_id(%barrier3A_12)
    %mul3A_13 = arith.constant 624 : i32
    %mul3A_14 = arith.muli %arg1, %mul3A_13 : i32
    %mul3A_15 = arith.constant 624 : i32
    %mul3A_16 = arith.muli %arg1, %mul3A_15 : i32
    "tpu.region"() ({
      %run_scoped3A = tpu.sem_alloc : memref<!tpu.dma_semaphore, #tpu.memory_space<semaphore_mem>>
      %dma_start3A = arith.constant 0 : i32
      %dma_start3A_22 = tpu.memref_slice %arg6[%arg0, %mul3A_16, %dma_start3A] : memref<2x10000x128xf32, #tpu.memory_space<hbm>> -> memref<1x624x128xf32, #tpu.memory_space<hbm>>
      %dma_start3A_23 = tpu.memref_squeeze %dma_start3A_22 : memref<1x624x128xf32, #tpu.memory_space<hbm>> -> memref<624x128xf32, #tpu.memory_space<hbm>>
      %dma_start3A_24 = arith.constant 0 : i32
      %dma_start3A_25 = tpu.memref_slice %arg13[%mul3A_14, %dma_start3A_24] : memref<10000x128xf32, #tpu.memory_space<vmem_shared>> -> memref<624x128xf32, #tpu.memory_space<vmem_shared>>
      tpu.enqueue_dma source(%dma_start3A_25 : memref<624x128xf32, #tpu.memory_space<vmem_shared>>) target(%dma_start3A_23 : memref<624x128xf32, #tpu.memory_space<hbm>>) target_semaphore(%run_scoped3A : memref<!tpu.dma_semaphore, #tpu.memory_space<semaphore_mem>>)
      %dma_wait3A = arith.constant 0 : i32
      %dma_wait3A_26 = tpu.memref_slice %arg6[%arg0, %mul3A_16, %dma_wait3A] : memref<2x10000x128xf32, #tpu.memory_space<hbm>> -> memref<1x624x128xf32, #tpu.memory_space<hbm>>
      %dma_wait3A_27 = tpu.memref_squeeze %dma_wait3A_26 : memref<1x624x128xf32, #tpu.memory_space<hbm>> -> memref<624x128xf32, #tpu.memory_space<hbm>>
      %dma_wait3A_28 = arith.constant 0 : i32
      %dma_wait3A_29 = tpu.memref_slice %arg13[%mul3A_14, %dma_wait3A_28] : memref<10000x128xf32, #tpu.memory_space<vmem_shared>> -> memref<624x128xf32, #tpu.memory_space<vmem_shared>>
      tpu.wait_dma2 semaphore(%run_scoped3A : memref<!tpu.dma_semaphore, #tpu.memory_space<semaphore_mem>>) src(%dma_wait3A_29 : memref<624x128xf32, #tpu.memory_space<vmem_shared>>) dst(%dma_wait3A_27 : memref<624x128xf32, #tpu.memory_space<hbm>>)
      tpu.yield
    }) : () -> ()
    %eq3A_17 = arith.constant 15 : i32
    %eq3A_18 = arith.cmpi eq, %arg1, %eq3A_17 : i32
    %convert_element_type3A_19 = arith.extui %eq3A_18 : i1 to i32
    %cond3A_20 = arith.constant 0 : i32
    %cond3A_21 = arith.cmpi ne, %convert_element_type3A_19, %cond3A_20 : i32
    scf.if %cond3A_21 {
      "tpu.region"() ({
        %run_scoped3A = tpu.sem_alloc : memref<!tpu.dma_semaphore, #tpu.memory_space<semaphore_mem>>
        %dma_start3A = arith.constant 9984 : i32
        %dma_start3A_22 = arith.constant 0 : i32
        %dma_start3A_23 = tpu.memref_slice %arg6[%arg0, %dma_start3A, %dma_start3A_22] : memref<2x10000x128xf32, #tpu.memory_space<hbm>> -> memref<1x16x128xf32, #tpu.memory_space<hbm>>
        %dma_start3A_24 = tpu.memref_squeeze %dma_start3A_23 : memref<1x16x128xf32, #tpu.memory_space<hbm>> -> memref<16x128xf32, #tpu.memory_space<hbm>>
        %dma_start3A_25 = arith.constant 9984 : i32
        %dma_start3A_26 = arith.constant 0 : i32
        %dma_start3A_27 = tpu.memref_slice %arg13[%dma_start3A_25, %dma_start3A_26] : memref<10000x128xf32, #tpu.memory_space<vmem_shared>> -> memref<16x128xf32, #tpu.memory_space<vmem_shared>>
        tpu.enqueue_dma source(%dma_start3A_27 : memref<16x128xf32, #tpu.memory_space<vmem_shared>>) target(%dma_start3A_24 : memref<16x128xf32, #tpu.memory_space<hbm>>) target_semaphore(%run_scoped3A : memref<!tpu.dma_semaphore, #tpu.memory_space<semaphore_mem>>)
        %dma_wait3A = arith.constant 9984 : i32
        %dma_wait3A_28 = arith.constant 0 : i32
        %dma_wait3A_29 = tpu.memref_slice %arg6[%arg0, %dma_wait3A, %dma_wait3A_28] : memref<2x10000x128xf32, #tpu.memory_space<hbm>> -> memref<1x16x128xf32, #tpu.memory_space<hbm>>
        %dma_wait3A_30 = tpu.memref_squeeze %dma_wait3A_29 : memref<1x16x128xf32, #tpu.memory_space<hbm>> -> memref<16x128xf32, #tpu.memory_space<hbm>>
        %dma_wait3A_31 = arith.constant 9984 : i32
        %dma_wait3A_32 = arith.constant 0 : i32
        %dma_wait3A_33 = tpu.memref_slice %arg13[%dma_wait3A_31, %dma_wait3A_32] : memref<10000x128xf32, #tpu.memory_space<vmem_shared>> -> memref<16x128xf32, #tpu.memory_space<vmem_shared>>
        tpu.wait_dma2 semaphore(%run_scoped3A : memref<!tpu.dma_semaphore, #tpu.memory_space<semaphore_mem>>) src(%dma_wait3A_33 : memref<16x128xf32, #tpu.memory_space<vmem_shared>>) dst(%dma_wait3A_30 : memref<16x128xf32, #tpu.memory_space<hbm>>)
        tpu.yield
      }) : () -> ()
    } else {
    }
    return
  }
}

#map = affine_map<(d0, d1) -> (0, 0)>
#map1 = affine_map<(d0, d1) -> (0, 0, 0, 0)>
#map2 = affine_map<(d0, d1) -> (0, 0, 0)>
module attributes {stable_mosaic.version = 14 : i64} {
  func.func @k(%arg0: i32, %arg1: i32, %arg2: memref<10000x128xf32, #tpu.memory_space<hbm>>, %arg3: memref<32x5x25x80xi32, #tpu.memory_space<hbm>>, %arg4: memref<32x5x25x80xi32, #tpu.memory_space<hbm>>, %arg5: memref<10000x128xf32, #tpu.memory_space<hbm>>, %arg6: memref<2x10000x128xf32, #tpu.memory_space<hbm>>, %arg7: memref<25x80xi32, #tpu.memory_space<vmem>>, %arg8: memref<25x80xi32, #tpu.memory_space<vmem>>, %arg9: memref<80x128xf32, #tpu.memory_space<vmem>>, %arg10: memref<80x128xf32, #tpu.memory_space<vmem>>, %arg11: memref<80x128xf32, #tpu.memory_space<vmem>>, %arg12: memref<80x128xf32, #tpu.memory_space<vmem>>, %arg13: memref<10000x128xf32, #tpu.memory_space<vmem_shared>>, %arg14: memref<!tpu.dma_semaphore, #tpu.memory_space<semaphore_mem>>, %arg15: memref<!tpu.dma_semaphore, #tpu.memory_space<semaphore_mem>>, %arg16: memref<!tpu.dma_semaphore, #tpu.memory_space<semaphore_mem>>, %arg17: memref<!tpu.dma_semaphore, #tpu.memory_space<semaphore_mem>>) attributes {dimension_semantics = [#tpu.dimension_semantics<core_parallel>, #tpu.dimension_semantics<subcore_parallel>], iteration_bounds = array<i64: 2, 16>, scalar_prefetch = 0 : i64, scratch_operands = 11 : i64, tpu.core_type = #tpu.core_type<sc_vector_subcore>, window_params = [{transform_indices = #map}, {transform_indices = #map1}, {transform_indices = #map1}, {transform_indices = #map}, {transform_indices = #map2}]} {
    %mul3A = arith.constant 16 : i32
    %mul3A_0 = arith.muli %arg0, %mul3A : i32
    %add3A = arith.addi %mul3A_0, %arg1 : i32
    %mul3A_1 = arith.constant 624 : i32
    %mul3A_2 = arith.muli %arg1, %mul3A_1 : i32
    %mul3A_3 = arith.constant 624 : i32
    %mul3A_4 = arith.muli %arg1, %mul3A_3 : i32
    "tpu.region"() ({
      %run_scoped3A = tpu.sem_alloc : memref<!tpu.dma_semaphore, #tpu.memory_space<semaphore_mem>>
      %dma_start3A = arith.constant 0 : i32
      %dma_start3A_22 = tpu.memref_slice %arg13[%mul3A_4, %dma_start3A] : memref<10000x128xf32, #tpu.memory_space<vmem_shared>> -> memref<624x128xf32, #tpu.memory_space<vmem_shared>>
      %dma_start3A_23 = arith.constant 0 : i32
      %dma_start3A_24 = tpu.memref_slice %arg5[%mul3A_2, %dma_start3A_23] : memref<10000x128xf32, #tpu.memory_space<hbm>> -> memref<624x128xf32, #tpu.memory_space<hbm>>
      tpu.enqueue_dma source(%dma_start3A_24 : memref<624x128xf32, #tpu.memory_space<hbm>>) target(%dma_start3A_22 : memref<624x128xf32, #tpu.memory_space<vmem_shared>>) target_semaphore(%run_scoped3A : memref<!tpu.dma_semaphore, #tpu.memory_space<semaphore_mem>>)
      %dma_wait3A = arith.constant 0 : i32
      %dma_wait3A_25 = tpu.memref_slice %arg13[%mul3A_4, %dma_wait3A] : memref<10000x128xf32, #tpu.memory_space<vmem_shared>> -> memref<624x128xf32, #tpu.memory_space<vmem_shared>>
      %dma_wait3A_26 = arith.constant 0 : i32
      %dma_wait3A_27 = tpu.memref_slice %arg5[%mul3A_2, %dma_wait3A_26] : memref<10000x128xf32, #tpu.memory_space<hbm>> -> memref<624x128xf32, #tpu.memory_space<hbm>>
      tpu.wait_dma2 semaphore(%run_scoped3A : memref<!tpu.dma_semaphore, #tpu.memory_space<semaphore_mem>>) src(%dma_wait3A_27 : memref<624x128xf32, #tpu.memory_space<hbm>>) dst(%dma_wait3A_25 : memref<624x128xf32, #tpu.memory_space<vmem_shared>>)
      tpu.yield
    }) : () -> ()
    %eq3A = arith.constant 15 : i32
    %eq3A_5 = arith.cmpi eq, %arg1, %eq3A : i32
    %convert_element_type3A = arith.extui %eq3A_5 : i1 to i32
    %cond3A = arith.constant 0 : i32
    %cond3A_6 = arith.cmpi ne, %convert_element_type3A, %cond3A : i32
    scf.if %cond3A_6 {
      "tpu.region"() ({
        %run_scoped3A = tpu.sem_alloc : memref<!tpu.dma_semaphore, #tpu.memory_space<semaphore_mem>>
        %dma_start3A = arith.constant 9984 : i32
        %dma_start3A_22 = arith.constant 0 : i32
        %dma_start3A_23 = tpu.memref_slice %arg13[%dma_start3A, %dma_start3A_22] : memref<10000x128xf32, #tpu.memory_space<vmem_shared>> -> memref<16x128xf32, #tpu.memory_space<vmem_shared>>
        %dma_start3A_24 = arith.constant 9984 : i32
        %dma_start3A_25 = arith.constant 0 : i32
        %dma_start3A_26 = tpu.memref_slice %arg5[%dma_start3A_24, %dma_start3A_25] : memref<10000x128xf32, #tpu.memory_space<hbm>> -> memref<16x128xf32, #tpu.memory_space<hbm>>
        tpu.enqueue_dma source(%dma_start3A_26 : memref<16x128xf32, #tpu.memory_space<hbm>>) target(%dma_start3A_23 : memref<16x128xf32, #tpu.memory_space<vmem_shared>>) target_semaphore(%run_scoped3A : memref<!tpu.dma_semaphore, #tpu.memory_space<semaphore_mem>>)
        %dma_wait3A = arith.constant 9984 : i32
        %dma_wait3A_27 = arith.constant 0 : i32
        %dma_wait3A_28 = tpu.memref_slice %arg13[%dma_wait3A, %dma_wait3A_27] : memref<10000x128xf32, #tpu.memory_space<vmem_shared>> -> memref<16x128xf32, #tpu.memory_space<vmem_shared>>
        %dma_wait3A_29 = arith.constant 9984 : i32
        %dma_wait3A_30 = arith.constant 0 : i32
        %dma_wait3A_31 = tpu.memref_slice %arg5[%dma_wait3A_29, %dma_wait3A_30] : memref<10000x128xf32, #tpu.memory_space<hbm>> -> memref<16x128xf32, #tpu.memory_space<hbm>>
        tpu.wait_dma2 semaphore(%run_scoped3A : memref<!tpu.dma_semaphore, #tpu.memory_space<semaphore_mem>>) src(%dma_wait3A_31 : memref<16x128xf32, #tpu.memory_space<hbm>>) dst(%dma_wait3A_28 : memref<16x128xf32, #tpu.memory_space<vmem_shared>>)
        tpu.yield
      }) : () -> ()
    } else {
    }
    %barrier3A = arith.constant 0 : index
    tpu.barrier barrier_id(%barrier3A)
    %scan3A = arith.constant 0 : i32
    %scan3A_7 = arith.constant 0 : i32
    %scan3A_8 = arith.constant 5 : i32
    %scan3A_9 = arith.addi %scan3A_7, %scan3A_8 : i32
    %scan3A_10 = arith.constant 1 : i32
    scf.for %scan3A_22 = %scan3A_7 to %scan3A_9 step %scan3A_10  : i32 {
      "tpu.region"() ({
        %run_scoped3A_101 = tpu.sem_alloc : memref<!tpu.dma_semaphore, #tpu.memory_space<semaphore_mem>>
        %dma_start3A_102 = arith.constant 0 : i32
        %dma_start3A_103 = arith.constant 0 : i32
        %dma_start3A_104 = tpu.memref_slice %arg3[%add3A, %scan3A_22, %dma_start3A_102, %dma_start3A_103] : memref<32x5x25x80xi32, #tpu.memory_space<hbm>> -> memref<1x1x25x80xi32, #tpu.memory_space<hbm>>
        %dma_start3A_105 = tpu.memref_squeeze %dma_start3A_104 : memref<1x1x25x80xi32, #tpu.memory_space<hbm>> -> memref<25x80xi32, #tpu.memory_space<hbm>>
        %dma_start3A_106 = arith.constant 0 : i32
        %dma_start3A_107 = arith.constant 0 : i32
        %dma_start3A_108 = tpu.memref_slice %arg3[%add3A, %scan3A_22, %dma_start3A_106, %dma_start3A_107] : memref<32x5x25x80xi32, #tpu.memory_space<hbm>> -> memref<1x1x25x80xi32, #tpu.memory_space<hbm>>
        %dma_start3A_109 = tpu.memref_squeeze %dma_start3A_108 : memref<1x1x25x80xi32, #tpu.memory_space<hbm>> -> memref<25x80xi32, #tpu.memory_space<hbm>>
        tpu.enqueue_dma source(%dma_start3A_109 : memref<25x80xi32, #tpu.memory_space<hbm>>) target(%arg7 : memref<25x80xi32, #tpu.memory_space<vmem>>) target_semaphore(%run_scoped3A_101 : memref<!tpu.dma_semaphore, #tpu.memory_space<semaphore_mem>>)
        %dma_wait3A_110 = arith.constant 0 : i32
        %dma_wait3A_111 = arith.constant 0 : i32
        %dma_wait3A_112 = tpu.memref_slice %arg3[%add3A, %scan3A_22, %dma_wait3A_110, %dma_wait3A_111] : memref<32x5x25x80xi32, #tpu.memory_space<hbm>> -> memref<1x1x25x80xi32, #tpu.memory_space<hbm>>
        %dma_wait3A_113 = tpu.memref_squeeze %dma_wait3A_112 : memref<1x1x25x80xi32, #tpu.memory_space<hbm>> -> memref<25x80xi32, #tpu.memory_space<hbm>>
        %dma_wait3A_114 = arith.constant 0 : i32
        %dma_wait3A_115 = arith.constant 0 : i32
        %dma_wait3A_116 = tpu.memref_slice %arg3[%add3A, %scan3A_22, %dma_wait3A_114, %dma_wait3A_115] : memref<32x5x25x80xi32, #tpu.memory_space<hbm>> -> memref<1x1x25x80xi32, #tpu.memory_space<hbm>>
        %dma_wait3A_117 = tpu.memref_squeeze %dma_wait3A_116 : memref<1x1x25x80xi32, #tpu.memory_space<hbm>> -> memref<25x80xi32, #tpu.memory_space<hbm>>
        tpu.wait_dma2 semaphore(%run_scoped3A_101 : memref<!tpu.dma_semaphore, #tpu.memory_space<semaphore_mem>>) src(%dma_wait3A_117 : memref<25x80xi32, #tpu.memory_space<hbm>>) dst(%arg7 : memref<25x80xi32, #tpu.memory_space<vmem>>)
        tpu.yield
      }) : () -> ()
      "tpu.region"() ({
        %run_scoped3A_101 = tpu.sem_alloc : memref<!tpu.dma_semaphore, #tpu.memory_space<semaphore_mem>>
        %dma_start3A_102 = arith.constant 0 : i32
        %dma_start3A_103 = arith.constant 0 : i32
        %dma_start3A_104 = tpu.memref_slice %arg4[%add3A, %scan3A_22, %dma_start3A_102, %dma_start3A_103] : memref<32x5x25x80xi32, #tpu.memory_space<hbm>> -> memref<1x1x25x80xi32, #tpu.memory_space<hbm>>
        %dma_start3A_105 = tpu.memref_squeeze %dma_start3A_104 : memref<1x1x25x80xi32, #tpu.memory_space<hbm>> -> memref<25x80xi32, #tpu.memory_space<hbm>>
        %dma_start3A_106 = arith.constant 0 : i32
        %dma_start3A_107 = arith.constant 0 : i32
        %dma_start3A_108 = tpu.memref_slice %arg4[%add3A, %scan3A_22, %dma_start3A_106, %dma_start3A_107] : memref<32x5x25x80xi32, #tpu.memory_space<hbm>> -> memref<1x1x25x80xi32, #tpu.memory_space<hbm>>
        %dma_start3A_109 = tpu.memref_squeeze %dma_start3A_108 : memref<1x1x25x80xi32, #tpu.memory_space<hbm>> -> memref<25x80xi32, #tpu.memory_space<hbm>>
        tpu.enqueue_dma source(%dma_start3A_109 : memref<25x80xi32, #tpu.memory_space<hbm>>) target(%arg8 : memref<25x80xi32, #tpu.memory_space<vmem>>) target_semaphore(%run_scoped3A_101 : memref<!tpu.dma_semaphore, #tpu.memory_space<semaphore_mem>>)
        %dma_wait3A_110 = arith.constant 0 : i32
        %dma_wait3A_111 = arith.constant 0 : i32
        %dma_wait3A_112 = tpu.memref_slice %arg4[%add3A, %scan3A_22, %dma_wait3A_110, %dma_wait3A_111] : memref<32x5x25x80xi32, #tpu.memory_space<hbm>> -> memref<1x1x25x80xi32, #tpu.memory_space<hbm>>
        %dma_wait3A_113 = tpu.memref_squeeze %dma_wait3A_112 : memref<1x1x25x80xi32, #tpu.memory_space<hbm>> -> memref<25x80xi32, #tpu.memory_space<hbm>>
        %dma_wait3A_114 = arith.constant 0 : i32
        %dma_wait3A_115 = arith.constant 0 : i32
        %dma_wait3A_116 = tpu.memref_slice %arg4[%add3A, %scan3A_22, %dma_wait3A_114, %dma_wait3A_115] : memref<32x5x25x80xi32, #tpu.memory_space<hbm>> -> memref<1x1x25x80xi32, #tpu.memory_space<hbm>>
        %dma_wait3A_117 = tpu.memref_squeeze %dma_wait3A_116 : memref<1x1x25x80xi32, #tpu.memory_space<hbm>> -> memref<25x80xi32, #tpu.memory_space<hbm>>
        tpu.wait_dma2 semaphore(%run_scoped3A_101 : memref<!tpu.dma_semaphore, #tpu.memory_space<semaphore_mem>>) src(%dma_wait3A_117 : memref<25x80xi32, #tpu.memory_space<hbm>>) dst(%arg8 : memref<25x80xi32, #tpu.memory_space<vmem>>)
        tpu.yield
      }) : () -> ()
      %dma_start3A = arith.constant 0 : i32
      %dma_start3A_23 = arith.constant 0 : i32
      %dma_start3A_24 = tpu.memref_slice %arg7[%dma_start3A, %dma_start3A_23] : memref<25x80xi32, #tpu.memory_space<vmem>> -> memref<1x80xi32, #tpu.memory_space<vmem>>
      %dma_start3A_25 = tpu.memref_squeeze %dma_start3A_24 : memref<1x80xi32, #tpu.memory_space<vmem>> -> memref<80xi32, #tpu.memory_space<vmem>>
      %dma_start3A_26 = arith.constant 0 : i32
      %dma_start3A_27 = arith.constant 0 : i32
      %dma_start3A_28 = tpu.memref_slice %arg2[%dma_start3A_26, %dma_start3A_27] : memref<10000x128xf32, #tpu.memory_space<hbm>> -> memref<10000x128xf32, #tpu.memory_space<hbm>>
      tpu.enqueue_indirect_dma source(%dma_start3A_28 : memref<10000x128xf32, #tpu.memory_space<hbm>>) target(%arg9 : memref<80x128xf32, #tpu.memory_space<vmem>>) offsets(%dma_start3A_25 : memref<80xi32, #tpu.memory_space<vmem>>) semaphore(%arg14 : memref<!tpu.dma_semaphore, #tpu.memory_space<semaphore_mem>>)
      %dma_start3A_29 = arith.constant 1 : i32
      %dma_start3A_30 = arith.constant 0 : i32
      %dma_start3A_31 = tpu.memref_slice %arg7[%dma_start3A_29, %dma_start3A_30] : memref<25x80xi32, #tpu.memory_space<vmem>> -> memref<1x80xi32, #tpu.memory_space<vmem>>
      %dma_start3A_32 = tpu.memref_squeeze %dma_start3A_31 : memref<1x80xi32, #tpu.memory_space<vmem>> -> memref<80xi32, #tpu.memory_space<vmem>>
      %dma_start3A_33 = arith.constant 0 : i32
      %dma_start3A_34 = arith.constant 0 : i32
      %dma_start3A_35 = tpu.memref_slice %arg2[%dma_start3A_33, %dma_start3A_34] : memref<10000x128xf32, #tpu.memory_space<hbm>> -> memref<10000x128xf32, #tpu.memory_space<hbm>>
      tpu.enqueue_indirect_dma source(%dma_start3A_35 : memref<10000x128xf32, #tpu.memory_space<hbm>>) target(%arg10 : memref<80x128xf32, #tpu.memory_space<vmem>>) offsets(%dma_start3A_32 : memref<80xi32, #tpu.memory_space<vmem>>) semaphore(%arg15 : memref<!tpu.dma_semaphore, #tpu.memory_space<semaphore_mem>>)
      %dma_start3A_36 = arith.constant 2 : i32
      %dma_start3A_37 = arith.constant 0 : i32
      %dma_start3A_38 = tpu.memref_slice %arg7[%dma_start3A_36, %dma_start3A_37] : memref<25x80xi32, #tpu.memory_space<vmem>> -> memref<1x80xi32, #tpu.memory_space<vmem>>
      %dma_start3A_39 = tpu.memref_squeeze %dma_start3A_38 : memref<1x80xi32, #tpu.memory_space<vmem>> -> memref<80xi32, #tpu.memory_space<vmem>>
      %dma_start3A_40 = arith.constant 0 : i32
      %dma_start3A_41 = arith.constant 0 : i32
      %dma_start3A_42 = tpu.memref_slice %arg2[%dma_start3A_40, %dma_start3A_41] : memref<10000x128xf32, #tpu.memory_space<hbm>> -> memref<10000x128xf32, #tpu.memory_space<hbm>>
      tpu.enqueue_indirect_dma source(%dma_start3A_42 : memref<10000x128xf32, #tpu.memory_space<hbm>>) target(%arg11 : memref<80x128xf32, #tpu.memory_space<vmem>>) offsets(%dma_start3A_39 : memref<80xi32, #tpu.memory_space<vmem>>) semaphore(%arg16 : memref<!tpu.dma_semaphore, #tpu.memory_space<semaphore_mem>>)
      %scan3A_43 = arith.constant 0 : i32
      %scan3A_44 = arith.constant 0 : i32
      %scan3A_45 = arith.constant 5 : i32
      %scan3A_46 = arith.addi %scan3A_44, %scan3A_45 : i32
      %scan3A_47 = arith.constant 1 : i32
      scf.for %scan3A_101 = %scan3A_44 to %scan3A_46 step %scan3A_47  : i32 {
        %mul3A_102 = arith.constant 4 : i32
        %mul3A_103 = arith.muli %mul3A_102, %scan3A_101 : i32
        %add3A_104 = arith.constant 3 : i32
        %add3A_105 = arith.addi %mul3A_103, %add3A_104 : i32
        %dma_start3A_106 = arith.constant 0 : i32
        %dma_start3A_107 = tpu.memref_slice %arg7[%add3A_105, %dma_start3A_106] : memref<25x80xi32, #tpu.memory_space<vmem>> -> memref<1x80xi32, #tpu.memory_space<vmem>>
        %dma_start3A_108 = tpu.memref_squeeze %dma_start3A_107 : memref<1x80xi32, #tpu.memory_space<vmem>> -> memref<80xi32, #tpu.memory_space<vmem>>
        %dma_start3A_109 = arith.constant 0 : i32
        %dma_start3A_110 = arith.constant 0 : i32
        %dma_start3A_111 = tpu.memref_slice %arg2[%dma_start3A_109, %dma_start3A_110] : memref<10000x128xf32, #tpu.memory_space<hbm>> -> memref<10000x128xf32, #tpu.memory_space<hbm>>
        tpu.enqueue_indirect_dma source(%dma_start3A_111 : memref<10000x128xf32, #tpu.memory_space<hbm>>) target(%arg12 : memref<80x128xf32, #tpu.memory_space<vmem>>) offsets(%dma_start3A_108 : memref<80xi32, #tpu.memory_space<vmem>>) semaphore(%arg17 : memref<!tpu.dma_semaphore, #tpu.memory_space<semaphore_mem>>)
        %dma_wait3A_112 = arith.constant 0 : i32
        %dma_wait3A_113 = tpu.memref_slice %arg7[%mul3A_103, %dma_wait3A_112] : memref<25x80xi32, #tpu.memory_space<vmem>> -> memref<1x80xi32, #tpu.memory_space<vmem>>
        %dma_wait3A_114 = tpu.memref_squeeze %dma_wait3A_113 : memref<1x80xi32, #tpu.memory_space<vmem>> -> memref<80xi32, #tpu.memory_space<vmem>>
        %dma_wait3A_115 = arith.constant 0 : i32
        %dma_wait3A_116 = arith.constant 0 : i32
        %dma_wait3A_117 = tpu.memref_slice %arg2[%dma_wait3A_115, %dma_wait3A_116] : memref<10000x128xf32, #tpu.memory_space<hbm>> -> memref<10000x128xf32, #tpu.memory_space<hbm>>
        tpu.wait_indirect_dma semaphore(%arg14 : memref<!tpu.dma_semaphore, #tpu.memory_space<semaphore_mem>>) src(%dma_wait3A_117 : memref<10000x128xf32, #tpu.memory_space<hbm>>) dst(%arg9 : memref<80x128xf32, #tpu.memory_space<vmem>>)
        "tpu.region"() ({
          %run_scoped3A_172 = tpu.sem_alloc : memref<!tpu.dma_semaphore, #tpu.memory_space<semaphore_mem>>
          %dma_start3A_173 = arith.constant 0 : i32
          %dma_start3A_174 = tpu.memref_slice %arg8[%mul3A_103, %dma_start3A_173] : memref<25x80xi32, #tpu.memory_space<vmem>> -> memref<1x80xi32, #tpu.memory_space<vmem>>
          %dma_start3A_175 = tpu.memref_squeeze %dma_start3A_174 : memref<1x80xi32, #tpu.memory_space<vmem>> -> memref<80xi32, #tpu.memory_space<vmem>>
          %dma_start3A_176 = arith.constant 0 : i32
          %dma_start3A_177 = arith.constant 0 : i32
          %dma_start3A_178 = tpu.memref_slice %arg13[%dma_start3A_176, %dma_start3A_177] : memref<10000x128xf32, #tpu.memory_space<vmem_shared>> -> memref<10000x128xf32, #tpu.memory_space<vmem_shared>>
          tpu.enqueue_indirect_dma source(%arg9 : memref<80x128xf32, #tpu.memory_space<vmem>>) target(%dma_start3A_178 : memref<10000x128xf32, #tpu.memory_space<vmem_shared>>) offsets(%dma_start3A_175 : memref<80xi32, #tpu.memory_space<vmem>>) semaphore(%run_scoped3A_172 : memref<!tpu.dma_semaphore, #tpu.memory_space<semaphore_mem>>) {add = true}
          %dma_wait3A_179 = arith.constant 0 : i32
          %dma_wait3A_180 = tpu.memref_slice %arg8[%mul3A_103, %dma_wait3A_179] : memref<25x80xi32, #tpu.memory_space<vmem>> -> memref<1x80xi32, #tpu.memory_space<vmem>>
          %dma_wait3A_181 = tpu.memref_squeeze %dma_wait3A_180 : memref<1x80xi32, #tpu.memory_space<vmem>> -> memref<80xi32, #tpu.memory_space<vmem>>
          %dma_wait3A_182 = arith.constant 0 : i32
          %dma_wait3A_183 = arith.constant 0 : i32
          %dma_wait3A_184 = tpu.memref_slice %arg13[%dma_wait3A_182, %dma_wait3A_183] : memref<10000x128xf32, #tpu.memory_space<vmem_shared>> -> memref<10000x128xf32, #tpu.memory_space<vmem_shared>>
          tpu.wait_indirect_dma semaphore(%run_scoped3A_172 : memref<!tpu.dma_semaphore, #tpu.memory_space<semaphore_mem>>) src(%arg9 : memref<80x128xf32, #tpu.memory_space<vmem>>) dst(%dma_wait3A_184 : memref<10000x128xf32, #tpu.memory_space<vmem_shared>>)
          tpu.yield
        }) : () -> ()
        %add3A_118 = arith.constant 4 : i32
        %add3A_119 = arith.addi %mul3A_103, %add3A_118 : i32
        %dma_start3A_120 = arith.constant 0 : i32
        %dma_start3A_121 = tpu.memref_slice %arg7[%add3A_119, %dma_start3A_120] : memref<25x80xi32, #tpu.memory_space<vmem>> -> memref<1x80xi32, #tpu.memory_space<vmem>>
        %dma_start3A_122 = tpu.memref_squeeze %dma_start3A_121 : memref<1x80xi32, #tpu.memory_space<vmem>> -> memref<80xi32, #tpu.memory_space<vmem>>
        %dma_start3A_123 = arith.constant 0 : i32
        %dma_start3A_124 = arith.constant 0 : i32
        %dma_start3A_125 = tpu.memref_slice %arg2[%dma_start3A_123, %dma_start3A_124] : memref<10000x128xf32, #tpu.memory_space<hbm>> -> memref<10000x128xf32, #tpu.memory_space<hbm>>
        tpu.enqueue_indirect_dma source(%dma_start3A_125 : memref<10000x128xf32, #tpu.memory_space<hbm>>) target(%arg9 : memref<80x128xf32, #tpu.memory_space<vmem>>) offsets(%dma_start3A_122 : memref<80xi32, #tpu.memory_space<vmem>>) semaphore(%arg14 : memref<!tpu.dma_semaphore, #tpu.memory_space<semaphore_mem>>)
        %add3A_126 = arith.constant 1 : i32
        %add3A_127 = arith.addi %mul3A_103, %add3A_126 : i32
        %dma_wait3A_128 = arith.constant 0 : i32
        %dma_wait3A_129 = tpu.memref_slice %arg7[%add3A_127, %dma_wait3A_128] : memref<25x80xi32, #tpu.memory_space<vmem>> -> memref<1x80xi32, #tpu.memory_space<vmem>>
        %dma_wait3A_130 = tpu.memref_squeeze %dma_wait3A_129 : memref<1x80xi32, #tpu.memory_space<vmem>> -> memref<80xi32, #tpu.memory_space<vmem>>
        %dma_wait3A_131 = arith.constant 0 : i32
        %dma_wait3A_132 = arith.constant 0 : i32
        %dma_wait3A_133 = tpu.memref_slice %arg2[%dma_wait3A_131, %dma_wait3A_132] : memref<10000x128xf32, #tpu.memory_space<hbm>> -> memref<10000x128xf32, #tpu.memory_space<hbm>>
        tpu.wait_indirect_dma semaphore(%arg15 : memref<!tpu.dma_semaphore, #tpu.memory_space<semaphore_mem>>) src(%dma_wait3A_133 : memref<10000x128xf32, #tpu.memory_space<hbm>>) dst(%arg10 : memref<80x128xf32, #tpu.memory_space<vmem>>)
        %add3A_134 = arith.constant 1 : i32
        %add3A_135 = arith.addi %mul3A_103, %add3A_134 : i32
        "tpu.region"() ({
          %run_scoped3A_172 = tpu.sem_alloc : memref<!tpu.dma_semaphore, #tpu.memory_space<semaphore_mem>>
          %dma_start3A_173 = arith.constant 0 : i32
          %dma_start3A_174 = tpu.memref_slice %arg8[%add3A_135, %dma_start3A_173] : memref<25x80xi32, #tpu.memory_space<vmem>> -> memref<1x80xi32, #tpu.memory_space<vmem>>
          %dma_start3A_175 = tpu.memref_squeeze %dma_start3A_174 : memref<1x80xi32, #tpu.memory_space<vmem>> -> memref<80xi32, #tpu.memory_space<vmem>>
          %dma_start3A_176 = arith.constant 0 : i32
          %dma_start3A_177 = arith.constant 0 : i32
          %dma_start3A_178 = tpu.memref_slice %arg13[%dma_start3A_176, %dma_start3A_177] : memref<10000x128xf32, #tpu.memory_space<vmem_shared>> -> memref<10000x128xf32, #tpu.memory_space<vmem_shared>>
          tpu.enqueue_indirect_dma source(%arg10 : memref<80x128xf32, #tpu.memory_space<vmem>>) target(%dma_start3A_178 : memref<10000x128xf32, #tpu.memory_space<vmem_shared>>) offsets(%dma_start3A_175 : memref<80xi32, #tpu.memory_space<vmem>>) semaphore(%run_scoped3A_172 : memref<!tpu.dma_semaphore, #tpu.memory_space<semaphore_mem>>) {add = true}
          %dma_wait3A_179 = arith.constant 0 : i32
          %dma_wait3A_180 = tpu.memref_slice %arg8[%add3A_135, %dma_wait3A_179] : memref<25x80xi32, #tpu.memory_space<vmem>> -> memref<1x80xi32, #tpu.memory_space<vmem>>
          %dma_wait3A_181 = tpu.memref_squeeze %dma_wait3A_180 : memref<1x80xi32, #tpu.memory_space<vmem>> -> memref<80xi32, #tpu.memory_space<vmem>>
          %dma_wait3A_182 = arith.constant 0 : i32
          %dma_wait3A_183 = arith.constant 0 : i32
          %dma_wait3A_184 = tpu.memref_slice %arg13[%dma_wait3A_182, %dma_wait3A_183] : memref<10000x128xf32, #tpu.memory_space<vmem_shared>> -> memref<10000x128xf32, #tpu.memory_space<vmem_shared>>
          tpu.wait_indirect_dma semaphore(%run_scoped3A_172 : memref<!tpu.dma_semaphore, #tpu.memory_space<semaphore_mem>>) src(%arg10 : memref<80x128xf32, #tpu.memory_space<vmem>>) dst(%dma_wait3A_184 : memref<10000x128xf32, #tpu.memory_space<vmem_shared>>)
          tpu.yield
        }) : () -> ()
        %add3A_136 = arith.constant 5 : i32
        %add3A_137 = arith.addi %mul3A_103, %add3A_136 : i32
        %dma_start3A_138 = arith.constant 0 : i32
        %dma_start3A_139 = tpu.memref_slice %arg7[%add3A_137, %dma_start3A_138] : memref<25x80xi32, #tpu.memory_space<vmem>> -> memref<1x80xi32, #tpu.memory_space<vmem>>
        %dma_start3A_140 = tpu.memref_squeeze %dma_start3A_139 : memref<1x80xi32, #tpu.memory_space<vmem>> -> memref<80xi32, #tpu.memory_space<vmem>>
        %dma_start3A_141 = arith.constant 0 : i32
        %dma_start3A_142 = arith.constant 0 : i32
        %dma_start3A_143 = tpu.memref_slice %arg2[%dma_start3A_141, %dma_start3A_142] : memref<10000x128xf32, #tpu.memory_space<hbm>> -> memref<10000x128xf32, #tpu.memory_space<hbm>>
        tpu.enqueue_indirect_dma source(%dma_start3A_143 : memref<10000x128xf32, #tpu.memory_space<hbm>>) target(%arg10 : memref<80x128xf32, #tpu.memory_space<vmem>>) offsets(%dma_start3A_140 : memref<80xi32, #tpu.memory_space<vmem>>) semaphore(%arg15 : memref<!tpu.dma_semaphore, #tpu.memory_space<semaphore_mem>>)
        %add3A_144 = arith.constant 2 : i32
        %add3A_145 = arith.addi %mul3A_103, %add3A_144 : i32
        %dma_wait3A_146 = arith.constant 0 : i32
        %dma_wait3A_147 = tpu.memref_slice %arg7[%add3A_145, %dma_wait3A_146] : memref<25x80xi32, #tpu.memory_space<vmem>> -> memref<1x80xi32, #tpu.memory_space<vmem>>
        %dma_wait3A_148 = tpu.memref_squeeze %dma_wait3A_147 : memref<1x80xi32, #tpu.memory_space<vmem>> -> memref<80xi32, #tpu.memory_space<vmem>>
        %dma_wait3A_149 = arith.constant 0 : i32
        %dma_wait3A_150 = arith.constant 0 : i32
        %dma_wait3A_151 = tpu.memref_slice %arg2[%dma_wait3A_149, %dma_wait3A_150] : memref<10000x128xf32, #tpu.memory_space<hbm>> -> memref<10000x128xf32, #tpu.memory_space<hbm>>
        tpu.wait_indirect_dma semaphore(%arg16 : memref<!tpu.dma_semaphore, #tpu.memory_space<semaphore_mem>>) src(%dma_wait3A_151 : memref<10000x128xf32, #tpu.memory_space<hbm>>) dst(%arg11 : memref<80x128xf32, #tpu.memory_space<vmem>>)
        %add3A_152 = arith.constant 2 : i32
        %add3A_153 = arith.addi %mul3A_103, %add3A_152 : i32
        "tpu.region"() ({
          %run_scoped3A_172 = tpu.sem_alloc : memref<!tpu.dma_semaphore, #tpu.memory_space<semaphore_mem>>
          %dma_start3A_173 = arith.constant 0 : i32
          %dma_start3A_174 = tpu.memref_slice %arg8[%add3A_153, %dma_start3A_173] : memref<25x80xi32, #tpu.memory_space<vmem>> -> memref<1x80xi32, #tpu.memory_space<vmem>>
          %dma_start3A_175 = tpu.memref_squeeze %dma_start3A_174 : memref<1x80xi32, #tpu.memory_space<vmem>> -> memref<80xi32, #tpu.memory_space<vmem>>
          %dma_start3A_176 = arith.constant 0 : i32
          %dma_start3A_177 = arith.constant 0 : i32
          %dma_start3A_178 = tpu.memref_slice %arg13[%dma_start3A_176, %dma_start3A_177] : memref<10000x128xf32, #tpu.memory_space<vmem_shared>> -> memref<10000x128xf32, #tpu.memory_space<vmem_shared>>
          tpu.enqueue_indirect_dma source(%arg11 : memref<80x128xf32, #tpu.memory_space<vmem>>) target(%dma_start3A_178 : memref<10000x128xf32, #tpu.memory_space<vmem_shared>>) offsets(%dma_start3A_175 : memref<80xi32, #tpu.memory_space<vmem>>) semaphore(%run_scoped3A_172 : memref<!tpu.dma_semaphore, #tpu.memory_space<semaphore_mem>>) {add = true}
          %dma_wait3A_179 = arith.constant 0 : i32
          %dma_wait3A_180 = tpu.memref_slice %arg8[%add3A_153, %dma_wait3A_179] : memref<25x80xi32, #tpu.memory_space<vmem>> -> memref<1x80xi32, #tpu.memory_space<vmem>>
          %dma_wait3A_181 = tpu.memref_squeeze %dma_wait3A_180 : memref<1x80xi32, #tpu.memory_space<vmem>> -> memref<80xi32, #tpu.memory_space<vmem>>
          %dma_wait3A_182 = arith.constant 0 : i32
          %dma_wait3A_183 = arith.constant 0 : i32
          %dma_wait3A_184 = tpu.memref_slice %arg13[%dma_wait3A_182, %dma_wait3A_183] : memref<10000x128xf32, #tpu.memory_space<vmem_shared>> -> memref<10000x128xf32, #tpu.memory_space<vmem_shared>>
          tpu.wait_indirect_dma semaphore(%run_scoped3A_172 : memref<!tpu.dma_semaphore, #tpu.memory_space<semaphore_mem>>) src(%arg11 : memref<80x128xf32, #tpu.memory_space<vmem>>) dst(%dma_wait3A_184 : memref<10000x128xf32, #tpu.memory_space<vmem_shared>>)
          tpu.yield
        }) : () -> ()
        %add3A_154 = arith.constant 6 : i32
        %add3A_155 = arith.addi %mul3A_103, %add3A_154 : i32
        %dma_start3A_156 = arith.constant 0 : i32
        %dma_start3A_157 = tpu.memref_slice %arg7[%add3A_155, %dma_start3A_156] : memref<25x80xi32, #tpu.memory_space<vmem>> -> memref<1x80xi32, #tpu.memory_space<vmem>>
        %dma_start3A_158 = tpu.memref_squeeze %dma_start3A_157 : memref<1x80xi32, #tpu.memory_space<vmem>> -> memref<80xi32, #tpu.memory_space<vmem>>
        %dma_start3A_159 = arith.constant 0 : i32
        %dma_start3A_160 = arith.constant 0 : i32
        %dma_start3A_161 = tpu.memref_slice %arg2[%dma_start3A_159, %dma_start3A_160] : memref<10000x128xf32, #tpu.memory_space<hbm>> -> memref<10000x128xf32, #tpu.memory_space<hbm>>
        tpu.enqueue_indirect_dma source(%dma_start3A_161 : memref<10000x128xf32, #tpu.memory_space<hbm>>) target(%arg11 : memref<80x128xf32, #tpu.memory_space<vmem>>) offsets(%dma_start3A_158 : memref<80xi32, #tpu.memory_space<vmem>>) semaphore(%arg16 : memref<!tpu.dma_semaphore, #tpu.memory_space<semaphore_mem>>)
        %add3A_162 = arith.constant 3 : i32
        %add3A_163 = arith.addi %mul3A_103, %add3A_162 : i32
        %dma_wait3A_164 = arith.constant 0 : i32
        %dma_wait3A_165 = tpu.memref_slice %arg7[%add3A_163, %dma_wait3A_164] : memref<25x80xi32, #tpu.memory_space<vmem>> -> memref<1x80xi32, #tpu.memory_space<vmem>>
        %dma_wait3A_166 = tpu.memref_squeeze %dma_wait3A_165 : memref<1x80xi32, #tpu.memory_space<vmem>> -> memref<80xi32, #tpu.memory_space<vmem>>
        %dma_wait3A_167 = arith.constant 0 : i32
        %dma_wait3A_168 = arith.constant 0 : i32
        %dma_wait3A_169 = tpu.memref_slice %arg2[%dma_wait3A_167, %dma_wait3A_168] : memref<10000x128xf32, #tpu.memory_space<hbm>> -> memref<10000x128xf32, #tpu.memory_space<hbm>>
        tpu.wait_indirect_dma semaphore(%arg17 : memref<!tpu.dma_semaphore, #tpu.memory_space<semaphore_mem>>) src(%dma_wait3A_169 : memref<10000x128xf32, #tpu.memory_space<hbm>>) dst(%arg12 : memref<80x128xf32, #tpu.memory_space<vmem>>)
        %add3A_170 = arith.constant 3 : i32
        %add3A_171 = arith.addi %mul3A_103, %add3A_170 : i32
        "tpu.region"() ({
          %run_scoped3A_172 = tpu.sem_alloc : memref<!tpu.dma_semaphore, #tpu.memory_space<semaphore_mem>>
          %dma_start3A_173 = arith.constant 0 : i32
          %dma_start3A_174 = tpu.memref_slice %arg8[%add3A_171, %dma_start3A_173] : memref<25x80xi32, #tpu.memory_space<vmem>> -> memref<1x80xi32, #tpu.memory_space<vmem>>
          %dma_start3A_175 = tpu.memref_squeeze %dma_start3A_174 : memref<1x80xi32, #tpu.memory_space<vmem>> -> memref<80xi32, #tpu.memory_space<vmem>>
          %dma_start3A_176 = arith.constant 0 : i32
          %dma_start3A_177 = arith.constant 0 : i32
          %dma_start3A_178 = tpu.memref_slice %arg13[%dma_start3A_176, %dma_start3A_177] : memref<10000x128xf32, #tpu.memory_space<vmem_shared>> -> memref<10000x128xf32, #tpu.memory_space<vmem_shared>>
          tpu.enqueue_indirect_dma source(%arg12 : memref<80x128xf32, #tpu.memory_space<vmem>>) target(%dma_start3A_178 : memref<10000x128xf32, #tpu.memory_space<vmem_shared>>) offsets(%dma_start3A_175 : memref<80xi32, #tpu.memory_space<vmem>>) semaphore(%run_scoped3A_172 : memref<!tpu.dma_semaphore, #tpu.memory_space<semaphore_mem>>) {add = true}
          %dma_wait3A_179 = arith.constant 0 : i32
          %dma_wait3A_180 = tpu.memref_slice %arg8[%add3A_171, %dma_wait3A_179] : memref<25x80xi32, #tpu.memory_space<vmem>> -> memref<1x80xi32, #tpu.memory_space<vmem>>
          %dma_wait3A_181 = tpu.memref_squeeze %dma_wait3A_180 : memref<1x80xi32, #tpu.memory_space<vmem>> -> memref<80xi32, #tpu.memory_space<vmem>>
          %dma_wait3A_182 = arith.constant 0 : i32
          %dma_wait3A_183 = arith.constant 0 : i32
          %dma_wait3A_184 = tpu.memref_slice %arg13[%dma_wait3A_182, %dma_wait3A_183] : memref<10000x128xf32, #tpu.memory_space<vmem_shared>> -> memref<10000x128xf32, #tpu.memory_space<vmem_shared>>
          tpu.wait_indirect_dma semaphore(%run_scoped3A_172 : memref<!tpu.dma_semaphore, #tpu.memory_space<semaphore_mem>>) src(%arg12 : memref<80x128xf32, #tpu.memory_space<vmem>>) dst(%dma_wait3A_184 : memref<10000x128xf32, #tpu.memory_space<vmem_shared>>)
          tpu.yield
        }) : () -> ()
      }
      %scan3A_48 = arith.constant 5 : i32
      %dma_start3A_49 = arith.constant 23 : i32
      %dma_start3A_50 = arith.constant 0 : i32
      %dma_start3A_51 = tpu.memref_slice %arg7[%dma_start3A_49, %dma_start3A_50] : memref<25x80xi32, #tpu.memory_space<vmem>> -> memref<1x80xi32, #tpu.memory_space<vmem>>
      %dma_start3A_52 = tpu.memref_squeeze %dma_start3A_51 : memref<1x80xi32, #tpu.memory_space<vmem>> -> memref<80xi32, #tpu.memory_space<vmem>>
      %dma_start3A_53 = arith.constant 0 : i32
      %dma_start3A_54 = arith.constant 0 : i32
      %dma_start3A_55 = tpu.memref_slice %arg2[%dma_start3A_53, %dma_start3A_54] : memref<10000x128xf32, #tpu.memory_space<hbm>> -> memref<10000x128xf32, #tpu.memory_space<hbm>>
      tpu.enqueue_indirect_dma source(%dma_start3A_55 : memref<10000x128xf32, #tpu.memory_space<hbm>>) target(%arg12 : memref<80x128xf32, #tpu.memory_space<vmem>>) offsets(%dma_start3A_52 : memref<80xi32, #tpu.memory_space<vmem>>) semaphore(%arg17 : memref<!tpu.dma_semaphore, #tpu.memory_space<semaphore_mem>>)
      %dma_wait3A = arith.constant 20 : i32
      %dma_wait3A_56 = arith.constant 0 : i32
      %dma_wait3A_57 = tpu.memref_slice %arg7[%dma_wait3A, %dma_wait3A_56] : memref<25x80xi32, #tpu.memory_space<vmem>> -> memref<1x80xi32, #tpu.memory_space<vmem>>
      %dma_wait3A_58 = tpu.memref_squeeze %dma_wait3A_57 : memref<1x80xi32, #tpu.memory_space<vmem>> -> memref<80xi32, #tpu.memory_space<vmem>>
      %dma_wait3A_59 = arith.constant 0 : i32
      %dma_wait3A_60 = arith.constant 0 : i32
      %dma_wait3A_61 = tpu.memref_slice %arg2[%dma_wait3A_59, %dma_wait3A_60] : memref<10000x128xf32, #tpu.memory_space<hbm>> -> memref<10000x128xf32, #tpu.memory_space<hbm>>
      tpu.wait_indirect_dma semaphore(%arg14 : memref<!tpu.dma_semaphore, #tpu.memory_space<semaphore_mem>>) src(%dma_wait3A_61 : memref<10000x128xf32, #tpu.memory_space<hbm>>) dst(%arg9 : memref<80x128xf32, #tpu.memory_space<vmem>>)
      %run_scoped3A = arith.constant 20 : i32
      "tpu.region"() ({
        %run_scoped3A_101 = tpu.sem_alloc : memref<!tpu.dma_semaphore, #tpu.memory_space<semaphore_mem>>
        %dma_start3A_102 = arith.constant 0 : i32
        %dma_start3A_103 = tpu.memref_slice %arg8[%run_scoped3A, %dma_start3A_102] : memref<25x80xi32, #tpu.memory_space<vmem>> -> memref<1x80xi32, #tpu.memory_space<vmem>>
        %dma_start3A_104 = tpu.memref_squeeze %dma_start3A_103 : memref<1x80xi32, #tpu.memory_space<vmem>> -> memref<80xi32, #tpu.memory_space<vmem>>
        %dma_start3A_105 = arith.constant 0 : i32
        %dma_start3A_106 = arith.constant 0 : i32
        %dma_start3A_107 = tpu.memref_slice %arg13[%dma_start3A_105, %dma_start3A_106] : memref<10000x128xf32, #tpu.memory_space<vmem_shared>> -> memref<10000x128xf32, #tpu.memory_space<vmem_shared>>
        tpu.enqueue_indirect_dma source(%arg9 : memref<80x128xf32, #tpu.memory_space<vmem>>) target(%dma_start3A_107 : memref<10000x128xf32, #tpu.memory_space<vmem_shared>>) offsets(%dma_start3A_104 : memref<80xi32, #tpu.memory_space<vmem>>) semaphore(%run_scoped3A_101 : memref<!tpu.dma_semaphore, #tpu.memory_space<semaphore_mem>>) {add = true}
        %dma_wait3A_108 = arith.constant 0 : i32
        %dma_wait3A_109 = tpu.memref_slice %arg8[%run_scoped3A, %dma_wait3A_108] : memref<25x80xi32, #tpu.memory_space<vmem>> -> memref<1x80xi32, #tpu.memory_space<vmem>>
        %dma_wait3A_110 = tpu.memref_squeeze %dma_wait3A_109 : memref<1x80xi32, #tpu.memory_space<vmem>> -> memref<80xi32, #tpu.memory_space<vmem>>
        %dma_wait3A_111 = arith.constant 0 : i32
        %dma_wait3A_112 = arith.constant 0 : i32
        %dma_wait3A_113 = tpu.memref_slice %arg13[%dma_wait3A_111, %dma_wait3A_112] : memref<10000x128xf32, #tpu.memory_space<vmem_shared>> -> memref<10000x128xf32, #tpu.memory_space<vmem_shared>>
        tpu.wait_indirect_dma semaphore(%run_scoped3A_101 : memref<!tpu.dma_semaphore, #tpu.memory_space<semaphore_mem>>) src(%arg9 : memref<80x128xf32, #tpu.memory_space<vmem>>) dst(%dma_wait3A_113 : memref<10000x128xf32, #tpu.memory_space<vmem_shared>>)
        tpu.yield
      }) : () -> ()
      %dma_start3A_62 = arith.constant 24 : i32
      %dma_start3A_63 = arith.constant 0 : i32
      %dma_start3A_64 = tpu.memref_slice %arg7[%dma_start3A_62, %dma_start3A_63] : memref<25x80xi32, #tpu.memory_space<vmem>> -> memref<1x80xi32, #tpu.memory_space<vmem>>
      %dma_start3A_65 = tpu.memref_squeeze %dma_start3A_64 : memref<1x80xi32, #tpu.memory_space<vmem>> -> memref<80xi32, #tpu.memory_space<vmem>>
      %dma_start3A_66 = arith.constant 0 : i32
      %dma_start3A_67 = arith.constant 0 : i32
      %dma_start3A_68 = tpu.memref_slice %arg2[%dma_start3A_66, %dma_start3A_67] : memref<10000x128xf32, #tpu.memory_space<hbm>> -> memref<10000x128xf32, #tpu.memory_space<hbm>>
      tpu.enqueue_indirect_dma source(%dma_start3A_68 : memref<10000x128xf32, #tpu.memory_space<hbm>>) target(%arg9 : memref<80x128xf32, #tpu.memory_space<vmem>>) offsets(%dma_start3A_65 : memref<80xi32, #tpu.memory_space<vmem>>) semaphore(%arg14 : memref<!tpu.dma_semaphore, #tpu.memory_space<semaphore_mem>>)
      %dma_wait3A_69 = arith.constant 21 : i32
      %dma_wait3A_70 = arith.constant 0 : i32
      %dma_wait3A_71 = tpu.memref_slice %arg7[%dma_wait3A_69, %dma_wait3A_70] : memref<25x80xi32, #tpu.memory_space<vmem>> -> memref<1x80xi32, #tpu.memory_space<vmem>>
      %dma_wait3A_72 = tpu.memref_squeeze %dma_wait3A_71 : memref<1x80xi32, #tpu.memory_space<vmem>> -> memref<80xi32, #tpu.memory_space<vmem>>
      %dma_wait3A_73 = arith.constant 0 : i32
      %dma_wait3A_74 = arith.constant 0 : i32
      %dma_wait3A_75 = tpu.memref_slice %arg2[%dma_wait3A_73, %dma_wait3A_74] : memref<10000x128xf32, #tpu.memory_space<hbm>> -> memref<10000x128xf32, #tpu.memory_space<hbm>>
      tpu.wait_indirect_dma semaphore(%arg15 : memref<!tpu.dma_semaphore, #tpu.memory_space<semaphore_mem>>) src(%dma_wait3A_75 : memref<10000x128xf32, #tpu.memory_space<hbm>>) dst(%arg10 : memref<80x128xf32, #tpu.memory_space<vmem>>)
      %run_scoped3A_76 = arith.constant 21 : i32
      "tpu.region"() ({
        %run_scoped3A_101 = tpu.sem_alloc : memref<!tpu.dma_semaphore, #tpu.memory_space<semaphore_mem>>
        %dma_start3A_102 = arith.constant 0 : i32
        %dma_start3A_103 = tpu.memref_slice %arg8[%run_scoped3A_76, %dma_start3A_102] : memref<25x80xi32, #tpu.memory_space<vmem>> -> memref<1x80xi32, #tpu.memory_space<vmem>>
        %dma_start3A_104 = tpu.memref_squeeze %dma_start3A_103 : memref<1x80xi32, #tpu.memory_space<vmem>> -> memref<80xi32, #tpu.memory_space<vmem>>
        %dma_start3A_105 = arith.constant 0 : i32
        %dma_start3A_106 = arith.constant 0 : i32
        %dma_start3A_107 = tpu.memref_slice %arg13[%dma_start3A_105, %dma_start3A_106] : memref<10000x128xf32, #tpu.memory_space<vmem_shared>> -> memref<10000x128xf32, #tpu.memory_space<vmem_shared>>
        tpu.enqueue_indirect_dma source(%arg10 : memref<80x128xf32, #tpu.memory_space<vmem>>) target(%dma_start3A_107 : memref<10000x128xf32, #tpu.memory_space<vmem_shared>>) offsets(%dma_start3A_104 : memref<80xi32, #tpu.memory_space<vmem>>) semaphore(%run_scoped3A_101 : memref<!tpu.dma_semaphore, #tpu.memory_space<semaphore_mem>>) {add = true}
        %dma_wait3A_108 = arith.constant 0 : i32
        %dma_wait3A_109 = tpu.memref_slice %arg8[%run_scoped3A_76, %dma_wait3A_108] : memref<25x80xi32, #tpu.memory_space<vmem>> -> memref<1x80xi32, #tpu.memory_space<vmem>>
        %dma_wait3A_110 = tpu.memref_squeeze %dma_wait3A_109 : memref<1x80xi32, #tpu.memory_space<vmem>> -> memref<80xi32, #tpu.memory_space<vmem>>
        %dma_wait3A_111 = arith.constant 0 : i32
        %dma_wait3A_112 = arith.constant 0 : i32
        %dma_wait3A_113 = tpu.memref_slice %arg13[%dma_wait3A_111, %dma_wait3A_112] : memref<10000x128xf32, #tpu.memory_space<vmem_shared>> -> memref<10000x128xf32, #tpu.memory_space<vmem_shared>>
        tpu.wait_indirect_dma semaphore(%run_scoped3A_101 : memref<!tpu.dma_semaphore, #tpu.memory_space<semaphore_mem>>) src(%arg10 : memref<80x128xf32, #tpu.memory_space<vmem>>) dst(%dma_wait3A_113 : memref<10000x128xf32, #tpu.memory_space<vmem_shared>>)
        tpu.yield
      }) : () -> ()
      %dma_wait3A_77 = arith.constant 22 : i32
      %dma_wait3A_78 = arith.constant 0 : i32
      %dma_wait3A_79 = tpu.memref_slice %arg7[%dma_wait3A_77, %dma_wait3A_78] : memref<25x80xi32, #tpu.memory_space<vmem>> -> memref<1x80xi32, #tpu.memory_space<vmem>>
      %dma_wait3A_80 = tpu.memref_squeeze %dma_wait3A_79 : memref<1x80xi32, #tpu.memory_space<vmem>> -> memref<80xi32, #tpu.memory_space<vmem>>
      %dma_wait3A_81 = arith.constant 0 : i32
      %dma_wait3A_82 = arith.constant 0 : i32
      %dma_wait3A_83 = tpu.memref_slice %arg2[%dma_wait3A_81, %dma_wait3A_82] : memref<10000x128xf32, #tpu.memory_space<hbm>> -> memref<10000x128xf32, #tpu.memory_space<hbm>>
      tpu.wait_indirect_dma semaphore(%arg16 : memref<!tpu.dma_semaphore, #tpu.memory_space<semaphore_mem>>) src(%dma_wait3A_83 : memref<10000x128xf32, #tpu.memory_space<hbm>>) dst(%arg11 : memref<80x128xf32, #tpu.memory_space<vmem>>)
      %run_scoped3A_84 = arith.constant 22 : i32
      "tpu.region"() ({
        %run_scoped3A_101 = tpu.sem_alloc : memref<!tpu.dma_semaphore, #tpu.memory_space<semaphore_mem>>
        %dma_start3A_102 = arith.constant 0 : i32
        %dma_start3A_103 = tpu.memref_slice %arg8[%run_scoped3A_84, %dma_start3A_102] : memref<25x80xi32, #tpu.memory_space<vmem>> -> memref<1x80xi32, #tpu.memory_space<vmem>>
        %dma_start3A_104 = tpu.memref_squeeze %dma_start3A_103 : memref<1x80xi32, #tpu.memory_space<vmem>> -> memref<80xi32, #tpu.memory_space<vmem>>
        %dma_start3A_105 = arith.constant 0 : i32
        %dma_start3A_106 = arith.constant 0 : i32
        %dma_start3A_107 = tpu.memref_slice %arg13[%dma_start3A_105, %dma_start3A_106] : memref<10000x128xf32, #tpu.memory_space<vmem_shared>> -> memref<10000x128xf32, #tpu.memory_space<vmem_shared>>
        tpu.enqueue_indirect_dma source(%arg11 : memref<80x128xf32, #tpu.memory_space<vmem>>) target(%dma_start3A_107 : memref<10000x128xf32, #tpu.memory_space<vmem_shared>>) offsets(%dma_start3A_104 : memref<80xi32, #tpu.memory_space<vmem>>) semaphore(%run_scoped3A_101 : memref<!tpu.dma_semaphore, #tpu.memory_space<semaphore_mem>>) {add = true}
        %dma_wait3A_108 = arith.constant 0 : i32
        %dma_wait3A_109 = tpu.memref_slice %arg8[%run_scoped3A_84, %dma_wait3A_108] : memref<25x80xi32, #tpu.memory_space<vmem>> -> memref<1x80xi32, #tpu.memory_space<vmem>>
        %dma_wait3A_110 = tpu.memref_squeeze %dma_wait3A_109 : memref<1x80xi32, #tpu.memory_space<vmem>> -> memref<80xi32, #tpu.memory_space<vmem>>
        %dma_wait3A_111 = arith.constant 0 : i32
        %dma_wait3A_112 = arith.constant 0 : i32
        %dma_wait3A_113 = tpu.memref_slice %arg13[%dma_wait3A_111, %dma_wait3A_112] : memref<10000x128xf32, #tpu.memory_space<vmem_shared>> -> memref<10000x128xf32, #tpu.memory_space<vmem_shared>>
        tpu.wait_indirect_dma semaphore(%run_scoped3A_101 : memref<!tpu.dma_semaphore, #tpu.memory_space<semaphore_mem>>) src(%arg11 : memref<80x128xf32, #tpu.memory_space<vmem>>) dst(%dma_wait3A_113 : memref<10000x128xf32, #tpu.memory_space<vmem_shared>>)
        tpu.yield
      }) : () -> ()
      %dma_wait3A_85 = arith.constant 23 : i32
      %dma_wait3A_86 = arith.constant 0 : i32
      %dma_wait3A_87 = tpu.memref_slice %arg7[%dma_wait3A_85, %dma_wait3A_86] : memref<25x80xi32, #tpu.memory_space<vmem>> -> memref<1x80xi32, #tpu.memory_space<vmem>>
      %dma_wait3A_88 = tpu.memref_squeeze %dma_wait3A_87 : memref<1x80xi32, #tpu.memory_space<vmem>> -> memref<80xi32, #tpu.memory_space<vmem>>
      %dma_wait3A_89 = arith.constant 0 : i32
      %dma_wait3A_90 = arith.constant 0 : i32
      %dma_wait3A_91 = tpu.memref_slice %arg2[%dma_wait3A_89, %dma_wait3A_90] : memref<10000x128xf32, #tpu.memory_space<hbm>> -> memref<10000x128xf32, #tpu.memory_space<hbm>>
      tpu.wait_indirect_dma semaphore(%arg17 : memref<!tpu.dma_semaphore, #tpu.memory_space<semaphore_mem>>) src(%dma_wait3A_91 : memref<10000x128xf32, #tpu.memory_space<hbm>>) dst(%arg12 : memref<80x128xf32, #tpu.memory_space<vmem>>)
      %run_scoped3A_92 = arith.constant 23 : i32
      "tpu.region"() ({
        %run_scoped3A_101 = tpu.sem_alloc : memref<!tpu.dma_semaphore, #tpu.memory_space<semaphore_mem>>
        %dma_start3A_102 = arith.constant 0 : i32
        %dma_start3A_103 = tpu.memref_slice %arg8[%run_scoped3A_92, %dma_start3A_102] : memref<25x80xi32, #tpu.memory_space<vmem>> -> memref<1x80xi32, #tpu.memory_space<vmem>>
        %dma_start3A_104 = tpu.memref_squeeze %dma_start3A_103 : memref<1x80xi32, #tpu.memory_space<vmem>> -> memref<80xi32, #tpu.memory_space<vmem>>
        %dma_start3A_105 = arith.constant 0 : i32
        %dma_start3A_106 = arith.constant 0 : i32
        %dma_start3A_107 = tpu.memref_slice %arg13[%dma_start3A_105, %dma_start3A_106] : memref<10000x128xf32, #tpu.memory_space<vmem_shared>> -> memref<10000x128xf32, #tpu.memory_space<vmem_shared>>
        tpu.enqueue_indirect_dma source(%arg12 : memref<80x128xf32, #tpu.memory_space<vmem>>) target(%dma_start3A_107 : memref<10000x128xf32, #tpu.memory_space<vmem_shared>>) offsets(%dma_start3A_104 : memref<80xi32, #tpu.memory_space<vmem>>) semaphore(%run_scoped3A_101 : memref<!tpu.dma_semaphore, #tpu.memory_space<semaphore_mem>>) {add = true}
        %dma_wait3A_108 = arith.constant 0 : i32
        %dma_wait3A_109 = tpu.memref_slice %arg8[%run_scoped3A_92, %dma_wait3A_108] : memref<25x80xi32, #tpu.memory_space<vmem>> -> memref<1x80xi32, #tpu.memory_space<vmem>>
        %dma_wait3A_110 = tpu.memref_squeeze %dma_wait3A_109 : memref<1x80xi32, #tpu.memory_space<vmem>> -> memref<80xi32, #tpu.memory_space<vmem>>
        %dma_wait3A_111 = arith.constant 0 : i32
        %dma_wait3A_112 = arith.constant 0 : i32
        %dma_wait3A_113 = tpu.memref_slice %arg13[%dma_wait3A_111, %dma_wait3A_112] : memref<10000x128xf32, #tpu.memory_space<vmem_shared>> -> memref<10000x128xf32, #tpu.memory_space<vmem_shared>>
        tpu.wait_indirect_dma semaphore(%run_scoped3A_101 : memref<!tpu.dma_semaphore, #tpu.memory_space<semaphore_mem>>) src(%arg12 : memref<80x128xf32, #tpu.memory_space<vmem>>) dst(%dma_wait3A_113 : memref<10000x128xf32, #tpu.memory_space<vmem_shared>>)
        tpu.yield
      }) : () -> ()
      %dma_wait3A_93 = arith.constant 24 : i32
      %dma_wait3A_94 = arith.constant 0 : i32
      %dma_wait3A_95 = tpu.memref_slice %arg7[%dma_wait3A_93, %dma_wait3A_94] : memref<25x80xi32, #tpu.memory_space<vmem>> -> memref<1x80xi32, #tpu.memory_space<vmem>>
      %dma_wait3A_96 = tpu.memref_squeeze %dma_wait3A_95 : memref<1x80xi32, #tpu.memory_space<vmem>> -> memref<80xi32, #tpu.memory_space<vmem>>
      %dma_wait3A_97 = arith.constant 0 : i32
      %dma_wait3A_98 = arith.constant 0 : i32
      %dma_wait3A_99 = tpu.memref_slice %arg2[%dma_wait3A_97, %dma_wait3A_98] : memref<10000x128xf32, #tpu.memory_space<hbm>> -> memref<10000x128xf32, #tpu.memory_space<hbm>>
      tpu.wait_indirect_dma semaphore(%arg14 : memref<!tpu.dma_semaphore, #tpu.memory_space<semaphore_mem>>) src(%dma_wait3A_99 : memref<10000x128xf32, #tpu.memory_space<hbm>>) dst(%arg9 : memref<80x128xf32, #tpu.memory_space<vmem>>)
      %run_scoped3A_100 = arith.constant 24 : i32
      "tpu.region"() ({
        %run_scoped3A_101 = tpu.sem_alloc : memref<!tpu.dma_semaphore, #tpu.memory_space<semaphore_mem>>
        %dma_start3A_102 = arith.constant 0 : i32
        %dma_start3A_103 = tpu.memref_slice %arg8[%run_scoped3A_100, %dma_start3A_102] : memref<25x80xi32, #tpu.memory_space<vmem>> -> memref<1x80xi32, #tpu.memory_space<vmem>>
        %dma_start3A_104 = tpu.memref_squeeze %dma_start3A_103 : memref<1x80xi32, #tpu.memory_space<vmem>> -> memref<80xi32, #tpu.memory_space<vmem>>
        %dma_start3A_105 = arith.constant 0 : i32
        %dma_start3A_106 = arith.constant 0 : i32
        %dma_start3A_107 = tpu.memref_slice %arg13[%dma_start3A_105, %dma_start3A_106] : memref<10000x128xf32, #tpu.memory_space<vmem_shared>> -> memref<10000x128xf32, #tpu.memory_space<vmem_shared>>
        tpu.enqueue_indirect_dma source(%arg9 : memref<80x128xf32, #tpu.memory_space<vmem>>) target(%dma_start3A_107 : memref<10000x128xf32, #tpu.memory_space<vmem_shared>>) offsets(%dma_start3A_104 : memref<80xi32, #tpu.memory_space<vmem>>) semaphore(%run_scoped3A_101 : memref<!tpu.dma_semaphore, #tpu.memory_space<semaphore_mem>>) {add = true}
        %dma_wait3A_108 = arith.constant 0 : i32
        %dma_wait3A_109 = tpu.memref_slice %arg8[%run_scoped3A_100, %dma_wait3A_108] : memref<25x80xi32, #tpu.memory_space<vmem>> -> memref<1x80xi32, #tpu.memory_space<vmem>>
        %dma_wait3A_110 = tpu.memref_squeeze %dma_wait3A_109 : memref<1x80xi32, #tpu.memory_space<vmem>> -> memref<80xi32, #tpu.memory_space<vmem>>
        %dma_wait3A_111 = arith.constant 0 : i32
        %dma_wait3A_112 = arith.constant 0 : i32
        %dma_wait3A_113 = tpu.memref_slice %arg13[%dma_wait3A_111, %dma_wait3A_112] : memref<10000x128xf32, #tpu.memory_space<vmem_shared>> -> memref<10000x128xf32, #tpu.memory_space<vmem_shared>>
        tpu.wait_indirect_dma semaphore(%run_scoped3A_101 : memref<!tpu.dma_semaphore, #tpu.memory_space<semaphore_mem>>) src(%arg9 : memref<80x128xf32, #tpu.memory_space<vmem>>) dst(%dma_wait3A_113 : memref<10000x128xf32, #tpu.memory_space<vmem_shared>>)
        tpu.yield
      }) : () -> ()
    }
    %scan3A_11 = arith.constant 5 : i32
    %barrier3A_12 = arith.constant 0 : index
    tpu.barrier barrier_id(%barrier3A_12)
    %mul3A_13 = arith.constant 624 : i32
    %mul3A_14 = arith.muli %arg1, %mul3A_13 : i32
    %mul3A_15 = arith.constant 624 : i32
    %mul3A_16 = arith.muli %arg1, %mul3A_15 : i32
    "tpu.region"() ({
      %run_scoped3A = tpu.sem_alloc : memref<!tpu.dma_semaphore, #tpu.memory_space<semaphore_mem>>
      %dma_start3A = arith.constant 0 : i32
      %dma_start3A_22 = tpu.memref_slice %arg6[%arg0, %mul3A_16, %dma_start3A] : memref<2x10000x128xf32, #tpu.memory_space<hbm>> -> memref<1x624x128xf32, #tpu.memory_space<hbm>>
      %dma_start3A_23 = tpu.memref_squeeze %dma_start3A_22 : memref<1x624x128xf32, #tpu.memory_space<hbm>> -> memref<624x128xf32, #tpu.memory_space<hbm>>
      %dma_start3A_24 = arith.constant 0 : i32
      %dma_start3A_25 = tpu.memref_slice %arg13[%mul3A_14, %dma_start3A_24] : memref<10000x128xf32, #tpu.memory_space<vmem_shared>> -> memref<624x128xf32, #tpu.memory_space<vmem_shared>>
      tpu.enqueue_dma source(%dma_start3A_25 : memref<624x128xf32, #tpu.memory_space<vmem_shared>>) target(%dma_start3A_23 : memref<624x128xf32, #tpu.memory_space<hbm>>) target_semaphore(%run_scoped3A : memref<!tpu.dma_semaphore, #tpu.memory_space<semaphore_mem>>)
      %dma_wait3A = arith.constant 0 : i32
      %dma_wait3A_26 = tpu.memref_slice %arg6[%arg0, %mul3A_16, %dma_wait3A] : memref<2x10000x128xf32, #tpu.memory_space<hbm>> -> memref<1x624x128xf32, #tpu.memory_space<hbm>>
      %dma_wait3A_27 = tpu.memref_squeeze %dma_wait3A_26 : memref<1x624x128xf32, #tpu.memory_space<hbm>> -> memref<624x128xf32, #tpu.memory_space<hbm>>
      %dma_wait3A_28 = arith.constant 0 : i32
      %dma_wait3A_29 = tpu.memref_slice %arg13[%mul3A_14, %dma_wait3A_28] : memref<10000x128xf32, #tpu.memory_space<vmem_shared>> -> memref<624x128xf32, #tpu.memory_space<vmem_shared>>
      tpu.wait_dma2 semaphore(%run_scoped3A : memref<!tpu.dma_semaphore, #tpu.memory_space<semaphore_mem>>) src(%dma_wait3A_29 : memref<624x128xf32, #tpu.memory_space<vmem_shared>>) dst(%dma_wait3A_27 : memref<624x128xf32, #tpu.memory_space<hbm>>)
      tpu.yield
    }) : () -> ()
    %eq3A_17 = arith.constant 15 : i32
    %eq3A_18 = arith.cmpi eq, %arg1, %eq3A_17 : i32
    %convert_element_type3A_19 = arith.extui %eq3A_18 : i1 to i32
    %cond3A_20 = arith.constant 0 : i32
    %cond3A_21 = arith.cmpi ne, %convert_element_type3A_19, %cond3A_20 : i32
    scf.if %cond3A_21 {
      "tpu.region"() ({
        %run_scoped3A = tpu.sem_alloc : memref<!tpu.dma_semaphore, #tpu.memory_space<semaphore_mem>>
        %dma_start3A = arith.constant 9984 : i32
        %dma_start3A_22 = arith.constant 0 : i32
        %dma_start3A_23 = tpu.memref_slice %arg6[%arg0, %dma_start3A, %dma_start3A_22] : memref<2x10000x128xf32, #tpu.memory_space<hbm>> -> memref<1x16x128xf32, #tpu.memory_space<hbm>>
        %dma_start3A_24 = tpu.memref_squeeze %dma_start3A_23 : memref<1x16x128xf32, #tpu.memory_space<hbm>> -> memref<16x128xf32, #tpu.memory_space<hbm>>
        %dma_start3A_25 = arith.constant 9984 : i32
        %dma_start3A_26 = arith.constant 0 : i32
        %dma_start3A_27 = tpu.memref_slice %arg13[%dma_start3A_25, %dma_start3A_26] : memref<10000x128xf32, #tpu.memory_space<vmem_shared>> -> memref<16x128xf32, #tpu.memory_space<vmem_shared>>
        tpu.enqueue_dma source(%dma_start3A_27 : memref<16x128xf32, #tpu.memory_space<vmem_shared>>) target(%dma_start3A_24 : memref<16x128xf32, #tpu.memory_space<hbm>>) target_semaphore(%run_scoped3A : memref<!tpu.dma_semaphore, #tpu.memory_space<semaphore_mem>>)
        %dma_wait3A = arith.constant 9984 : i32
        %dma_wait3A_28 = arith.constant 0 : i32
        %dma_wait3A_29 = tpu.memref_slice %arg6[%arg0, %dma_wait3A, %dma_wait3A_28] : memref<2x10000x128xf32, #tpu.memory_space<hbm>> -> memref<1x16x128xf32, #tpu.memory_space<hbm>>
        %dma_wait3A_30 = tpu.memref_squeeze %dma_wait3A_29 : memref<1x16x128xf32, #tpu.memory_space<hbm>> -> memref<16x128xf32, #tpu.memory_space<hbm>>
        %dma_wait3A_31 = arith.constant 9984 : i32
        %dma_wait3A_32 = arith.constant 0 : i32
        %dma_wait3A_33 = tpu.memref_slice %arg13[%dma_wait3A_31, %dma_wait3A_32] : memref<10000x128xf32, #tpu.memory_space<vmem_shared>> -> memref<16x128xf32, #tpu.memory_space<vmem_shared>>
        tpu.wait_dma2 semaphore(%run_scoped3A : memref<!tpu.dma_semaphore, #tpu.memory_space<semaphore_mem>>) src(%dma_wait3A_33 : memref<16x128xf32, #tpu.memory_space<vmem_shared>>) dst(%dma_wait3A_30 : memref<16x128xf32, #tpu.memory_space<hbm>>)
        tpu.yield
      }) : () -> ()
    } else {
    }
    return
  }
}

#map = affine_map<(d0, d1) -> (0, 0)>
#map1 = affine_map<(d0, d1) -> (0, 0, 0, 0)>
#map2 = affine_map<(d0, d1) -> (0, 0, 0)>
module attributes {stable_mosaic.version = 14 : i64} {
  func.func @k(%arg0: i32, %arg1: i32, %arg2: memref<10000x128xf32, #tpu.memory_space<hbm>>, %arg3: memref<32x5x25x80xi32, #tpu.memory_space<hbm>>, %arg4: memref<32x5x25x80xi32, #tpu.memory_space<hbm>>, %arg5: memref<10000x128xf32, #tpu.memory_space<hbm>>, %arg6: memref<2x10000x128xf32, #tpu.memory_space<hbm>>, %arg7: memref<25x80xi32, #tpu.memory_space<vmem>>, %arg8: memref<25x80xi32, #tpu.memory_space<vmem>>, %arg9: memref<80x128xf32, #tpu.memory_space<vmem>>, %arg10: memref<80x128xf32, #tpu.memory_space<vmem>>, %arg11: memref<80x128xf32, #tpu.memory_space<vmem>>, %arg12: memref<80x128xf32, #tpu.memory_space<vmem>>, %arg13: memref<10000x128xf32, #tpu.memory_space<vmem_shared>>, %arg14: memref<!tpu.dma_semaphore, #tpu.memory_space<semaphore_mem>>, %arg15: memref<!tpu.dma_semaphore, #tpu.memory_space<semaphore_mem>>, %arg16: memref<!tpu.dma_semaphore, #tpu.memory_space<semaphore_mem>>, %arg17: memref<!tpu.dma_semaphore, #tpu.memory_space<semaphore_mem>>) attributes {dimension_semantics = [#tpu.dimension_semantics<core_parallel>, #tpu.dimension_semantics<subcore_parallel>], iteration_bounds = array<i64: 2, 16>, scalar_prefetch = 0 : i64, scratch_operands = 11 : i64, tpu.core_type = #tpu.core_type<sc_vector_subcore>, window_params = [{transform_indices = #map}, {transform_indices = #map1}, {transform_indices = #map1}, {transform_indices = #map}, {transform_indices = #map2}]} {
    %mul3A = arith.constant 16 : i32
    %mul3A_0 = arith.muli %arg0, %mul3A : i32
    %add3A = arith.addi %mul3A_0, %arg1 : i32
    %mul3A_1 = arith.constant 624 : i32
    %mul3A_2 = arith.muli %arg1, %mul3A_1 : i32
    %mul3A_3 = arith.constant 624 : i32
    %mul3A_4 = arith.muli %arg1, %mul3A_3 : i32
    "tpu.region"() ({
      %run_scoped3A = tpu.sem_alloc : memref<!tpu.dma_semaphore, #tpu.memory_space<semaphore_mem>>
      %dma_start3A = arith.constant 0 : i32
      %dma_start3A_22 = tpu.memref_slice %arg13[%mul3A_4, %dma_start3A] : memref<10000x128xf32, #tpu.memory_space<vmem_shared>> -> memref<624x128xf32, #tpu.memory_space<vmem_shared>>
      %dma_start3A_23 = arith.constant 0 : i32
      %dma_start3A_24 = tpu.memref_slice %arg5[%mul3A_2, %dma_start3A_23] : memref<10000x128xf32, #tpu.memory_space<hbm>> -> memref<624x128xf32, #tpu.memory_space<hbm>>
      tpu.enqueue_dma source(%dma_start3A_24 : memref<624x128xf32, #tpu.memory_space<hbm>>) target(%dma_start3A_22 : memref<624x128xf32, #tpu.memory_space<vmem_shared>>) target_semaphore(%run_scoped3A : memref<!tpu.dma_semaphore, #tpu.memory_space<semaphore_mem>>)
      %dma_wait3A = arith.constant 0 : i32
      %dma_wait3A_25 = tpu.memref_slice %arg13[%mul3A_4, %dma_wait3A] : memref<10000x128xf32, #tpu.memory_space<vmem_shared>> -> memref<624x128xf32, #tpu.memory_space<vmem_shared>>
      %dma_wait3A_26 = arith.constant 0 : i32
      %dma_wait3A_27 = tpu.memref_slice %arg5[%mul3A_2, %dma_wait3A_26] : memref<10000x128xf32, #tpu.memory_space<hbm>> -> memref<624x128xf32, #tpu.memory_space<hbm>>
      tpu.wait_dma2 semaphore(%run_scoped3A : memref<!tpu.dma_semaphore, #tpu.memory_space<semaphore_mem>>) src(%dma_wait3A_27 : memref<624x128xf32, #tpu.memory_space<hbm>>) dst(%dma_wait3A_25 : memref<624x128xf32, #tpu.memory_space<vmem_shared>>)
      tpu.yield
    }) : () -> ()
    %eq3A = arith.constant 15 : i32
    %eq3A_5 = arith.cmpi eq, %arg1, %eq3A : i32
    %convert_element_type3A = arith.extui %eq3A_5 : i1 to i32
    %cond3A = arith.constant 0 : i32
    %cond3A_6 = arith.cmpi ne, %convert_element_type3A, %cond3A : i32
    scf.if %cond3A_6 {
      "tpu.region"() ({
        %run_scoped3A = tpu.sem_alloc : memref<!tpu.dma_semaphore, #tpu.memory_space<semaphore_mem>>
        %dma_start3A = arith.constant 9984 : i32
        %dma_start3A_22 = arith.constant 0 : i32
        %dma_start3A_23 = tpu.memref_slice %arg13[%dma_start3A, %dma_start3A_22] : memref<10000x128xf32, #tpu.memory_space<vmem_shared>> -> memref<16x128xf32, #tpu.memory_space<vmem_shared>>
        %dma_start3A_24 = arith.constant 9984 : i32
        %dma_start3A_25 = arith.constant 0 : i32
        %dma_start3A_26 = tpu.memref_slice %arg5[%dma_start3A_24, %dma_start3A_25] : memref<10000x128xf32, #tpu.memory_space<hbm>> -> memref<16x128xf32, #tpu.memory_space<hbm>>
        tpu.enqueue_dma source(%dma_start3A_26 : memref<16x128xf32, #tpu.memory_space<hbm>>) target(%dma_start3A_23 : memref<16x128xf32, #tpu.memory_space<vmem_shared>>) target_semaphore(%run_scoped3A : memref<!tpu.dma_semaphore, #tpu.memory_space<semaphore_mem>>)
        %dma_wait3A = arith.constant 9984 : i32
        %dma_wait3A_27 = arith.constant 0 : i32
        %dma_wait3A_28 = tpu.memref_slice %arg13[%dma_wait3A, %dma_wait3A_27] : memref<10000x128xf32, #tpu.memory_space<vmem_shared>> -> memref<16x128xf32, #tpu.memory_space<vmem_shared>>
        %dma_wait3A_29 = arith.constant 9984 : i32
        %dma_wait3A_30 = arith.constant 0 : i32
        %dma_wait3A_31 = tpu.memref_slice %arg5[%dma_wait3A_29, %dma_wait3A_30] : memref<10000x128xf32, #tpu.memory_space<hbm>> -> memref<16x128xf32, #tpu.memory_space<hbm>>
        tpu.wait_dma2 semaphore(%run_scoped3A : memref<!tpu.dma_semaphore, #tpu.memory_space<semaphore_mem>>) src(%dma_wait3A_31 : memref<16x128xf32, #tpu.memory_space<hbm>>) dst(%dma_wait3A_28 : memref<16x128xf32, #tpu.memory_space<vmem_shared>>)
        tpu.yield
      }) : () -> ()
    } else {
    }
    %barrier3A = arith.constant 0 : index
    tpu.barrier barrier_id(%barrier3A)
    %scan3A = arith.constant 0 : i32
    %scan3A_7 = arith.constant 0 : i32
    %scan3A_8 = arith.constant 5 : i32
    %scan3A_9 = arith.addi %scan3A_7, %scan3A_8 : i32
    %scan3A_10 = arith.constant 1 : i32
    scf.for %scan3A_22 = %scan3A_7 to %scan3A_9 step %scan3A_10  : i32 {
      "tpu.region"() ({
        %run_scoped3A_101 = tpu.sem_alloc : memref<!tpu.dma_semaphore, #tpu.memory_space<semaphore_mem>>
        %dma_start3A_102 = arith.constant 0 : i32
        %dma_start3A_103 = arith.constant 0 : i32
        %dma_start3A_104 = tpu.memref_slice %arg3[%add3A, %scan3A_22, %dma_start3A_102, %dma_start3A_103] : memref<32x5x25x80xi32, #tpu.memory_space<hbm>> -> memref<1x1x25x80xi32, #tpu.memory_space<hbm>>
        %dma_start3A_105 = tpu.memref_squeeze %dma_start3A_104 : memref<1x1x25x80xi32, #tpu.memory_space<hbm>> -> memref<25x80xi32, #tpu.memory_space<hbm>>
        %dma_start3A_106 = arith.constant 0 : i32
        %dma_start3A_107 = arith.constant 0 : i32
        %dma_start3A_108 = tpu.memref_slice %arg3[%add3A, %scan3A_22, %dma_start3A_106, %dma_start3A_107] : memref<32x5x25x80xi32, #tpu.memory_space<hbm>> -> memref<1x1x25x80xi32, #tpu.memory_space<hbm>>
        %dma_start3A_109 = tpu.memref_squeeze %dma_start3A_108 : memref<1x1x25x80xi32, #tpu.memory_space<hbm>> -> memref<25x80xi32, #tpu.memory_space<hbm>>
        tpu.enqueue_dma source(%dma_start3A_109 : memref<25x80xi32, #tpu.memory_space<hbm>>) target(%arg7 : memref<25x80xi32, #tpu.memory_space<vmem>>) target_semaphore(%run_scoped3A_101 : memref<!tpu.dma_semaphore, #tpu.memory_space<semaphore_mem>>)
        %dma_wait3A_110 = arith.constant 0 : i32
        %dma_wait3A_111 = arith.constant 0 : i32
        %dma_wait3A_112 = tpu.memref_slice %arg3[%add3A, %scan3A_22, %dma_wait3A_110, %dma_wait3A_111] : memref<32x5x25x80xi32, #tpu.memory_space<hbm>> -> memref<1x1x25x80xi32, #tpu.memory_space<hbm>>
        %dma_wait3A_113 = tpu.memref_squeeze %dma_wait3A_112 : memref<1x1x25x80xi32, #tpu.memory_space<hbm>> -> memref<25x80xi32, #tpu.memory_space<hbm>>
        %dma_wait3A_114 = arith.constant 0 : i32
        %dma_wait3A_115 = arith.constant 0 : i32
        %dma_wait3A_116 = tpu.memref_slice %arg3[%add3A, %scan3A_22, %dma_wait3A_114, %dma_wait3A_115] : memref<32x5x25x80xi32, #tpu.memory_space<hbm>> -> memref<1x1x25x80xi32, #tpu.memory_space<hbm>>
        %dma_wait3A_117 = tpu.memref_squeeze %dma_wait3A_116 : memref<1x1x25x80xi32, #tpu.memory_space<hbm>> -> memref<25x80xi32, #tpu.memory_space<hbm>>
        tpu.wait_dma2 semaphore(%run_scoped3A_101 : memref<!tpu.dma_semaphore, #tpu.memory_space<semaphore_mem>>) src(%dma_wait3A_117 : memref<25x80xi32, #tpu.memory_space<hbm>>) dst(%arg7 : memref<25x80xi32, #tpu.memory_space<vmem>>)
        tpu.yield
      }) : () -> ()
      "tpu.region"() ({
        %run_scoped3A_101 = tpu.sem_alloc : memref<!tpu.dma_semaphore, #tpu.memory_space<semaphore_mem>>
        %dma_start3A_102 = arith.constant 0 : i32
        %dma_start3A_103 = arith.constant 0 : i32
        %dma_start3A_104 = tpu.memref_slice %arg4[%add3A, %scan3A_22, %dma_start3A_102, %dma_start3A_103] : memref<32x5x25x80xi32, #tpu.memory_space<hbm>> -> memref<1x1x25x80xi32, #tpu.memory_space<hbm>>
        %dma_start3A_105 = tpu.memref_squeeze %dma_start3A_104 : memref<1x1x25x80xi32, #tpu.memory_space<hbm>> -> memref<25x80xi32, #tpu.memory_space<hbm>>
        %dma_start3A_106 = arith.constant 0 : i32
        %dma_start3A_107 = arith.constant 0 : i32
        %dma_start3A_108 = tpu.memref_slice %arg4[%add3A, %scan3A_22, %dma_start3A_106, %dma_start3A_107] : memref<32x5x25x80xi32, #tpu.memory_space<hbm>> -> memref<1x1x25x80xi32, #tpu.memory_space<hbm>>
        %dma_start3A_109 = tpu.memref_squeeze %dma_start3A_108 : memref<1x1x25x80xi32, #tpu.memory_space<hbm>> -> memref<25x80xi32, #tpu.memory_space<hbm>>
        tpu.enqueue_dma source(%dma_start3A_109 : memref<25x80xi32, #tpu.memory_space<hbm>>) target(%arg8 : memref<25x80xi32, #tpu.memory_space<vmem>>) target_semaphore(%run_scoped3A_101 : memref<!tpu.dma_semaphore, #tpu.memory_space<semaphore_mem>>)
        %dma_wait3A_110 = arith.constant 0 : i32
        %dma_wait3A_111 = arith.constant 0 : i32
        %dma_wait3A_112 = tpu.memref_slice %arg4[%add3A, %scan3A_22, %dma_wait3A_110, %dma_wait3A_111] : memref<32x5x25x80xi32, #tpu.memory_space<hbm>> -> memref<1x1x25x80xi32, #tpu.memory_space<hbm>>
        %dma_wait3A_113 = tpu.memref_squeeze %dma_wait3A_112 : memref<1x1x25x80xi32, #tpu.memory_space<hbm>> -> memref<25x80xi32, #tpu.memory_space<hbm>>
        %dma_wait3A_114 = arith.constant 0 : i32
        %dma_wait3A_115 = arith.constant 0 : i32
        %dma_wait3A_116 = tpu.memref_slice %arg4[%add3A, %scan3A_22, %dma_wait3A_114, %dma_wait3A_115] : memref<32x5x25x80xi32, #tpu.memory_space<hbm>> -> memref<1x1x25x80xi32, #tpu.memory_space<hbm>>
        %dma_wait3A_117 = tpu.memref_squeeze %dma_wait3A_116 : memref<1x1x25x80xi32, #tpu.memory_space<hbm>> -> memref<25x80xi32, #tpu.memory_space<hbm>>
        tpu.wait_dma2 semaphore(%run_scoped3A_101 : memref<!tpu.dma_semaphore, #tpu.memory_space<semaphore_mem>>) src(%dma_wait3A_117 : memref<25x80xi32, #tpu.memory_space<hbm>>) dst(%arg8 : memref<25x80xi32, #tpu.memory_space<vmem>>)
        tpu.yield
      }) : () -> ()
      %dma_start3A = arith.constant 0 : i32
      %dma_start3A_23 = arith.constant 0 : i32
      %dma_start3A_24 = tpu.memref_slice %arg7[%dma_start3A, %dma_start3A_23] : memref<25x80xi32, #tpu.memory_space<vmem>> -> memref<1x80xi32, #tpu.memory_space<vmem>>
      %dma_start3A_25 = tpu.memref_squeeze %dma_start3A_24 : memref<1x80xi32, #tpu.memory_space<vmem>> -> memref<80xi32, #tpu.memory_space<vmem>>
      %dma_start3A_26 = arith.constant 0 : i32
      %dma_start3A_27 = arith.constant 0 : i32
      %dma_start3A_28 = tpu.memref_slice %arg2[%dma_start3A_26, %dma_start3A_27] : memref<10000x128xf32, #tpu.memory_space<hbm>> -> memref<10000x128xf32, #tpu.memory_space<hbm>>
      tpu.enqueue_indirect_dma source(%dma_start3A_28 : memref<10000x128xf32, #tpu.memory_space<hbm>>) target(%arg9 : memref<80x128xf32, #tpu.memory_space<vmem>>) offsets(%dma_start3A_25 : memref<80xi32, #tpu.memory_space<vmem>>) semaphore(%arg14 : memref<!tpu.dma_semaphore, #tpu.memory_space<semaphore_mem>>)
      %dma_start3A_29 = arith.constant 1 : i32
      %dma_start3A_30 = arith.constant 0 : i32
      %dma_start3A_31 = tpu.memref_slice %arg7[%dma_start3A_29, %dma_start3A_30] : memref<25x80xi32, #tpu.memory_space<vmem>> -> memref<1x80xi32, #tpu.memory_space<vmem>>
      %dma_start3A_32 = tpu.memref_squeeze %dma_start3A_31 : memref<1x80xi32, #tpu.memory_space<vmem>> -> memref<80xi32, #tpu.memory_space<vmem>>
      %dma_start3A_33 = arith.constant 0 : i32
      %dma_start3A_34 = arith.constant 0 : i32
      %dma_start3A_35 = tpu.memref_slice %arg2[%dma_start3A_33, %dma_start3A_34] : memref<10000x128xf32, #tpu.memory_space<hbm>> -> memref<10000x128xf32, #tpu.memory_space<hbm>>
      tpu.enqueue_indirect_dma source(%dma_start3A_35 : memref<10000x128xf32, #tpu.memory_space<hbm>>) target(%arg10 : memref<80x128xf32, #tpu.memory_space<vmem>>) offsets(%dma_start3A_32 : memref<80xi32, #tpu.memory_space<vmem>>) semaphore(%arg15 : memref<!tpu.dma_semaphore, #tpu.memory_space<semaphore_mem>>)
      %dma_start3A_36 = arith.constant 2 : i32
      %dma_start3A_37 = arith.constant 0 : i32
      %dma_start3A_38 = tpu.memref_slice %arg7[%dma_start3A_36, %dma_start3A_37] : memref<25x80xi32, #tpu.memory_space<vmem>> -> memref<1x80xi32, #tpu.memory_space<vmem>>
      %dma_start3A_39 = tpu.memref_squeeze %dma_start3A_38 : memref<1x80xi32, #tpu.memory_space<vmem>> -> memref<80xi32, #tpu.memory_space<vmem>>
      %dma_start3A_40 = arith.constant 0 : i32
      %dma_start3A_41 = arith.constant 0 : i32
      %dma_start3A_42 = tpu.memref_slice %arg2[%dma_start3A_40, %dma_start3A_41] : memref<10000x128xf32, #tpu.memory_space<hbm>> -> memref<10000x128xf32, #tpu.memory_space<hbm>>
      tpu.enqueue_indirect_dma source(%dma_start3A_42 : memref<10000x128xf32, #tpu.memory_space<hbm>>) target(%arg11 : memref<80x128xf32, #tpu.memory_space<vmem>>) offsets(%dma_start3A_39 : memref<80xi32, #tpu.memory_space<vmem>>) semaphore(%arg16 : memref<!tpu.dma_semaphore, #tpu.memory_space<semaphore_mem>>)
      %scan3A_43 = arith.constant 0 : i32
      %scan3A_44 = arith.constant 0 : i32
      %scan3A_45 = arith.constant 5 : i32
      %scan3A_46 = arith.addi %scan3A_44, %scan3A_45 : i32
      %scan3A_47 = arith.constant 1 : i32
      scf.for %scan3A_101 = %scan3A_44 to %scan3A_46 step %scan3A_47  : i32 {
        %mul3A_102 = arith.constant 4 : i32
        %mul3A_103 = arith.muli %mul3A_102, %scan3A_101 : i32
        %add3A_104 = arith.constant 3 : i32
        %add3A_105 = arith.addi %mul3A_103, %add3A_104 : i32
        %dma_start3A_106 = arith.constant 0 : i32
        %dma_start3A_107 = tpu.memref_slice %arg7[%add3A_105, %dma_start3A_106] : memref<25x80xi32, #tpu.memory_space<vmem>> -> memref<1x80xi32, #tpu.memory_space<vmem>>
        %dma_start3A_108 = tpu.memref_squeeze %dma_start3A_107 : memref<1x80xi32, #tpu.memory_space<vmem>> -> memref<80xi32, #tpu.memory_space<vmem>>
        %dma_start3A_109 = arith.constant 0 : i32
        %dma_start3A_110 = arith.constant 0 : i32
        %dma_start3A_111 = tpu.memref_slice %arg2[%dma_start3A_109, %dma_start3A_110] : memref<10000x128xf32, #tpu.memory_space<hbm>> -> memref<10000x128xf32, #tpu.memory_space<hbm>>
        tpu.enqueue_indirect_dma source(%dma_start3A_111 : memref<10000x128xf32, #tpu.memory_space<hbm>>) target(%arg12 : memref<80x128xf32, #tpu.memory_space<vmem>>) offsets(%dma_start3A_108 : memref<80xi32, #tpu.memory_space<vmem>>) semaphore(%arg17 : memref<!tpu.dma_semaphore, #tpu.memory_space<semaphore_mem>>)
        %dma_wait3A_112 = arith.constant 0 : i32
        %dma_wait3A_113 = tpu.memref_slice %arg7[%mul3A_103, %dma_wait3A_112] : memref<25x80xi32, #tpu.memory_space<vmem>> -> memref<1x80xi32, #tpu.memory_space<vmem>>
        %dma_wait3A_114 = tpu.memref_squeeze %dma_wait3A_113 : memref<1x80xi32, #tpu.memory_space<vmem>> -> memref<80xi32, #tpu.memory_space<vmem>>
        %dma_wait3A_115 = arith.constant 0 : i32
        %dma_wait3A_116 = arith.constant 0 : i32
        %dma_wait3A_117 = tpu.memref_slice %arg2[%dma_wait3A_115, %dma_wait3A_116] : memref<10000x128xf32, #tpu.memory_space<hbm>> -> memref<10000x128xf32, #tpu.memory_space<hbm>>
        tpu.wait_indirect_dma semaphore(%arg14 : memref<!tpu.dma_semaphore, #tpu.memory_space<semaphore_mem>>) src(%dma_wait3A_117 : memref<10000x128xf32, #tpu.memory_space<hbm>>) dst(%arg9 : memref<80x128xf32, #tpu.memory_space<vmem>>)
        "tpu.region"() ({
          %run_scoped3A_172 = tpu.sem_alloc : memref<!tpu.dma_semaphore, #tpu.memory_space<semaphore_mem>>
          %dma_start3A_173 = arith.constant 0 : i32
          %dma_start3A_174 = tpu.memref_slice %arg8[%mul3A_103, %dma_start3A_173] : memref<25x80xi32, #tpu.memory_space<vmem>> -> memref<1x80xi32, #tpu.memory_space<vmem>>
          %dma_start3A_175 = tpu.memref_squeeze %dma_start3A_174 : memref<1x80xi32, #tpu.memory_space<vmem>> -> memref<80xi32, #tpu.memory_space<vmem>>
          %dma_start3A_176 = arith.constant 0 : i32
          %dma_start3A_177 = arith.constant 0 : i32
          %dma_start3A_178 = tpu.memref_slice %arg13[%dma_start3A_176, %dma_start3A_177] : memref<10000x128xf32, #tpu.memory_space<vmem_shared>> -> memref<10000x128xf32, #tpu.memory_space<vmem_shared>>
          tpu.enqueue_indirect_dma source(%arg9 : memref<80x128xf32, #tpu.memory_space<vmem>>) target(%dma_start3A_178 : memref<10000x128xf32, #tpu.memory_space<vmem_shared>>) offsets(%dma_start3A_175 : memref<80xi32, #tpu.memory_space<vmem>>) semaphore(%run_scoped3A_172 : memref<!tpu.dma_semaphore, #tpu.memory_space<semaphore_mem>>) {add = true}
          %dma_wait3A_179 = arith.constant 0 : i32
          %dma_wait3A_180 = tpu.memref_slice %arg8[%mul3A_103, %dma_wait3A_179] : memref<25x80xi32, #tpu.memory_space<vmem>> -> memref<1x80xi32, #tpu.memory_space<vmem>>
          %dma_wait3A_181 = tpu.memref_squeeze %dma_wait3A_180 : memref<1x80xi32, #tpu.memory_space<vmem>> -> memref<80xi32, #tpu.memory_space<vmem>>
          %dma_wait3A_182 = arith.constant 0 : i32
          %dma_wait3A_183 = arith.constant 0 : i32
          %dma_wait3A_184 = tpu.memref_slice %arg13[%dma_wait3A_182, %dma_wait3A_183] : memref<10000x128xf32, #tpu.memory_space<vmem_shared>> -> memref<10000x128xf32, #tpu.memory_space<vmem_shared>>
          tpu.wait_indirect_dma semaphore(%run_scoped3A_172 : memref<!tpu.dma_semaphore, #tpu.memory_space<semaphore_mem>>) src(%arg9 : memref<80x128xf32, #tpu.memory_space<vmem>>) dst(%dma_wait3A_184 : memref<10000x128xf32, #tpu.memory_space<vmem_shared>>)
          tpu.yield
        }) : () -> ()
        %add3A_118 = arith.constant 4 : i32
        %add3A_119 = arith.addi %mul3A_103, %add3A_118 : i32
        %dma_start3A_120 = arith.constant 0 : i32
        %dma_start3A_121 = tpu.memref_slice %arg7[%add3A_119, %dma_start3A_120] : memref<25x80xi32, #tpu.memory_space<vmem>> -> memref<1x80xi32, #tpu.memory_space<vmem>>
        %dma_start3A_122 = tpu.memref_squeeze %dma_start3A_121 : memref<1x80xi32, #tpu.memory_space<vmem>> -> memref<80xi32, #tpu.memory_space<vmem>>
        %dma_start3A_123 = arith.constant 0 : i32
        %dma_start3A_124 = arith.constant 0 : i32
        %dma_start3A_125 = tpu.memref_slice %arg2[%dma_start3A_123, %dma_start3A_124] : memref<10000x128xf32, #tpu.memory_space<hbm>> -> memref<10000x128xf32, #tpu.memory_space<hbm>>
        tpu.enqueue_indirect_dma source(%dma_start3A_125 : memref<10000x128xf32, #tpu.memory_space<hbm>>) target(%arg9 : memref<80x128xf32, #tpu.memory_space<vmem>>) offsets(%dma_start3A_122 : memref<80xi32, #tpu.memory_space<vmem>>) semaphore(%arg14 : memref<!tpu.dma_semaphore, #tpu.memory_space<semaphore_mem>>)
        %add3A_126 = arith.constant 1 : i32
        %add3A_127 = arith.addi %mul3A_103, %add3A_126 : i32
        %dma_wait3A_128 = arith.constant 0 : i32
        %dma_wait3A_129 = tpu.memref_slice %arg7[%add3A_127, %dma_wait3A_128] : memref<25x80xi32, #tpu.memory_space<vmem>> -> memref<1x80xi32, #tpu.memory_space<vmem>>
        %dma_wait3A_130 = tpu.memref_squeeze %dma_wait3A_129 : memref<1x80xi32, #tpu.memory_space<vmem>> -> memref<80xi32, #tpu.memory_space<vmem>>
        %dma_wait3A_131 = arith.constant 0 : i32
        %dma_wait3A_132 = arith.constant 0 : i32
        %dma_wait3A_133 = tpu.memref_slice %arg2[%dma_wait3A_131, %dma_wait3A_132] : memref<10000x128xf32, #tpu.memory_space<hbm>> -> memref<10000x128xf32, #tpu.memory_space<hbm>>
        tpu.wait_indirect_dma semaphore(%arg15 : memref<!tpu.dma_semaphore, #tpu.memory_space<semaphore_mem>>) src(%dma_wait3A_133 : memref<10000x128xf32, #tpu.memory_space<hbm>>) dst(%arg10 : memref<80x128xf32, #tpu.memory_space<vmem>>)
        %add3A_134 = arith.constant 1 : i32
        %add3A_135 = arith.addi %mul3A_103, %add3A_134 : i32
        "tpu.region"() ({
          %run_scoped3A_172 = tpu.sem_alloc : memref<!tpu.dma_semaphore, #tpu.memory_space<semaphore_mem>>
          %dma_start3A_173 = arith.constant 0 : i32
          %dma_start3A_174 = tpu.memref_slice %arg8[%add3A_135, %dma_start3A_173] : memref<25x80xi32, #tpu.memory_space<vmem>> -> memref<1x80xi32, #tpu.memory_space<vmem>>
          %dma_start3A_175 = tpu.memref_squeeze %dma_start3A_174 : memref<1x80xi32, #tpu.memory_space<vmem>> -> memref<80xi32, #tpu.memory_space<vmem>>
          %dma_start3A_176 = arith.constant 0 : i32
          %dma_start3A_177 = arith.constant 0 : i32
          %dma_start3A_178 = tpu.memref_slice %arg13[%dma_start3A_176, %dma_start3A_177] : memref<10000x128xf32, #tpu.memory_space<vmem_shared>> -> memref<10000x128xf32, #tpu.memory_space<vmem_shared>>
          tpu.enqueue_indirect_dma source(%arg10 : memref<80x128xf32, #tpu.memory_space<vmem>>) target(%dma_start3A_178 : memref<10000x128xf32, #tpu.memory_space<vmem_shared>>) offsets(%dma_start3A_175 : memref<80xi32, #tpu.memory_space<vmem>>) semaphore(%run_scoped3A_172 : memref<!tpu.dma_semaphore, #tpu.memory_space<semaphore_mem>>) {add = true}
          %dma_wait3A_179 = arith.constant 0 : i32
          %dma_wait3A_180 = tpu.memref_slice %arg8[%add3A_135, %dma_wait3A_179] : memref<25x80xi32, #tpu.memory_space<vmem>> -> memref<1x80xi32, #tpu.memory_space<vmem>>
          %dma_wait3A_181 = tpu.memref_squeeze %dma_wait3A_180 : memref<1x80xi32, #tpu.memory_space<vmem>> -> memref<80xi32, #tpu.memory_space<vmem>>
          %dma_wait3A_182 = arith.constant 0 : i32
          %dma_wait3A_183 = arith.constant 0 : i32
          %dma_wait3A_184 = tpu.memref_slice %arg13[%dma_wait3A_182, %dma_wait3A_183] : memref<10000x128xf32, #tpu.memory_space<vmem_shared>> -> memref<10000x128xf32, #tpu.memory_space<vmem_shared>>
          tpu.wait_indirect_dma semaphore(%run_scoped3A_172 : memref<!tpu.dma_semaphore, #tpu.memory_space<semaphore_mem>>) src(%arg10 : memref<80x128xf32, #tpu.memory_space<vmem>>) dst(%dma_wait3A_184 : memref<10000x128xf32, #tpu.memory_space<vmem_shared>>)
          tpu.yield
        }) : () -> ()
        %add3A_136 = arith.constant 5 : i32
        %add3A_137 = arith.addi %mul3A_103, %add3A_136 : i32
        %dma_start3A_138 = arith.constant 0 : i32
        %dma_start3A_139 = tpu.memref_slice %arg7[%add3A_137, %dma_start3A_138] : memref<25x80xi32, #tpu.memory_space<vmem>> -> memref<1x80xi32, #tpu.memory_space<vmem>>
        %dma_start3A_140 = tpu.memref_squeeze %dma_start3A_139 : memref<1x80xi32, #tpu.memory_space<vmem>> -> memref<80xi32, #tpu.memory_space<vmem>>
        %dma_start3A_141 = arith.constant 0 : i32
        %dma_start3A_142 = arith.constant 0 : i32
        %dma_start3A_143 = tpu.memref_slice %arg2[%dma_start3A_141, %dma_start3A_142] : memref<10000x128xf32, #tpu.memory_space<hbm>> -> memref<10000x128xf32, #tpu.memory_space<hbm>>
        tpu.enqueue_indirect_dma source(%dma_start3A_143 : memref<10000x128xf32, #tpu.memory_space<hbm>>) target(%arg10 : memref<80x128xf32, #tpu.memory_space<vmem>>) offsets(%dma_start3A_140 : memref<80xi32, #tpu.memory_space<vmem>>) semaphore(%arg15 : memref<!tpu.dma_semaphore, #tpu.memory_space<semaphore_mem>>)
        %add3A_144 = arith.constant 2 : i32
        %add3A_145 = arith.addi %mul3A_103, %add3A_144 : i32
        %dma_wait3A_146 = arith.constant 0 : i32
        %dma_wait3A_147 = tpu.memref_slice %arg7[%add3A_145, %dma_wait3A_146] : memref<25x80xi32, #tpu.memory_space<vmem>> -> memref<1x80xi32, #tpu.memory_space<vmem>>
        %dma_wait3A_148 = tpu.memref_squeeze %dma_wait3A_147 : memref<1x80xi32, #tpu.memory_space<vmem>> -> memref<80xi32, #tpu.memory_space<vmem>>
        %dma_wait3A_149 = arith.constant 0 : i32
        %dma_wait3A_150 = arith.constant 0 : i32
        %dma_wait3A_151 = tpu.memref_slice %arg2[%dma_wait3A_149, %dma_wait3A_150] : memref<10000x128xf32, #tpu.memory_space<hbm>> -> memref<10000x128xf32, #tpu.memory_space<hbm>>
        tpu.wait_indirect_dma semaphore(%arg16 : memref<!tpu.dma_semaphore, #tpu.memory_space<semaphore_mem>>) src(%dma_wait3A_151 : memref<10000x128xf32, #tpu.memory_space<hbm>>) dst(%arg11 : memref<80x128xf32, #tpu.memory_space<vmem>>)
        %add3A_152 = arith.constant 2 : i32
        %add3A_153 = arith.addi %mul3A_103, %add3A_152 : i32
        "tpu.region"() ({
          %run_scoped3A_172 = tpu.sem_alloc : memref<!tpu.dma_semaphore, #tpu.memory_space<semaphore_mem>>
          %dma_start3A_173 = arith.constant 0 : i32
          %dma_start3A_174 = tpu.memref_slice %arg8[%add3A_153, %dma_start3A_173] : memref<25x80xi32, #tpu.memory_space<vmem>> -> memref<1x80xi32, #tpu.memory_space<vmem>>
          %dma_start3A_175 = tpu.memref_squeeze %dma_start3A_174 : memref<1x80xi32, #tpu.memory_space<vmem>> -> memref<80xi32, #tpu.memory_space<vmem>>
          %dma_start3A_176 = arith.constant 0 : i32
          %dma_start3A_177 = arith.constant 0 : i32
          %dma_start3A_178 = tpu.memref_slice %arg13[%dma_start3A_176, %dma_start3A_177] : memref<10000x128xf32, #tpu.memory_space<vmem_shared>> -> memref<10000x128xf32, #tpu.memory_space<vmem_shared>>
          tpu.enqueue_indirect_dma source(%arg11 : memref<80x128xf32, #tpu.memory_space<vmem>>) target(%dma_start3A_178 : memref<10000x128xf32, #tpu.memory_space<vmem_shared>>) offsets(%dma_start3A_175 : memref<80xi32, #tpu.memory_space<vmem>>) semaphore(%run_scoped3A_172 : memref<!tpu.dma_semaphore, #tpu.memory_space<semaphore_mem>>) {add = true}
          %dma_wait3A_179 = arith.constant 0 : i32
          %dma_wait3A_180 = tpu.memref_slice %arg8[%add3A_153, %dma_wait3A_179] : memref<25x80xi32, #tpu.memory_space<vmem>> -> memref<1x80xi32, #tpu.memory_space<vmem>>
          %dma_wait3A_181 = tpu.memref_squeeze %dma_wait3A_180 : memref<1x80xi32, #tpu.memory_space<vmem>> -> memref<80xi32, #tpu.memory_space<vmem>>
          %dma_wait3A_182 = arith.constant 0 : i32
          %dma_wait3A_183 = arith.constant 0 : i32
          %dma_wait3A_184 = tpu.memref_slice %arg13[%dma_wait3A_182, %dma_wait3A_183] : memref<10000x128xf32, #tpu.memory_space<vmem_shared>> -> memref<10000x128xf32, #tpu.memory_space<vmem_shared>>
          tpu.wait_indirect_dma semaphore(%run_scoped3A_172 : memref<!tpu.dma_semaphore, #tpu.memory_space<semaphore_mem>>) src(%arg11 : memref<80x128xf32, #tpu.memory_space<vmem>>) dst(%dma_wait3A_184 : memref<10000x128xf32, #tpu.memory_space<vmem_shared>>)
          tpu.yield
        }) : () -> ()
        %add3A_154 = arith.constant 6 : i32
        %add3A_155 = arith.addi %mul3A_103, %add3A_154 : i32
        %dma_start3A_156 = arith.constant 0 : i32
        %dma_start3A_157 = tpu.memref_slice %arg7[%add3A_155, %dma_start3A_156] : memref<25x80xi32, #tpu.memory_space<vmem>> -> memref<1x80xi32, #tpu.memory_space<vmem>>
        %dma_start3A_158 = tpu.memref_squeeze %dma_start3A_157 : memref<1x80xi32, #tpu.memory_space<vmem>> -> memref<80xi32, #tpu.memory_space<vmem>>
        %dma_start3A_159 = arith.constant 0 : i32
        %dma_start3A_160 = arith.constant 0 : i32
        %dma_start3A_161 = tpu.memref_slice %arg2[%dma_start3A_159, %dma_start3A_160] : memref<10000x128xf32, #tpu.memory_space<hbm>> -> memref<10000x128xf32, #tpu.memory_space<hbm>>
        tpu.enqueue_indirect_dma source(%dma_start3A_161 : memref<10000x128xf32, #tpu.memory_space<hbm>>) target(%arg11 : memref<80x128xf32, #tpu.memory_space<vmem>>) offsets(%dma_start3A_158 : memref<80xi32, #tpu.memory_space<vmem>>) semaphore(%arg16 : memref<!tpu.dma_semaphore, #tpu.memory_space<semaphore_mem>>)
        %add3A_162 = arith.constant 3 : i32
        %add3A_163 = arith.addi %mul3A_103, %add3A_162 : i32
        %dma_wait3A_164 = arith.constant 0 : i32
        %dma_wait3A_165 = tpu.memref_slice %arg7[%add3A_163, %dma_wait3A_164] : memref<25x80xi32, #tpu.memory_space<vmem>> -> memref<1x80xi32, #tpu.memory_space<vmem>>
        %dma_wait3A_166 = tpu.memref_squeeze %dma_wait3A_165 : memref<1x80xi32, #tpu.memory_space<vmem>> -> memref<80xi32, #tpu.memory_space<vmem>>
        %dma_wait3A_167 = arith.constant 0 : i32
        %dma_wait3A_168 = arith.constant 0 : i32
        %dma_wait3A_169 = tpu.memref_slice %arg2[%dma_wait3A_167, %dma_wait3A_168] : memref<10000x128xf32, #tpu.memory_space<hbm>> -> memref<10000x128xf32, #tpu.memory_space<hbm>>
        tpu.wait_indirect_dma semaphore(%arg17 : memref<!tpu.dma_semaphore, #tpu.memory_space<semaphore_mem>>) src(%dma_wait3A_169 : memref<10000x128xf32, #tpu.memory_space<hbm>>) dst(%arg12 : memref<80x128xf32, #tpu.memory_space<vmem>>)
        %add3A_170 = arith.constant 3 : i32
        %add3A_171 = arith.addi %mul3A_103, %add3A_170 : i32
        "tpu.region"() ({
          %run_scoped3A_172 = tpu.sem_alloc : memref<!tpu.dma_semaphore, #tpu.memory_space<semaphore_mem>>
          %dma_start3A_173 = arith.constant 0 : i32
          %dma_start3A_174 = tpu.memref_slice %arg8[%add3A_171, %dma_start3A_173] : memref<25x80xi32, #tpu.memory_space<vmem>> -> memref<1x80xi32, #tpu.memory_space<vmem>>
          %dma_start3A_175 = tpu.memref_squeeze %dma_start3A_174 : memref<1x80xi32, #tpu.memory_space<vmem>> -> memref<80xi32, #tpu.memory_space<vmem>>
          %dma_start3A_176 = arith.constant 0 : i32
          %dma_start3A_177 = arith.constant 0 : i32
          %dma_start3A_178 = tpu.memref_slice %arg13[%dma_start3A_176, %dma_start3A_177] : memref<10000x128xf32, #tpu.memory_space<vmem_shared>> -> memref<10000x128xf32, #tpu.memory_space<vmem_shared>>
          tpu.enqueue_indirect_dma source(%arg12 : memref<80x128xf32, #tpu.memory_space<vmem>>) target(%dma_start3A_178 : memref<10000x128xf32, #tpu.memory_space<vmem_shared>>) offsets(%dma_start3A_175 : memref<80xi32, #tpu.memory_space<vmem>>) semaphore(%run_scoped3A_172 : memref<!tpu.dma_semaphore, #tpu.memory_space<semaphore_mem>>) {add = true}
          %dma_wait3A_179 = arith.constant 0 : i32
          %dma_wait3A_180 = tpu.memref_slice %arg8[%add3A_171, %dma_wait3A_179] : memref<25x80xi32, #tpu.memory_space<vmem>> -> memref<1x80xi32, #tpu.memory_space<vmem>>
          %dma_wait3A_181 = tpu.memref_squeeze %dma_wait3A_180 : memref<1x80xi32, #tpu.memory_space<vmem>> -> memref<80xi32, #tpu.memory_space<vmem>>
          %dma_wait3A_182 = arith.constant 0 : i32
          %dma_wait3A_183 = arith.constant 0 : i32
          %dma_wait3A_184 = tpu.memref_slice %arg13[%dma_wait3A_182, %dma_wait3A_183] : memref<10000x128xf32, #tpu.memory_space<vmem_shared>> -> memref<10000x128xf32, #tpu.memory_space<vmem_shared>>
          tpu.wait_indirect_dma semaphore(%run_scoped3A_172 : memref<!tpu.dma_semaphore, #tpu.memory_space<semaphore_mem>>) src(%arg12 : memref<80x128xf32, #tpu.memory_space<vmem>>) dst(%dma_wait3A_184 : memref<10000x128xf32, #tpu.memory_space<vmem_shared>>)
          tpu.yield
        }) : () -> ()
      }
      %scan3A_48 = arith.constant 5 : i32
      %dma_start3A_49 = arith.constant 23 : i32
      %dma_start3A_50 = arith.constant 0 : i32
      %dma_start3A_51 = tpu.memref_slice %arg7[%dma_start3A_49, %dma_start3A_50] : memref<25x80xi32, #tpu.memory_space<vmem>> -> memref<1x80xi32, #tpu.memory_space<vmem>>
      %dma_start3A_52 = tpu.memref_squeeze %dma_start3A_51 : memref<1x80xi32, #tpu.memory_space<vmem>> -> memref<80xi32, #tpu.memory_space<vmem>>
      %dma_start3A_53 = arith.constant 0 : i32
      %dma_start3A_54 = arith.constant 0 : i32
      %dma_start3A_55 = tpu.memref_slice %arg2[%dma_start3A_53, %dma_start3A_54] : memref<10000x128xf32, #tpu.memory_space<hbm>> -> memref<10000x128xf32, #tpu.memory_space<hbm>>
      tpu.enqueue_indirect_dma source(%dma_start3A_55 : memref<10000x128xf32, #tpu.memory_space<hbm>>) target(%arg12 : memref<80x128xf32, #tpu.memory_space<vmem>>) offsets(%dma_start3A_52 : memref<80xi32, #tpu.memory_space<vmem>>) semaphore(%arg17 : memref<!tpu.dma_semaphore, #tpu.memory_space<semaphore_mem>>)
      %dma_wait3A = arith.constant 20 : i32
      %dma_wait3A_56 = arith.constant 0 : i32
      %dma_wait3A_57 = tpu.memref_slice %arg7[%dma_wait3A, %dma_wait3A_56] : memref<25x80xi32, #tpu.memory_space<vmem>> -> memref<1x80xi32, #tpu.memory_space<vmem>>
      %dma_wait3A_58 = tpu.memref_squeeze %dma_wait3A_57 : memref<1x80xi32, #tpu.memory_space<vmem>> -> memref<80xi32, #tpu.memory_space<vmem>>
      %dma_wait3A_59 = arith.constant 0 : i32
      %dma_wait3A_60 = arith.constant 0 : i32
      %dma_wait3A_61 = tpu.memref_slice %arg2[%dma_wait3A_59, %dma_wait3A_60] : memref<10000x128xf32, #tpu.memory_space<hbm>> -> memref<10000x128xf32, #tpu.memory_space<hbm>>
      tpu.wait_indirect_dma semaphore(%arg14 : memref<!tpu.dma_semaphore, #tpu.memory_space<semaphore_mem>>) src(%dma_wait3A_61 : memref<10000x128xf32, #tpu.memory_space<hbm>>) dst(%arg9 : memref<80x128xf32, #tpu.memory_space<vmem>>)
      %run_scoped3A = arith.constant 20 : i32
      "tpu.region"() ({
        %run_scoped3A_101 = tpu.sem_alloc : memref<!tpu.dma_semaphore, #tpu.memory_space<semaphore_mem>>
        %dma_start3A_102 = arith.constant 0 : i32
        %dma_start3A_103 = tpu.memref_slice %arg8[%run_scoped3A, %dma_start3A_102] : memref<25x80xi32, #tpu.memory_space<vmem>> -> memref<1x80xi32, #tpu.memory_space<vmem>>
        %dma_start3A_104 = tpu.memref_squeeze %dma_start3A_103 : memref<1x80xi32, #tpu.memory_space<vmem>> -> memref<80xi32, #tpu.memory_space<vmem>>
        %dma_start3A_105 = arith.constant 0 : i32
        %dma_start3A_106 = arith.constant 0 : i32
        %dma_start3A_107 = tpu.memref_slice %arg13[%dma_start3A_105, %dma_start3A_106] : memref<10000x128xf32, #tpu.memory_space<vmem_shared>> -> memref<10000x128xf32, #tpu.memory_space<vmem_shared>>
        tpu.enqueue_indirect_dma source(%arg9 : memref<80x128xf32, #tpu.memory_space<vmem>>) target(%dma_start3A_107 : memref<10000x128xf32, #tpu.memory_space<vmem_shared>>) offsets(%dma_start3A_104 : memref<80xi32, #tpu.memory_space<vmem>>) semaphore(%run_scoped3A_101 : memref<!tpu.dma_semaphore, #tpu.memory_space<semaphore_mem>>) {add = true}
        %dma_wait3A_108 = arith.constant 0 : i32
        %dma_wait3A_109 = tpu.memref_slice %arg8[%run_scoped3A, %dma_wait3A_108] : memref<25x80xi32, #tpu.memory_space<vmem>> -> memref<1x80xi32, #tpu.memory_space<vmem>>
        %dma_wait3A_110 = tpu.memref_squeeze %dma_wait3A_109 : memref<1x80xi32, #tpu.memory_space<vmem>> -> memref<80xi32, #tpu.memory_space<vmem>>
        %dma_wait3A_111 = arith.constant 0 : i32
        %dma_wait3A_112 = arith.constant 0 : i32
        %dma_wait3A_113 = tpu.memref_slice %arg13[%dma_wait3A_111, %dma_wait3A_112] : memref<10000x128xf32, #tpu.memory_space<vmem_shared>> -> memref<10000x128xf32, #tpu.memory_space<vmem_shared>>
        tpu.wait_indirect_dma semaphore(%run_scoped3A_101 : memref<!tpu.dma_semaphore, #tpu.memory_space<semaphore_mem>>) src(%arg9 : memref<80x128xf32, #tpu.memory_space<vmem>>) dst(%dma_wait3A_113 : memref<10000x128xf32, #tpu.memory_space<vmem_shared>>)
        tpu.yield
      }) : () -> ()
      %dma_start3A_62 = arith.constant 24 : i32
      %dma_start3A_63 = arith.constant 0 : i32
      %dma_start3A_64 = tpu.memref_slice %arg7[%dma_start3A_62, %dma_start3A_63] : memref<25x80xi32, #tpu.memory_space<vmem>> -> memref<1x80xi32, #tpu.memory_space<vmem>>
      %dma_start3A_65 = tpu.memref_squeeze %dma_start3A_64 : memref<1x80xi32, #tpu.memory_space<vmem>> -> memref<80xi32, #tpu.memory_space<vmem>>
      %dma_start3A_66 = arith.constant 0 : i32
      %dma_start3A_67 = arith.constant 0 : i32
      %dma_start3A_68 = tpu.memref_slice %arg2[%dma_start3A_66, %dma_start3A_67] : memref<10000x128xf32, #tpu.memory_space<hbm>> -> memref<10000x128xf32, #tpu.memory_space<hbm>>
      tpu.enqueue_indirect_dma source(%dma_start3A_68 : memref<10000x128xf32, #tpu.memory_space<hbm>>) target(%arg9 : memref<80x128xf32, #tpu.memory_space<vmem>>) offsets(%dma_start3A_65 : memref<80xi32, #tpu.memory_space<vmem>>) semaphore(%arg14 : memref<!tpu.dma_semaphore, #tpu.memory_space<semaphore_mem>>)
      %dma_wait3A_69 = arith.constant 21 : i32
      %dma_wait3A_70 = arith.constant 0 : i32
      %dma_wait3A_71 = tpu.memref_slice %arg7[%dma_wait3A_69, %dma_wait3A_70] : memref<25x80xi32, #tpu.memory_space<vmem>> -> memref<1x80xi32, #tpu.memory_space<vmem>>
      %dma_wait3A_72 = tpu.memref_squeeze %dma_wait3A_71 : memref<1x80xi32, #tpu.memory_space<vmem>> -> memref<80xi32, #tpu.memory_space<vmem>>
      %dma_wait3A_73 = arith.constant 0 : i32
      %dma_wait3A_74 = arith.constant 0 : i32
      %dma_wait3A_75 = tpu.memref_slice %arg2[%dma_wait3A_73, %dma_wait3A_74] : memref<10000x128xf32, #tpu.memory_space<hbm>> -> memref<10000x128xf32, #tpu.memory_space<hbm>>
      tpu.wait_indirect_dma semaphore(%arg15 : memref<!tpu.dma_semaphore, #tpu.memory_space<semaphore_mem>>) src(%dma_wait3A_75 : memref<10000x128xf32, #tpu.memory_space<hbm>>) dst(%arg10 : memref<80x128xf32, #tpu.memory_space<vmem>>)
      %run_scoped3A_76 = arith.constant 21 : i32
      "tpu.region"() ({
        %run_scoped3A_101 = tpu.sem_alloc : memref<!tpu.dma_semaphore, #tpu.memory_space<semaphore_mem>>
        %dma_start3A_102 = arith.constant 0 : i32
        %dma_start3A_103 = tpu.memref_slice %arg8[%run_scoped3A_76, %dma_start3A_102] : memref<25x80xi32, #tpu.memory_space<vmem>> -> memref<1x80xi32, #tpu.memory_space<vmem>>
        %dma_start3A_104 = tpu.memref_squeeze %dma_start3A_103 : memref<1x80xi32, #tpu.memory_space<vmem>> -> memref<80xi32, #tpu.memory_space<vmem>>
        %dma_start3A_105 = arith.constant 0 : i32
        %dma_start3A_106 = arith.constant 0 : i32
        %dma_start3A_107 = tpu.memref_slice %arg13[%dma_start3A_105, %dma_start3A_106] : memref<10000x128xf32, #tpu.memory_space<vmem_shared>> -> memref<10000x128xf32, #tpu.memory_space<vmem_shared>>
        tpu.enqueue_indirect_dma source(%arg10 : memref<80x128xf32, #tpu.memory_space<vmem>>) target(%dma_start3A_107 : memref<10000x128xf32, #tpu.memory_space<vmem_shared>>) offsets(%dma_start3A_104 : memref<80xi32, #tpu.memory_space<vmem>>) semaphore(%run_scoped3A_101 : memref<!tpu.dma_semaphore, #tpu.memory_space<semaphore_mem>>) {add = true}
        %dma_wait3A_108 = arith.constant 0 : i32
        %dma_wait3A_109 = tpu.memref_slice %arg8[%run_scoped3A_76, %dma_wait3A_108] : memref<25x80xi32, #tpu.memory_space<vmem>> -> memref<1x80xi32, #tpu.memory_space<vmem>>
        %dma_wait3A_110 = tpu.memref_squeeze %dma_wait3A_109 : memref<1x80xi32, #tpu.memory_space<vmem>> -> memref<80xi32, #tpu.memory_space<vmem>>
        %dma_wait3A_111 = arith.constant 0 : i32
        %dma_wait3A_112 = arith.constant 0 : i32
        %dma_wait3A_113 = tpu.memref_slice %arg13[%dma_wait3A_111, %dma_wait3A_112] : memref<10000x128xf32, #tpu.memory_space<vmem_shared>> -> memref<10000x128xf32, #tpu.memory_space<vmem_shared>>
        tpu.wait_indirect_dma semaphore(%run_scoped3A_101 : memref<!tpu.dma_semaphore, #tpu.memory_space<semaphore_mem>>) src(%arg10 : memref<80x128xf32, #tpu.memory_space<vmem>>) dst(%dma_wait3A_113 : memref<10000x128xf32, #tpu.memory_space<vmem_shared>>)
        tpu.yield
      }) : () -> ()
      %dma_wait3A_77 = arith.constant 22 : i32
      %dma_wait3A_78 = arith.constant 0 : i32
      %dma_wait3A_79 = tpu.memref_slice %arg7[%dma_wait3A_77, %dma_wait3A_78] : memref<25x80xi32, #tpu.memory_space<vmem>> -> memref<1x80xi32, #tpu.memory_space<vmem>>
      %dma_wait3A_80 = tpu.memref_squeeze %dma_wait3A_79 : memref<1x80xi32, #tpu.memory_space<vmem>> -> memref<80xi32, #tpu.memory_space<vmem>>
      %dma_wait3A_81 = arith.constant 0 : i32
      %dma_wait3A_82 = arith.constant 0 : i32
      %dma_wait3A_83 = tpu.memref_slice %arg2[%dma_wait3A_81, %dma_wait3A_82] : memref<10000x128xf32, #tpu.memory_space<hbm>> -> memref<10000x128xf32, #tpu.memory_space<hbm>>
      tpu.wait_indirect_dma semaphore(%arg16 : memref<!tpu.dma_semaphore, #tpu.memory_space<semaphore_mem>>) src(%dma_wait3A_83 : memref<10000x128xf32, #tpu.memory_space<hbm>>) dst(%arg11 : memref<80x128xf32, #tpu.memory_space<vmem>>)
      %run_scoped3A_84 = arith.constant 22 : i32
      "tpu.region"() ({
        %run_scoped3A_101 = tpu.sem_alloc : memref<!tpu.dma_semaphore, #tpu.memory_space<semaphore_mem>>
        %dma_start3A_102 = arith.constant 0 : i32
        %dma_start3A_103 = tpu.memref_slice %arg8[%run_scoped3A_84, %dma_start3A_102] : memref<25x80xi32, #tpu.memory_space<vmem>> -> memref<1x80xi32, #tpu.memory_space<vmem>>
        %dma_start3A_104 = tpu.memref_squeeze %dma_start3A_103 : memref<1x80xi32, #tpu.memory_space<vmem>> -> memref<80xi32, #tpu.memory_space<vmem>>
        %dma_start3A_105 = arith.constant 0 : i32
        %dma_start3A_106 = arith.constant 0 : i32
        %dma_start3A_107 = tpu.memref_slice %arg13[%dma_start3A_105, %dma_start3A_106] : memref<10000x128xf32, #tpu.memory_space<vmem_shared>> -> memref<10000x128xf32, #tpu.memory_space<vmem_shared>>
        tpu.enqueue_indirect_dma source(%arg11 : memref<80x128xf32, #tpu.memory_space<vmem>>) target(%dma_start3A_107 : memref<10000x128xf32, #tpu.memory_space<vmem_shared>>) offsets(%dma_start3A_104 : memref<80xi32, #tpu.memory_space<vmem>>) semaphore(%run_scoped3A_101 : memref<!tpu.dma_semaphore, #tpu.memory_space<semaphore_mem>>) {add = true}
        %dma_wait3A_108 = arith.constant 0 : i32
        %dma_wait3A_109 = tpu.memref_slice %arg8[%run_scoped3A_84, %dma_wait3A_108] : memref<25x80xi32, #tpu.memory_space<vmem>> -> memref<1x80xi32, #tpu.memory_space<vmem>>
        %dma_wait3A_110 = tpu.memref_squeeze %dma_wait3A_109 : memref<1x80xi32, #tpu.memory_space<vmem>> -> memref<80xi32, #tpu.memory_space<vmem>>
        %dma_wait3A_111 = arith.constant 0 : i32
        %dma_wait3A_112 = arith.constant 0 : i32
        %dma_wait3A_113 = tpu.memref_slice %arg13[%dma_wait3A_111, %dma_wait3A_112] : memref<10000x128xf32, #tpu.memory_space<vmem_shared>> -> memref<10000x128xf32, #tpu.memory_space<vmem_shared>>
        tpu.wait_indirect_dma semaphore(%run_scoped3A_101 : memref<!tpu.dma_semaphore, #tpu.memory_space<semaphore_mem>>) src(%arg11 : memref<80x128xf32, #tpu.memory_space<vmem>>) dst(%dma_wait3A_113 : memref<10000x128xf32, #tpu.memory_space<vmem_shared>>)
        tpu.yield
      }) : () -> ()
      %dma_wait3A_85 = arith.constant 23 : i32
      %dma_wait3A_86 = arith.constant 0 : i32
      %dma_wait3A_87 = tpu.memref_slice %arg7[%dma_wait3A_85, %dma_wait3A_86] : memref<25x80xi32, #tpu.memory_space<vmem>> -> memref<1x80xi32, #tpu.memory_space<vmem>>
      %dma_wait3A_88 = tpu.memref_squeeze %dma_wait3A_87 : memref<1x80xi32, #tpu.memory_space<vmem>> -> memref<80xi32, #tpu.memory_space<vmem>>
      %dma_wait3A_89 = arith.constant 0 : i32
      %dma_wait3A_90 = arith.constant 0 : i32
      %dma_wait3A_91 = tpu.memref_slice %arg2[%dma_wait3A_89, %dma_wait3A_90] : memref<10000x128xf32, #tpu.memory_space<hbm>> -> memref<10000x128xf32, #tpu.memory_space<hbm>>
      tpu.wait_indirect_dma semaphore(%arg17 : memref<!tpu.dma_semaphore, #tpu.memory_space<semaphore_mem>>) src(%dma_wait3A_91 : memref<10000x128xf32, #tpu.memory_space<hbm>>) dst(%arg12 : memref<80x128xf32, #tpu.memory_space<vmem>>)
      %run_scoped3A_92 = arith.constant 23 : i32
      "tpu.region"() ({
        %run_scoped3A_101 = tpu.sem_alloc : memref<!tpu.dma_semaphore, #tpu.memory_space<semaphore_mem>>
        %dma_start3A_102 = arith.constant 0 : i32
        %dma_start3A_103 = tpu.memref_slice %arg8[%run_scoped3A_92, %dma_start3A_102] : memref<25x80xi32, #tpu.memory_space<vmem>> -> memref<1x80xi32, #tpu.memory_space<vmem>>
        %dma_start3A_104 = tpu.memref_squeeze %dma_start3A_103 : memref<1x80xi32, #tpu.memory_space<vmem>> -> memref<80xi32, #tpu.memory_space<vmem>>
        %dma_start3A_105 = arith.constant 0 : i32
        %dma_start3A_106 = arith.constant 0 : i32
        %dma_start3A_107 = tpu.memref_slice %arg13[%dma_start3A_105, %dma_start3A_106] : memref<10000x128xf32, #tpu.memory_space<vmem_shared>> -> memref<10000x128xf32, #tpu.memory_space<vmem_shared>>
        tpu.enqueue_indirect_dma source(%arg12 : memref<80x128xf32, #tpu.memory_space<vmem>>) target(%dma_start3A_107 : memref<10000x128xf32, #tpu.memory_space<vmem_shared>>) offsets(%dma_start3A_104 : memref<80xi32, #tpu.memory_space<vmem>>) semaphore(%run_scoped3A_101 : memref<!tpu.dma_semaphore, #tpu.memory_space<semaphore_mem>>) {add = true}
        %dma_wait3A_108 = arith.constant 0 : i32
        %dma_wait3A_109 = tpu.memref_slice %arg8[%run_scoped3A_92, %dma_wait3A_108] : memref<25x80xi32, #tpu.memory_space<vmem>> -> memref<1x80xi32, #tpu.memory_space<vmem>>
        %dma_wait3A_110 = tpu.memref_squeeze %dma_wait3A_109 : memref<1x80xi32, #tpu.memory_space<vmem>> -> memref<80xi32, #tpu.memory_space<vmem>>
        %dma_wait3A_111 = arith.constant 0 : i32
        %dma_wait3A_112 = arith.constant 0 : i32
        %dma_wait3A_113 = tpu.memref_slice %arg13[%dma_wait3A_111, %dma_wait3A_112] : memref<10000x128xf32, #tpu.memory_space<vmem_shared>> -> memref<10000x128xf32, #tpu.memory_space<vmem_shared>>
        tpu.wait_indirect_dma semaphore(%run_scoped3A_101 : memref<!tpu.dma_semaphore, #tpu.memory_space<semaphore_mem>>) src(%arg12 : memref<80x128xf32, #tpu.memory_space<vmem>>) dst(%dma_wait3A_113 : memref<10000x128xf32, #tpu.memory_space<vmem_shared>>)
        tpu.yield
      }) : () -> ()
      %dma_wait3A_93 = arith.constant 24 : i32
      %dma_wait3A_94 = arith.constant 0 : i32
      %dma_wait3A_95 = tpu.memref_slice %arg7[%dma_wait3A_93, %dma_wait3A_94] : memref<25x80xi32, #tpu.memory_space<vmem>> -> memref<1x80xi32, #tpu.memory_space<vmem>>
      %dma_wait3A_96 = tpu.memref_squeeze %dma_wait3A_95 : memref<1x80xi32, #tpu.memory_space<vmem>> -> memref<80xi32, #tpu.memory_space<vmem>>
      %dma_wait3A_97 = arith.constant 0 : i32
      %dma_wait3A_98 = arith.constant 0 : i32
      %dma_wait3A_99 = tpu.memref_slice %arg2[%dma_wait3A_97, %dma_wait3A_98] : memref<10000x128xf32, #tpu.memory_space<hbm>> -> memref<10000x128xf32, #tpu.memory_space<hbm>>
      tpu.wait_indirect_dma semaphore(%arg14 : memref<!tpu.dma_semaphore, #tpu.memory_space<semaphore_mem>>) src(%dma_wait3A_99 : memref<10000x128xf32, #tpu.memory_space<hbm>>) dst(%arg9 : memref<80x128xf32, #tpu.memory_space<vmem>>)
      %run_scoped3A_100 = arith.constant 24 : i32
      "tpu.region"() ({
        %run_scoped3A_101 = tpu.sem_alloc : memref<!tpu.dma_semaphore, #tpu.memory_space<semaphore_mem>>
        %dma_start3A_102 = arith.constant 0 : i32
        %dma_start3A_103 = tpu.memref_slice %arg8[%run_scoped3A_100, %dma_start3A_102] : memref<25x80xi32, #tpu.memory_space<vmem>> -> memref<1x80xi32, #tpu.memory_space<vmem>>
        %dma_start3A_104 = tpu.memref_squeeze %dma_start3A_103 : memref<1x80xi32, #tpu.memory_space<vmem>> -> memref<80xi32, #tpu.memory_space<vmem>>
        %dma_start3A_105 = arith.constant 0 : i32
        %dma_start3A_106 = arith.constant 0 : i32
        %dma_start3A_107 = tpu.memref_slice %arg13[%dma_start3A_105, %dma_start3A_106] : memref<10000x128xf32, #tpu.memory_space<vmem_shared>> -> memref<10000x128xf32, #tpu.memory_space<vmem_shared>>
        tpu.enqueue_indirect_dma source(%arg9 : memref<80x128xf32, #tpu.memory_space<vmem>>) target(%dma_start3A_107 : memref<10000x128xf32, #tpu.memory_space<vmem_shared>>) offsets(%dma_start3A_104 : memref<80xi32, #tpu.memory_space<vmem>>) semaphore(%run_scoped3A_101 : memref<!tpu.dma_semaphore, #tpu.memory_space<semaphore_mem>>) {add = true}
        %dma_wait3A_108 = arith.constant 0 : i32
        %dma_wait3A_109 = tpu.memref_slice %arg8[%run_scoped3A_100, %dma_wait3A_108] : memref<25x80xi32, #tpu.memory_space<vmem>> -> memref<1x80xi32, #tpu.memory_space<vmem>>
        %dma_wait3A_110 = tpu.memref_squeeze %dma_wait3A_109 : memref<1x80xi32, #tpu.memory_space<vmem>> -> memref<80xi32, #tpu.memory_space<vmem>>
        %dma_wait3A_111 = arith.constant 0 : i32
        %dma_wait3A_112 = arith.constant 0 : i32
        %dma_wait3A_113 = tpu.memref_slice %arg13[%dma_wait3A_111, %dma_wait3A_112] : memref<10000x128xf32, #tpu.memory_space<vmem_shared>> -> memref<10000x128xf32, #tpu.memory_space<vmem_shared>>
        tpu.wait_indirect_dma semaphore(%run_scoped3A_101 : memref<!tpu.dma_semaphore, #tpu.memory_space<semaphore_mem>>) src(%arg9 : memref<80x128xf32, #tpu.memory_space<vmem>>) dst(%dma_wait3A_113 : memref<10000x128xf32, #tpu.memory_space<vmem_shared>>)
        tpu.yield
      }) : () -> ()
    }
    %scan3A_11 = arith.constant 5 : i32
    %barrier3A_12 = arith.constant 0 : index
    tpu.barrier barrier_id(%barrier3A_12)
    %mul3A_13 = arith.constant 624 : i32
    %mul3A_14 = arith.muli %arg1, %mul3A_13 : i32
    %mul3A_15 = arith.constant 624 : i32
    %mul3A_16 = arith.muli %arg1, %mul3A_15 : i32
    "tpu.region"() ({
      %run_scoped3A = tpu.sem_alloc : memref<!tpu.dma_semaphore, #tpu.memory_space<semaphore_mem>>
      %dma_start3A = arith.constant 0 : i32
      %dma_start3A_22 = tpu.memref_slice %arg6[%arg0, %mul3A_16, %dma_start3A] : memref<2x10000x128xf32, #tpu.memory_space<hbm>> -> memref<1x624x128xf32, #tpu.memory_space<hbm>>
      %dma_start3A_23 = tpu.memref_squeeze %dma_start3A_22 : memref<1x624x128xf32, #tpu.memory_space<hbm>> -> memref<624x128xf32, #tpu.memory_space<hbm>>
      %dma_start3A_24 = arith.constant 0 : i32
      %dma_start3A_25 = tpu.memref_slice %arg13[%mul3A_14, %dma_start3A_24] : memref<10000x128xf32, #tpu.memory_space<vmem_shared>> -> memref<624x128xf32, #tpu.memory_space<vmem_shared>>
      tpu.enqueue_dma source(%dma_start3A_25 : memref<624x128xf32, #tpu.memory_space<vmem_shared>>) target(%dma_start3A_23 : memref<624x128xf32, #tpu.memory_space<hbm>>) target_semaphore(%run_scoped3A : memref<!tpu.dma_semaphore, #tpu.memory_space<semaphore_mem>>)
      %dma_wait3A = arith.constant 0 : i32
      %dma_wait3A_26 = tpu.memref_slice %arg6[%arg0, %mul3A_16, %dma_wait3A] : memref<2x10000x128xf32, #tpu.memory_space<hbm>> -> memref<1x624x128xf32, #tpu.memory_space<hbm>>
      %dma_wait3A_27 = tpu.memref_squeeze %dma_wait3A_26 : memref<1x624x128xf32, #tpu.memory_space<hbm>> -> memref<624x128xf32, #tpu.memory_space<hbm>>
      %dma_wait3A_28 = arith.constant 0 : i32
      %dma_wait3A_29 = tpu.memref_slice %arg13[%mul3A_14, %dma_wait3A_28] : memref<10000x128xf32, #tpu.memory_space<vmem_shared>> -> memref<624x128xf32, #tpu.memory_space<vmem_shared>>
      tpu.wait_dma2 semaphore(%run_scoped3A : memref<!tpu.dma_semaphore, #tpu.memory_space<semaphore_mem>>) src(%dma_wait3A_29 : memref<624x128xf32, #tpu.memory_space<vmem_shared>>) dst(%dma_wait3A_27 : memref<624x128xf32, #tpu.memory_space<hbm>>)
      tpu.yield
    }) : () -> ()
    %eq3A_17 = arith.constant 15 : i32
    %eq3A_18 = arith.cmpi eq, %arg1, %eq3A_17 : i32
    %convert_element_type3A_19 = arith.extui %eq3A_18 : i1 to i32
    %cond3A_20 = arith.constant 0 : i32
    %cond3A_21 = arith.cmpi ne, %convert_element_type3A_19, %cond3A_20 : i32
    scf.if %cond3A_21 {
      "tpu.region"() ({
        %run_scoped3A = tpu.sem_alloc : memref<!tpu.dma_semaphore, #tpu.memory_space<semaphore_mem>>
        %dma_start3A = arith.constant 9984 : i32
        %dma_start3A_22 = arith.constant 0 : i32
        %dma_start3A_23 = tpu.memref_slice %arg6[%arg0, %dma_start3A, %dma_start3A_22] : memref<2x10000x128xf32, #tpu.memory_space<hbm>> -> memref<1x16x128xf32, #tpu.memory_space<hbm>>
        %dma_start3A_24 = tpu.memref_squeeze %dma_start3A_23 : memref<1x16x128xf32, #tpu.memory_space<hbm>> -> memref<16x128xf32, #tpu.memory_space<hbm>>
        %dma_start3A_25 = arith.constant 9984 : i32
        %dma_start3A_26 = arith.constant 0 : i32
        %dma_start3A_27 = tpu.memref_slice %arg13[%dma_start3A_25, %dma_start3A_26] : memref<10000x128xf32, #tpu.memory_space<vmem_shared>> -> memref<16x128xf32, #tpu.memory_space<vmem_shared>>
        tpu.enqueue_dma source(%dma_start3A_27 : memref<16x128xf32, #tpu.memory_space<vmem_shared>>) target(%dma_start3A_24 : memref<16x128xf32, #tpu.memory_space<hbm>>) target_semaphore(%run_scoped3A : memref<!tpu.dma_semaphore, #tpu.memory_space<semaphore_mem>>)
        %dma_wait3A = arith.constant 9984 : i32
        %dma_wait3A_28 = arith.constant 0 : i32
        %dma_wait3A_29 = tpu.memref_slice %arg6[%arg0, %dma_wait3A, %dma_wait3A_28] : memref<2x10000x128xf32, #tpu.memory_space<hbm>> -> memref<1x16x128xf32, #tpu.memory_space<hbm>>
        %dma_wait3A_30 = tpu.memref_squeeze %dma_wait3A_29 : memref<1x16x128xf32, #tpu.memory_space<hbm>> -> memref<16x128xf32, #tpu.memory_space<hbm>>
        %dma_wait3A_31 = arith.constant 9984 : i32
        %dma_wait3A_32 = arith.constant 0 : i32
        %dma_wait3A_33 = tpu.memref_slice %arg13[%dma_wait3A_31, %dma_wait3A_32] : memref<10000x128xf32, #tpu.memory_space<vmem_shared>> -> memref<16x128xf32, #tpu.memory_space<vmem_shared>>
        tpu.wait_dma2 semaphore(%run_scoped3A : memref<!tpu.dma_semaphore, #tpu.memory_space<semaphore_mem>>) src(%dma_wait3A_33 : memref<16x128xf32, #tpu.memory_space<vmem_shared>>) dst(%dma_wait3A_30 : memref<16x128xf32, #tpu.memory_space<hbm>>)
        tpu.yield
      }) : () -> ()
    } else {
    }
    return
  }
}

module attributes {stable_mosaic.version = 14 : i64} {
  func.func @_mlp_mid(%arg0: memref<1x1xf32, #tpu.memory_space<smem>>, %arg1: memref<10000x128xf32, #tpu.memory_space<vmem>>, %arg2: memref<10000x128xf32, #tpu.memory_space<vmem>>, %arg3: memref<10000x128xf32, #tpu.memory_space<vmem>>, %arg4: memref<128x256xf32, #tpu.memory_space<vmem>>, %arg5: memref<1x256xf32, #tpu.memory_space<vmem>>, %arg6: memref<1x256xf32, #tpu.memory_space<vmem>>, %arg7: memref<1x256xf32, #tpu.memory_space<vmem>>, %arg8: memref<256x128xf32, #tpu.memory_space<vmem>>, %arg9: memref<1x128xf32, #tpu.memory_space<vmem>>, %arg10: memref<1x128xf32, #tpu.memory_space<vmem>>, %arg11: memref<1x128xf32, #tpu.memory_space<vmem>>, %arg12: memref<10000x128xf32, #tpu.memory_space<vmem>>) attributes {dimension_semantics = [], scalar_prefetch = 0 : i64, scratch_operands = 0 : i64, tpu.core_type = #tpu.core_type<tc>} {
    %get3A = arith.constant 0 : index
    %get3A_0 = arith.constant 0 : index
    %get3A_1 = memref.load %arg0[%get3A, %get3A_0] : memref<1x1xf32, #tpu.memory_space<smem>>
    %get3A_2 = arith.constant 0 : index
    %get3A_3 = arith.constant 0 : index
    %get3A_4 = vector.load %arg1[%get3A_2, %get3A_3] : memref<10000x128xf32, #tpu.memory_space<vmem>>, vector<10000x128xf32>
    %mul3A = vector.broadcast %get3A_1 : f32 to vector<10000x128xf32>
    %mul3A_5 = arith.mulf %mul3A, %get3A_4 : vector<10000x128xf32>
    %get3A_6 = arith.constant 0 : index
    %get3A_7 = arith.constant 0 : index
    %get3A_8 = vector.load %arg2[%get3A_6, %get3A_7] : memref<10000x128xf32, #tpu.memory_space<vmem>>, vector<10000x128xf32>
    %add3A = arith.addf %mul3A_5, %get3A_8 : vector<10000x128xf32>
    %get3A_9 = arith.constant 0 : index
    %get3A_10 = arith.constant 0 : index
    %get3A_11 = vector.load %arg3[%get3A_9, %get3A_10] : memref<10000x128xf32, #tpu.memory_space<vmem>>, vector<10000x128xf32>
    %add3A_12 = arith.addf %add3A, %get3A_11 : vector<10000x128xf32>
    %get3A_13 = arith.constant 0 : index
    %get3A_14 = arith.constant 0 : index
    %get3A_15 = vector.load %arg4[%get3A_13, %get3A_14] : memref<128x256xf32, #tpu.memory_space<vmem>>, vector<128x256xf32>
    %dot_general3A = arith.constant dense<0.000000e+00> : vector<10000x256xf32>
    %dot_general3A_16 = tpu.matmul %add3A_12, %get3A_15, %dot_general3A {dimension_numbers = #tpu.dot_dimension_numbers<[1], [0], [0], [1], [0, 0, 1, 1], [], []>, transpose_lhs_hint = false} : vector<10000x128xf32>, vector<128x256xf32>, vector<10000x256xf32> -> vector<10000x256xf32>
    %get3A_17 = arith.constant 0 : index
    %get3A_18 = arith.constant 0 : index
    %get3A_19 = vector.load %arg5[%get3A_17, %get3A_18] : memref<1x256xf32, #tpu.memory_space<vmem>>, vector<1x256xf32>
    %add3A_20 = vector.broadcast %get3A_19 : vector<1x256xf32> to vector<10000x256xf32>
    %add3A_21 = arith.addf %dot_general3A_16, %add3A_20 : vector<10000x256xf32>
    %get3A_22 = arith.constant 0 : index
    %get3A_23 = arith.constant 0 : index
    %get3A_24 = vector.load %arg6[%get3A_22, %get3A_23] : memref<1x256xf32, #tpu.memory_space<vmem>>, vector<1x256xf32>
    %get3A_25 = arith.constant 0 : index
    %get3A_26 = arith.constant 0 : index
    %get3A_27 = vector.load %arg7[%get3A_25, %get3A_26] : memref<1x256xf32, #tpu.memory_space<vmem>>, vector<1x256xf32>
    %reduce_sum3A = arith.constant dense<0.000000e+00> : vector<256xf32>
    %reduce_sum3A_28 = vector.multi_reduction <add>, %add3A_21, %reduce_sum3A [0] : vector<10000x256xf32> to vector<256xf32>
    %broadcast_in_dim3A = vector.shape_cast %reduce_sum3A_28 : vector<256xf32> to vector<1x256xf32>
    %div3A = arith.constant 1.000000e+04 : f32
    %div3A_29 = vector.broadcast %div3A : f32 to vector<1x256xf32>
    %div3A_30 = arith.divf %broadcast_in_dim3A, %div3A_29 : vector<1x256xf32>
    %sub3A = vector.broadcast %div3A_30 : vector<1x256xf32> to vector<10000x256xf32>
    %sub3A_31 = arith.subf %add3A_21, %sub3A : vector<10000x256xf32>
    %sub3A_32 = vector.broadcast %div3A_30 : vector<1x256xf32> to vector<10000x256xf32>
    %sub3A_33 = arith.subf %add3A_21, %sub3A_32 : vector<10000x256xf32>
    %mul3A_34 = arith.mulf %sub3A_31, %sub3A_33 : vector<10000x256xf32>
    %reduce_sum3A_35 = arith.constant dense<0.000000e+00> : vector<256xf32>
    %reduce_sum3A_36 = vector.multi_reduction <add>, %mul3A_34, %reduce_sum3A_35 [0] : vector<10000x256xf32> to vector<256xf32>
    %broadcast_in_dim3A_37 = vector.shape_cast %reduce_sum3A_36 : vector<256xf32> to vector<1x256xf32>
    %div3A_38 = arith.constant 1.000000e+04 : f32
    %div3A_39 = vector.broadcast %div3A_38 : f32 to vector<1x256xf32>
    %div3A_40 = arith.divf %broadcast_in_dim3A_37, %div3A_39 : vector<1x256xf32>
    %sub3A_41 = vector.broadcast %div3A_30 : vector<1x256xf32> to vector<10000x256xf32>
    %sub3A_42 = arith.subf %add3A_21, %sub3A_41 : vector<10000x256xf32>
    %mul3A_43 = vector.broadcast %get3A_24 : vector<1x256xf32> to vector<10000x256xf32>
    %mul3A_44 = arith.mulf %mul3A_43, %sub3A_42 : vector<10000x256xf32>
    %add3A_45 = arith.constant 9.99999974E-6 : f32
    %add3A_46 = vector.broadcast %add3A_45 : f32 to vector<1x256xf32>
    %add3A_47 = arith.addf %div3A_40, %add3A_46 : vector<1x256xf32>
    %sqrt3A = math.sqrt %add3A_47 : vector<1x256xf32>
    %div3A_48 = vector.broadcast %sqrt3A : vector<1x256xf32> to vector<10000x256xf32>
    %div3A_49 = arith.divf %mul3A_44, %div3A_48 : vector<10000x256xf32>
    %add3A_50 = vector.broadcast %get3A_27 : vector<1x256xf32> to vector<10000x256xf32>
    %add3A_51 = arith.addf %div3A_49, %add3A_50 : vector<10000x256xf32>
    %max3A = arith.constant 0.000000e+00 : f32
    %max3A_52 = vector.broadcast %max3A : f32 to vector<10000x256xf32>
    %max3A_53 = arith.maximumf %add3A_51, %max3A_52 : vector<10000x256xf32>
    %get3A_54 = arith.constant 0 : index
    %get3A_55 = arith.constant 0 : index
    %get3A_56 = vector.load %arg8[%get3A_54, %get3A_55] : memref<256x128xf32, #tpu.memory_space<vmem>>, vector<256x128xf32>
    %dot_general3A_57 = arith.constant dense<0.000000e+00> : vector<10000x128xf32>
    %dot_general3A_58 = tpu.matmul %max3A_53, %get3A_56, %dot_general3A_57 {dimension_numbers = #tpu.dot_dimension_numbers<[1], [0], [0], [1], [0, 0, 1, 1], [], []>, transpose_lhs_hint = false} : vector<10000x256xf32>, vector<256x128xf32>, vector<10000x128xf32> -> vector<10000x128xf32>
    %get3A_59 = arith.constant 0 : index
    %get3A_60 = arith.constant 0 : index
    %get3A_61 = vector.load %arg9[%get3A_59, %get3A_60] : memref<1x128xf32, #tpu.memory_space<vmem>>, vector<1x128xf32>
    %add3A_62 = vector.broadcast %get3A_61 : vector<1x128xf32> to vector<10000x128xf32>
    %add3A_63 = arith.addf %dot_general3A_58, %add3A_62 : vector<10000x128xf32>
    %get3A_64 = arith.constant 0 : index
    %get3A_65 = arith.constant 0 : index
    %get3A_66 = vector.load %arg10[%get3A_64, %get3A_65] : memref<1x128xf32, #tpu.memory_space<vmem>>, vector<1x128xf32>
    %get3A_67 = arith.constant 0 : index
    %get3A_68 = arith.constant 0 : index
    %get3A_69 = vector.load %arg11[%get3A_67, %get3A_68] : memref<1x128xf32, #tpu.memory_space<vmem>>, vector<1x128xf32>
    %reduce_sum3A_70 = arith.constant dense<0.000000e+00> : vector<128xf32>
    %reduce_sum3A_71 = vector.multi_reduction <add>, %add3A_63, %reduce_sum3A_70 [0] : vector<10000x128xf32> to vector<128xf32>
    %broadcast_in_dim3A_72 = vector.shape_cast %reduce_sum3A_71 : vector<128xf32> to vector<1x128xf32>
    %div3A_73 = arith.constant 1.000000e+04 : f32
    %div3A_74 = vector.broadcast %div3A_73 : f32 to vector<1x128xf32>
    %div3A_75 = arith.divf %broadcast_in_dim3A_72, %div3A_74 : vector<1x128xf32>
    %sub3A_76 = vector.broadcast %div3A_75 : vector<1x128xf32> to vector<10000x128xf32>
    %sub3A_77 = arith.subf %add3A_63, %sub3A_76 : vector<10000x128xf32>
    %sub3A_78 = vector.broadcast %div3A_75 : vector<1x128xf32> to vector<10000x128xf32>
    %sub3A_79 = arith.subf %add3A_63, %sub3A_78 : vector<10000x128xf32>
    %mul3A_80 = arith.mulf %sub3A_77, %sub3A_79 : vector<10000x128xf32>
    %reduce_sum3A_81 = arith.constant dense<0.000000e+00> : vector<128xf32>
    %reduce_sum3A_82 = vector.multi_reduction <add>, %mul3A_80, %reduce_sum3A_81 [0] : vector<10000x128xf32> to vector<128xf32>
    %broadcast_in_dim3A_83 = vector.shape_cast %reduce_sum3A_82 : vector<128xf32> to vector<1x128xf32>
    %div3A_84 = arith.constant 1.000000e+04 : f32
    %div3A_85 = vector.broadcast %div3A_84 : f32 to vector<1x128xf32>
    %div3A_86 = arith.divf %broadcast_in_dim3A_83, %div3A_85 : vector<1x128xf32>
    %sub3A_87 = vector.broadcast %div3A_75 : vector<1x128xf32> to vector<10000x128xf32>
    %sub3A_88 = arith.subf %add3A_63, %sub3A_87 : vector<10000x128xf32>
    %mul3A_89 = vector.broadcast %get3A_66 : vector<1x128xf32> to vector<10000x128xf32>
    %mul3A_90 = arith.mulf %mul3A_89, %sub3A_88 : vector<10000x128xf32>
    %add3A_91 = arith.constant 9.99999974E-6 : f32
    %add3A_92 = vector.broadcast %add3A_91 : f32 to vector<1x128xf32>
    %add3A_93 = arith.addf %div3A_86, %add3A_92 : vector<1x128xf32>
    %sqrt3A_94 = math.sqrt %add3A_93 : vector<1x128xf32>
    %div3A_95 = vector.broadcast %sqrt3A_94 : vector<1x128xf32> to vector<10000x128xf32>
    %div3A_96 = arith.divf %mul3A_90, %div3A_95 : vector<10000x128xf32>
    %add3A_97 = vector.broadcast %get3A_69 : vector<1x128xf32> to vector<10000x128xf32>
    %add3A_98 = arith.addf %div3A_96, %add3A_97 : vector<10000x128xf32>
    %max3A_99 = arith.constant 0.000000e+00 : f32
    %max3A_100 = vector.broadcast %max3A_99 : f32 to vector<10000x128xf32>
    %max3A_101 = arith.maximumf %add3A_98, %max3A_100 : vector<10000x128xf32>
    %swap3A = arith.constant 0 : index
    %swap3A_102 = arith.constant 0 : index
    %swap3A_103 = vector.load %arg12[%swap3A, %swap3A_102] : memref<10000x128xf32, #tpu.memory_space<vmem>>, vector<10000x128xf32>
    tpu.vector_store %arg12[%swap3A, %swap3A_102], %max3A_101 {strides = array<i32>} : memref<10000x128xf32, #tpu.memory_space<vmem>>, vector<10000x128xf32>,
    return
  }
}

module attributes {stable_mosaic.version = 14 : i64} {
  func.func @_mlp_last(%arg0: memref<1x1xf32, #tpu.memory_space<smem>>, %arg1: memref<10000x128xf32, #tpu.memory_space<vmem>>, %arg2: memref<10000x128xf32, #tpu.memory_space<vmem>>, %arg3: memref<10000x128xf32, #tpu.memory_space<vmem>>, %arg4: memref<128x256xf32, #tpu.memory_space<vmem>>, %arg5: memref<1x256xf32, #tpu.memory_space<vmem>>, %arg6: memref<1x256xf32, #tpu.memory_space<vmem>>, %arg7: memref<1x256xf32, #tpu.memory_space<vmem>>, %arg8: memref<256x128xf32, #tpu.memory_space<vmem>>, %arg9: memref<1x128xf32, #tpu.memory_space<vmem>>, %arg10: memref<10000x128xf32, #tpu.memory_space<vmem>>) attributes {dimension_semantics = [], scalar_prefetch = 0 : i64, scratch_operands = 0 : i64, tpu.core_type = #tpu.core_type<tc>} {
    %get3A = arith.constant 0 : index
    %get3A_0 = arith.constant 0 : index
    %get3A_1 = memref.load %arg0[%get3A, %get3A_0] : memref<1x1xf32, #tpu.memory_space<smem>>
    %get3A_2 = arith.constant 0 : index
    %get3A_3 = arith.constant 0 : index
    %get3A_4 = vector.load %arg1[%get3A_2, %get3A_3] : memref<10000x128xf32, #tpu.memory_space<vmem>>, vector<10000x128xf32>
    %mul3A = vector.broadcast %get3A_1 : f32 to vector<10000x128xf32>
    %mul3A_5 = arith.mulf %mul3A, %get3A_4 : vector<10000x128xf32>
    %get3A_6 = arith.constant 0 : index
    %get3A_7 = arith.constant 0 : index
    %get3A_8 = vector.load %arg2[%get3A_6, %get3A_7] : memref<10000x128xf32, #tpu.memory_space<vmem>>, vector<10000x128xf32>
    %add3A = arith.addf %mul3A_5, %get3A_8 : vector<10000x128xf32>
    %get3A_9 = arith.constant 0 : index
    %get3A_10 = arith.constant 0 : index
    %get3A_11 = vector.load %arg3[%get3A_9, %get3A_10] : memref<10000x128xf32, #tpu.memory_space<vmem>>, vector<10000x128xf32>
    %add3A_12 = arith.addf %add3A, %get3A_11 : vector<10000x128xf32>
    %get3A_13 = arith.constant 0 : index
    %get3A_14 = arith.constant 0 : index
    %get3A_15 = vector.load %arg4[%get3A_13, %get3A_14] : memref<128x256xf32, #tpu.memory_space<vmem>>, vector<128x256xf32>
    %dot_general3A = arith.constant dense<0.000000e+00> : vector<10000x256xf32>
    %dot_general3A_16 = tpu.matmul %add3A_12, %get3A_15, %dot_general3A {dimension_numbers = #tpu.dot_dimension_numbers<[1], [0], [0], [1], [0, 0, 1, 1], [], []>, transpose_lhs_hint = false} : vector<10000x128xf32>, vector<128x256xf32>, vector<10000x256xf32> -> vector<10000x256xf32>
    %get3A_17 = arith.constant 0 : index
    %get3A_18 = arith.constant 0 : index
    %get3A_19 = vector.load %arg5[%get3A_17, %get3A_18] : memref<1x256xf32, #tpu.memory_space<vmem>>, vector<1x256xf32>
    %add3A_20 = vector.broadcast %get3A_19 : vector<1x256xf32> to vector<10000x256xf32>
    %add3A_21 = arith.addf %dot_general3A_16, %add3A_20 : vector<10000x256xf32>
    %get3A_22 = arith.constant 0 : index
    %get3A_23 = arith.constant 0 : index
    %get3A_24 = vector.load %arg6[%get3A_22, %get3A_23] : memref<1x256xf32, #tpu.memory_space<vmem>>, vector<1x256xf32>
    %get3A_25 = arith.constant 0 : index
    %get3A_26 = arith.constant 0 : index
    %get3A_27 = vector.load %arg7[%get3A_25, %get3A_26] : memref<1x256xf32, #tpu.memory_space<vmem>>, vector<1x256xf32>
    %reduce_sum3A = arith.constant dense<0.000000e+00> : vector<256xf32>
    %reduce_sum3A_28 = vector.multi_reduction <add>, %add3A_21, %reduce_sum3A [0] : vector<10000x256xf32> to vector<256xf32>
    %broadcast_in_dim3A = vector.shape_cast %reduce_sum3A_28 : vector<256xf32> to vector<1x256xf32>
    %div3A = arith.constant 1.000000e+04 : f32
    %div3A_29 = vector.broadcast %div3A : f32 to vector<1x256xf32>
    %div3A_30 = arith.divf %broadcast_in_dim3A, %div3A_29 : vector<1x256xf32>
    %sub3A = vector.broadcast %div3A_30 : vector<1x256xf32> to vector<10000x256xf32>
    %sub3A_31 = arith.subf %add3A_21, %sub3A : vector<10000x256xf32>
    %sub3A_32 = vector.broadcast %div3A_30 : vector<1x256xf32> to vector<10000x256xf32>
    %sub3A_33 = arith.subf %add3A_21, %sub3A_32 : vector<10000x256xf32>
    %mul3A_34 = arith.mulf %sub3A_31, %sub3A_33 : vector<10000x256xf32>
    %reduce_sum3A_35 = arith.constant dense<0.000000e+00> : vector<256xf32>
    %reduce_sum3A_36 = vector.multi_reduction <add>, %mul3A_34, %reduce_sum3A_35 [0] : vector<10000x256xf32> to vector<256xf32>
    %broadcast_in_dim3A_37 = vector.shape_cast %reduce_sum3A_36 : vector<256xf32> to vector<1x256xf32>
    %div3A_38 = arith.constant 1.000000e+04 : f32
    %div3A_39 = vector.broadcast %div3A_38 : f32 to vector<1x256xf32>
    %div3A_40 = arith.divf %broadcast_in_dim3A_37, %div3A_39 : vector<1x256xf32>
    %sub3A_41 = vector.broadcast %div3A_30 : vector<1x256xf32> to vector<10000x256xf32>
    %sub3A_42 = arith.subf %add3A_21, %sub3A_41 : vector<10000x256xf32>
    %mul3A_43 = vector.broadcast %get3A_24 : vector<1x256xf32> to vector<10000x256xf32>
    %mul3A_44 = arith.mulf %mul3A_43, %sub3A_42 : vector<10000x256xf32>
    %add3A_45 = arith.constant 9.99999974E-6 : f32
    %add3A_46 = vector.broadcast %add3A_45 : f32 to vector<1x256xf32>
    %add3A_47 = arith.addf %div3A_40, %add3A_46 : vector<1x256xf32>
    %sqrt3A = math.sqrt %add3A_47 : vector<1x256xf32>
    %div3A_48 = vector.broadcast %sqrt3A : vector<1x256xf32> to vector<10000x256xf32>
    %div3A_49 = arith.divf %mul3A_44, %div3A_48 : vector<10000x256xf32>
    %add3A_50 = vector.broadcast %get3A_27 : vector<1x256xf32> to vector<10000x256xf32>
    %add3A_51 = arith.addf %div3A_49, %add3A_50 : vector<10000x256xf32>
    %max3A = arith.constant 0.000000e+00 : f32
    %max3A_52 = vector.broadcast %max3A : f32 to vector<10000x256xf32>
    %max3A_53 = arith.maximumf %add3A_51, %max3A_52 : vector<10000x256xf32>
    %get3A_54 = arith.constant 0 : index
    %get3A_55 = arith.constant 0 : index
    %get3A_56 = vector.load %arg8[%get3A_54, %get3A_55] : memref<256x128xf32, #tpu.memory_space<vmem>>, vector<256x128xf32>
    %dot_general3A_57 = arith.constant dense<0.000000e+00> : vector<10000x128xf32>
    %dot_general3A_58 = tpu.matmul %max3A_53, %get3A_56, %dot_general3A_57 {dimension_numbers = #tpu.dot_dimension_numbers<[1], [0], [0], [1], [0, 0, 1, 1], [], []>, transpose_lhs_hint = false} : vector<10000x256xf32>, vector<256x128xf32>, vector<10000x128xf32> -> vector<10000x128xf32>
    %get3A_59 = arith.constant 0 : index
    %get3A_60 = arith.constant 0 : index
    %get3A_61 = vector.load %arg9[%get3A_59, %get3A_60] : memref<1x128xf32, #tpu.memory_space<vmem>>, vector<1x128xf32>
    %add3A_62 = vector.broadcast %get3A_61 : vector<1x128xf32> to vector<10000x128xf32>
    %add3A_63 = arith.addf %dot_general3A_58, %add3A_62 : vector<10000x128xf32>
    %reduce_max3A = arith.constant dense<0xFF800000> : vector<10000xf32>
    %reduce_max3A_64 = vector.multi_reduction <maximumf>, %add3A_63, %reduce_max3A [1] : vector<10000x128xf32> to vector<10000xf32>
    %broadcast_in_dim3A_65 = vector.shape_cast %reduce_max3A_64 : vector<10000xf32> to vector<10000x1xf32>
    %sub3A_66 = vector.broadcast %broadcast_in_dim3A_65 : vector<10000x1xf32> to vector<10000x128xf32>
    %sub3A_67 = arith.subf %add3A_63, %sub3A_66 : vector<10000x128xf32>
    %exp3A = math.exp %sub3A_67 : vector<10000x128xf32>
    %reduce_sum3A_68 = arith.constant dense<0.000000e+00> : vector<10000xf32>
    %reduce_sum3A_69 = vector.multi_reduction <add>, %exp3A, %reduce_sum3A_68 [1] : vector<10000x128xf32> to vector<10000xf32>
    %broadcast_in_dim3A_70 = vector.shape_cast %reduce_sum3A_69 : vector<10000xf32> to vector<10000x1xf32>
    %log3A = math.log %broadcast_in_dim3A_70 : vector<10000x1xf32>
    %sub3A_71 = vector.broadcast %log3A : vector<10000x1xf32> to vector<10000x128xf32>
    %sub3A_72 = arith.subf %sub3A_67, %sub3A_71 : vector<10000x128xf32>
    %swap3A = arith.constant 0 : index
    %swap3A_73 = arith.constant 0 : index
    %swap3A_74 = vector.load %arg10[%swap3A, %swap3A_73] : memref<10000x128xf32, #tpu.memory_space<vmem>>, vector<10000x128xf32>
    tpu.vector_store %arg10[%swap3A, %swap3A_73], %sub3A_72 {strides = array<i32>} : memref<10000x128xf32, #tpu.memory_space<vmem>>, vector<10000x128xf32>,
    return
  }
}

</mosaic_0001>

<sc_bundles>
// kernel: kernel.11.cloned.1.call-start
scs
__scs_entry_jumppad:
0x0: {  	(pc) =	sbr.rel $0x88, $3  }
0x1: {  	(tag) =	ssettag $0x0;
	lr =	simm.s32 $0x1  }
0x2: {  	[smem:$0x3F96] =	sst lr;
	_ =	strace $0xD0000000  }
0x3: {  	_ = 	snop  }
0x4: {  	_ = 	snop  }
0x5: {  	_ = 	snop  }
0x6: {  	_ = 	snop  }
0x7: {  	_ = 	snop  }
__scs_overlays_trampoline_lowered:
0x8: {  	[smem:$0x3FA5] =	sst s0  }
0x9: {  	[smem:$0x3FA6] =	sst s1  }
0xa: {  	[smem:$0x3FA7] =	sst s2  }
0xb: {  	[smem:$0x3FA8] =	sst s3  }
0xc: {  	[smem:$0x3FA9] =	sst s4  }
0xd: {  	[smem:$0x3FAA] =	sst s5  }
0xe: {  	[smem:$0x3FAB] =	sst s6  }
0xf: {  	[smem:$0x3FAC] =	sst s7  }
0x10: {  	[smem:$0x3FAD] =	sst s8  }
0x11: {  	[smem:$0x3FAE] =	sst s9;
	s0 =	simm.s32 @!p0 $0x0  }
0x12: {  	s1 =	sld [smem:$0x3F94];
	s0 =	simm.s32 @p0 $0x1  }
0x13: {  	[smem:$0x3FAF] =	sst s0;
	s0 =	simm.s32 @!p1 $0x0  }
0x14: {  	s2 =	sld [smem:$0x3F93];
	s0 =	simm.s32 @p1 $0x1  }
0x15: {  	[smem:$0x3FB0] =	sst s0;
	s0 =	simm.s32 @!p2 $0x0  }
0x16: {  	s3 =	sld [smem:$0x3FDB];
	s0 =	simm.s32 @p2 $0x1  }
0x17: {  	s4 =	simm.s32 $0x1BF5;
	[smem:$0x3FB2] =	sst s0  }
0x18: {  	s0 =	sld [smem:$0x3F95];
	_ =	swait.ge [sflag:s4], $0x0  }
0x19: {  	s7 =	sld [smem:$0x3F96]  }
0x1a: {  	s8 =	sadd.s32 $0xFFFFE003, lr  }
0x1b: {  	s9 =	sadd.s32 $0xFFFFFEF7, lr;
	s5 =	simm.s32 $0xFFFFFFFF;
	p2 =	slt.u32 s8, $0xFFFFF086  }
0x1c: {  	p1 =	slt.u32 s9, $0xF7A;
	s5 =	simm.s32 @!p2 $0x0  }
0x1d: {  	s5 =	simm.s32 @p1 $0x1;
	p0 =	seq.s32 s7, s2  }
0x1e: {  	s7 =	smul.u32 @!p0 $0xF7A, s2;
	p2 =	seq.s32 @!p0 s5, $0x0  }
0x1f: {  	s9 =	smul.u32 $0xF7A, s1;
	s8 =	simm.s32 @!p0 $0x1BF5;
	p2 =	por !p2, p0  }
0x20: {  	[sflag:s8] =	ssyncset.s32 @!p0 $0xFFFFF086;
	s6 =	sadd.s32 @!p0 s3, s7;
	s7 =	simm.s32 @!p0 $0x108  }
0x21: {  	s3 =	sadd.s32 s3, s9;
	s6 =	sadd.s32 @!p0 $0x88, s6;
	s7 =	simm.s32 @p2 $0x1082  }
0x22: {  	[simem:s7], [sflag:s8] =	dma.local @!p0 [hbm:s6], $0xF7A  }
0x23: {  	s9 =	sor.u32 $0xD0000000, s2;
	s6 =	simm.s32 $0x108;
	_ =	swait.ge @!p0 [sflag:s8], $0x0  }
0x24: {  	s3 =	sadd.s32 $0x88, s3;
	s6 =	simm.s32 @!p1 $0x1082;
	[sflag:s4] =	ssyncset.s32 $0xFFFFF086  }
0x25: {  	[simem:s6], [sflag:s4] =	dma.local [hbm:s3], $0xF7A  }
0x26: {  	[smem:$0x3F96] =	sst s1;
	(tag) =	ssettag s2;
	_ =	strace s9  }
0x27: {  	s1 =	sld [smem:$0x3FA6]  }
0x28: {  	s2 =	sld [smem:$0x3FA7]  }
0x29: {  	s4 =	sld [smem:$0x3FA9]  }
0x2a: {  	p0 =	seq.s32 s5, $0x0;
	s5 =	sld [smem:$0x3FAA]  }
0x2b: {  	s6 =	sld [smem:$0x3FAB]  }
0x2c: {  	s7 =	sld [smem:$0x3FAC]  }
0x2d: {  	s3 =	simm.s32 $0x108;
	s8 =	sld [smem:$0x3FAD]  }
0x2e: {  	s3 =	simm.s32 @!p0 $0x1082;
	s9 =	sld [smem:$0x3FAE]  }
0x2f: {  	lr =	sadd.s32 s0, s3;
	s0 =	sld [smem:$0x3FA5]  }
0x30: {  	s3 =	sld [smem:$0x3FA8]  }
0x31: {  	[smem:$0x3FB1] =	sst s10  }
0x32: {  	s10 =	sld [smem:$0x3FAF];
	_ =	sdelay $0x3  }
0x33: {  	p0 =	seq.s32 s10, $0x1;
	s10 =	sld [smem:$0x3FB1];
	_ =	sdelay $0x3  }
0x34: {  	[smem:$0x3FB1] =	sst s10  }
0x35: {  	s10 =	sld [smem:$0x3FB0];
	_ =	sdelay $0x3  }
0x36: {  	p1 =	seq.s32 s10, $0x1;
	s10 =	sld [smem:$0x3FB1];
	_ =	sdelay $0x3  }
0x37: {  	[smem:$0x3FB1] =	sst s10  }
0x38: {  	s10 =	sld [smem:$0x3FB2]  }
0x39: {  	_ = 	snop;
	(pc) =	sbr.ind lr, $3  }
0x3a: {  	_ = 	snop  }
0x3b: {  	_ = 	snop  }
0x3c: {  	p2 =	seq.s32 s10, $0x1;
	s10 =	sld [smem:$0x3FB1]  }
0x3d: {  	_ =	shalt  }
0x3e: {  	_ =	shalt  }
0x3f: {  	_ =	shalt  }
0x40: {  	_ =	shalt  }
0x41: {  	_ =	shalt  }
0x42: {  	_ =	shalt  }
0x43: {  	_ =	shalt  }
0x44: {  	_ =	shalt  }
0x45: {  	_ =	shalt  }
0x46: {  	_ =	shalt  }
0x47: {  	_ =	shalt  }
0x48: {  	_ =	shalt  }
0x49: {  	_ =	shalt  }
0x4a: {  	_ =	shalt  }
0x4b: {  	_ =	shalt  }
0x4c: {  	_ =	shalt  }
0x4d: {  	_ =	shalt  }
0x4e: {  	_ =	shalt  }
0x4f: {  	_ =	shalt  }
0x50: {  	_ =	shalt  }
0x51: {  	_ =	shalt  }
0x52: {  	_ =	shalt  }
0x53: {  	_ =	shalt  }
0x54: {  	_ =	shalt  }
0x55: {  	_ =	shalt  }
0x56: {  	_ =	shalt  }
0x57: {  	_ =	shalt  }
0x58: {  	_ =	shalt  }
0x59: {  	_ =	shalt  }
0x5a: {  	_ =	shalt  }
0x5b: {  	_ =	shalt  }
0x5c: {  	_ =	shalt  }
0x5d: {  	_ =	shalt  }
0x5e: {  	_ =	shalt  }
0x5f: {  	_ =	shalt  }
0x60: {  	_ =	shalt  }
0x61: {  	_ =	shalt  }
0x62: {  	_ =	shalt  }
0x63: {  	_ =	shalt  }
0x64: {  	_ =	shalt  }
0x65: {  	_ =	shalt  }
0x66: {  	_ =	shalt  }
0x67: {  	_ =	shalt  }
0x68: {  	_ =	shalt  }
0x69: {  	_ =	shalt  }
0x6a: {  	_ =	shalt  }
0x6b: {  	_ =	shalt  }
0x6c: {  	_ =	shalt  }
0x6d: {  	_ =	shalt  }
0x6e: {  	_ =	shalt  }
0x6f: {  	_ =	shalt  }
0x70: {  	_ =	shalt  }
0x71: {  	_ =	shalt  }
0x72: {  	_ =	shalt  }
0x73: {  	_ =	shalt  }
0x74: {  	_ =	shalt  }
0x75: {  	_ =	shalt  }
0x76: {  	_ =	shalt  }
0x77: {  	_ =	shalt  }
0x78: {  	_ =	shalt  }
0x79: {  	_ =	shalt  }
0x7a: {  	_ =	shalt  }
0x7b: {  	_ =	shalt  }
0x7c: {  	_ =	shalt  }
0x7d: {  	_ =	shalt  }
0x7e: {  	_ =	shalt  }
0x7f: {  	_ =	shalt  }
0x80: {  	_ =	shalt  }
0x81: {  	_ =	shalt  }
0x82: {  	_ =	shalt  }
0x83: {  	_ =	shalt  }
0x84: {  	_ =	shalt  }
0x85: {  	_ =	shalt  }
0x86: {  	_ =	shalt  }
0x87: {  	_ =	shalt  }
.Lfunc_end0:
.L_simem_size_0:
called_computation.1_lowered:
.L_overlay_start_0:
0x88: {  	s2 =	sld [smem:$0x3FD9]  }
0x89: {  	s3 =	sld [smem:$0x3FFE];
	_ =	sdelay $0x1  }
0x8a: {  	s1 =	srdreg.scid  }
0x8b: {  	s0 =	sand.u32 $0x1, s1  }
0x8c: {  	s17 =	sshll.u32 s0, $0xA;
	s2 =	sadd.s32 s3, s2  }
0x8d: {  	s2 =	sadd.s32 s2, s17  }
0x8e: {  	[smem:$0x3FBD] =	sst s2  }
0x8f: {  	_ = 	snop  }
0x90: {  	s2 =	sld [smem:$0x3FD0];
	(tm) =	ssettm $0x1  }
0x91: {  	s18 =	sld [smem:$0x3FFB];
	_ =	sdelay $0x3  }
0x92: {  	_ =	strace s18  }
0x93: {  	s3 =	sld [smem:$0x3FFC];
	_ =	sdelay $0x3  }
0x94: {  	_ =	strace s3  }
0x95: {  	s3 =	sld [smem:$0x3FFD];
	_ =	sdelay $0x3  }
0x96: {  	_ =	strace s3  }
0x97: {  	_ =	strace $0x8FFFFFFF  }
0x98: {  	s19 =	sld [smem:$0x3FDB];
	_ =	sdelay $0x1  }
0x99: {  	s4 =	simm.s32 $_scs_section_size  }
0x9a: {  	s5 =	simm.s32 $_size__tile_overlayer_lowered;
	s6 =	simm.s32 $_tile_overlayer_lowered  }
0x9b: {  	s22 =	simm.s32 $0x1BFF;
	s21 =	sshll.u32 s6, $0x1;
	s3 =	sadd.s32 s4, s19  }
0x9c: {  	s7 =	simm.s32 $0x0;
	s20 =	sshll.u32 s5, $0x1;
	s5 =	sadd.s32 s21, s3  }
0x9d: {  	[timem:s7], [sflag:s22] =	dma.local [hbm:s5], s20  }
0x9e: {  	_ =	swait.ge [sflag:s22], s20  }
0x9f: {  	s4 =	ssub.s32 $0x0, s20;
	[sflag:s22] =	ssyncset.done $0x0  }
0xa0: {  	[sflag:s22] =	ssyncadd.s32 s4;
	_ =	sdelay $0x1  }
0xa1: {  	s23 =	simm.s32 $0x1B8B  }
0xa2: {  	_ =	swait.ge [sflag:s23], $0x1  }
0xa3: {  	[sflag:s23] =	ssyncset.done $0x0  }
0xa4: {  	s25 =	simm.s32 $0x1B8E;
	s24 =	sld [smem:$0x3FFE];
	[sflag:s23] =	ssyncadd.s32 $0xFFFFFFFF  }
0xa5: {  	s26 =	simm.s32 $execute0_lowered;
	[smem:$0x3FD2] =	sst s25  }
0xa6: {  	s5 =	sshll.u32 s26, $0x1;
	_ =	strace $0x80000049;
	[dreg:$0x1] =	wrdreg $0xFFFFFFFF  }
0xa7: {  	s28 =	simm.s32 $_size_execute0_lowered;
	s3 =	sadd.s32 s3, s5;
	[dreg:$0x0] =	wrdreg $0x0  }
0xa8: {  	s5 =	sshll.u32 s28, $0x1;
	[dreg:$0x2] =	wrdreg s3  }
0xa9: {  	[dreg:$0x3] =	wrdreg s5  }
0xaa: {  	[dreg:$0x4] =	wrdreg $0xC0  }
0xab: {  	_ =	task [dreg:s7], $0x5FFFF  }
0xac: {  	[dreg:$0x1] =	wrdreg $0xFFFFFFFF  }
0xad: {  	[dreg:$0x0] =	wrdreg $0x60  }
0xae: {  	[dreg:$0x2] =	wrdreg s24  }
0xaf: {  	[dreg:$0x3] =	wrdreg s2  }
0xb0: {  	[dreg:$0x4] =	wrdreg $0xC0000  }
0xb1: {  	[dreg:$0x5] =	wrdreg $0x9  }
0xb2: {  	_ =	task.clear_ibuf [dreg:s7], $0x6FFFF;
	_ =	strace $0x90000049  }
0xb3: {  	s29 =	simm.s32 $0x9;
	_ =	strace $0x8000004B  }
0xb4: {  	_ =	swait.ge [sflag:s29], $0x1  }
0xb5: {  	[sflag:s29] =	ssyncadd.s32 $0xFFFFFFFF  }
0xb6: {  	_ =	strace $0x9000004B  }
0xb7: {  	_ =	sfence  }
0xb8: {  	s30 =	sld [smem:$0x0];
	_ =	sdelay $0x2  }
0xb9: {  	s31 =	sshll.u32 s1, $0xD;
	s1 =	sshrl.u32 s1, $0x2  }
0xba: {  	s3 =	sand.u32 $0x4000, s31;
	s1 =	sadd.s32 s1, s30  }
0xbb: {  	s0 =	sor.u32 s3, s0;
	s1 =	sshll.u32 s1, $0x11  }
0xbc: {  	s0 =	sor.u32 s1, s0  }
0xbd: {  	s0 =	sadd.s32 $0x8F2B, s0  }
0xbe: {  	[sflag:s0] =	ssyncadd.remote.s32 $0x1  }
0xbf: {  	_ =	sfence.sel $0xFFFF  }
0xc0: {  	[dreg:$0x0] =	wrdreg $0xFFFFFFFF;
	(pc) =	sbr.abs _section_cstart, $3  }
0xc1: {  	[dreg:$0x1] =	wrdreg $0xFFFFFFFF  }
0xc2: {  	_ =	task.clear_ibuf [dreg:s7], $0x2FFFF;
	_ =	strace $0x9FFFFFFF  }
0xc3: {  	(tm) =	ssettm $0x7FFFFFFF  }
tec
execute0_lowered:
.L_overlay_start_1:
0x0: {  	(tag) =	ssettag $0x1  }
0x1: {  	s0 =	srdreg.scid;
	s11 =	stileid.u32  }
0x2: {  	s0 =	sand.u32 $0x1, s0;
	s3 =	smul.u32 $0x5000, s11  }
0x3: {  	s5 =	rddreg [dreg:$0x0];
	s1 =	smul.u32 $0x50000, s0  }
0x4: {  	s6 =	rddreg [dreg:$0x1]  }
0x5: {  	s2 =	rddreg [dreg:$0x2];
	s1 =	sadd.s32 s3, s1;
	s3 =	simm.s32 $0x0  }
0x6: {  	s20 =	simm.s32 $0x80;
	[smem:$0x7FF] =	sst s3  }
0x7: {  	s21 =	simm.s32 $0x100;
	_ =	strace $0x8000004A;
	[dreg:$0x6] =	wrdreg s20  }
0x8: {  	s22 =	simm.s32 $0x180;
	[dreg:$0x7] =	wrdreg s21  }
0x9: {  	s23 =	simm.s32 $0x200;
	[dreg:$0x8] =	wrdreg s22  }
0xa: {  	s25 =	simm.s32 $0x1080;
	s26 =	smul.u32 $0x13800, s11;
	[dreg:$0x9] =	wrdreg s23  }
0xb: {  	s12 =	simm.s32 $0x280;
	s13 =	simm.s32 $0x1100;
	[dreg:$0xa] =	wrdreg s25  }
0xc: {  	s14 =	simm.s32 $0x300;
	s10 =	sshrl.u32 s26, $0x3;
	[dreg:$0xb] =	wrdreg s12  }
0xd: {  	s15 =	simm.s32 $0x1180;
	s10 =	sadd.s32 s6, s10;
	[dreg:$0xc] =	wrdreg s13  }
0xe: {  	s17 =	simm.s32 $0x380;
	s18 =	simm.s32 $0x1200;
	[smem:$0x7EC] =	sst s10  }
0xf: {  	s28 =	simm.s32 $0x1900;
	s29 =	simm.s32 $0xB00;
	[dreg:$0xd] =	wrdreg s14  }
0x10: {  	s30 =	simm.s32 $0x1980;
	s31 =	simm.s32 $0xB80;
	[dreg:$0xe] =	wrdreg s15  }
0x11: {  	s4 =	sadd.s32 $0x2C600, s5;
	s9 =	smul.u32 $0x4E000, s11;
	[dreg:$0xf] =	wrdreg s17  }
0x12: {  	s16 =	sshll.u32 s11, $0x6;
	s6 =	sadd.s32 $0x27000, s6;
	[dreg:$0x10] =	wrdreg s18  }
0x13: {  	s24 =	sshrl.u32 s9, $0x2;
	s9 =	simm.s32 $0x1480;
	[smem:$0x7ED] =	sst s6  }
0x14: {  	p0 =	sne.s32 s11, $0xF;
	s20 =	simm.s32 $0x1280;
	[dreg:$0x1a] =	wrdreg s9  }
0x15: {  	s19 =	ssub.s32 $0x2, s0;
	s21 =	simm.s32 $0x480;
	[dreg:$0x12] =	wrdreg s20  }
0x16: {  	s0 =	smul.u32 $0x138800, s0;
	s23 =	simm.s32 $0x1300;
	[dreg:$0x13] =	wrdreg s21  }
0x17: {  	s8 =	sshrl.u32 s19, $0x1;
	s25 =	simm.s32 $0x1380;
	[dreg:$0x14] =	wrdreg s23  }
0x18: {  	s22 =	sadd.s32 s26, s0;
	s26 =	simm.s32 $0x580;
	[dreg:$0x16] =	wrdreg s25  }
0x19: {  	s1 =	sshrl.u32 s1, $0x3;
	s12 =	simm.s32 $0x680;
	[dreg:$0x17] =	wrdreg s26  }
0x1a: {  	s1 =	sadd.s32 s1, s5;
	s14 =	simm.s32 $0x1500;
	[dreg:$0x1b] =	wrdreg s12  }
0x1b: {  	s5 =	sadd.s32 $0x7AE00, s5;
	s15 =	simm.s32 $0x700;
	[dreg:$0x1c] =	wrdreg s14  }
0x1c: {  	s13 =	sor.u32 $0x1C05, s16;
	s16 =	simm.s32 $0x1580;
	[dreg:$0x1d] =	wrdreg s15  }
0x1d: {  	s10 =	sadd.s32 $0x138000, s2;
	s17 =	simm.s32 $0x780;
	[dreg:$0x1e] =	wrdreg s16  }
0x1e: {  	s0 =	sshrl.u32 s0, $0x3;
	s18 =	simm.s32 $0x1600;
	[dreg:$0x1f] =	wrdreg s17  }
0x1f: {  	s9 =	simm.s32 $0x1C00;
	s7 =	sadd.s32 $0x4600, s1;
	[smem:$0x7F1] =	sst s18  }
0x20: {  	s1 =	sadd.s32 $0x18600, s1;
	s6 =	sshrl.u32 s22, $0x3;
	[smem:$0x7FB] =	sst s13  }
0x21: {  	s0 =	sadd.s32 s5, s0;
	s12 =	simm.s32 $0x5;
	[dreg:$0x4] =	wrdreg s7  }
0x22: {  	s10 =	sshrl.u32 @!p0 s10, $0x3;
	s20 =	simm.s32 $0x1680;
	[dreg:$0x5] =	wrdreg s1  }
0x23: {  	s14 =	simm.s32 $0x1000;
	s21 =	simm.s32 $0x880;
	[smem:$0x7F3] =	sst s20  }
0x24: {  	s15 =	simm.s32 $0x50;
	s22 =	simm.s32 $0x1700;
	[smem:$0x7F4] =	sst s21  }
0x25: {  	s16 =	simm.s32 $0x2000;
	s23 =	simm.s32 $0x900;
	[smem:$0x7F5] =	sst s22  }
0x26: {  	s17 =	simm.s32 $0x4800;
	s25 =	simm.s32 $0x980;
	[smem:$0x7F6] =	sst s23  }
0x27: {  	s18 =	simm.s32 $0x7000;
	s26 =	simm.s32 $0x1800;
	[smem:$0x7F8] =	sst s25  }
0x28: {  	s7 =	ssub.s32 s19, s8;
	s8 =	sadd.s32 s24, s2;
	[smem:$0x7F9] =	sst s26  }
0x29: {  	s19 =	simm.s32 $0x400;
	s24 =	simm.s32 $0x500;
	[smem:$0x7FD] =	sst s10  }
0x2a: {  	s6 =	sadd.s32 s5, s6;
	s5 =	simm.s32 $0x1400;
	[dreg:$0x11] =	wrdreg s19  }
0x2b: {  	s0 =	sadd.s32 $0x27000, s0;
	s20 =	simm.s32 $0x1;
	[smem:$0x7EE] =	sst s6  }
0x2c: {  	s21 =	simm.s32 $0x2;
	s22 =	simm.s32 $0x3;
	[dreg:$0x15] =	wrdreg s24  }
0x2d: {  	s23 =	simm.s32 $0x4;
	s25 =	simm.s32 $0x1880;
	[smem:$0x7EF] =	sst s0  }
0x2e: {  	s26 =	simm.s32 $0xA80;
	[dreg:$0x18] =	wrdreg s5;
	s7 =	smax.u32 s7, $0x1  }
0x2f: {  	s1 =	simm.s32 $0x1A00;
	s6 =	simm.s32 $0x600;
	[smem:$0x7F0] =	sst s7  }
0x30: {  	s11 =	sshrl.u32 s8, $0x3;
	s19 =	simm.s32 $0x800;
	[dreg:$0x19] =	wrdreg s6  }
0x31: {  	s24 =	simm.s32 $0x1780;
	s0 =	simm.s32 $0xC00;
	[smem:$0x7F2] =	sst s19  }
0x32: {  	s5 =	simm.s32 $0x1A80;
	s8 =	simm.s32 $0x1B80;
	[smem:$0x7F7] =	sst s24  }
0x33: {  	s19 =	simm.s32 $0x9800;
	s6 =	simm.s32 $0x0;
	[smem:$0x7FC] =	sst s11  }
0x34: {  	s24 =	simm.s32 $0xA00;
	s7 =	simm.s32 $0x1B00;
	[smem:$0x7FA] =	sst s6  }
.LBB2_1:
0x35: {  	s6 =	sld [smem:$0x7EC];
	_ =	sdelay $0x2  }
0x36: {  	[spmem:s11], [sflag:s13] =	dma.local [hbm:s6], $0x2700  }
0x37: {  	_ =	swait.ge [sflag:s12], $0x2700  }
0x38: {  	s6 =	sld [smem:$0x7ED]  }
0x39: {  	[sflag:s12] =	ssyncset.done $0x0  }
0x3a: {  	[sflag:s12] =	ssyncadd.s32 $0xFFFFD900  }
0x3b: {  	[spmem:s10], [sflag:s13] =	dma.local @!p0 [hbm:s6], $0x100  }
0x3c: {  	s6 =	simm.s32 @!p0 $0x5  }
0x3d: {  	_ =	swait.ge @!p0 [sflag:s6], $0x100  }
0x3e: {  	[sflag:s6] =	ssyncset.done @!p0 $0x0  }
0x3f: {  	[sflag:s6] =	ssyncadd.s32 @!p0 $0xFFFFFF00  }
0x40: {  	[bflag:$0x0] =	sbarrier.arrive $0xFFFF  }
0x41: {  	s13 =	rddreg [dreg:$0x5]  }
0x42: {  	s6 =	sadd.s32 $0x0, s13  }
0x43: {  	[tilespmem:s3], [sflag:$0x5] =	stream.linear.gather [hbm4b:s6+s3], $0xC80, $0x38;
	[tilespmem:$0x1F880] =	vst v63  }
0x44: {  	_ =	swait.ge [sflag:s12], $0xC80  }
0x45: {  	s10 =	rddreg [dreg:$0x4];
	[sflag:s12] =	ssyncset.done $0x0  }
0x46: {  	[sflag:s12] =	ssyncadd.s32 $0xFFFFF380;
	s6 =	sadd.s32 $0x0, s10  }
0x47: {  	[tilespmem:s14], [sflag:$0x5] =	stream.linear.gather [hbm4b:s6+s3], $0xC80, $0x38;
	[tilespmem:$0x1F880] =	vst v63  }
0x48: {  	_ =	swait.ge [sflag:s12], $0xC80  }
0x49: {  	[sflag:s12] =	ssyncset.done $0x0  }
0x4a: {  	[sflag:s12] =	ssyncadd.s32 $0xFFFFF380  }
0x4b: {  	[tilespmem:s16], [sflag:$0x1] =	stream.indirect.gather [hbm4b:s4+s15], $0x80, s3, s15, $0xb8;
	[tilespmem:$0x1F880] =	vst v63  }
0x4c: {  	s11 =	rddreg [dreg:$0x6]  }
0x4d: {  	[tilespmem:s17], [sflag:$0x2] =	stream.indirect.gather [hbm4b:s4+s15], $0x80, s11, s15, $0xb8;
	[tilespmem:$0x1F880] =	vst v63  }
0x4e: {  	s13 =	rddreg [dreg:$0x7]  }
0x4f: {  	[tilespmem:s18], [sflag:$0x3] =	stream.indirect.gather [hbm4b:s4+s15], $0x80, s13, s15, $0xb8;
	[tilespmem:$0x1F880] =	vst v63  }
0x50: {  	s10 =	rddreg [dreg:$0x8]  }
0x51: {  	[tilespmem:s19], [sflag:$0x4] =	stream.indirect.gather [hbm4b:s4+s15], $0x80, s10, s15, $0xb8;
	[tilespmem:$0x1F880] =	vst v63  }
0x52: {  	_ =	swait.ge [sflag:s20], $0x2800  }
0x53: {  	[sflag:s20] =	ssyncset.done $0x0  }
0x54: {  	[sflag:s20] =	ssyncadd.s32 $0xFFFFD800  }
0x55: {  	[spmem:s2] =	stream.indirect.scatter.add.f32 [tilespmem:s16], [sflag:$0x5], $0x80, s14, s15, $0xb8;
	[tilespmem:$0x1F880] =	vst v63  }
0x56: {  	_ =	swait.ge [sflag:s12], $0x2800  }
0x57: {  	[sflag:s12] =	ssyncset.done $0x0  }
0x58: {  	s11 =	rddreg [dreg:$0x9];
	[sflag:s12] =	ssyncadd.s32 $0xFFFFD800  }
0x59: {  	[tilespmem:s16], [sflag:$0x1] =	stream.indirect.gather [hbm4b:s4+s15], $0x80, s11, s15, $0xb8;
	[tilespmem:$0x1F880] =	vst v63  }
0x5a: {  	_ =	swait.ge [sflag:s21], $0x2800  }
0x5b: {  	[sflag:s21] =	ssyncset.done $0x0  }
0x5c: {  	s13 =	rddreg [dreg:$0xa];
	[sflag:s21] =	ssyncadd.s32 $0xFFFFD800  }
0x5d: {  	[spmem:s2] =	stream.indirect.scatter.add.f32 [tilespmem:s17], [sflag:$0x5], $0x80, s13, s15, $0xb8;
	[tilespmem:$0x1F880] =	vst v63  }
0x5e: {  	_ =	swait.ge [sflag:s12], $0x2800  }
0x5f: {  	[sflag:s12] =	ssyncset.done $0x0  }
0x60: {  	s10 =	rddreg [dreg:$0xb];
	[sflag:s12] =	ssyncadd.s32 $0xFFFFD800  }
0x61: {  	[tilespmem:s17], [sflag:$0x2] =	stream.indirect.gather [hbm4b:s4+s15], $0x80, s10, s15, $0xb8;
	[tilespmem:$0x1F880] =	vst v63  }
0x62: {  	_ =	swait.ge [sflag:s22], $0x2800  }
0x63: {  	[sflag:s22] =	ssyncset.done $0x0  }
0x64: {  	s11 =	rddreg [dreg:$0xc];
	[sflag:s22] =	ssyncadd.s32 $0xFFFFD800  }
0x65: {  	[spmem:s2] =	stream.indirect.scatter.add.f32 [tilespmem:s18], [sflag:$0x5], $0x80, s11, s15, $0xb8;
	[tilespmem:$0x1F880] =	vst v63  }
0x66: {  	_ =	swait.ge [sflag:s12], $0x2800  }
0x67: {  	[sflag:s12] =	ssyncset.done $0x0  }
0x68: {  	s13 =	rddreg [dreg:$0xd];
	[sflag:s12] =	ssyncadd.s32 $0xFFFFD800  }
0x69: {  	[tilespmem:s18], [sflag:$0x3] =	stream.indirect.gather [hbm4b:s4+s15], $0x80, s13, s15, $0xb8;
	[tilespmem:$0x1F880] =	vst v63  }
0x6a: {  	_ =	swait.ge [sflag:s23], $0x2800  }
0x6b: {  	[sflag:s23] =	ssyncset.done $0x0  }
0x6c: {  	s10 =	rddreg [dreg:$0xe];
	[sflag:s23] =	ssyncadd.s32 $0xFFFFD800  }
0x6d: {  	[spmem:s2] =	stream.indirect.scatter.add.f32 [tilespmem:s19], [sflag:$0x5], $0x80, s10, s15, $0xb8;
	[tilespmem:$0x1F880] =	vst v63  }
0x6e: {  	_ =	swait.ge [sflag:s12], $0x2800  }
0x6f: {  	[sflag:s12] =	ssyncset.done $0x0  }
0x70: {  	s11 =	rddreg [dreg:$0xf];
	[sflag:s12] =	ssyncadd.s32 $0xFFFFD800  }
0x71: {  	[tilespmem:s19], [sflag:$0x4] =	stream.indirect.gather [hbm4b:s4+s15], $0x80, s11, s15, $0xb8;
	[tilespmem:$0x1F880] =	vst v63  }
0x72: {  	_ =	swait.ge [sflag:s20], $0x2800  }
0x73: {  	[sflag:s20] =	ssyncset.done $0x0  }
0x74: {  	s13 =	rddreg [dreg:$0x10];
	[sflag:s20] =	ssyncadd.s32 $0xFFFFD800  }
0x75: {  	[spmem:s2] =	stream.indirect.scatter.add.f32 [tilespmem:s16], [sflag:$0x5], $0x80, s13, s15, $0xb8;
	[tilespmem:$0x1F880] =	vst v63  }
0x76: {  	_ =	swait.ge [sflag:s12], $0x2800  }
0x77: {  	[sflag:s12] =	ssyncset.done $0x0  }
0x78: {  	s10 =	rddreg [dreg:$0x11];
	[sflag:s12] =	ssyncadd.s32 $0xFFFFD800  }
0x79: {  	[tilespmem:s16], [sflag:$0x1] =	stream.indirect.gather [hbm4b:s4+s15], $0x80, s10, s15, $0xb8;
	[tilespmem:$0x1F880] =	vst v63  }
0x7a: {  	_ =	swait.ge [sflag:s21], $0x2800  }
0x7b: {  	[sflag:s21] =	ssyncset.done $0x0  }
0x7c: {  	s11 =	rddreg [dreg:$0x12];
	[sflag:s21] =	ssyncadd.s32 $0xFFFFD800  }
0x7d: {  	[spmem:s2] =	stream.indirect.scatter.add.f32 [tilespmem:s17], [sflag:$0x5], $0x80, s11, s15, $0xb8;
	[tilespmem:$0x1F880] =	vst v63  }
0x7e: {  	_ =	swait.ge [sflag:s12], $0x2800  }
0x7f: {  	[sflag:s12] =	ssyncset.done $0x0  }
0x80: {  	s13 =	rddreg [dreg:$0x13];
	[sflag:s12] =	ssyncadd.s32 $0xFFFFD800  }
0x81: {  	[tilespmem:s17], [sflag:$0x2] =	stream.indirect.gather [hbm4b:s4+s15], $0x80, s13, s15, $0xb8;
	[tilespmem:$0x1F880] =	vst v63  }
0x82: {  	_ =	swait.ge [sflag:s22], $0x2800  }
0x83: {  	[sflag:s22] =	ssyncset.done $0x0  }
0x84: {  	s10 =	rddreg [dreg:$0x14];
	[sflag:s22] =	ssyncadd.s32 $0xFFFFD800  }
0x85: {  	[spmem:s2] =	stream.indirect.scatter.add.f32 [tilespmem:s18], [sflag:$0x5], $0x80, s10, s15, $0xb8;
	[tilespmem:$0x1F880] =	vst v63  }
0x86: {  	_ =	swait.ge [sflag:s12], $0x2800  }
0x87: {  	[sflag:s12] =	ssyncset.done $0x0  }
0x88: {  	s11 =	rddreg [dreg:$0x15];
	[sflag:s12] =	ssyncadd.s32 $0xFFFFD800  }
0x89: {  	[tilespmem:s18], [sflag:$0x3] =	stream.indirect.gather [hbm4b:s4+s15], $0x80, s11, s15, $0xb8;
	[tilespmem:$0x1F880] =	vst v63  }
0x8a: {  	_ =	swait.ge [sflag:s23], $0x2800  }
0x8b: {  	[sflag:s23] =	ssyncset.done $0x0  }
0x8c: {  	s13 =	rddreg [dreg:$0x16];
	[sflag:s23] =	ssyncadd.s32 $0xFFFFD800  }
0x8d: {  	[spmem:s2] =	stream.indirect.scatter.add.f32 [tilespmem:s19], [sflag:$0x5], $0x80, s13, s15, $0xb8;
	[tilespmem:$0x1F880] =	vst v63  }
0x8e: {  	_ =	swait.ge [sflag:s12], $0x2800  }
0x8f: {  	[sflag:s12] =	ssyncset.done $0x0  }
0x90: {  	s10 =	rddreg [dreg:$0x17];
	[sflag:s12] =	ssyncadd.s32 $0xFFFFD800  }
0x91: {  	[tilespmem:s19], [sflag:$0x4] =	stream.indirect.gather [hbm4b:s4+s15], $0x80, s10, s15, $0xb8;
	[tilespmem:$0x1F880] =	vst v63  }
0x92: {  	_ =	swait.ge [sflag:s20], $0x2800  }
0x93: {  	[sflag:s20] =	ssyncset.done $0x0  }
0x94: {  	s11 =	rddreg [dreg:$0x18];
	[sflag:s20] =	ssyncadd.s32 $0xFFFFD800  }
0x95: {  	[spmem:s2] =	stream.indirect.scatter.add.f32 [tilespmem:s16], [sflag:$0x5], $0x80, s11, s15, $0xb8;
	[tilespmem:$0x1F880] =	vst v63  }
0x96: {  	_ =	swait.ge [sflag:s12], $0x2800  }
0x97: {  	[sflag:s12] =	ssyncset.done $0x0  }
0x98: {  	s13 =	rddreg [dreg:$0x19];
	[sflag:s12] =	ssyncadd.s32 $0xFFFFD800  }
0x99: {  	[tilespmem:s16], [sflag:$0x1] =	stream.indirect.gather [hbm4b:s4+s15], $0x80, s13, s15, $0xb8;
	[tilespmem:$0x1F880] =	vst v63  }
0x9a: {  	_ =	swait.ge [sflag:s21], $0x2800  }
0x9b: {  	[sflag:s21] =	ssyncset.done $0x0  }
0x9c: {  	s10 =	rddreg [dreg:$0x1a];
	[sflag:s21] =	ssyncadd.s32 $0xFFFFD800  }
0x9d: {  	[spmem:s2] =	stream.indirect.scatter.add.f32 [tilespmem:s17], [sflag:$0x5], $0x80, s10, s15, $0xb8;
	[tilespmem:$0x1F880] =	vst v63  }
0x9e: {  	_ =	swait.ge [sflag:s12], $0x2800  }
0x9f: {  	[sflag:s12] =	ssyncset.done $0x0  }
0xa0: {  	s11 =	rddreg [dreg:$0x1b];
	[sflag:s12] =	ssyncadd.s32 $0xFFFFD800  }
0xa1: {  	[tilespmem:s17], [sflag:$0x2] =	stream.indirect.gather [hbm4b:s4+s15], $0x80, s11, s15, $0xb8;
	[tilespmem:$0x1F880] =	vst v63  }
0xa2: {  	_ =	swait.ge [sflag:s22], $0x2800  }
0xa3: {  	[sflag:s22] =	ssyncset.done $0x0  }
0xa4: {  	s13 =	rddreg [dreg:$0x1c];
	[sflag:s22] =	ssyncadd.s32 $0xFFFFD800  }
0xa5: {  	[spmem:s2] =	stream.indirect.scatter.add.f32 [tilespmem:s18], [sflag:$0x5], $0x80, s13, s15, $0xb8;
	[tilespmem:$0x1F880] =	vst v63  }
0xa6: {  	_ =	swait.ge [sflag:s12], $0x2800  }
0xa7: {  	[sflag:s12] =	ssyncset.done $0x0  }
0xa8: {  	s10 =	rddreg [dreg:$0x1d];
	[sflag:s12] =	ssyncadd.s32 $0xFFFFD800  }
0xa9: {  	[tilespmem:s18], [sflag:$0x3] =	stream.indirect.gather [hbm4b:s4+s15], $0x80, s10, s15, $0xb8;
	[tilespmem:$0x1F880] =	vst v63  }
0xaa: {  	_ =	swait.ge [sflag:s23], $0x2800  }
0xab: {  	[sflag:s23] =	ssyncset.done $0x0  }
0xac: {  	s11 =	rddreg [dreg:$0x1e];
	[sflag:s23] =	ssyncadd.s32 $0xFFFFD800  }
0xad: {  	[spmem:s2] =	stream.indirect.scatter.add.f32 [tilespmem:s19], [sflag:$0x5], $0x80, s11, s15, $0xb8;
	[tilespmem:$0x1F880] =	vst v63  }
0xae: {  	_ =	swait.ge [sflag:s12], $0x2800  }
0xaf: {  	[sflag:s12] =	ssyncset.done $0x0  }
0xb0: {  	s13 =	rddreg [dreg:$0x1f];
	[sflag:s12] =	ssyncadd.s32 $0xFFFFD800  }
0xb1: {  	[tilespmem:s19], [sflag:$0x4] =	stream.indirect.gather [hbm4b:s4+s15], $0x80, s13, s15, $0xb8;
	[tilespmem:$0x1F880] =	vst v63  }
0xb2: {  	_ =	swait.ge [sflag:s20], $0x2800  }
0xb3: {  	s10 =	sld [smem:$0x7F1]  }
0xb4: {  	[sflag:s20] =	ssyncset.done $0x0  }
0xb5: {  	[sflag:s20] =	ssyncadd.s32 $0xFFFFD800  }
0xb6: {  	[spmem:s2] =	stream.indirect.scatter.add.f32 [tilespmem:s16], [sflag:$0x5], $0x80, s10, s15, $0xb8;
	[tilespmem:$0x1F880] =	vst v63  }
0xb7: {  	_ =	swait.ge [sflag:s12], $0x2800  }
0xb8: {  	s11 =	sld [smem:$0x7F2]  }
0xb9: {  	[sflag:s12] =	ssyncset.done $0x0  }
0xba: {  	[sflag:s12] =	ssyncadd.s32 $0xFFFFD800  }
0xbb: {  	[tilespmem:s16], [sflag:$0x1] =	stream.indirect.gather [hbm4b:s4+s15], $0x80, s11, s15, $0xb8;
	[tilespmem:$0x1F880] =	vst v63  }
0xbc: {  	_ =	swait.ge [sflag:s21], $0x2800  }
0xbd: {  	s13 =	sld [smem:$0x7F3]  }
0xbe: {  	[sflag:s21] =	ssyncset.done $0x0  }
0xbf: {  	[sflag:s21] =	ssyncadd.s32 $0xFFFFD800  }
0xc0: {  	[spmem:s2] =	stream.indirect.scatter.add.f32 [tilespmem:s17], [sflag:$0x5], $0x80, s13, s15, $0xb8;
	[tilespmem:$0x1F880] =	vst v63  }
0xc1: {  	_ =	swait.ge [sflag:s12], $0x2800  }
0xc2: {  	s10 =	sld [smem:$0x7F4]  }
0xc3: {  	[sflag:s12] =	ssyncset.done $0x0  }
0xc4: {  	[sflag:s12] =	ssyncadd.s32 $0xFFFFD800  }
0xc5: {  	[tilespmem:s17], [sflag:$0x2] =	stream.indirect.gather [hbm4b:s4+s15], $0x80, s10, s15, $0xb8;
	[tilespmem:$0x1F880] =	vst v63  }
0xc6: {  	_ =	swait.ge [sflag:s22], $0x2800  }
0xc7: {  	s11 =	sld [smem:$0x7F5]  }
0xc8: {  	[sflag:s22] =	ssyncset.done $0x0  }
0xc9: {  	[sflag:s22] =	ssyncadd.s32 $0xFFFFD800  }
0xca: {  	[spmem:s2] =	stream.indirect.scatter.add.f32 [tilespmem:s18], [sflag:$0x5], $0x80, s11, s15, $0xb8;
	[tilespmem:$0x1F880] =	vst v63  }
0xcb: {  	_ =	swait.ge [sflag:s12], $0x2800  }
0xcc: {  	s13 =	sld [smem:$0x7F6]  }
0xcd: {  	[sflag:s12] =	ssyncset.done $0x0  }
0xce: {  	[sflag:s12] =	ssyncadd.s32 $0xFFFFD800  }
0xcf: {  	[tilespmem:s18], [sflag:$0x3] =	stream.indirect.gather [hbm4b:s4+s15], $0x80, s13, s15, $0xb8;
	[tilespmem:$0x1F880] =	vst v63  }
0xd0: {  	_ =	swait.ge [sflag:s23], $0x2800  }
0xd1: {  	s10 =	sld [smem:$0x7F7]  }
0xd2: {  	[sflag:s23] =	ssyncset.done $0x0  }
0xd3: {  	[sflag:s23] =	ssyncadd.s32 $0xFFFFD800  }
0xd4: {  	[spmem:s2] =	stream.indirect.scatter.add.f32 [tilespmem:s19], [sflag:$0x5], $0x80, s10, s15, $0xb8;
	[tilespmem:$0x1F880] =	vst v63  }
0xd5: {  	_ =	swait.ge [sflag:s12], $0x2800  }
0xd6: {  	s11 =	sld [smem:$0x7F8]  }
0xd7: {  	[sflag:s12] =	ssyncset.done $0x0  }
0xd8: {  	[sflag:s12] =	ssyncadd.s32 $0xFFFFD800  }
0xd9: {  	[tilespmem:s19], [sflag:$0x4] =	stream.indirect.gather [hbm4b:s4+s15], $0x80, s11, s15, $0xb8;
	[tilespmem:$0x1F880] =	vst v63  }
0xda: {  	_ =	swait.ge [sflag:s20], $0x2800  }
0xdb: {  	s13 =	sld [smem:$0x7F9]  }
0xdc: {  	[sflag:s20] =	ssyncset.done $0x0  }
0xdd: {  	[sflag:s20] =	ssyncadd.s32 $0xFFFFD800  }
0xde: {  	[spmem:s2] =	stream.indirect.scatter.add.f32 [tilespmem:s16], [sflag:$0x5], $0x80, s13, s15, $0xb8;
	[tilespmem:$0x1F880] =	vst v63  }
0xdf: {  	_ =	swait.ge [sflag:s12], $0x2800  }
0xe0: {  	[sflag:s12] =	ssyncset.done $0x0  }
0xe1: {  	[sflag:s12] =	ssyncadd.s32 $0xFFFFD800  }
0xe2: {  	[tilespmem:s16], [sflag:$0x1] =	stream.indirect.gather [hbm4b:s4+s15], $0x80, s24, s15, $0xb8;
	[tilespmem:$0x1F880] =	vst v63  }
0xe3: {  	_ =	swait.ge [sflag:s21], $0x2800  }
0xe4: {  	[sflag:s21] =	ssyncset.done $0x0  }
0xe5: {  	[sflag:s21] =	ssyncadd.s32 $0xFFFFD800  }
0xe6: {  	[spmem:s2] =	stream.indirect.scatter.add.f32 [tilespmem:s17], [sflag:$0x5], $0x80, s25, s15, $0xb8;
	[tilespmem:$0x1F880] =	vst v63  }
0xe7: {  	_ =	swait.ge [sflag:s12], $0x2800  }
0xe8: {  	[sflag:s12] =	ssyncset.done $0x0  }
0xe9: {  	[sflag:s12] =	ssyncadd.s32 $0xFFFFD800  }
0xea: {  	[tilespmem:s17], [sflag:$0x2] =	stream.indirect.gather [hbm4b:s4+s15], $0x80, s26, s15, $0xb8;
	[tilespmem:$0x1F880] =	vst v63  }
0xeb: {  	_ =	swait.ge [sflag:s22], $0x2800  }
0xec: {  	[sflag:s22] =	ssyncset.done $0x0  }
0xed: {  	[sflag:s22] =	ssyncadd.s32 $0xFFFFD800  }
0xee: {  	[spmem:s2] =	stream.indirect.scatter.add.f32 [tilespmem:s18], [sflag:$0x5], $0x80, s28, s15, $0xb8;
	[tilespmem:$0x1F880] =	vst v63  }
0xef: {  	_ =	swait.ge [sflag:s12], $0x2800  }
0xf0: {  	[sflag:s12] =	ssyncset.done $0x0  }
0xf1: {  	[sflag:s12] =	ssyncadd.s32 $0xFFFFD800  }
0xf2: {  	[tilespmem:s18], [sflag:$0x3] =	stream.indirect.gather [hbm4b:s4+s15], $0x80, s29, s15, $0xb8;
	[tilespmem:$0x1F880] =	vst v63  }
0xf3: {  	_ =	swait.ge [sflag:s23], $0x2800  }
0xf4: {  	[sflag:s23] =	ssyncset.done $0x0  }
0xf5: {  	[sflag:s23] =	ssyncadd.s32 $0xFFFFD800  }
0xf6: {  	[spmem:s2] =	stream.indirect.scatter.add.f32 [tilespmem:s19], [sflag:$0x5], $0x80, s30, s15, $0xb8;
	[tilespmem:$0x1F880] =	vst v63  }
0xf7: {  	_ =	swait.ge [sflag:s12], $0x2800  }
0xf8: {  	[sflag:s12] =	ssyncset.done $0x0  }
0xf9: {  	[sflag:s12] =	ssyncadd.s32 $0xFFFFD800  }
0xfa: {  	[tilespmem:s19], [sflag:$0x4] =	stream.indirect.gather [hbm4b:s4+s15], $0x80, s31, s15, $0xb8;
	[tilespmem:$0x1F880] =	vst v63  }
0xfb: {  	_ =	swait.ge [sflag:s20], $0x2800  }
0xfc: {  	[sflag:s20] =	ssyncset.done $0x0  }
0xfd: {  	[sflag:s20] =	ssyncadd.s32 $0xFFFFD800  }
0xfe: {  	[spmem:s2] =	stream.indirect.scatter.add.f32 [tilespmem:s16], [sflag:$0x5], $0x80, s1, s15, $0xb8;
	[tilespmem:$0x1F880] =	vst v63  }
0xff: {  	_ =	swait.ge [sflag:s12], $0x2800  }
0x100: {  	[sflag:s12] =	ssyncset.done $0x0  }
0x101: {  	[sflag:s12] =	ssyncadd.s32 $0xFFFFD800  }
0x102: {  	[tilespmem:s16], [sflag:$0x1] =	stream.indirect.gather [hbm4b:s4+s15], $0x80, s0, s15, $0xb8;
	[tilespmem:$0x1F880] =	vst v63  }
0x103: {  	_ =	swait.ge [sflag:s21], $0x2800  }
0x104: {  	[sflag:s21] =	ssyncset.done $0x0  }
0x105: {  	[sflag:s21] =	ssyncadd.s32 $0xFFFFD800  }
0x106: {  	[spmem:s2] =	stream.indirect.scatter.add.f32 [tilespmem:s17], [sflag:$0x5], $0x80, s5, s15, $0xb8;
	[tilespmem:$0x1F880] =	vst v63  }
0x107: {  	_ =	swait.ge [sflag:s12], $0x2800  }
0x108: {  	[sflag:s12] =	ssyncset.done $0x0  }
0x109: {  	[sflag:s12] =	ssyncadd.s32 $0xFFFFD800  }
0x10a: {  	_ =	swait.ge [sflag:s22], $0x2800  }
0x10b: {  	[sflag:s22] =	ssyncset.done $0x0  }
0x10c: {  	[sflag:s22] =	ssyncadd.s32 $0xFFFFD800  }
0x10d: {  	[spmem:s2] =	stream.indirect.scatter.add.f32 [tilespmem:s18], [sflag:$0x5], $0x80, s7, s15, $0xb8;
	[tilespmem:$0x1F880] =	vst v63  }
0x10e: {  	_ =	swait.ge [sflag:s12], $0x2800  }
0x10f: {  	[sflag:s12] =	ssyncset.done $0x0  }
0x110: {  	[sflag:s12] =	ssyncadd.s32 $0xFFFFD800  }
0x111: {  	_ =	swait.ge [sflag:s23], $0x2800  }
0x112: {  	[sflag:s23] =	ssyncset.done $0x0  }
0x113: {  	[sflag:s23] =	ssyncadd.s32 $0xFFFFD800  }
0x114: {  	[spmem:s2] =	stream.indirect.scatter.add.f32 [tilespmem:s19], [sflag:$0x5], $0x80, s8, s15, $0xb8;
	[tilespmem:$0x1F880] =	vst v63  }
0x115: {  	_ =	swait.ge [sflag:s12], $0x2800  }
0x116: {  	[sflag:s12] =	ssyncset.done $0x0  }
0x117: {  	[sflag:s12] =	ssyncadd.s32 $0xFFFFD800  }
0x118: {  	_ =	swait.ge [sflag:s20], $0x2800  }
0x119: {  	[sflag:s20] =	ssyncset.done $0x0  }
0x11a: {  	[sflag:s20] =	ssyncadd.s32 $0xFFFFD800  }
0x11b: {  	[spmem:s2] =	stream.indirect.scatter.add.f32 [tilespmem:s16], [sflag:$0x5], $0x80, s9, s15, $0xb8;
	[tilespmem:$0x1F880] =	vst v63  }
0x11c: {  	s11 =	simm.s32 $0x200;
	_ =	swait.ge [sflag:s12], $0x2800  }
0x11d: {  	s13 =	simm.s32 $0x400;
	s6 =	rddreg [dreg:$0x5];
	[sflag:s12] =	ssyncset.done $0x0  }
.LBB2_2:
0x11e: {  	[sflag:s12] =	ssyncadd.s32 $0xFFFFD800;
	s6 =	sadd.s32 s11, s6  }
0x11f: {  	[tilespmem:s3], [sflag:$0x5] =	stream.linear.gather [hbm4b:s6+s3], $0xC80, $0x38;
	[tilespmem:$0x1F880] =	vst v63  }
0x120: {  	_ =	swait.ge [sflag:s12], $0xC80  }
0x121: {  	s6 =	rddreg [dreg:$0x4];
	[sflag:s12] =	ssyncset.done $0x0  }
0x122: {  	[sflag:s12] =	ssyncadd.s32 $0xFFFFF380;
	s6 =	sadd.s32 s11, s6  }
0x123: {  	[tilespmem:s14], [sflag:$0x5] =	stream.linear.gather [hbm4b:s6+s3], $0xC80, $0x38;
	[tilespmem:$0x1F880] =	vst v63  }
0x124: {  	_ =	swait.ge [sflag:s12], $0xC80  }
0x125: {  	[sflag:s12] =	ssyncset.done $0x0  }
0x126: {  	[sflag:s12] =	ssyncadd.s32 $0xFFFFF380  }
0x127: {  	[tilespmem:s16], [sflag:$0x1] =	stream.indirect.gather [hbm4b:s4+s15], $0x80, s3, s15, $0xb8;
	[tilespmem:$0x1F880] =	vst v63  }
0x128: {  	s10 =	smov.u32 s13;
	s6 =	rddreg [dreg:$0x6]  }
0x129: {  	[tilespmem:s17], [sflag:$0x2] =	stream.indirect.gather [hbm4b:s4+s15], $0x80, s6, s15, $0xb8;
	[tilespmem:$0x1F880] =	vst v63  }
0x12a: {  	s11 =	smov.u32 s10;
	s10 =	rddreg [dreg:$0x7]  }
0x12b: {  	[tilespmem:s18], [sflag:$0x3] =	stream.indirect.gather [hbm4b:s4+s15], $0x80, s10, s15, $0xb8;
	[tilespmem:$0x1F880] =	vst v63  }
0x12c: {  	s6 =	rddreg [dreg:$0x8]  }
0x12d: {  	[tilespmem:s19], [sflag:$0x4] =	stream.indirect.gather [hbm4b:s4+s15], $0x80, s6, s15, $0xb8;
	[tilespmem:$0x1F880] =	vst v63  }
0x12e: {  	_ =	swait.ge [sflag:s20], $0x2800  }
0x12f: {  	[sflag:s20] =	ssyncset.done $0x0  }
0x130: {  	[sflag:s20] =	ssyncadd.s32 $0xFFFFD800  }
0x131: {  	[spmem:s2] =	stream.indirect.scatter.add.f32 [tilespmem:s16], [sflag:$0x5], $0x80, s14, s15, $0xb8;
	[tilespmem:$0x1F880] =	vst v63  }
0x132: {  	_ =	swait.ge [sflag:s12], $0x2800  }
0x133: {  	[sflag:s12] =	ssyncset.done $0x0  }
0x134: {  	s10 =	rddreg [dreg:$0x9];
	[sflag:s12] =	ssyncadd.s32 $0xFFFFD800  }
0x135: {  	[tilespmem:s16], [sflag:$0x1] =	stream.indirect.gather [hbm4b:s4+s15], $0x80, s10, s15, $0xb8;
	[tilespmem:$0x1F880] =	vst v63  }
0x136: {  	_ =	swait.ge [sflag:s21], $0x2800  }
0x137: {  	[sflag:s21] =	ssyncset.done $0x0  }
0x138: {  	s10 =	rddreg [dreg:$0xa];
	[sflag:s21] =	ssyncadd.s32 $0xFFFFD800  }
0x139: {  	[spmem:s2] =	stream.indirect.scatter.add.f32 [tilespmem:s17], [sflag:$0x5], $0x80, s10, s15, $0xb8;
	[tilespmem:$0x1F880] =	vst v63  }
0x13a: {  	_ =	swait.ge [sflag:s12], $0x2800  }
0x13b: {  	[sflag:s12] =	ssyncset.done $0x0  }
0x13c: {  	s10 =	rddreg [dreg:$0xb];
	[sflag:s12] =	ssyncadd.s32 $0xFFFFD800  }
0x13d: {  	[tilespmem:s17], [sflag:$0x2] =	stream.indirect.gather [hbm4b:s4+s15], $0x80, s10, s15, $0xb8;
	[tilespmem:$0x1F880] =	vst v63  }
0x13e: {  	_ =	swait.ge [sflag:s22], $0x2800  }
0x13f: {  	[sflag:s22] =	ssyncset.done $0x0  }
0x140: {  	s10 =	rddreg [dreg:$0xc];
	[sflag:s22] =	ssyncadd.s32 $0xFFFFD800  }
0x141: {  	[spmem:s2] =	stream.indirect.scatter.add.f32 [tilespmem:s18], [sflag:$0x5], $0x80, s10, s15, $0xb8;
	[tilespmem:$0x1F880] =	vst v63  }
0x142: {  	_ =	swait.ge [sflag:s12], $0x2800  }
0x143: {  	[sflag:s12] =	ssyncset.done $0x0  }
0x144: {  	s10 =	rddreg [dreg:$0xd];
	[sflag:s12] =	ssyncadd.s32 $0xFFFFD800  }
0x145: {  	[tilespmem:s18], [sflag:$0x3] =	stream.indirect.gather [hbm4b:s4+s15], $0x80, s10, s15, $0xb8;
	[tilespmem:$0x1F880] =	vst v63  }
0x146: {  	_ =	swait.ge [sflag:s23], $0x2800  }
0x147: {  	[sflag:s23] =	ssyncset.done $0x0  }
0x148: {  	s10 =	rddreg [dreg:$0xe];
	[sflag:s23] =	ssyncadd.s32 $0xFFFFD800  }
0x149: {  	[spmem:s2] =	stream.indirect.scatter.add.f32 [tilespmem:s19], [sflag:$0x5], $0x80, s10, s15, $0xb8;
	[tilespmem:$0x1F880] =	vst v63  }
0x14a: {  	_ =	swait.ge [sflag:s12], $0x2800  }
0x14b: {  	[sflag:s12] =	ssyncset.done $0x0  }
0x14c: {  	s10 =	rddreg [dreg:$0xf];
	[sflag:s12] =	ssyncadd.s32 $0xFFFFD800  }
0x14d: {  	[tilespmem:s19], [sflag:$0x4] =	stream.indirect.gather [hbm4b:s4+s15], $0x80, s10, s15, $0xb8;
	[tilespmem:$0x1F880] =	vst v63  }
0x14e: {  	_ =	swait.ge [sflag:s20], $0x2800  }
0x14f: {  	[sflag:s20] =	ssyncset.done $0x0  }
0x150: {  	s10 =	rddreg [dreg:$0x10];
	[sflag:s20] =	ssyncadd.s32 $0xFFFFD800  }
0x151: {  	[spmem:s2] =	stream.indirect.scatter.add.f32 [tilespmem:s16], [sflag:$0x5], $0x80, s10, s15, $0xb8;
	[tilespmem:$0x1F880] =	vst v63  }
0x152: {  	_ =	swait.ge [sflag:s12], $0x2800  }
0x153: {  	[sflag:s12] =	ssyncset.done $0x0  }
0x154: {  	s10 =	rddreg [dreg:$0x11];
	[sflag:s12] =	ssyncadd.s32 $0xFFFFD800  }
0x155: {  	[tilespmem:s16], [sflag:$0x1] =	stream.indirect.gather [hbm4b:s4+s15], $0x80, s10, s15, $0xb8;
	[tilespmem:$0x1F880] =	vst v63  }
0x156: {  	_ =	swait.ge [sflag:s21], $0x2800  }
0x157: {  	[sflag:s21] =	ssyncset.done $0x0  }
0x158: {  	s10 =	rddreg [dreg:$0x12];
	[sflag:s21] =	ssyncadd.s32 $0xFFFFD800  }
0x159: {  	[spmem:s2] =	stream.indirect.scatter.add.f32 [tilespmem:s17], [sflag:$0x5], $0x80, s10, s15, $0xb8;
	[tilespmem:$0x1F880] =	vst v63  }
0x15a: {  	_ =	swait.ge [sflag:s12], $0x2800  }
0x15b: {  	[sflag:s12] =	ssyncset.done $0x0  }
0x15c: {  	s10 =	rddreg [dreg:$0x13];
	[sflag:s12] =	ssyncadd.s32 $0xFFFFD800  }
0x15d: {  	[tilespmem:s17], [sflag:$0x2] =	stream.indirect.gather [hbm4b:s4+s15], $0x80, s10, s15, $0xb8;
	[tilespmem:$0x1F880] =	vst v63  }
0x15e: {  	_ =	swait.ge [sflag:s22], $0x2800  }
0x15f: {  	[sflag:s22] =	ssyncset.done $0x0  }
0x160: {  	s10 =	rddreg [dreg:$0x14];
	[sflag:s22] =	ssyncadd.s32 $0xFFFFD800  }
0x161: {  	[spmem:s2] =	stream.indirect.scatter.add.f32 [tilespmem:s18], [sflag:$0x5], $0x80, s10, s15, $0xb8;
	[tilespmem:$0x1F880] =	vst v63  }
0x162: {  	_ =	swait.ge [sflag:s12], $0x2800  }
0x163: {  	[sflag:s12] =	ssyncset.done $0x0  }
0x164: {  	s10 =	rddreg [dreg:$0x15];
	[sflag:s12] =	ssyncadd.s32 $0xFFFFD800  }
0x165: {  	[tilespmem:s18], [sflag:$0x3] =	stream.indirect.gather [hbm4b:s4+s15], $0x80, s10, s15, $0xb8;
	[tilespmem:$0x1F880] =	vst v63  }
0x166: {  	_ =	swait.ge [sflag:s23], $0x2800  }
0x167: {  	[sflag:s23] =	ssyncset.done $0x0  }
0x168: {  	s10 =	rddreg [dreg:$0x16];
	[sflag:s23] =	ssyncadd.s32 $0xFFFFD800  }
0x169: {  	[spmem:s2] =	stream.indirect.scatter.add.f32 [tilespmem:s19], [sflag:$0x5], $0x80, s10, s15, $0xb8;
	[tilespmem:$0x1F880] =	vst v63  }
0x16a: {  	_ =	swait.ge [sflag:s12], $0x2800  }
0x16b: {  	[sflag:s12] =	ssyncset.done $0x0  }
0x16c: {  	s10 =	rddreg [dreg:$0x17];
	[sflag:s12] =	ssyncadd.s32 $0xFFFFD800  }
0x16d: {  	[tilespmem:s19], [sflag:$0x4] =	stream.indirect.gather [hbm4b:s4+s15], $0x80, s10, s15, $0xb8;
	[tilespmem:$0x1F880] =	vst v63  }
0x16e: {  	_ =	swait.ge [sflag:s20], $0x2800  }
0x16f: {  	[sflag:s20] =	ssyncset.done $0x0  }
0x170: {  	s10 =	rddreg [dreg:$0x18];
	[sflag:s20] =	ssyncadd.s32 $0xFFFFD800  }
0x171: {  	[spmem:s2] =	stream.indirect.scatter.add.f32 [tilespmem:s16], [sflag:$0x5], $0x80, s10, s15, $0xb8;
	[tilespmem:$0x1F880] =	vst v63  }
0x172: {  	_ =	swait.ge [sflag:s12], $0x2800  }
0x173: {  	[sflag:s12] =	ssyncset.done $0x0  }
0x174: {  	s10 =	rddreg [dreg:$0x19];
	[sflag:s12] =	ssyncadd.s32 $0xFFFFD800  }
0x175: {  	[tilespmem:s16], [sflag:$0x1] =	stream.indirect.gather [hbm4b:s4+s15], $0x80, s10, s15, $0xb8;
	[tilespmem:$0x1F880] =	vst v63  }
0x176: {  	_ =	swait.ge [sflag:s21], $0x2800  }
0x177: {  	[sflag:s21] =	ssyncset.done $0x0  }
0x178: {  	s10 =	rddreg [dreg:$0x1a];
	[sflag:s21] =	ssyncadd.s32 $0xFFFFD800  }
0x179: {  	[spmem:s2] =	stream.indirect.scatter.add.f32 [tilespmem:s17], [sflag:$0x5], $0x80, s10, s15, $0xb8;
	[tilespmem:$0x1F880] =	vst v63  }
0x17a: {  	_ =	swait.ge [sflag:s12], $0x2800  }
0x17b: {  	[sflag:s12] =	ssyncset.done $0x0  }
0x17c: {  	s10 =	rddreg [dreg:$0x1b];
	[sflag:s12] =	ssyncadd.s32 $0xFFFFD800  }
0x17d: {  	[tilespmem:s17], [sflag:$0x2] =	stream.indirect.gather [hbm4b:s4+s15], $0x80, s10, s15, $0xb8;
	[tilespmem:$0x1F880] =	vst v63  }
0x17e: {  	_ =	swait.ge [sflag:s22], $0x2800  }
0x17f: {  	[sflag:s22] =	ssyncset.done $0x0  }
0x180: {  	s10 =	rddreg [dreg:$0x1c];
	[sflag:s22] =	ssyncadd.s32 $0xFFFFD800  }
0x181: {  	[spmem:s2] =	stream.indirect.scatter.add.f32 [tilespmem:s18], [sflag:$0x5], $0x80, s10, s15, $0xb8;
	[tilespmem:$0x1F880] =	vst v63  }
0x182: {  	_ =	swait.ge [sflag:s12], $0x2800  }
0x183: {  	[sflag:s12] =	ssyncset.done $0x0  }
0x184: {  	s10 =	rddreg [dreg:$0x1d];
	[sflag:s12] =	ssyncadd.s32 $0xFFFFD800  }
0x185: {  	[tilespmem:s18], [sflag:$0x3] =	stream.indirect.gather [hbm4b:s4+s15], $0x80, s10, s15, $0xb8;
	[tilespmem:$0x1F880] =	vst v63  }
0x186: {  	_ =	swait.ge [sflag:s23], $0x2800  }
0x187: {  	[sflag:s23] =	ssyncset.done $0x0  }
0x188: {  	s10 =	rddreg [dreg:$0x1e];
	[sflag:s23] =	ssyncadd.s32 $0xFFFFD800  }
0x189: {  	[spmem:s2] =	stream.indirect.scatter.add.f32 [tilespmem:s19], [sflag:$0x5], $0x80, s10, s15, $0xb8;
	[tilespmem:$0x1F880] =	vst v63  }
0x18a: {  	_ =	swait.ge [sflag:s12], $0x2800  }
0x18b: {  	[sflag:s12] =	ssyncset.done $0x0  }
0x18c: {  	s10 =	rddreg [dreg:$0x1f];
	[sflag:s12] =	ssyncadd.s32 $0xFFFFD800  }
0x18d: {  	[tilespmem:s19], [sflag:$0x4] =	stream.indirect.gather [hbm4b:s4+s15], $0x80, s10, s15, $0xb8;
	[tilespmem:$0x1F880] =	vst v63  }
0x18e: {  	_ =	swait.ge [sflag:s20], $0x2800  }
0x18f: {  	s10 =	sld [smem:$0x7F1]  }
0x190: {  	[sflag:s20] =	ssyncset.done $0x0  }
0x191: {  	[sflag:s20] =	ssyncadd.s32 $0xFFFFD800  }
0x192: {  	[spmem:s2] =	stream.indirect.scatter.add.f32 [tilespmem:s16], [sflag:$0x5], $0x80, s10, s15, $0xb8;
	[tilespmem:$0x1F880] =	vst v63  }
0x193: {  	_ =	swait.ge [sflag:s12], $0x2800  }
0x194: {  	s10 =	sld [smem:$0x7F2]  }
0x195: {  	[sflag:s12] =	ssyncset.done $0x0  }
0x196: {  	[sflag:s12] =	ssyncadd.s32 $0xFFFFD800  }
0x197: {  	[tilespmem:s16], [sflag:$0x1] =	stream.indirect.gather [hbm4b:s4+s15], $0x80, s10, s15, $0xb8;
	[tilespmem:$0x1F880] =	vst v63  }
0x198: {  	_ =	swait.ge [sflag:s21], $0x2800  }
0x199: {  	s10 =	sld [smem:$0x7F3]  }
0x19a: {  	[sflag:s21] =	ssyncset.done $0x0  }
0x19b: {  	[sflag:s21] =	ssyncadd.s32 $0xFFFFD800  }
0x19c: {  	[spmem:s2] =	stream.indirect.scatter.add.f32 [tilespmem:s17], [sflag:$0x5], $0x80, s10, s15, $0xb8;
	[tilespmem:$0x1F880] =	vst v63  }
0x19d: {  	_ =	swait.ge [sflag:s12], $0x2800  }
0x19e: {  	s10 =	sld [smem:$0x7F4]  }
0x19f: {  	[sflag:s12] =	ssyncset.done $0x0  }
0x1a0: {  	[sflag:s12] =	ssyncadd.s32 $0xFFFFD800  }
0x1a1: {  	[tilespmem:s17], [sflag:$0x2] =	stream.indirect.gather [hbm4b:s4+s15], $0x80, s10, s15, $0xb8;
	[tilespmem:$0x1F880] =	vst v63  }
0x1a2: {  	_ =	swait.ge [sflag:s22], $0x2800  }
0x1a3: {  	s10 =	sld [smem:$0x7F5]  }
0x1a4: {  	[sflag:s22] =	ssyncset.done $0x0  }
0x1a5: {  	[sflag:s22] =	ssyncadd.s32 $0xFFFFD800  }
0x1a6: {  	[spmem:s2] =	stream.indirect.scatter.add.f32 [tilespmem:s18], [sflag:$0x5], $0x80, s10, s15, $0xb8;
	[tilespmem:$0x1F880] =	vst v63  }
0x1a7: {  	_ =	swait.ge [sflag:s12], $0x2800  }
0x1a8: {  	s10 =	sld [smem:$0x7F6]  }
0x1a9: {  	[sflag:s12] =	ssyncset.done $0x0  }
0x1aa: {  	[sflag:s12] =	ssyncadd.s32 $0xFFFFD800  }
0x1ab: {  	[tilespmem:s18], [sflag:$0x3] =	stream.indirect.gather [hbm4b:s4+s15], $0x80, s10, s15, $0xb8;
	[tilespmem:$0x1F880] =	vst v63  }
0x1ac: {  	_ =	swait.ge [sflag:s23], $0x2800  }
0x1ad: {  	s10 =	sld [smem:$0x7F7]  }
0x1ae: {  	[sflag:s23] =	ssyncset.done $0x0  }
0x1af: {  	[sflag:s23] =	ssyncadd.s32 $0xFFFFD800  }
0x1b0: {  	[spmem:s2] =	stream.indirect.scatter.add.f32 [tilespmem:s19], [sflag:$0x5], $0x80, s10, s15, $0xb8;
	[tilespmem:$0x1F880] =	vst v63  }
0x1b1: {  	_ =	swait.ge [sflag:s12], $0x2800  }
0x1b2: {  	s10 =	sld [smem:$0x7F8]  }
0x1b3: {  	[sflag:s12] =	ssyncset.done $0x0  }
0x1b4: {  	[sflag:s12] =	ssyncadd.s32 $0xFFFFD800  }
0x1b5: {  	[tilespmem:s19], [sflag:$0x4] =	stream.indirect.gather [hbm4b:s4+s15], $0x80, s10, s15, $0xb8;
	[tilespmem:$0x1F880] =	vst v63  }
0x1b6: {  	_ =	swait.ge [sflag:s20], $0x2800  }
0x1b7: {  	s10 =	sld [smem:$0x7F9]  }
0x1b8: {  	[sflag:s20] =	ssyncset.done $0x0  }
0x1b9: {  	[sflag:s20] =	ssyncadd.s32 $0xFFFFD800  }
0x1ba: {  	[spmem:s2] =	stream.indirect.scatter.add.f32 [tilespmem:s16], [sflag:$0x5], $0x80, s10, s15, $0xb8;
	[tilespmem:$0x1F880] =	vst v63  }
0x1bb: {  	_ =	swait.ge [sflag:s12], $0x2800  }
0x1bc: {  	[sflag:s12] =	ssyncset.done $0x0  }
0x1bd: {  	[sflag:s12] =	ssyncadd.s32 $0xFFFFD800  }
0x1be: {  	[tilespmem:s16], [sflag:$0x1] =	stream.indirect.gather [hbm4b:s4+s15], $0x80, s24, s15, $0xb8;
	[tilespmem:$0x1F880] =	vst v63  }
0x1bf: {  	_ =	swait.ge [sflag:s21], $0x2800  }
0x1c0: {  	[sflag:s21] =	ssyncset.done $0x0  }
0x1c1: {  	[sflag:s21] =	ssyncadd.s32 $0xFFFFD800  }
0x1c2: {  	[spmem:s2] =	stream.indirect.scatter.add.f32 [tilespmem:s17], [sflag:$0x5], $0x80, s25, s15, $0xb8;
	[tilespmem:$0x1F880] =	vst v63  }
0x1c3: {  	_ =	swait.ge [sflag:s12], $0x2800  }
0x1c4: {  	[sflag:s12] =	ssyncset.done $0x0  }
0x1c5: {  	[sflag:s12] =	ssyncadd.s32 $0xFFFFD800  }
0x1c6: {  	[tilespmem:s17], [sflag:$0x2] =	stream.indirect.gather [hbm4b:s4+s15], $0x80, s26, s15, $0xb8;
	[tilespmem:$0x1F880] =	vst v63  }
0x1c7: {  	_ =	swait.ge [sflag:s22], $0x2800  }
0x1c8: {  	[sflag:s22] =	ssyncset.done $0x0  }
0x1c9: {  	[sflag:s22] =	ssyncadd.s32 $0xFFFFD800  }
0x1ca: {  	[spmem:s2] =	stream.indirect.scatter.add.f32 [tilespmem:s18], [sflag:$0x5], $0x80, s28, s15, $0xb8;
	[tilespmem:$0x1F880] =	vst v63  }
0x1cb: {  	_ =	swait.ge [sflag:s12], $0x2800  }
0x1cc: {  	[sflag:s12] =	ssyncset.done $0x0  }
0x1cd: {  	[sflag:s12] =	ssyncadd.s32 $0xFFFFD800  }
0x1ce: {  	[tilespmem:s18], [sflag:$0x3] =	stream.indirect.gather [hbm4b:s4+s15], $0x80, s29, s15, $0xb8;
	[tilespmem:$0x1F880] =	vst v63  }
0x1cf: {  	_ =	swait.ge [sflag:s23], $0x2800  }
0x1d0: {  	[sflag:s23] =	ssyncset.done $0x0  }
0x1d1: {  	[sflag:s23] =	ssyncadd.s32 $0xFFFFD800  }
0x1d2: {  	[spmem:s2] =	stream.indirect.scatter.add.f32 [tilespmem:s19], [sflag:$0x5], $0x80, s30, s15, $0xb8;
	[tilespmem:$0x1F880] =	vst v63  }
0x1d3: {  	_ =	swait.ge [sflag:s12], $0x2800  }
0x1d4: {  	[sflag:s12] =	ssyncset.done $0x0  }
0x1d5: {  	[sflag:s12] =	ssyncadd.s32 $0xFFFFD800  }
0x1d6: {  	[tilespmem:s19], [sflag:$0x4] =	stream.indirect.gather [hbm4b:s4+s15], $0x80, s31, s15, $0xb8;
	[tilespmem:$0x1F880] =	vst v63  }
0x1d7: {  	_ =	swait.ge [sflag:s20], $0x2800  }
0x1d8: {  	[sflag:s20] =	ssyncset.done $0x0  }
0x1d9: {  	[sflag:s20] =	ssyncadd.s32 $0xFFFFD800  }
0x1da: {  	[spmem:s2] =	stream.indirect.scatter.add.f32 [tilespmem:s16], [sflag:$0x5], $0x80, s1, s15, $0xb8;
	[tilespmem:$0x1F880] =	vst v63  }
0x1db: {  	_ =	swait.ge [sflag:s12], $0x2800  }
0x1dc: {  	[sflag:s12] =	ssyncset.done $0x0  }
0x1dd: {  	[sflag:s12] =	ssyncadd.s32 $0xFFFFD800  }
0x1de: {  	[tilespmem:s16], [sflag:$0x1] =	stream.indirect.gather [hbm4b:s4+s15], $0x80, s0, s15, $0xb8;
	[tilespmem:$0x1F880] =	vst v63  }
0x1df: {  	_ =	swait.ge [sflag:s21], $0x2800  }
0x1e0: {  	[sflag:s21] =	ssyncset.done $0x0  }
0x1e1: {  	[sflag:s21] =	ssyncadd.s32 $0xFFFFD800  }
0x1e2: {  	[spmem:s2] =	stream.indirect.scatter.add.f32 [tilespmem:s17], [sflag:$0x5], $0x80, s5, s15, $0xb8;
	[tilespmem:$0x1F880] =	vst v63  }
0x1e3: {  	_ =	swait.ge [sflag:s12], $0x2800  }
0x1e4: {  	[sflag:s12] =	ssyncset.done $0x0  }
0x1e5: {  	[sflag:s12] =	ssyncadd.s32 $0xFFFFD800  }
0x1e6: {  	_ =	swait.ge [sflag:s22], $0x2800  }
0x1e7: {  	[sflag:s22] =	ssyncset.done $0x0  }
0x1e8: {  	[sflag:s22] =	ssyncadd.s32 $0xFFFFD800  }
0x1e9: {  	[spmem:s2] =	stream.indirect.scatter.add.f32 [tilespmem:s18], [sflag:$0x5], $0x80, s7, s15, $0xb8;
	[tilespmem:$0x1F880] =	vst v63  }
0x1ea: {  	_ =	swait.ge [sflag:s12], $0x2800  }
0x1eb: {  	[sflag:s12] =	ssyncset.done $0x0  }
0x1ec: {  	[sflag:s12] =	ssyncadd.s32 $0xFFFFD800  }
0x1ed: {  	_ =	swait.ge [sflag:s23], $0x2800  }
0x1ee: {  	[sflag:s23] =	ssyncset.done $0x0  }
0x1ef: {  	[sflag:s23] =	ssyncadd.s32 $0xFFFFD800  }
0x1f0: {  	[spmem:s2] =	stream.indirect.scatter.add.f32 [tilespmem:s19], [sflag:$0x5], $0x80, s8, s15, $0xb8;
	[tilespmem:$0x1F880] =	vst v63  }
0x1f1: {  	_ =	swait.ge [sflag:s12], $0x2800  }
0x1f2: {  	[sflag:s12] =	ssyncset.done $0x0  }
0x1f3: {  	[sflag:s12] =	ssyncadd.s32 $0xFFFFD800  }
0x1f4: {  	p1 =	sne.s32 s13, $0x800;
	_ =	swait.ge [sflag:s20], $0x2800  }
.Ltmp0:
0x1f5: {  	[sflag:s20] =	ssyncset.done $0x0;
	(pc) =	sbr.rel @p1 .LBB2_2-.Ltmp0, $4  }
0x1f6: {  	[sflag:s20] =	ssyncadd.s32 $0xFFFFD800  }
0x1f7: {  	[spmem:s2] =	stream.indirect.scatter.add.f32 [tilespmem:s16], [sflag:$0x5], $0x80, s9, s15, $0xb8;
	[tilespmem:$0x1F880] =	vst v63  }
0x1f8: {  	_ =	swait.ge [sflag:s12], $0x2800  }
0x1f9: {  	s13 =	sadd.s32 $0x200, s13;
	s6 =	rddreg [dreg:$0x5];
	[sflag:s12] =	ssyncset.done $0x0  }
0x1fa: {  	[sflag:s12] =	ssyncadd.s32 $0xFFFFD800;
	s6 =	sadd.s32 s11, s6  }
0x1fb: {  	[tilespmem:s3], [sflag:$0x5] =	stream.linear.gather [hbm4b:s6+s3], $0xC80, $0x38;
	[tilespmem:$0x1F880] =	vst v63  }
0x1fc: {  	_ =	swait.ge [sflag:s12], $0xC80  }
0x1fd: {  	s10 =	rddreg [dreg:$0x4];
	[sflag:s12] =	ssyncset.done $0x0  }
0x1fe: {  	[sflag:s12] =	ssyncadd.s32 $0xFFFFF380;
	s6 =	sadd.s32 s11, s10  }
0x1ff: {  	[tilespmem:s14], [sflag:$0x5] =	stream.linear.gather [hbm4b:s6+s3], $0xC80, $0x38;
	[tilespmem:$0x1F880] =	vst v63  }
0x200: {  	_ =	swait.ge [sflag:s12], $0xC80  }
0x201: {  	[sflag:s12] =	ssyncset.done $0x0  }
0x202: {  	[sflag:s12] =	ssyncadd.s32 $0xFFFFF380  }
0x203: {  	[tilespmem:s16], [sflag:$0x1] =	stream.indirect.gather [hbm4b:s4+s15], $0x80, s3, s15, $0xb8;
	[tilespmem:$0x1F880] =	vst v63  }
0x204: {  	s11 =	rddreg [dreg:$0x6]  }
0x205: {  	[tilespmem:s17], [sflag:$0x2] =	stream.indirect.gather [hbm4b:s4+s15], $0x80, s11, s15, $0xb8;
	[tilespmem:$0x1F880] =	vst v63  }
0x206: {  	s10 =	rddreg [dreg:$0x7]  }
0x207: {  	[tilespmem:s18], [sflag:$0x3] =	stream.indirect.gather [hbm4b:s4+s15], $0x80, s10, s15, $0xb8;
	[tilespmem:$0x1F880] =	vst v63  }
0x208: {  	s13 =	rddreg [dreg:$0x8]  }
0x209: {  	[tilespmem:s19], [sflag:$0x4] =	stream.indirect.gather [hbm4b:s4+s15], $0x80, s13, s15, $0xb8;
	[tilespmem:$0x1F880] =	vst v63  }
0x20a: {  	_ =	swait.ge [sflag:s20], $0x2800  }
0x20b: {  	[sflag:s20] =	ssyncset.done $0x0  }
0x20c: {  	[sflag:s20] =	ssyncadd.s32 $0xFFFFD800  }
0x20d: {  	[spmem:s2] =	stream.indirect.scatter.add.f32 [tilespmem:s16], [sflag:$0x5], $0x80, s14, s15, $0xb8;
	[tilespmem:$0x1F880] =	vst v63  }
0x20e: {  	_ =	swait.ge [sflag:s12], $0x2800  }
0x20f: {  	[sflag:s12] =	ssyncset.done $0x0  }
0x210: {  	s11 =	rddreg [dreg:$0x9];
	[sflag:s12] =	ssyncadd.s32 $0xFFFFD800  }
0x211: {  	[tilespmem:s16], [sflag:$0x1] =	stream.indirect.gather [hbm4b:s4+s15], $0x80, s11, s15, $0xb8;
	[tilespmem:$0x1F880] =	vst v63  }
0x212: {  	_ =	swait.ge [sflag:s21], $0x2800  }
0x213: {  	[sflag:s21] =	ssyncset.done $0x0  }
0x214: {  	s13 =	rddreg [dreg:$0xa];
	[sflag:s21] =	ssyncadd.s32 $0xFFFFD800  }
0x215: {  	[spmem:s2] =	stream.indirect.scatter.add.f32 [tilespmem:s17], [sflag:$0x5], $0x80, s13, s15, $0xb8;
	[tilespmem:$0x1F880] =	vst v63  }
0x216: {  	_ =	swait.ge [sflag:s12], $0x2800  }
0x217: {  	[sflag:s12] =	ssyncset.done $0x0  }
0x218: {  	s10 =	rddreg [dreg:$0xb];
	[sflag:s12] =	ssyncadd.s32 $0xFFFFD800  }
0x219: {  	[tilespmem:s17], [sflag:$0x2] =	stream.indirect.gather [hbm4b:s4+s15], $0x80, s10, s15, $0xb8;
	[tilespmem:$0x1F880] =	vst v63  }
0x21a: {  	_ =	swait.ge [sflag:s22], $0x2800  }
0x21b: {  	[sflag:s22] =	ssyncset.done $0x0  }
0x21c: {  	s11 =	rddreg [dreg:$0xc];
	[sflag:s22] =	ssyncadd.s32 $0xFFFFD800  }
0x21d: {  	[spmem:s2] =	stream.indirect.scatter.add.f32 [tilespmem:s18], [sflag:$0x5], $0x80, s11, s15, $0xb8;
	[tilespmem:$0x1F880] =	vst v63  }
0x21e: {  	_ =	swait.ge [sflag:s12], $0x2800  }
0x21f: {  	[sflag:s12] =	ssyncset.done $0x0  }
0x220: {  	s13 =	rddreg [dreg:$0xd];
	[sflag:s12] =	ssyncadd.s32 $0xFFFFD800  }
0x221: {  	[tilespmem:s18], [sflag:$0x3] =	stream.indirect.gather [hbm4b:s4+s15], $0x80, s13, s15, $0xb8;
	[tilespmem:$0x1F880] =	vst v63  }
0x222: {  	_ =	swait.ge [sflag:s23], $0x2800  }
0x223: {  	[sflag:s23] =	ssyncset.done $0x0  }
0x224: {  	s10 =	rddreg [dreg:$0xe];
	[sflag:s23] =	ssyncadd.s32 $0xFFFFD800  }
0x225: {  	[spmem:s2] =	stream.indirect.scatter.add.f32 [tilespmem:s19], [sflag:$0x5], $0x80, s10, s15, $0xb8;
	[tilespmem:$0x1F880] =	vst v63  }
0x226: {  	_ =	swait.ge [sflag:s12], $0x2800  }
0x227: {  	[sflag:s12] =	ssyncset.done $0x0  }
0x228: {  	s11 =	rddreg [dreg:$0xf];
	[sflag:s12] =	ssyncadd.s32 $0xFFFFD800  }
0x229: {  	[tilespmem:s19], [sflag:$0x4] =	stream.indirect.gather [hbm4b:s4+s15], $0x80, s11, s15, $0xb8;
	[tilespmem:$0x1F880] =	vst v63  }
0x22a: {  	_ =	swait.ge [sflag:s20], $0x2800  }
0x22b: {  	[sflag:s20] =	ssyncset.done $0x0  }
0x22c: {  	s13 =	rddreg [dreg:$0x10];
	[sflag:s20] =	ssyncadd.s32 $0xFFFFD800  }
0x22d: {  	[spmem:s2] =	stream.indirect.scatter.add.f32 [tilespmem:s16], [sflag:$0x5], $0x80, s13, s15, $0xb8;
	[tilespmem:$0x1F880] =	vst v63  }
0x22e: {  	_ =	swait.ge [sflag:s12], $0x2800  }
0x22f: {  	[sflag:s12] =	ssyncset.done $0x0  }
0x230: {  	s10 =	rddreg [dreg:$0x11];
	[sflag:s12] =	ssyncadd.s32 $0xFFFFD800  }
0x231: {  	[tilespmem:s16], [sflag:$0x1] =	stream.indirect.gather [hbm4b:s4+s15], $0x80, s10, s15, $0xb8;
	[tilespmem:$0x1F880] =	vst v63  }
0x232: {  	_ =	swait.ge [sflag:s21], $0x2800  }
0x233: {  	[sflag:s21] =	ssyncset.done $0x0  }
0x234: {  	s11 =	rddreg [dreg:$0x12];
	[sflag:s21] =	ssyncadd.s32 $0xFFFFD800  }
0x235: {  	[spmem:s2] =	stream.indirect.scatter.add.f32 [tilespmem:s17], [sflag:$0x5], $0x80, s11, s15, $0xb8;
	[tilespmem:$0x1F880] =	vst v63  }
0x236: {  	_ =	swait.ge [sflag:s12], $0x2800  }
0x237: {  	[sflag:s12] =	ssyncset.done $0x0  }
0x238: {  	s13 =	rddreg [dreg:$0x13];
	[sflag:s12] =	ssyncadd.s32 $0xFFFFD800  }
0x239: {  	[tilespmem:s17], [sflag:$0x2] =	stream.indirect.gather [hbm4b:s4+s15], $0x80, s13, s15, $0xb8;
	[tilespmem:$0x1F880] =	vst v63  }
0x23a: {  	_ =	swait.ge [sflag:s22], $0x2800  }
0x23b: {  	[sflag:s22] =	ssyncset.done $0x0  }
0x23c: {  	s10 =	rddreg [dreg:$0x14];
	[sflag:s22] =	ssyncadd.s32 $0xFFFFD800  }
0x23d: {  	[spmem:s2] =	stream.indirect.scatter.add.f32 [tilespmem:s18], [sflag:$0x5], $0x80, s10, s15, $0xb8;
	[tilespmem:$0x1F880] =	vst v63  }
0x23e: {  	_ =	swait.ge [sflag:s12], $0x2800  }
0x23f: {  	[sflag:s12] =	ssyncset.done $0x0  }
0x240: {  	s11 =	rddreg [dreg:$0x15];
	[sflag:s12] =	ssyncadd.s32 $0xFFFFD800  }
0x241: {  	[tilespmem:s18], [sflag:$0x3] =	stream.indirect.gather [hbm4b:s4+s15], $0x80, s11, s15, $0xb8;
	[tilespmem:$0x1F880] =	vst v63  }
0x242: {  	_ =	swait.ge [sflag:s23], $0x2800  }
0x243: {  	[sflag:s23] =	ssyncset.done $0x0  }
0x244: {  	s13 =	rddreg [dreg:$0x16];
	[sflag:s23] =	ssyncadd.s32 $0xFFFFD800  }
0x245: {  	[spmem:s2] =	stream.indirect.scatter.add.f32 [tilespmem:s19], [sflag:$0x5], $0x80, s13, s15, $0xb8;
	[tilespmem:$0x1F880] =	vst v63  }
0x246: {  	_ =	swait.ge [sflag:s12], $0x2800  }
0x247: {  	[sflag:s12] =	ssyncset.done $0x0  }
0x248: {  	s10 =	rddreg [dreg:$0x17];
	[sflag:s12] =	ssyncadd.s32 $0xFFFFD800  }
0x249: {  	[tilespmem:s19], [sflag:$0x4] =	stream.indirect.gather [hbm4b:s4+s15], $0x80, s10, s15, $0xb8;
	[tilespmem:$0x1F880] =	vst v63  }
0x24a: {  	_ =	swait.ge [sflag:s20], $0x2800  }
0x24b: {  	[sflag:s20] =	ssyncset.done $0x0  }
0x24c: {  	s11 =	rddreg [dreg:$0x18];
	[sflag:s20] =	ssyncadd.s32 $0xFFFFD800  }
0x24d: {  	[spmem:s2] =	stream.indirect.scatter.add.f32 [tilespmem:s16], [sflag:$0x5], $0x80, s11, s15, $0xb8;
	[tilespmem:$0x1F880] =	vst v63  }
0x24e: {  	_ =	swait.ge [sflag:s12], $0x2800  }
0x24f: {  	[sflag:s12] =	ssyncset.done $0x0  }
0x250: {  	s13 =	rddreg [dreg:$0x19];
	[sflag:s12] =	ssyncadd.s32 $0xFFFFD800  }
0x251: {  	[tilespmem:s16], [sflag:$0x1] =	stream.indirect.gather [hbm4b:s4+s15], $0x80, s13, s15, $0xb8;
	[tilespmem:$0x1F880] =	vst v63  }
0x252: {  	_ =	swait.ge [sflag:s21], $0x2800  }
0x253: {  	[sflag:s21] =	ssyncset.done $0x0  }
0x254: {  	s10 =	rddreg [dreg:$0x1a];
	[sflag:s21] =	ssyncadd.s32 $0xFFFFD800  }
0x255: {  	[spmem:s2] =	stream.indirect.scatter.add.f32 [tilespmem:s17], [sflag:$0x5], $0x80, s10, s15, $0xb8;
	[tilespmem:$0x1F880] =	vst v63  }
0x256: {  	_ =	swait.ge [sflag:s12], $0x2800  }
0x257: {  	[sflag:s12] =	ssyncset.done $0x0  }
0x258: {  	s11 =	rddreg [dreg:$0x1b];
	[sflag:s12] =	ssyncadd.s32 $0xFFFFD800  }
0x259: {  	[tilespmem:s17], [sflag:$0x2] =	stream.indirect.gather [hbm4b:s4+s15], $0x80, s11, s15, $0xb8;
	[tilespmem:$0x1F880] =	vst v63  }
0x25a: {  	_ =	swait.ge [sflag:s22], $0x2800  }
0x25b: {  	[sflag:s22] =	ssyncset.done $0x0  }
0x25c: {  	s13 =	rddreg [dreg:$0x1c];
	[sflag:s22] =	ssyncadd.s32 $0xFFFFD800  }
0x25d: {  	[spmem:s2] =	stream.indirect.scatter.add.f32 [tilespmem:s18], [sflag:$0x5], $0x80, s13, s15, $0xb8;
	[tilespmem:$0x1F880] =	vst v63  }
0x25e: {  	_ =	swait.ge [sflag:s12], $0x2800  }
0x25f: {  	[sflag:s12] =	ssyncset.done $0x0  }
0x260: {  	s10 =	rddreg [dreg:$0x1d];
	[sflag:s12] =	ssyncadd.s32 $0xFFFFD800  }
0x261: {  	[tilespmem:s18], [sflag:$0x3] =	stream.indirect.gather [hbm4b:s4+s15], $0x80, s10, s15, $0xb8;
	[tilespmem:$0x1F880] =	vst v63  }
0x262: {  	_ =	swait.ge [sflag:s23], $0x2800  }
0x263: {  	[sflag:s23] =	ssyncset.done $0x0  }
0x264: {  	s11 =	rddreg [dreg:$0x1e];
	[sflag:s23] =	ssyncadd.s32 $0xFFFFD800  }
0x265: {  	[spmem:s2] =	stream.indirect.scatter.add.f32 [tilespmem:s19], [sflag:$0x5], $0x80, s11, s15, $0xb8;
	[tilespmem:$0x1F880] =	vst v63  }
0x266: {  	_ =	swait.ge [sflag:s12], $0x2800  }
0x267: {  	[sflag:s12] =	ssyncset.done $0x0  }
0x268: {  	s13 =	rddreg [dreg:$0x1f];
	[sflag:s12] =	ssyncadd.s32 $0xFFFFD800  }
0x269: {  	[tilespmem:s19], [sflag:$0x4] =	stream.indirect.gather [hbm4b:s4+s15], $0x80, s13, s15, $0xb8;
	[tilespmem:$0x1F880] =	vst v63  }
0x26a: {  	_ =	swait.ge [sflag:s20], $0x2800  }
0x26b: {  	s10 =	sld [smem:$0x7F1]  }
0x26c: {  	[sflag:s20] =	ssyncset.done $0x0  }
0x26d: {  	[sflag:s20] =	ssyncadd.s32 $0xFFFFD800  }
0x26e: {  	[spmem:s2] =	stream.indirect.scatter.add.f32 [tilespmem:s16], [sflag:$0x5], $0x80, s10, s15, $0xb8;
	[tilespmem:$0x1F880] =	vst v63  }
0x26f: {  	_ =	swait.ge [sflag:s12], $0x2800  }
0x270: {  	s11 =	sld [smem:$0x7F2]  }
0x271: {  	[sflag:s12] =	ssyncset.done $0x0  }
0x272: {  	[sflag:s12] =	ssyncadd.s32 $0xFFFFD800  }
0x273: {  	[tilespmem:s16], [sflag:$0x1] =	stream.indirect.gather [hbm4b:s4+s15], $0x80, s11, s15, $0xb8;
	[tilespmem:$0x1F880] =	vst v63  }
0x274: {  	_ =	swait.ge [sflag:s21], $0x2800  }
0x275: {  	s13 =	sld [smem:$0x7F3]  }
0x276: {  	[sflag:s21] =	ssyncset.done $0x0  }
0x277: {  	[sflag:s21] =	ssyncadd.s32 $0xFFFFD800  }
0x278: {  	[spmem:s2] =	stream.indirect.scatter.add.f32 [tilespmem:s17], [sflag:$0x5], $0x80, s13, s15, $0xb8;
	[tilespmem:$0x1F880] =	vst v63  }
0x279: {  	_ =	swait.ge [sflag:s12], $0x2800  }
0x27a: {  	s10 =	sld [smem:$0x7F4]  }
0x27b: {  	[sflag:s12] =	ssyncset.done $0x0  }
0x27c: {  	[sflag:s12] =	ssyncadd.s32 $0xFFFFD800  }
0x27d: {  	[tilespmem:s17], [sflag:$0x2] =	stream.indirect.gather [hbm4b:s4+s15], $0x80, s10, s15, $0xb8;
	[tilespmem:$0x1F880] =	vst v63  }
0x27e: {  	_ =	swait.ge [sflag:s22], $0x2800  }
0x27f: {  	s11 =	sld [smem:$0x7F5]  }
0x280: {  	[sflag:s22] =	ssyncset.done $0x0  }
0x281: {  	[sflag:s22] =	ssyncadd.s32 $0xFFFFD800  }
0x282: {  	[spmem:s2] =	stream.indirect.scatter.add.f32 [tilespmem:s18], [sflag:$0x5], $0x80, s11, s15, $0xb8;
	[tilespmem:$0x1F880] =	vst v63  }
0x283: {  	_ =	swait.ge [sflag:s12], $0x2800  }
0x284: {  	s13 =	sld [smem:$0x7F6]  }
0x285: {  	[sflag:s12] =	ssyncset.done $0x0  }
0x286: {  	[sflag:s12] =	ssyncadd.s32 $0xFFFFD800  }
0x287: {  	[tilespmem:s18], [sflag:$0x3] =	stream.indirect.gather [hbm4b:s4+s15], $0x80, s13, s15, $0xb8;
	[tilespmem:$0x1F880] =	vst v63  }
0x288: {  	_ =	swait.ge [sflag:s23], $0x2800  }
0x289: {  	s10 =	sld [smem:$0x7F7]  }
0x28a: {  	[sflag:s23] =	ssyncset.done $0x0  }
0x28b: {  	[sflag:s23] =	ssyncadd.s32 $0xFFFFD800  }
0x28c: {  	[spmem:s2] =	stream.indirect.scatter.add.f32 [tilespmem:s19], [sflag:$0x5], $0x80, s10, s15, $0xb8;
	[tilespmem:$0x1F880] =	vst v63  }
0x28d: {  	_ =	swait.ge [sflag:s12], $0x2800  }
0x28e: {  	s11 =	sld [smem:$0x7F8]  }
0x28f: {  	[sflag:s12] =	ssyncset.done $0x0  }
0x290: {  	[sflag:s12] =	ssyncadd.s32 $0xFFFFD800  }
0x291: {  	[tilespmem:s19], [sflag:$0x4] =	stream.indirect.gather [hbm4b:s4+s15], $0x80, s11, s15, $0xb8;
	[tilespmem:$0x1F880] =	vst v63  }
0x292: {  	_ =	swait.ge [sflag:s20], $0x2800  }
0x293: {  	s13 =	sld [smem:$0x7F9]  }
0x294: {  	[sflag:s20] =	ssyncset.done $0x0  }
0x295: {  	[sflag:s20] =	ssyncadd.s32 $0xFFFFD800  }
0x296: {  	[spmem:s2] =	stream.indirect.scatter.add.f32 [tilespmem:s16], [sflag:$0x5], $0x80, s13, s15, $0xb8;
	[tilespmem:$0x1F880] =	vst v63  }
0x297: {  	_ =	swait.ge [sflag:s12], $0x2800  }
0x298: {  	[sflag:s12] =	ssyncset.done $0x0  }
0x299: {  	[sflag:s12] =	ssyncadd.s32 $0xFFFFD800  }
0x29a: {  	[tilespmem:s16], [sflag:$0x1] =	stream.indirect.gather [hbm4b:s4+s15], $0x80, s24, s15, $0xb8;
	[tilespmem:$0x1F880] =	vst v63  }
0x29b: {  	_ =	swait.ge [sflag:s21], $0x2800  }
0x29c: {  	[sflag:s21] =	ssyncset.done $0x0  }
0x29d: {  	[sflag:s21] =	ssyncadd.s32 $0xFFFFD800  }
0x29e: {  	[spmem:s2] =	stream.indirect.scatter.add.f32 [tilespmem:s17], [sflag:$0x5], $0x80, s25, s15, $0xb8;
	[tilespmem:$0x1F880] =	vst v63  }
0x29f: {  	_ =	swait.ge [sflag:s12], $0x2800  }
0x2a0: {  	[sflag:s12] =	ssyncset.done $0x0  }
0x2a1: {  	[sflag:s12] =	ssyncadd.s32 $0xFFFFD800  }
0x2a2: {  	[tilespmem:s17], [sflag:$0x2] =	stream.indirect.gather [hbm4b:s4+s15], $0x80, s26, s15, $0xb8;
	[tilespmem:$0x1F880] =	vst v63  }
0x2a3: {  	_ =	swait.ge [sflag:s22], $0x2800  }
0x2a4: {  	[sflag:s22] =	ssyncset.done $0x0  }
0x2a5: {  	[sflag:s22] =	ssyncadd.s32 $0xFFFFD800  }
0x2a6: {  	[spmem:s2] =	stream.indirect.scatter.add.f32 [tilespmem:s18], [sflag:$0x5], $0x80, s28, s15, $0xb8;
	[tilespmem:$0x1F880] =	vst v63  }
0x2a7: {  	_ =	swait.ge [sflag:s12], $0x2800  }
0x2a8: {  	[sflag:s12] =	ssyncset.done $0x0  }
0x2a9: {  	[sflag:s12] =	ssyncadd.s32 $0xFFFFD800  }
0x2aa: {  	[tilespmem:s18], [sflag:$0x3] =	stream.indirect.gather [hbm4b:s4+s15], $0x80, s29, s15, $0xb8;
	[tilespmem:$0x1F880] =	vst v63  }
0x2ab: {  	_ =	swait.ge [sflag:s23], $0x2800  }
0x2ac: {  	[sflag:s23] =	ssyncset.done $0x0  }
0x2ad: {  	[sflag:s23] =	ssyncadd.s32 $0xFFFFD800  }
0x2ae: {  	[spmem:s2] =	stream.indirect.scatter.add.f32 [tilespmem:s19], [sflag:$0x5], $0x80, s30, s15, $0xb8;
	[tilespmem:$0x1F880] =	vst v63  }
0x2af: {  	_ =	swait.ge [sflag:s12], $0x2800  }
0x2b0: {  	[sflag:s12] =	ssyncset.done $0x0  }
0x2b1: {  	[sflag:s12] =	ssyncadd.s32 $0xFFFFD800  }
0x2b2: {  	[tilespmem:s19], [sflag:$0x4] =	stream.indirect.gather [hbm4b:s4+s15], $0x80, s31, s15, $0xb8;
	[tilespmem:$0x1F880] =	vst v63  }
0x2b3: {  	_ =	swait.ge [sflag:s20], $0x2800  }
0x2b4: {  	[sflag:s20] =	ssyncset.done $0x0  }
0x2b5: {  	[sflag:s20] =	ssyncadd.s32 $0xFFFFD800  }
0x2b6: {  	[spmem:s2] =	stream.indirect.scatter.add.f32 [tilespmem:s16], [sflag:$0x5], $0x80, s1, s15, $0xb8;
	[tilespmem:$0x1F880] =	vst v63  }
0x2b7: {  	_ =	swait.ge [sflag:s12], $0x2800  }
0x2b8: {  	[sflag:s12] =	ssyncset.done $0x0  }
0x2b9: {  	[sflag:s12] =	ssyncadd.s32 $0xFFFFD800  }
0x2ba: {  	[tilespmem:s16], [sflag:$0x1] =	stream.indirect.gather [hbm4b:s4+s15], $0x80, s0, s15, $0xb8;
	[tilespmem:$0x1F880] =	vst v63  }
0x2bb: {  	_ =	swait.ge [sflag:s21], $0x2800  }
0x2bc: {  	[sflag:s21] =	ssyncset.done $0x0  }
0x2bd: {  	[sflag:s21] =	ssyncadd.s32 $0xFFFFD800  }
0x2be: {  	[spmem:s2] =	stream.indirect.scatter.add.f32 [tilespmem:s17], [sflag:$0x5], $0x80, s5, s15, $0xb8;
	[tilespmem:$0x1F880] =	vst v63  }
0x2bf: {  	_ =	swait.ge [sflag:s12], $0x2800  }
0x2c0: {  	[sflag:s12] =	ssyncset.done $0x0  }
0x2c1: {  	[sflag:s12] =	ssyncadd.s32 $0xFFFFD800  }
0x2c2: {  	_ =	swait.ge [sflag:s22], $0x2800  }
0x2c3: {  	[sflag:s22] =	ssyncset.done $0x0  }
0x2c4: {  	[sflag:s22] =	ssyncadd.s32 $0xFFFFD800  }
0x2c5: {  	[spmem:s2] =	stream.indirect.scatter.add.f32 [tilespmem:s18], [sflag:$0x5], $0x80, s7, s15, $0xb8;
	[tilespmem:$0x1F880] =	vst v63  }
0x2c6: {  	_ =	swait.ge [sflag:s12], $0x2800  }
0x2c7: {  	[sflag:s12] =	ssyncset.done $0x0  }
0x2c8: {  	[sflag:s12] =	ssyncadd.s32 $0xFFFFD800  }
0x2c9: {  	_ =	swait.ge [sflag:s23], $0x2800  }
0x2ca: {  	[sflag:s23] =	ssyncset.done $0x0  }
0x2cb: {  	[sflag:s23] =	ssyncadd.s32 $0xFFFFD800  }
0x2cc: {  	[spmem:s2] =	stream.indirect.scatter.add.f32 [tilespmem:s19], [sflag:$0x5], $0x80, s8, s15, $0xb8;
	[tilespmem:$0x1F880] =	vst v63  }
0x2cd: {  	_ =	swait.ge [sflag:s12], $0x2800  }
0x2ce: {  	[sflag:s12] =	ssyncset.done $0x0  }
0x2cf: {  	[sflag:s12] =	ssyncadd.s32 $0xFFFFD800  }
0x2d0: {  	_ =	swait.ge [sflag:s20], $0x2800  }
0x2d1: {  	[sflag:s20] =	ssyncset.done $0x0  }
0x2d2: {  	[sflag:s20] =	ssyncadd.s32 $0xFFFFD800  }
0x2d3: {  	[spmem:s2] =	stream.indirect.scatter.add.f32 [tilespmem:s16], [sflag:$0x5], $0x80, s9, s15, $0xb8;
	[tilespmem:$0x1F880] =	vst v63  }
0x2d4: {  	_ =	swait.ge [sflag:s12], $0x2800  }
0x2d5: {  	[sflag:s12] =	ssyncset.done $0x0  }
0x2d6: {  	[sflag:s12] =	ssyncadd.s32 $0xFFFFD800  }
0x2d7: {  	[bflag:$0x0] =	sbarrier.arrive $0xFFFF  }
0x2d8: {  	s13 =	sld [smem:$0x7FB]  }
0x2d9: {  	s10 =	sld [smem:$0x7EE]  }
0x2da: {  	s11 =	sld [smem:$0x7FC];
	_ =	sdelay $0x2  }
0x2db: {  	[hbm:s10], [sflag:s13] =	dma.local [spmem:s11], $0x2700  }
0x2dc: {  	_ =	swait.ge [sflag:s12], $0x2700  }
0x2dd: {  	s6 =	sld [smem:$0x7EF]  }
0x2de: {  	s10 =	sld [smem:$0x7FD]  }
0x2df: {  	[sflag:s12] =	ssyncset.done $0x0  }
0x2e0: {  	[sflag:s12] =	ssyncadd.s32 $0xFFFFD900  }
0x2e1: {  	[hbm:s6], [sflag:s13] =	dma.local @!p0 [spmem:s10], $0x100  }
0x2e2: {  	s6 =	smov.u32 s10;
	s10 =	simm.s32 @!p0 $0x5  }
0x2e3: {  	_ =	swait.ge @!p0 [sflag:s10], $0x100  }
0x2e4: {  	s11 =	sld [smem:$0x7FA]  }
0x2e5: {  	[sflag:s10] =	ssyncset.done @!p0 $0x0;
	s10 =	sld [smem:$0x7F0];
	_ =	sdelay $0x1  }
0x2e6: {  	s11 =	sadd.s32 $0x1, s11  }
0x2e7: {  	p1 =	sne.s32 s11, s10  }
.Ltmp1:
0x2e8: {  	_ = 	snop;
	(pc) =	sbr.rel @p1 .LBB2_1-.Ltmp1, $3  }
0x2e9: {  	_ =	sdelay $0x1  }
0x2ea: {  	[smem:$0x7FA] =	sst s11;
	s10 =	smov.u32 s6;
	s6 =	simm.s32 @!p0 $0x5  }
0x2eb: {  	s11 =	sld [smem:$0x7FC];
	[sflag:s6] =	ssyncadd.s32 @!p0 $0xFFFFFF00  }
0x2ec: {  	_ =	sfence.sel $0x180000  }
0x2ed: {  	[bflag:$0x0] =	sbarrier.arrive $0xFFFF  }
0x2ee: {  	_ =	strace $0x9000004A  }
0x2ef: {  	s0 =	stileid.u32;
	[bflag:$0x2] =	sbarrier.arrive $0xFFFF  }
0x2f0: {  	p0 =	sne.s32 s0, $0x0;
	s0 =	rddreg [dreg:$0x3]  }
0x2f1: {  	s0 =	sadd.s32 @!p0 $0x100000, s0  }
0x2f2: {  	[sflag:s0] =	ssyncadd.tile.s32 @!p0 $0x1;
	_ =	shalt  }
.Lfunc_end2:
_tile_overlayer_lowered:
.L_overlay_start_2:
0x2f3: {  	(tag) =	ssettag $0x2  }
0x2f4: {  	s0 =	rddreg [dreg:$0x0];
	s2 =	stileid.u32  }
0x2f5: {  	s1 =	rddreg [dreg:$0x1];
	p0 =	sne.s32 s2, $0x0  }
0x2f6: {  	s3 =	rddreg [dreg:$0x2];
	[bflag:$0x3] =	sbarrier.arrive $0xFFFF;
	s2 =	simm.s32 @!p0 $0x1C05  }
0x2f7: {  	[timem:s3], [sflag:s2] =	dma.local @!p0 [hbm:s0], s1  }
0x2f8: {  	s0 =	simm.s32 @!p0 $0x5  }
0x2f9: {  	_ =	swait.ge @!p0 [sflag:s0], s1  }
0x2fa: {  	s1 =	ssub.s32 @!p0 $0x0, s1;
	[sflag:s0] =	ssyncset.done @!p0 $0x0  }
0x2fb: {  	[sflag:s0] =	ssyncadd.s32 @!p0 s1  }
0x2fc: {  	[bflag:$0x3] =	sbarrier.arrive $0xFFFF  }
0x2fd: {  	_ =	shalt  }

// kernel: kernel.14.cloned.1.call-start
scs
__scs_entry_jumppad:
0x0: {  	(pc) =	sbr.rel $0x88, $3  }
0x1: {  	(tag) =	ssettag $0x0;
	lr =	simm.s32 $0x1  }
0x2: {  	[smem:$0x3F96] =	sst lr;
	_ =	strace $0xD0000000  }
0x3: {  	_ = 	snop  }
0x4: {  	_ = 	snop  }
0x5: {  	_ = 	snop  }
0x6: {  	_ = 	snop  }
0x7: {  	_ = 	snop  }
__scs_overlays_trampoline_lowered:
0x8: {  	[smem:$0x3FA5] =	sst s0  }
0x9: {  	[smem:$0x3FA6] =	sst s1  }
0xa: {  	[smem:$0x3FA7] =	sst s2  }
0xb: {  	[smem:$0x3FA8] =	sst s3  }
0xc: {  	[smem:$0x3FA9] =	sst s4  }
0xd: {  	[smem:$0x3FAA] =	sst s5  }
0xe: {  	[smem:$0x3FAB] =	sst s6  }
0xf: {  	[smem:$0x3FAC] =	sst s7  }
0x10: {  	[smem:$0x3FAD] =	sst s8  }
0x11: {  	[smem:$0x3FAE] =	sst s9;
	s0 =	simm.s32 @!p0 $0x0  }
0x12: {  	s1 =	sld [smem:$0x3F94];
	s0 =	simm.s32 @p0 $0x1  }
0x13: {  	[smem:$0x3FAF] =	sst s0;
	s0 =	simm.s32 @!p1 $0x0  }
0x14: {  	s2 =	sld [smem:$0x3F93];
	s0 =	simm.s32 @p1 $0x1  }
0x15: {  	[smem:$0x3FB0] =	sst s0;
	s0 =	simm.s32 @!p2 $0x0  }
0x16: {  	s3 =	sld [smem:$0x3FDB];
	s0 =	simm.s32 @p2 $0x1  }
0x17: {  	s4 =	simm.s32 $0x1BF5;
	[smem:$0x3FB2] =	sst s0  }
0x18: {  	s0 =	sld [smem:$0x3F95];
	_ =	swait.ge [sflag:s4], $0x0  }
0x19: {  	s7 =	sld [smem:$0x3F96]  }
0x1a: {  	s8 =	sadd.s32 $0xFFFFE003, lr  }
0x1b: {  	s9 =	sadd.s32 $0xFFFFFEF7, lr;
	s5 =	simm.s32 $0xFFFFFFFF;
	p2 =	slt.u32 s8, $0xFFFFF086  }
0x1c: {  	p1 =	slt.u32 s9, $0xF7A;
	s5 =	simm.s32 @!p2 $0x0  }
0x1d: {  	s5 =	simm.s32 @p1 $0x1;
	p0 =	seq.s32 s7, s2  }
0x1e: {  	s7 =	smul.u32 @!p0 $0xF7A, s2;
	p2 =	seq.s32 @!p0 s5, $0x0  }
0x1f: {  	s9 =	smul.u32 $0xF7A, s1;
	s8 =	simm.s32 @!p0 $0x1BF5;
	p2 =	por !p2, p0  }
0x20: {  	[sflag:s8] =	ssyncset.s32 @!p0 $0xFFFFF086;
	s6 =	sadd.s32 @!p0 s3, s7;
	s7 =	simm.s32 @!p0 $0x108  }
0x21: {  	s3 =	sadd.s32 s3, s9;
	s6 =	sadd.s32 @!p0 $0x88, s6;
	s7 =	simm.s32 @p2 $0x1082  }
0x22: {  	[simem:s7], [sflag:s8] =	dma.local @!p0 [hbm:s6], $0xF7A  }
0x23: {  	s9 =	sor.u32 $0xD0000000, s2;
	s6 =	simm.s32 $0x108;
	_ =	swait.ge @!p0 [sflag:s8], $0x0  }
0x24: {  	s3 =	sadd.s32 $0x88, s3;
	s6 =	simm.s32 @!p1 $0x1082;
	[sflag:s4] =	ssyncset.s32 $0xFFFFF086  }
0x25: {  	[simem:s6], [sflag:s4] =	dma.local [hbm:s3], $0xF7A  }
0x26: {  	[smem:$0x3F96] =	sst s1;
	(tag) =	ssettag s2;
	_ =	strace s9  }
0x27: {  	s1 =	sld [smem:$0x3FA6]  }
0x28: {  	s2 =	sld [smem:$0x3FA7]  }
0x29: {  	s4 =	sld [smem:$0x3FA9]  }
0x2a: {  	p0 =	seq.s32 s5, $0x0;
	s5 =	sld [smem:$0x3FAA]  }
0x2b: {  	s6 =	sld [smem:$0x3FAB]  }
0x2c: {  	s7 =	sld [smem:$0x3FAC]  }
0x2d: {  	s3 =	simm.s32 $0x108;
	s8 =	sld [smem:$0x3FAD]  }
0x2e: {  	s3 =	simm.s32 @!p0 $0x1082;
	s9 =	sld [smem:$0x3FAE]  }
0x2f: {  	lr =	sadd.s32 s0, s3;
	s0 =	sld [smem:$0x3FA5]  }
0x30: {  	s3 =	sld [smem:$0x3FA8]  }
0x31: {  	[smem:$0x3FB1] =	sst s10  }
0x32: {  	s10 =	sld [smem:$0x3FAF];
	_ =	sdelay $0x3  }
0x33: {  	p0 =	seq.s32 s10, $0x1;
	s10 =	sld [smem:$0x3FB1];
	_ =	sdelay $0x3  }
0x34: {  	[smem:$0x3FB1] =	sst s10  }
0x35: {  	s10 =	sld [smem:$0x3FB0];
	_ =	sdelay $0x3  }
0x36: {  	p1 =	seq.s32 s10, $0x1;
	s10 =	sld [smem:$0x3FB1];
	_ =	sdelay $0x3  }
0x37: {  	[smem:$0x3FB1] =	sst s10  }
0x38: {  	s10 =	sld [smem:$0x3FB2]  }
0x39: {  	_ = 	snop;
	(pc) =	sbr.ind lr, $3  }
0x3a: {  	_ = 	snop  }
0x3b: {  	_ = 	snop  }
0x3c: {  	p2 =	seq.s32 s10, $0x1;
	s10 =	sld [smem:$0x3FB1]  }
0x3d: {  	_ =	shalt  }
0x3e: {  	_ =	shalt  }
0x3f: {  	_ =	shalt  }
0x40: {  	_ =	shalt  }
0x41: {  	_ =	shalt  }
0x42: {  	_ =	shalt  }
0x43: {  	_ =	shalt  }
0x44: {  	_ =	shalt  }
0x45: {  	_ =	shalt  }
0x46: {  	_ =	shalt  }
0x47: {  	_ =	shalt  }
0x48: {  	_ =	shalt  }
0x49: {  	_ =	shalt  }
0x4a: {  	_ =	shalt  }
0x4b: {  	_ =	shalt  }
0x4c: {  	_ =	shalt  }
0x4d: {  	_ =	shalt  }
0x4e: {  	_ =	shalt  }
0x4f: {  	_ =	shalt  }
0x50: {  	_ =	shalt  }
0x51: {  	_ =	shalt  }
0x52: {  	_ =	shalt  }
0x53: {  	_ =	shalt  }
0x54: {  	_ =	shalt  }
0x55: {  	_ =	shalt  }
0x56: {  	_ =	shalt  }
0x57: {  	_ =	shalt  }
0x58: {  	_ =	shalt  }
0x59: {  	_ =	shalt  }
0x5a: {  	_ =	shalt  }
0x5b: {  	_ =	shalt  }
0x5c: {  	_ =	shalt  }
0x5d: {  	_ =	shalt  }
0x5e: {  	_ =	shalt  }
0x5f: {  	_ =	shalt  }
0x60: {  	_ =	shalt  }
0x61: {  	_ =	shalt  }
0x62: {  	_ =	shalt  }
0x63: {  	_ =	shalt  }
0x64: {  	_ =	shalt  }
0x65: {  	_ =	shalt  }
0x66: {  	_ =	shalt  }
0x67: {  	_ =	shalt  }
0x68: {  	_ =	shalt  }
0x69: {  	_ =	shalt  }
0x6a: {  	_ =	shalt  }
0x6b: {  	_ =	shalt  }
0x6c: {  	_ =	shalt  }
0x6d: {  	_ =	shalt  }
0x6e: {  	_ =	shalt  }
0x6f: {  	_ =	shalt  }
0x70: {  	_ =	shalt  }
0x71: {  	_ =	shalt  }
0x72: {  	_ =	shalt  }
0x73: {  	_ =	shalt  }
0x74: {  	_ =	shalt  }
0x75: {  	_ =	shalt  }
0x76: {  	_ =	shalt  }
0x77: {  	_ =	shalt  }
0x78: {  	_ =	shalt  }
0x79: {  	_ =	shalt  }
0x7a: {  	_ =	shalt  }
0x7b: {  	_ =	shalt  }
0x7c: {  	_ =	shalt  }
0x7d: {  	_ =	shalt  }
0x7e: {  	_ =	shalt  }
0x7f: {  	_ =	shalt  }
0x80: {  	_ =	shalt  }
0x81: {  	_ =	shalt  }
0x82: {  	_ =	shalt  }
0x83: {  	_ =	shalt  }
0x84: {  	_ =	shalt  }
0x85: {  	_ =	shalt  }
0x86: {  	_ =	shalt  }
0x87: {  	_ =	shalt  }
.Lfunc_end0:
.L_simem_size_0:
called_computation.2_lowered:
.L_overlay_start_0:
0x88: {  	s2 =	sld [smem:$0x3FD9]  }
0x89: {  	s3 =	sld [smem:$0x3FFE];
	_ =	sdelay $0x1  }
0x8a: {  	s1 =	srdreg.scid  }
0x8b: {  	s0 =	sand.u32 $0x1, s1  }
0x8c: {  	s17 =	sshll.u32 s0, $0xA;
	s2 =	sadd.s32 s3, s2  }
0x8d: {  	s2 =	sadd.s32 s2, s17  }
0x8e: {  	[smem:$0x3FBD] =	sst s2  }
0x8f: {  	_ = 	snop  }
0x90: {  	s2 =	sld [smem:$0x3FD0];
	(tm) =	ssettm $0x1  }
0x91: {  	s18 =	sld [smem:$0x3FFB];
	_ =	sdelay $0x3  }
0x92: {  	_ =	strace s18  }
0x93: {  	s3 =	sld [smem:$0x3FFC];
	_ =	sdelay $0x3  }
0x94: {  	_ =	strace s3  }
0x95: {  	s3 =	sld [smem:$0x3FFD];
	_ =	sdelay $0x3  }
0x96: {  	_ =	strace s3  }
0x97: {  	_ =	strace $0x8FFFFFFF  }
0x98: {  	s19 =	sld [smem:$0x3FDB];
	_ =	sdelay $0x1  }
0x99: {  	s4 =	simm.s32 $_scs_section_size  }
0x9a: {  	s5 =	simm.s32 $_size__tile_overlayer_lowered;
	s6 =	simm.s32 $_tile_overlayer_lowered  }
0x9b: {  	s22 =	simm.s32 $0x1BFF;
	s21 =	sshll.u32 s6, $0x1;
	s3 =	sadd.s32 s4, s19  }
0x9c: {  	s7 =	simm.s32 $0x0;
	s20 =	sshll.u32 s5, $0x1;
	s5 =	sadd.s32 s21, s3  }
0x9d: {  	[timem:s7], [sflag:s22] =	dma.local [hbm:s5], s20  }
0x9e: {  	_ =	swait.ge [sflag:s22], s20  }
0x9f: {  	s4 =	ssub.s32 $0x0, s20;
	[sflag:s22] =	ssyncset.done $0x0  }
0xa0: {  	[sflag:s22] =	ssyncadd.s32 s4;
	_ =	sdelay $0x1  }
0xa1: {  	s23 =	simm.s32 $0x1B8B  }
0xa2: {  	_ =	swait.ge [sflag:s23], $0x1  }
0xa3: {  	[sflag:s23] =	ssyncset.done $0x0  }
0xa4: {  	s25 =	simm.s32 $0x1B8E;
	s24 =	sld [smem:$0x3FFE];
	[sflag:s23] =	ssyncadd.s32 $0xFFFFFFFF  }
0xa5: {  	s26 =	simm.s32 $execute0_lowered;
	[smem:$0x3FD2] =	sst s25  }
0xa6: {  	s5 =	sshll.u32 s26, $0x1;
	_ =	strace $0x8000004C;
	[dreg:$0x1] =	wrdreg $0xFFFFFFFF  }
0xa7: {  	s28 =	simm.s32 $_size_execute0_lowered;
	s3 =	sadd.s32 s3, s5;
	[dreg:$0x0] =	wrdreg $0x0  }
0xa8: {  	s5 =	sshll.u32 s28, $0x1;
	[dreg:$0x2] =	wrdreg s3  }
0xa9: {  	[dreg:$0x3] =	wrdreg s5  }
0xaa: {  	[dreg:$0x4] =	wrdreg $0xC0  }
0xab: {  	_ =	task [dreg:s7], $0x5FFFF  }
0xac: {  	[dreg:$0x1] =	wrdreg $0xFFFFFFFF  }
0xad: {  	[dreg:$0x0] =	wrdreg $0x60  }
0xae: {  	[dreg:$0x2] =	wrdreg s24  }
0xaf: {  	[dreg:$0x3] =	wrdreg s2  }
0xb0: {  	[dreg:$0x4] =	wrdreg $0xC0000  }
0xb1: {  	[dreg:$0x5] =	wrdreg $0x9  }
0xb2: {  	_ =	task.clear_ibuf [dreg:s7], $0x6FFFF;
	_ =	strace $0x9000004C  }
0xb3: {  	s29 =	simm.s32 $0x9;
	_ =	strace $0x8000004E  }
0xb4: {  	_ =	swait.ge [sflag:s29], $0x1  }
0xb5: {  	[sflag:s29] =	ssyncadd.s32 $0xFFFFFFFF  }
0xb6: {  	_ =	strace $0x9000004E  }
0xb7: {  	_ =	sfence  }
0xb8: {  	s30 =	sld [smem:$0x0];
	_ =	sdelay $0x2  }
0xb9: {  	s31 =	sshll.u32 s1, $0xD;
	s1 =	sshrl.u32 s1, $0x2  }
0xba: {  	s3 =	sand.u32 $0x4000, s31;
	s1 =	sadd.s32 s1, s30  }
0xbb: {  	s0 =	sor.u32 s3, s0;
	s1 =	sshll.u32 s1, $0x11  }
0xbc: {  	s0 =	sor.u32 s1, s0  }
0xbd: {  	s0 =	sadd.s32 $0x8F2B, s0  }
0xbe: {  	[sflag:s0] =	ssyncadd.remote.s32 $0x1  }
0xbf: {  	_ =	sfence.sel $0xFFFF  }
0xc0: {  	[dreg:$0x0] =	wrdreg $0xFFFFFFFF;
	(pc) =	sbr.abs _section_cstart, $3  }
0xc1: {  	[dreg:$0x1] =	wrdreg $0xFFFFFFFF  }
0xc2: {  	_ =	task.clear_ibuf [dreg:s7], $0x2FFFF;
	_ =	strace $0x9FFFFFFF  }
0xc3: {  	(tm) =	ssettm $0x7FFFFFFF  }
tec
execute0_lowered:
.L_overlay_start_1:
0x0: {  	(tag) =	ssettag $0x1  }
0x1: {  	s0 =	srdreg.scid;
	s11 =	stileid.u32  }
0x2: {  	s0 =	sand.u32 $0x1, s0;
	s3 =	smul.u32 $0x5000, s11  }
0x3: {  	s5 =	rddreg [dreg:$0x0];
	s1 =	smul.u32 $0x50000, s0  }
0x4: {  	s6 =	rddreg [dreg:$0x1]  }
0x5: {  	s2 =	rddreg [dreg:$0x2];
	s1 =	sadd.s32 s3, s1;
	s3 =	simm.s32 $0x0  }
0x6: {  	s20 =	simm.s32 $0x80;
	[smem:$0x7FF] =	sst s3  }
0x7: {  	s21 =	simm.s32 $0x100;
	_ =	strace $0x8000004D;
	[dreg:$0x6] =	wrdreg s20  }
0x8: {  	s22 =	simm.s32 $0x180;
	[dreg:$0x7] =	wrdreg s21  }
0x9: {  	s23 =	simm.s32 $0x200;
	[dreg:$0x8] =	wrdreg s22  }
0xa: {  	s25 =	simm.s32 $0x1080;
	s26 =	smul.u32 $0x13800, s11;
	[dreg:$0x9] =	wrdreg s23  }
0xb: {  	s12 =	simm.s32 $0x280;
	s13 =	simm.s32 $0x1100;
	[dreg:$0xa] =	wrdreg s25  }
0xc: {  	s14 =	simm.s32 $0x300;
	s10 =	sshrl.u32 s26, $0x3;
	[dreg:$0xb] =	wrdreg s12  }
0xd: {  	s15 =	simm.s32 $0x1180;
	s10 =	sadd.s32 s6, s10;
	[dreg:$0xc] =	wrdreg s13  }
0xe: {  	s17 =	simm.s32 $0x380;
	s18 =	simm.s32 $0x1200;
	[smem:$0x7EC] =	sst s10  }
0xf: {  	s28 =	simm.s32 $0x1900;
	s29 =	simm.s32 $0xB00;
	[dreg:$0xd] =	wrdreg s14  }
0x10: {  	s30 =	simm.s32 $0x1980;
	s31 =	simm.s32 $0xB80;
	[dreg:$0xe] =	wrdreg s15  }
0x11: {  	s4 =	sadd.s32 $0x2C600, s5;
	s9 =	smul.u32 $0x4E000, s11;
	[dreg:$0xf] =	wrdreg s17  }
0x12: {  	s16 =	sshll.u32 s11, $0x6;
	s6 =	sadd.s32 $0x27000, s6;
	[dreg:$0x10] =	wrdreg s18  }
0x13: {  	s24 =	sshrl.u32 s9, $0x2;
	s9 =	simm.s32 $0x1480;
	[smem:$0x7ED] =	sst s6  }
0x14: {  	p0 =	sne.s32 s11, $0xF;
	s20 =	simm.s32 $0x1280;
	[dreg:$0x1a] =	wrdreg s9  }
0x15: {  	s19 =	ssub.s32 $0x2, s0;
	s21 =	simm.s32 $0x480;
	[dreg:$0x12] =	wrdreg s20  }
0x16: {  	s0 =	smul.u32 $0x138800, s0;
	s23 =	simm.s32 $0x1300;
	[dreg:$0x13] =	wrdreg s21  }
0x17: {  	s8 =	sshrl.u32 s19, $0x1;
	s25 =	simm.s32 $0x1380;
	[dreg:$0x14] =	wrdreg s23  }
0x18: {  	s22 =	sadd.s32 s26, s0;
	s26 =	simm.s32 $0x580;
	[dreg:$0x16] =	wrdreg s25  }
0x19: {  	s1 =	sshrl.u32 s1, $0x3;
	s12 =	simm.s32 $0x680;
	[dreg:$0x17] =	wrdreg s26  }
0x1a: {  	s1 =	sadd.s32 s1, s5;
	s14 =	simm.s32 $0x1500;
	[dreg:$0x1b] =	wrdreg s12  }
0x1b: {  	s5 =	sadd.s32 $0x7AE00, s5;
	s15 =	simm.s32 $0x700;
	[dreg:$0x1c] =	wrdreg s14  }
0x1c: {  	s13 =	sor.u32 $0x1C05, s16;
	s16 =	simm.s32 $0x1580;
	[dreg:$0x1d] =	wrdreg s15  }
0x1d: {  	s10 =	sadd.s32 $0x138000, s2;
	s17 =	simm.s32 $0x780;
	[dreg:$0x1e] =	wrdreg s16  }
0x1e: {  	s0 =	sshrl.u32 s0, $0x3;
	s18 =	simm.s32 $0x1600;
	[dreg:$0x1f] =	wrdreg s17  }
0x1f: {  	s9 =	simm.s32 $0x1C00;
	s7 =	sadd.s32 $0x4600, s1;
	[smem:$0x7F1] =	sst s18  }
0x20: {  	s1 =	sadd.s32 $0x18600, s1;
	s6 =	sshrl.u32 s22, $0x3;
	[smem:$0x7FB] =	sst s13  }
0x21: {  	s0 =	sadd.s32 s5, s0;
	s12 =	simm.s32 $0x5;
	[dreg:$0x4] =	wrdreg s7  }
0x22: {  	s10 =	sshrl.u32 @!p0 s10, $0x3;
	s20 =	simm.s32 $0x1680;
	[dreg:$0x5] =	wrdreg s1  }
0x23: {  	s14 =	simm.s32 $0x1000;
	s21 =	simm.s32 $0x880;
	[smem:$0x7F3] =	sst s20  }
0x24: {  	s15 =	simm.s32 $0x50;
	s22 =	simm.s32 $0x1700;
	[smem:$0x7F4] =	sst s21  }
0x25: {  	s16 =	simm.s32 $0x2000;
	s23 =	simm.s32 $0x900;
	[smem:$0x7F5] =	sst s22  }
0x26: {  	s17 =	simm.s32 $0x4800;
	s25 =	simm.s32 $0x980;
	[smem:$0x7F6] =	sst s23  }
0x27: {  	s18 =	simm.s32 $0x7000;
	s26 =	simm.s32 $0x1800;
	[smem:$0x7F8] =	sst s25  }
0x28: {  	s7 =	ssub.s32 s19, s8;
	s8 =	sadd.s32 s24, s2;
	[smem:$0x7F9] =	sst s26  }
0x29: {  	s19 =	simm.s32 $0x400;
	s24 =	simm.s32 $0x500;
	[smem:$0x7FD] =	sst s10  }
0x2a: {  	s6 =	sadd.s32 s5, s6;
	s5 =	simm.s32 $0x1400;
	[dreg:$0x11] =	wrdreg s19  }
0x2b: {  	s0 =	sadd.s32 $0x27000, s0;
	s20 =	simm.s32 $0x1;
	[smem:$0x7EE] =	sst s6  }
0x2c: {  	s21 =	simm.s32 $0x2;
	s22 =	simm.s32 $0x3;
	[dreg:$0x15] =	wrdreg s24  }
0x2d: {  	s23 =	simm.s32 $0x4;
	s25 =	simm.s32 $0x1880;
	[smem:$0x7EF] =	sst s0  }
0x2e: {  	s26 =	simm.s32 $0xA80;
	[dreg:$0x18] =	wrdreg s5;
	s7 =	smax.u32 s7, $0x1  }
0x2f: {  	s1 =	simm.s32 $0x1A00;
	s6 =	simm.s32 $0x600;
	[smem:$0x7F0] =	sst s7  }
0x30: {  	s11 =	sshrl.u32 s8, $0x3;
	s19 =	simm.s32 $0x800;
	[dreg:$0x19] =	wrdreg s6  }
0x31: {  	s24 =	simm.s32 $0x1780;
	s0 =	simm.s32 $0xC00;
	[smem:$0x7F2] =	sst s19  }
0x32: {  	s5 =	simm.s32 $0x1A80;
	s8 =	simm.s32 $0x1B80;
	[smem:$0x7F7] =	sst s24  }
0x33: {  	s19 =	simm.s32 $0x9800;
	s6 =	simm.s32 $0x0;
	[smem:$0x7FC] =	sst s11  }
0x34: {  	s24 =	simm.s32 $0xA00;
	s7 =	simm.s32 $0x1B00;
	[smem:$0x7FA] =	sst s6  }
.LBB2_1:
0x35: {  	s6 =	sld [smem:$0x7EC];
	_ =	sdelay $0x2  }
0x36: {  	[spmem:s11], [sflag:s13] =	dma.local [hbm:s6], $0x2700  }
0x37: {  	_ =	swait.ge [sflag:s12], $0x2700  }
0x38: {  	s6 =	sld [smem:$0x7ED]  }
0x39: {  	[sflag:s12] =	ssyncset.done $0x0  }
0x3a: {  	[sflag:s12] =	ssyncadd.s32 $0xFFFFD900  }
0x3b: {  	[spmem:s10], [sflag:s13] =	dma.local @!p0 [hbm:s6], $0x100  }
0x3c: {  	s6 =	simm.s32 @!p0 $0x5  }
0x3d: {  	_ =	swait.ge @!p0 [sflag:s6], $0x100  }
0x3e: {  	[sflag:s6] =	ssyncset.done @!p0 $0x0  }
0x3f: {  	[sflag:s6] =	ssyncadd.s32 @!p0 $0xFFFFFF00  }
0x40: {  	[bflag:$0x0] =	sbarrier.arrive $0xFFFF  }
0x41: {  	s13 =	rddreg [dreg:$0x5]  }
0x42: {  	s6 =	sadd.s32 $0x0, s13  }
0x43: {  	[tilespmem:s3], [sflag:$0x5] =	stream.linear.gather [hbm4b:s6+s3], $0xC80, $0x38;
	[tilespmem:$0x1F880] =	vst v63  }
0x44: {  	_ =	swait.ge [sflag:s12], $0xC80  }
0x45: {  	s10 =	rddreg [dreg:$0x4];
	[sflag:s12] =	ssyncset.done $0x0  }
0x46: {  	[sflag:s12] =	ssyncadd.s32 $0xFFFFF380;
	s6 =	sadd.s32 $0x0, s10  }
0x47: {  	[tilespmem:s14], [sflag:$0x5] =	stream.linear.gather [hbm4b:s6+s3], $0xC80, $0x38;
	[tilespmem:$0x1F880] =	vst v63  }
0x48: {  	_ =	swait.ge [sflag:s12], $0xC80  }
0x49: {  	[sflag:s12] =	ssyncset.done $0x0  }
0x4a: {  	[sflag:s12] =	ssyncadd.s32 $0xFFFFF380  }
0x4b: {  	[tilespmem:s16], [sflag:$0x1] =	stream.indirect.gather [hbm4b:s4+s15], $0x80, s3, s15, $0xb8;
	[tilespmem:$0x1F880] =	vst v63  }
0x4c: {  	s11 =	rddreg [dreg:$0x6]  }
0x4d: {  	[tilespmem:s17], [sflag:$0x2] =	stream.indirect.gather [hbm4b:s4+s15], $0x80, s11, s15, $0xb8;
	[tilespmem:$0x1F880] =	vst v63  }
0x4e: {  	s13 =	rddreg [dreg:$0x7]  }
0x4f: {  	[tilespmem:s18], [sflag:$0x3] =	stream.indirect.gather [hbm4b:s4+s15], $0x80, s13, s15, $0xb8;
	[tilespmem:$0x1F880] =	vst v63  }
0x50: {  	s10 =	rddreg [dreg:$0x8]  }
0x51: {  	[tilespmem:s19], [sflag:$0x4] =	stream.indirect.gather [hbm4b:s4+s15], $0x80, s10, s15, $0xb8;
	[tilespmem:$0x1F880] =	vst v63  }
0x52: {  	_ =	swait.ge [sflag:s20], $0x2800  }
0x53: {  	[sflag:s20] =	ssyncset.done $0x0  }
0x54: {  	[sflag:s20] =	ssyncadd.s32 $0xFFFFD800  }
0x55: {  	[spmem:s2] =	stream.indirect.scatter.add.f32 [tilespmem:s16], [sflag:$0x5], $0x80, s14, s15, $0xb8;
	[tilespmem:$0x1F880] =	vst v63  }
0x56: {  	_ =	swait.ge [sflag:s12], $0x2800  }
0x57: {  	[sflag:s12] =	ssyncset.done $0x0  }
0x58: {  	s11 =	rddreg [dreg:$0x9];
	[sflag:s12] =	ssyncadd.s32 $0xFFFFD800  }
0x59: {  	[tilespmem:s16], [sflag:$0x1] =	stream.indirect.gather [hbm4b:s4+s15], $0x80, s11, s15, $0xb8;
	[tilespmem:$0x1F880] =	vst v63  }
0x5a: {  	_ =	swait.ge [sflag:s21], $0x2800  }
0x5b: {  	[sflag:s21] =	ssyncset.done $0x0  }
0x5c: {  	s13 =	rddreg [dreg:$0xa];
	[sflag:s21] =	ssyncadd.s32 $0xFFFFD800  }
0x5d: {  	[spmem:s2] =	stream.indirect.scatter.add.f32 [tilespmem:s17], [sflag:$0x5], $0x80, s13, s15, $0xb8;
	[tilespmem:$0x1F880] =	vst v63  }
0x5e: {  	_ =	swait.ge [sflag:s12], $0x2800  }
0x5f: {  	[sflag:s12] =	ssyncset.done $0x0  }
0x60: {  	s10 =	rddreg [dreg:$0xb];
	[sflag:s12] =	ssyncadd.s32 $0xFFFFD800  }
0x61: {  	[tilespmem:s17], [sflag:$0x2] =	stream.indirect.gather [hbm4b:s4+s15], $0x80, s10, s15, $0xb8;
	[tilespmem:$0x1F880] =	vst v63  }
0x62: {  	_ =	swait.ge [sflag:s22], $0x2800  }
0x63: {  	[sflag:s22] =	ssyncset.done $0x0  }
0x64: {  	s11 =	rddreg [dreg:$0xc];
	[sflag:s22] =	ssyncadd.s32 $0xFFFFD800  }
0x65: {  	[spmem:s2] =	stream.indirect.scatter.add.f32 [tilespmem:s18], [sflag:$0x5], $0x80, s11, s15, $0xb8;
	[tilespmem:$0x1F880] =	vst v63  }
0x66: {  	_ =	swait.ge [sflag:s12], $0x2800  }
0x67: {  	[sflag:s12] =	ssyncset.done $0x0  }
0x68: {  	s13 =	rddreg [dreg:$0xd];
	[sflag:s12] =	ssyncadd.s32 $0xFFFFD800  }
0x69: {  	[tilespmem:s18], [sflag:$0x3] =	stream.indirect.gather [hbm4b:s4+s15], $0x80, s13, s15, $0xb8;
	[tilespmem:$0x1F880] =	vst v63  }
0x6a: {  	_ =	swait.ge [sflag:s23], $0x2800  }
0x6b: {  	[sflag:s23] =	ssyncset.done $0x0  }
0x6c: {  	s10 =	rddreg [dreg:$0xe];
	[sflag:s23] =	ssyncadd.s32 $0xFFFFD800  }
0x6d: {  	[spmem:s2] =	stream.indirect.scatter.add.f32 [tilespmem:s19], [sflag:$0x5], $0x80, s10, s15, $0xb8;
	[tilespmem:$0x1F880] =	vst v63  }
0x6e: {  	_ =	swait.ge [sflag:s12], $0x2800  }
0x6f: {  	[sflag:s12] =	ssyncset.done $0x0  }
0x70: {  	s11 =	rddreg [dreg:$0xf];
	[sflag:s12] =	ssyncadd.s32 $0xFFFFD800  }
0x71: {  	[tilespmem:s19], [sflag:$0x4] =	stream.indirect.gather [hbm4b:s4+s15], $0x80, s11, s15, $0xb8;
	[tilespmem:$0x1F880] =	vst v63  }
0x72: {  	_ =	swait.ge [sflag:s20], $0x2800  }
0x73: {  	[sflag:s20] =	ssyncset.done $0x0  }
0x74: {  	s13 =	rddreg [dreg:$0x10];
	[sflag:s20] =	ssyncadd.s32 $0xFFFFD800  }
0x75: {  	[spmem:s2] =	stream.indirect.scatter.add.f32 [tilespmem:s16], [sflag:$0x5], $0x80, s13, s15, $0xb8;
	[tilespmem:$0x1F880] =	vst v63  }
0x76: {  	_ =	swait.ge [sflag:s12], $0x2800  }
0x77: {  	[sflag:s12] =	ssyncset.done $0x0  }
0x78: {  	s10 =	rddreg [dreg:$0x11];
	[sflag:s12] =	ssyncadd.s32 $0xFFFFD800  }
0x79: {  	[tilespmem:s16], [sflag:$0x1] =	stream.indirect.gather [hbm4b:s4+s15], $0x80, s10, s15, $0xb8;
	[tilespmem:$0x1F880] =	vst v63  }
0x7a: {  	_ =	swait.ge [sflag:s21], $0x2800  }
0x7b: {  	[sflag:s21] =	ssyncset.done $0x0  }
0x7c: {  	s11 =	rddreg [dreg:$0x12];
	[sflag:s21] =	ssyncadd.s32 $0xFFFFD800  }
0x7d: {  	[spmem:s2] =	stream.indirect.scatter.add.f32 [tilespmem:s17], [sflag:$0x5], $0x80, s11, s15, $0xb8;
	[tilespmem:$0x1F880] =	vst v63  }
0x7e: {  	_ =	swait.ge [sflag:s12], $0x2800  }
0x7f: {  	[sflag:s12] =	ssyncset.done $0x0  }
0x80: {  	s13 =	rddreg [dreg:$0x13];
	[sflag:s12] =	ssyncadd.s32 $0xFFFFD800  }
0x81: {  	[tilespmem:s17], [sflag:$0x2] =	stream.indirect.gather [hbm4b:s4+s15], $0x80, s13, s15, $0xb8;
	[tilespmem:$0x1F880] =	vst v63  }
0x82: {  	_ =	swait.ge [sflag:s22], $0x2800  }
0x83: {  	[sflag:s22] =	ssyncset.done $0x0  }
0x84: {  	s10 =	rddreg [dreg:$0x14];
	[sflag:s22] =	ssyncadd.s32 $0xFFFFD800  }
0x85: {  	[spmem:s2] =	stream.indirect.scatter.add.f32 [tilespmem:s18], [sflag:$0x5], $0x80, s10, s15, $0xb8;
	[tilespmem:$0x1F880] =	vst v63  }
0x86: {  	_ =	swait.ge [sflag:s12], $0x2800  }
0x87: {  	[sflag:s12] =	ssyncset.done $0x0  }
0x88: {  	s11 =	rddreg [dreg:$0x15];
	[sflag:s12] =	ssyncadd.s32 $0xFFFFD800  }
0x89: {  	[tilespmem:s18], [sflag:$0x3] =	stream.indirect.gather [hbm4b:s4+s15], $0x80, s11, s15, $0xb8;
	[tilespmem:$0x1F880] =	vst v63  }
0x8a: {  	_ =	swait.ge [sflag:s23], $0x2800  }
0x8b: {  	[sflag:s23] =	ssyncset.done $0x0  }
0x8c: {  	s13 =	rddreg [dreg:$0x16];
	[sflag:s23] =	ssyncadd.s32 $0xFFFFD800  }
0x8d: {  	[spmem:s2] =	stream.indirect.scatter.add.f32 [tilespmem:s19], [sflag:$0x5], $0x80, s13, s15, $0xb8;
	[tilespmem:$0x1F880] =	vst v63  }
0x8e: {  	_ =	swait.ge [sflag:s12], $0x2800  }
0x8f: {  	[sflag:s12] =	ssyncset.done $0x0  }
0x90: {  	s10 =	rddreg [dreg:$0x17];
	[sflag:s12] =	ssyncadd.s32 $0xFFFFD800  }
0x91: {  	[tilespmem:s19], [sflag:$0x4] =	stream.indirect.gather [hbm4b:s4+s15], $0x80, s10, s15, $0xb8;
	[tilespmem:$0x1F880] =	vst v63  }
0x92: {  	_ =	swait.ge [sflag:s20], $0x2800  }
0x93: {  	[sflag:s20] =	ssyncset.done $0x0  }
0x94: {  	s11 =	rddreg [dreg:$0x18];
	[sflag:s20] =	ssyncadd.s32 $0xFFFFD800  }
0x95: {  	[spmem:s2] =	stream.indirect.scatter.add.f32 [tilespmem:s16], [sflag:$0x5], $0x80, s11, s15, $0xb8;
	[tilespmem:$0x1F880] =	vst v63  }
0x96: {  	_ =	swait.ge [sflag:s12], $0x2800  }
0x97: {  	[sflag:s12] =	ssyncset.done $0x0  }
0x98: {  	s13 =	rddreg [dreg:$0x19];
	[sflag:s12] =	ssyncadd.s32 $0xFFFFD800  }
0x99: {  	[tilespmem:s16], [sflag:$0x1] =	stream.indirect.gather [hbm4b:s4+s15], $0x80, s13, s15, $0xb8;
	[tilespmem:$0x1F880] =	vst v63  }
0x9a: {  	_ =	swait.ge [sflag:s21], $0x2800  }
0x9b: {  	[sflag:s21] =	ssyncset.done $0x0  }
0x9c: {  	s10 =	rddreg [dreg:$0x1a];
	[sflag:s21] =	ssyncadd.s32 $0xFFFFD800  }
0x9d: {  	[spmem:s2] =	stream.indirect.scatter.add.f32 [tilespmem:s17], [sflag:$0x5], $0x80, s10, s15, $0xb8;
	[tilespmem:$0x1F880] =	vst v63  }
0x9e: {  	_ =	swait.ge [sflag:s12], $0x2800  }
0x9f: {  	[sflag:s12] =	ssyncset.done $0x0  }
0xa0: {  	s11 =	rddreg [dreg:$0x1b];
	[sflag:s12] =	ssyncadd.s32 $0xFFFFD800  }
0xa1: {  	[tilespmem:s17], [sflag:$0x2] =	stream.indirect.gather [hbm4b:s4+s15], $0x80, s11, s15, $0xb8;
	[tilespmem:$0x1F880] =	vst v63  }
0xa2: {  	_ =	swait.ge [sflag:s22], $0x2800  }
0xa3: {  	[sflag:s22] =	ssyncset.done $0x0  }
0xa4: {  	s13 =	rddreg [dreg:$0x1c];
	[sflag:s22] =	ssyncadd.s32 $0xFFFFD800  }
0xa5: {  	[spmem:s2] =	stream.indirect.scatter.add.f32 [tilespmem:s18], [sflag:$0x5], $0x80, s13, s15, $0xb8;
	[tilespmem:$0x1F880] =	vst v63  }
0xa6: {  	_ =	swait.ge [sflag:s12], $0x2800  }
0xa7: {  	[sflag:s12] =	ssyncset.done $0x0  }
0xa8: {  	s10 =	rddreg [dreg:$0x1d];
	[sflag:s12] =	ssyncadd.s32 $0xFFFFD800  }
0xa9: {  	[tilespmem:s18], [sflag:$0x3] =	stream.indirect.gather [hbm4b:s4+s15], $0x80, s10, s15, $0xb8;
	[tilespmem:$0x1F880] =	vst v63  }
0xaa: {  	_ =	swait.ge [sflag:s23], $0x2800  }
0xab: {  	[sflag:s23] =	ssyncset.done $0x0  }
0xac: {  	s11 =	rddreg [dreg:$0x1e];
	[sflag:s23] =	ssyncadd.s32 $0xFFFFD800  }
0xad: {  	[spmem:s2] =	stream.indirect.scatter.add.f32 [tilespmem:s19], [sflag:$0x5], $0x80, s11, s15, $0xb8;
	[tilespmem:$0x1F880] =	vst v63  }
0xae: {  	_ =	swait.ge [sflag:s12], $0x2800  }
0xaf: {  	[sflag:s12] =	ssyncset.done $0x0  }
0xb0: {  	s13 =	rddreg [dreg:$0x1f];
	[sflag:s12] =	ssyncadd.s32 $0xFFFFD800  }
0xb1: {  	[tilespmem:s19], [sflag:$0x4] =	stream.indirect.gather [hbm4b:s4+s15], $0x80, s13, s15, $0xb8;
	[tilespmem:$0x1F880] =	vst v63  }
0xb2: {  	_ =	swait.ge [sflag:s20], $0x2800  }
0xb3: {  	s10 =	sld [smem:$0x7F1]  }
0xb4: {  	[sflag:s20] =	ssyncset.done $0x0  }
0xb5: {  	[sflag:s20] =	ssyncadd.s32 $0xFFFFD800  }
0xb6: {  	[spmem:s2] =	stream.indirect.scatter.add.f32 [tilespmem:s16], [sflag:$0x5], $0x80, s10, s15, $0xb8;
	[tilespmem:$0x1F880] =	vst v63  }
0xb7: {  	_ =	swait.ge [sflag:s12], $0x2800  }
0xb8: {  	s11 =	sld [smem:$0x7F2]  }
0xb9: {  	[sflag:s12] =	ssyncset.done $0x0  }
0xba: {  	[sflag:s12] =	ssyncadd.s32 $0xFFFFD800  }
0xbb: {  	[tilespmem:s16], [sflag:$0x1] =	stream.indirect.gather [hbm4b:s4+s15], $0x80, s11, s15, $0xb8;
	[tilespmem:$0x1F880] =	vst v63  }
0xbc: {  	_ =	swait.ge [sflag:s21], $0x2800  }
0xbd: {  	s13 =	sld [smem:$0x7F3]  }
0xbe: {  	[sflag:s21] =	ssyncset.done $0x0  }
0xbf: {  	[sflag:s21] =	ssyncadd.s32 $0xFFFFD800  }
0xc0: {  	[spmem:s2] =	stream.indirect.scatter.add.f32 [tilespmem:s17], [sflag:$0x5], $0x80, s13, s15, $0xb8;
	[tilespmem:$0x1F880] =	vst v63  }
0xc1: {  	_ =	swait.ge [sflag:s12], $0x2800  }
0xc2: {  	s10 =	sld [smem:$0x7F4]  }
0xc3: {  	[sflag:s12] =	ssyncset.done $0x0  }
0xc4: {  	[sflag:s12] =	ssyncadd.s32 $0xFFFFD800  }
0xc5: {  	[tilespmem:s17], [sflag:$0x2] =	stream.indirect.gather [hbm4b:s4+s15], $0x80, s10, s15, $0xb8;
	[tilespmem:$0x1F880] =	vst v63  }
0xc6: {  	_ =	swait.ge [sflag:s22], $0x2800  }
0xc7: {  	s11 =	sld [smem:$0x7F5]  }
0xc8: {  	[sflag:s22] =	ssyncset.done $0x0  }
0xc9: {  	[sflag:s22] =	ssyncadd.s32 $0xFFFFD800  }
0xca: {  	[spmem:s2] =	stream.indirect.scatter.add.f32 [tilespmem:s18], [sflag:$0x5], $0x80, s11, s15, $0xb8;
	[tilespmem:$0x1F880] =	vst v63  }
0xcb: {  	_ =	swait.ge [sflag:s12], $0x2800  }
0xcc: {  	s13 =	sld [smem:$0x7F6]  }
0xcd: {  	[sflag:s12] =	ssyncset.done $0x0  }
0xce: {  	[sflag:s12] =	ssyncadd.s32 $0xFFFFD800  }
0xcf: {  	[tilespmem:s18], [sflag:$0x3] =	stream.indirect.gather [hbm4b:s4+s15], $0x80, s13, s15, $0xb8;
	[tilespmem:$0x1F880] =	vst v63  }
0xd0: {  	_ =	swait.ge [sflag:s23], $0x2800  }
0xd1: {  	s10 =	sld [smem:$0x7F7]  }
0xd2: {  	[sflag:s23] =	ssyncset.done $0x0  }
0xd3: {  	[sflag:s23] =	ssyncadd.s32 $0xFFFFD800  }
0xd4: {  	[spmem:s2] =	stream.indirect.scatter.add.f32 [tilespmem:s19], [sflag:$0x5], $0x80, s10, s15, $0xb8;
	[tilespmem:$0x1F880] =	vst v63  }
0xd5: {  	_ =	swait.ge [sflag:s12], $0x2800  }
0xd6: {  	s11 =	sld [smem:$0x7F8]  }
0xd7: {  	[sflag:s12] =	ssyncset.done $0x0  }
0xd8: {  	[sflag:s12] =	ssyncadd.s32 $0xFFFFD800  }
0xd9: {  	[tilespmem:s19], [sflag:$0x4] =	stream.indirect.gather [hbm4b:s4+s15], $0x80, s11, s15, $0xb8;
	[tilespmem:$0x1F880] =	vst v63  }
0xda: {  	_ =	swait.ge [sflag:s20], $0x2800  }
0xdb: {  	s13 =	sld [smem:$0x7F9]  }
0xdc: {  	[sflag:s20] =	ssyncset.done $0x0  }
0xdd: {  	[sflag:s20] =	ssyncadd.s32 $0xFFFFD800  }
0xde: {  	[spmem:s2] =	stream.indirect.scatter.add.f32 [tilespmem:s16], [sflag:$0x5], $0x80, s13, s15, $0xb8;
	[tilespmem:$0x1F880] =	vst v63  }
0xdf: {  	_ =	swait.ge [sflag:s12], $0x2800  }
0xe0: {  	[sflag:s12] =	ssyncset.done $0x0  }
0xe1: {  	[sflag:s12] =	ssyncadd.s32 $0xFFFFD800  }
0xe2: {  	[tilespmem:s16], [sflag:$0x1] =	stream.indirect.gather [hbm4b:s4+s15], $0x80, s24, s15, $0xb8;
	[tilespmem:$0x1F880] =	vst v63  }
0xe3: {  	_ =	swait.ge [sflag:s21], $0x2800  }
0xe4: {  	[sflag:s21] =	ssyncset.done $0x0  }
0xe5: {  	[sflag:s21] =	ssyncadd.s32 $0xFFFFD800  }
0xe6: {  	[spmem:s2] =	stream.indirect.scatter.add.f32 [tilespmem:s17], [sflag:$0x5], $0x80, s25, s15, $0xb8;
	[tilespmem:$0x1F880] =	vst v63  }
0xe7: {  	_ =	swait.ge [sflag:s12], $0x2800  }
0xe8: {  	[sflag:s12] =	ssyncset.done $0x0  }
0xe9: {  	[sflag:s12] =	ssyncadd.s32 $0xFFFFD800  }
0xea: {  	[tilespmem:s17], [sflag:$0x2] =	stream.indirect.gather [hbm4b:s4+s15], $0x80, s26, s15, $0xb8;
	[tilespmem:$0x1F880] =	vst v63  }
0xeb: {  	_ =	swait.ge [sflag:s22], $0x2800  }
0xec: {  	[sflag:s22] =	ssyncset.done $0x0  }
0xed: {  	[sflag:s22] =	ssyncadd.s32 $0xFFFFD800  }
0xee: {  	[spmem:s2] =	stream.indirect.scatter.add.f32 [tilespmem:s18], [sflag:$0x5], $0x80, s28, s15, $0xb8;
	[tilespmem:$0x1F880] =	vst v63  }
0xef: {  	_ =	swait.ge [sflag:s12], $0x2800  }
0xf0: {  	[sflag:s12] =	ssyncset.done $0x0  }
0xf1: {  	[sflag:s12] =	ssyncadd.s32 $0xFFFFD800  }
0xf2: {  	[tilespmem:s18], [sflag:$0x3] =	stream.indirect.gather [hbm4b:s4+s15], $0x80, s29, s15, $0xb8;
	[tilespmem:$0x1F880] =	vst v63  }
0xf3: {  	_ =	swait.ge [sflag:s23], $0x2800  }
0xf4: {  	[sflag:s23] =	ssyncset.done $0x0  }
0xf5: {  	[sflag:s23] =	ssyncadd.s32 $0xFFFFD800  }
0xf6: {  	[spmem:s2] =	stream.indirect.scatter.add.f32 [tilespmem:s19], [sflag:$0x5], $0x80, s30, s15, $0xb8;
	[tilespmem:$0x1F880] =	vst v63  }
0xf7: {  	_ =	swait.ge [sflag:s12], $0x2800  }
0xf8: {  	[sflag:s12] =	ssyncset.done $0x0  }
0xf9: {  	[sflag:s12] =	ssyncadd.s32 $0xFFFFD800  }
0xfa: {  	[tilespmem:s19], [sflag:$0x4] =	stream.indirect.gather [hbm4b:s4+s15], $0x80, s31, s15, $0xb8;
	[tilespmem:$0x1F880] =	vst v63  }
0xfb: {  	_ =	swait.ge [sflag:s20], $0x2800  }
0xfc: {  	[sflag:s20] =	ssyncset.done $0x0  }
0xfd: {  	[sflag:s20] =	ssyncadd.s32 $0xFFFFD800  }
0xfe: {  	[spmem:s2] =	stream.indirect.scatter.add.f32 [tilespmem:s16], [sflag:$0x5], $0x80, s1, s15, $0xb8;
	[tilespmem:$0x1F880] =	vst v63  }
0xff: {  	_ =	swait.ge [sflag:s12], $0x2800  }
0x100: {  	[sflag:s12] =	ssyncset.done $0x0  }
0x101: {  	[sflag:s12] =	ssyncadd.s32 $0xFFFFD800  }
0x102: {  	[tilespmem:s16], [sflag:$0x1] =	stream.indirect.gather [hbm4b:s4+s15], $0x80, s0, s15, $0xb8;
	[tilespmem:$0x1F880] =	vst v63  }
0x103: {  	_ =	swait.ge [sflag:s21], $0x2800  }
0x104: {  	[sflag:s21] =	ssyncset.done $0x0  }
0x105: {  	[sflag:s21] =	ssyncadd.s32 $0xFFFFD800  }
0x106: {  	[spmem:s2] =	stream.indirect.scatter.add.f32 [tilespmem:s17], [sflag:$0x5], $0x80, s5, s15, $0xb8;
	[tilespmem:$0x1F880] =	vst v63  }
0x107: {  	_ =	swait.ge [sflag:s12], $0x2800  }
0x108: {  	[sflag:s12] =	ssyncset.done $0x0  }
0x109: {  	[sflag:s12] =	ssyncadd.s32 $0xFFFFD800  }
0x10a: {  	_ =	swait.ge [sflag:s22], $0x2800  }
0x10b: {  	[sflag:s22] =	ssyncset.done $0x0  }
0x10c: {  	[sflag:s22] =	ssyncadd.s32 $0xFFFFD800  }
0x10d: {  	[spmem:s2] =	stream.indirect.scatter.add.f32 [tilespmem:s18], [sflag:$0x5], $0x80, s7, s15, $0xb8;
	[tilespmem:$0x1F880] =	vst v63  }
0x10e: {  	_ =	swait.ge [sflag:s12], $0x2800  }
0x10f: {  	[sflag:s12] =	ssyncset.done $0x0  }
0x110: {  	[sflag:s12] =	ssyncadd.s32 $0xFFFFD800  }
0x111: {  	_ =	swait.ge [sflag:s23], $0x2800  }
0x112: {  	[sflag:s23] =	ssyncset.done $0x0  }
0x113: {  	[sflag:s23] =	ssyncadd.s32 $0xFFFFD800  }
0x114: {  	[spmem:s2] =	stream.indirect.scatter.add.f32 [tilespmem:s19], [sflag:$0x5], $0x80, s8, s15, $0xb8;
	[tilespmem:$0x1F880] =	vst v63  }
0x115: {  	_ =	swait.ge [sflag:s12], $0x2800  }
0x116: {  	[sflag:s12] =	ssyncset.done $0x0  }
0x117: {  	[sflag:s12] =	ssyncadd.s32 $0xFFFFD800  }
0x118: {  	_ =	swait.ge [sflag:s20], $0x2800  }
0x119: {  	[sflag:s20] =	ssyncset.done $0x0  }
0x11a: {  	[sflag:s20] =	ssyncadd.s32 $0xFFFFD800  }
0x11b: {  	[spmem:s2] =	stream.indirect.scatter.add.f32 [tilespmem:s16], [sflag:$0x5], $0x80, s9, s15, $0xb8;
	[tilespmem:$0x1F880] =	vst v63  }
0x11c: {  	s11 =	simm.s32 $0x200;
	_ =	swait.ge [sflag:s12], $0x2800  }
0x11d: {  	s13 =	simm.s32 $0x400;
	s6 =	rddreg [dreg:$0x5];
	[sflag:s12] =	ssyncset.done $0x0  }
.LBB2_2:
0x11e: {  	[sflag:s12] =	ssyncadd.s32 $0xFFFFD800;
	s6 =	sadd.s32 s11, s6  }
0x11f: {  	[tilespmem:s3], [sflag:$0x5] =	stream.linear.gather [hbm4b:s6+s3], $0xC80, $0x38;
	[tilespmem:$0x1F880] =	vst v63  }
0x120: {  	_ =	swait.ge [sflag:s12], $0xC80  }
0x121: {  	s6 =	rddreg [dreg:$0x4];
	[sflag:s12] =	ssyncset.done $0x0  }
0x122: {  	[sflag:s12] =	ssyncadd.s32 $0xFFFFF380;
	s6 =	sadd.s32 s11, s6  }
0x123: {  	[tilespmem:s14], [sflag:$0x5] =	stream.linear.gather [hbm4b:s6+s3], $0xC80, $0x38;
	[tilespmem:$0x1F880] =	vst v63  }
0x124: {  	_ =	swait.ge [sflag:s12], $0xC80  }
0x125: {  	[sflag:s12] =	ssyncset.done $0x0  }
0x126: {  	[sflag:s12] =	ssyncadd.s32 $0xFFFFF380  }
0x127: {  	[tilespmem:s16], [sflag:$0x1] =	stream.indirect.gather [hbm4b:s4+s15], $0x80, s3, s15, $0xb8;
	[tilespmem:$0x1F880] =	vst v63  }
0x128: {  	s10 =	smov.u32 s13;
	s6 =	rddreg [dreg:$0x6]  }
0x129: {  	[tilespmem:s17], [sflag:$0x2] =	stream.indirect.gather [hbm4b:s4+s15], $0x80, s6, s15, $0xb8;
	[tilespmem:$0x1F880] =	vst v63  }
0x12a: {  	s11 =	smov.u32 s10;
	s10 =	rddreg [dreg:$0x7]  }
0x12b: {  	[tilespmem:s18], [sflag:$0x3] =	stream.indirect.gather [hbm4b:s4+s15], $0x80, s10, s15, $0xb8;
	[tilespmem:$0x1F880] =	vst v63  }
0x12c: {  	s6 =	rddreg [dreg:$0x8]  }
0x12d: {  	[tilespmem:s19], [sflag:$0x4] =	stream.indirect.gather [hbm4b:s4+s15], $0x80, s6, s15, $0xb8;
	[tilespmem:$0x1F880] =	vst v63  }
0x12e: {  	_ =	swait.ge [sflag:s20], $0x2800  }
0x12f: {  	[sflag:s20] =	ssyncset.done $0x0  }
0x130: {  	[sflag:s20] =	ssyncadd.s32 $0xFFFFD800  }
0x131: {  	[spmem:s2] =	stream.indirect.scatter.add.f32 [tilespmem:s16], [sflag:$0x5], $0x80, s14, s15, $0xb8;
	[tilespmem:$0x1F880] =	vst v63  }
0x132: {  	_ =	swait.ge [sflag:s12], $0x2800  }
0x133: {  	[sflag:s12] =	ssyncset.done $0x0  }
0x134: {  	s10 =	rddreg [dreg:$0x9];
	[sflag:s12] =	ssyncadd.s32 $0xFFFFD800  }
0x135: {  	[tilespmem:s16], [sflag:$0x1] =	stream.indirect.gather [hbm4b:s4+s15], $0x80, s10, s15, $0xb8;
	[tilespmem:$0x1F880] =	vst v63  }
0x136: {  	_ =	swait.ge [sflag:s21], $0x2800  }
0x137: {  	[sflag:s21] =	ssyncset.done $0x0  }
0x138: {  	s10 =	rddreg [dreg:$0xa];
	[sflag:s21] =	ssyncadd.s32 $0xFFFFD800  }
0x139: {  	[spmem:s2] =	stream.indirect.scatter.add.f32 [tilespmem:s17], [sflag:$0x5], $0x80, s10, s15, $0xb8;
	[tilespmem:$0x1F880] =	vst v63  }
0x13a: {  	_ =	swait.ge [sflag:s12], $0x2800  }
0x13b: {  	[sflag:s12] =	ssyncset.done $0x0  }
0x13c: {  	s10 =	rddreg [dreg:$0xb];
	[sflag:s12] =	ssyncadd.s32 $0xFFFFD800  }
0x13d: {  	[tilespmem:s17], [sflag:$0x2] =	stream.indirect.gather [hbm4b:s4+s15], $0x80, s10, s15, $0xb8;
	[tilespmem:$0x1F880] =	vst v63  }
0x13e: {  	_ =	swait.ge [sflag:s22], $0x2800  }
0x13f: {  	[sflag:s22] =	ssyncset.done $0x0  }
0x140: {  	s10 =	rddreg [dreg:$0xc];
	[sflag:s22] =	ssyncadd.s32 $0xFFFFD800  }
0x141: {  	[spmem:s2] =	stream.indirect.scatter.add.f32 [tilespmem:s18], [sflag:$0x5], $0x80, s10, s15, $0xb8;
	[tilespmem:$0x1F880] =	vst v63  }
0x142: {  	_ =	swait.ge [sflag:s12], $0x2800  }
0x143: {  	[sflag:s12] =	ssyncset.done $0x0  }
0x144: {  	s10 =	rddreg [dreg:$0xd];
	[sflag:s12] =	ssyncadd.s32 $0xFFFFD800  }
0x145: {  	[tilespmem:s18], [sflag:$0x3] =	stream.indirect.gather [hbm4b:s4+s15], $0x80, s10, s15, $0xb8;
	[tilespmem:$0x1F880] =	vst v63  }
0x146: {  	_ =	swait.ge [sflag:s23], $0x2800  }
0x147: {  	[sflag:s23] =	ssyncset.done $0x0  }
0x148: {  	s10 =	rddreg [dreg:$0xe];
	[sflag:s23] =	ssyncadd.s32 $0xFFFFD800  }
0x149: {  	[spmem:s2] =	stream.indirect.scatter.add.f32 [tilespmem:s19], [sflag:$0x5], $0x80, s10, s15, $0xb8;
	[tilespmem:$0x1F880] =	vst v63  }
0x14a: {  	_ =	swait.ge [sflag:s12], $0x2800  }
0x14b: {  	[sflag:s12] =	ssyncset.done $0x0  }
0x14c: {  	s10 =	rddreg [dreg:$0xf];
	[sflag:s12] =	ssyncadd.s32 $0xFFFFD800  }
0x14d: {  	[tilespmem:s19], [sflag:$0x4] =	stream.indirect.gather [hbm4b:s4+s15], $0x80, s10, s15, $0xb8;
	[tilespmem:$0x1F880] =	vst v63  }
0x14e: {  	_ =	swait.ge [sflag:s20], $0x2800  }
0x14f: {  	[sflag:s20] =	ssyncset.done $0x0  }
0x150: {  	s10 =	rddreg [dreg:$0x10];
	[sflag:s20] =	ssyncadd.s32 $0xFFFFD800  }
0x151: {  	[spmem:s2] =	stream.indirect.scatter.add.f32 [tilespmem:s16], [sflag:$0x5], $0x80, s10, s15, $0xb8;
	[tilespmem:$0x1F880] =	vst v63  }
0x152: {  	_ =	swait.ge [sflag:s12], $0x2800  }
0x153: {  	[sflag:s12] =	ssyncset.done $0x0  }
0x154: {  	s10 =	rddreg [dreg:$0x11];
	[sflag:s12] =	ssyncadd.s32 $0xFFFFD800  }
0x155: {  	[tilespmem:s16], [sflag:$0x1] =	stream.indirect.gather [hbm4b:s4+s15], $0x80, s10, s15, $0xb8;
	[tilespmem:$0x1F880] =	vst v63  }
0x156: {  	_ =	swait.ge [sflag:s21], $0x2800  }
0x157: {  	[sflag:s21] =	ssyncset.done $0x0  }
0x158: {  	s10 =	rddreg [dreg:$0x12];
	[sflag:s21] =	ssyncadd.s32 $0xFFFFD800  }
0x159: {  	[spmem:s2] =	stream.indirect.scatter.add.f32 [tilespmem:s17], [sflag:$0x5], $0x80, s10, s15, $0xb8;
	[tilespmem:$0x1F880] =	vst v63  }
0x15a: {  	_ =	swait.ge [sflag:s12], $0x2800  }
0x15b: {  	[sflag:s12] =	ssyncset.done $0x0  }
0x15c: {  	s10 =	rddreg [dreg:$0x13];
	[sflag:s12] =	ssyncadd.s32 $0xFFFFD800  }
0x15d: {  	[tilespmem:s17], [sflag:$0x2] =	stream.indirect.gather [hbm4b:s4+s15], $0x80, s10, s15, $0xb8;
	[tilespmem:$0x1F880] =	vst v63  }
0x15e: {  	_ =	swait.ge [sflag:s22], $0x2800  }
0x15f: {  	[sflag:s22] =	ssyncset.done $0x0  }
0x160: {  	s10 =	rddreg [dreg:$0x14];
	[sflag:s22] =	ssyncadd.s32 $0xFFFFD800  }
0x161: {  	[spmem:s2] =	stream.indirect.scatter.add.f32 [tilespmem:s18], [sflag:$0x5], $0x80, s10, s15, $0xb8;
	[tilespmem:$0x1F880] =	vst v63  }
0x162: {  	_ =	swait.ge [sflag:s12], $0x2800  }
0x163: {  	[sflag:s12] =	ssyncset.done $0x0  }
0x164: {  	s10 =	rddreg [dreg:$0x15];
	[sflag:s12] =	ssyncadd.s32 $0xFFFFD800  }
0x165: {  	[tilespmem:s18], [sflag:$0x3] =	stream.indirect.gather [hbm4b:s4+s15], $0x80, s10, s15, $0xb8;
	[tilespmem:$0x1F880] =	vst v63  }
0x166: {  	_ =	swait.ge [sflag:s23], $0x2800  }
0x167: {  	[sflag:s23] =	ssyncset.done $0x0  }
0x168: {  	s10 =	rddreg [dreg:$0x16];
	[sflag:s23] =	ssyncadd.s32 $0xFFFFD800  }
0x169: {  	[spmem:s2] =	stream.indirect.scatter.add.f32 [tilespmem:s19], [sflag:$0x5], $0x80, s10, s15, $0xb8;
	[tilespmem:$0x1F880] =	vst v63  }
0x16a: {  	_ =	swait.ge [sflag:s12], $0x2800  }
0x16b: {  	[sflag:s12] =	ssyncset.done $0x0  }
0x16c: {  	s10 =	rddreg [dreg:$0x17];
	[sflag:s12] =	ssyncadd.s32 $0xFFFFD800  }
0x16d: {  	[tilespmem:s19], [sflag:$0x4] =	stream.indirect.gather [hbm4b:s4+s15], $0x80, s10, s15, $0xb8;
	[tilespmem:$0x1F880] =	vst v63  }
0x16e: {  	_ =	swait.ge [sflag:s20], $0x2800  }
0x16f: {  	[sflag:s20] =	ssyncset.done $0x0  }
0x170: {  	s10 =	rddreg [dreg:$0x18];
	[sflag:s20] =	ssyncadd.s32 $0xFFFFD800  }
0x171: {  	[spmem:s2] =	stream.indirect.scatter.add.f32 [tilespmem:s16], [sflag:$0x5], $0x80, s10, s15, $0xb8;
	[tilespmem:$0x1F880] =	vst v63  }
0x172: {  	_ =	swait.ge [sflag:s12], $0x2800  }
0x173: {  	[sflag:s12] =	ssyncset.done $0x0  }
0x174: {  	s10 =	rddreg [dreg:$0x19];
	[sflag:s12] =	ssyncadd.s32 $0xFFFFD800  }
0x175: {  	[tilespmem:s16], [sflag:$0x1] =	stream.indirect.gather [hbm4b:s4+s15], $0x80, s10, s15, $0xb8;
	[tilespmem:$0x1F880] =	vst v63  }
0x176: {  	_ =	swait.ge [sflag:s21], $0x2800  }
0x177: {  	[sflag:s21] =	ssyncset.done $0x0  }
0x178: {  	s10 =	rddreg [dreg:$0x1a];
	[sflag:s21] =	ssyncadd.s32 $0xFFFFD800  }
0x179: {  	[spmem:s2] =	stream.indirect.scatter.add.f32 [tilespmem:s17], [sflag:$0x5], $0x80, s10, s15, $0xb8;
	[tilespmem:$0x1F880] =	vst v63  }
0x17a: {  	_ =	swait.ge [sflag:s12], $0x2800  }
0x17b: {  	[sflag:s12] =	ssyncset.done $0x0  }
0x17c: {  	s10 =	rddreg [dreg:$0x1b];
	[sflag:s12] =	ssyncadd.s32 $0xFFFFD800  }
0x17d: {  	[tilespmem:s17], [sflag:$0x2] =	stream.indirect.gather [hbm4b:s4+s15], $0x80, s10, s15, $0xb8;
	[tilespmem:$0x1F880] =	vst v63  }
0x17e: {  	_ =	swait.ge [sflag:s22], $0x2800  }
0x17f: {  	[sflag:s22] =	ssyncset.done $0x0  }
0x180: {  	s10 =	rddreg [dreg:$0x1c];
	[sflag:s22] =	ssyncadd.s32 $0xFFFFD800  }
0x181: {  	[spmem:s2] =	stream.indirect.scatter.add.f32 [tilespmem:s18], [sflag:$0x5], $0x80, s10, s15, $0xb8;
	[tilespmem:$0x1F880] =	vst v63  }
0x182: {  	_ =	swait.ge [sflag:s12], $0x2800  }
0x183: {  	[sflag:s12] =	ssyncset.done $0x0  }
0x184: {  	s10 =	rddreg [dreg:$0x1d];
	[sflag:s12] =	ssyncadd.s32 $0xFFFFD800  }
0x185: {  	[tilespmem:s18], [sflag:$0x3] =	stream.indirect.gather [hbm4b:s4+s15], $0x80, s10, s15, $0xb8;
	[tilespmem:$0x1F880] =	vst v63  }
0x186: {  	_ =	swait.ge [sflag:s23], $0x2800  }
0x187: {  	[sflag:s23] =	ssyncset.done $0x0  }
0x188: {  	s10 =	rddreg [dreg:$0x1e];
	[sflag:s23] =	ssyncadd.s32 $0xFFFFD800  }
0x189: {  	[spmem:s2] =	stream.indirect.scatter.add.f32 [tilespmem:s19], [sflag:$0x5], $0x80, s10, s15, $0xb8;
	[tilespmem:$0x1F880] =	vst v63  }
0x18a: {  	_ =	swait.ge [sflag:s12], $0x2800  }
0x18b: {  	[sflag:s12] =	ssyncset.done $0x0  }
0x18c: {  	s10 =	rddreg [dreg:$0x1f];
	[sflag:s12] =	ssyncadd.s32 $0xFFFFD800  }
0x18d: {  	[tilespmem:s19], [sflag:$0x4] =	stream.indirect.gather [hbm4b:s4+s15], $0x80, s10, s15, $0xb8;
	[tilespmem:$0x1F880] =	vst v63  }
0x18e: {  	_ =	swait.ge [sflag:s20], $0x2800  }
0x18f: {  	s10 =	sld [smem:$0x7F1]  }
0x190: {  	[sflag:s20] =	ssyncset.done $0x0  }
0x191: {  	[sflag:s20] =	ssyncadd.s32 $0xFFFFD800  }
0x192: {  	[spmem:s2] =	stream.indirect.scatter.add.f32 [tilespmem:s16], [sflag:$0x5], $0x80, s10, s15, $0xb8;
	[tilespmem:$0x1F880] =	vst v63  }
0x193: {  	_ =	swait.ge [sflag:s12], $0x2800  }
0x194: {  	s10 =	sld [smem:$0x7F2]  }
0x195: {  	[sflag:s12] =	ssyncset.done $0x0  }
0x196: {  	[sflag:s12] =	ssyncadd.s32 $0xFFFFD800  }
0x197: {  	[tilespmem:s16], [sflag:$0x1] =	stream.indirect.gather [hbm4b:s4+s15], $0x80, s10, s15, $0xb8;
	[tilespmem:$0x1F880] =	vst v63  }
0x198: {  	_ =	swait.ge [sflag:s21], $0x2800  }
0x199: {  	s10 =	sld [smem:$0x7F3]  }
0x19a: {  	[sflag:s21] =	ssyncset.done $0x0  }
0x19b: {  	[sflag:s21] =	ssyncadd.s32 $0xFFFFD800  }
0x19c: {  	[spmem:s2] =	stream.indirect.scatter.add.f32 [tilespmem:s17], [sflag:$0x5], $0x80, s10, s15, $0xb8;
	[tilespmem:$0x1F880] =	vst v63  }
0x19d: {  	_ =	swait.ge [sflag:s12], $0x2800  }
0x19e: {  	s10 =	sld [smem:$0x7F4]  }
0x19f: {  	[sflag:s12] =	ssyncset.done $0x0  }
0x1a0: {  	[sflag:s12] =	ssyncadd.s32 $0xFFFFD800  }
0x1a1: {  	[tilespmem:s17], [sflag:$0x2] =	stream.indirect.gather [hbm4b:s4+s15], $0x80, s10, s15, $0xb8;
	[tilespmem:$0x1F880] =	vst v63  }
0x1a2: {  	_ =	swait.ge [sflag:s22], $0x2800  }
0x1a3: {  	s10 =	sld [smem:$0x7F5]  }
0x1a4: {  	[sflag:s22] =	ssyncset.done $0x0  }
0x1a5: {  	[sflag:s22] =	ssyncadd.s32 $0xFFFFD800  }
0x1a6: {  	[spmem:s2] =	stream.indirect.scatter.add.f32 [tilespmem:s18], [sflag:$0x5], $0x80, s10, s15, $0xb8;
	[tilespmem:$0x1F880] =	vst v63  }
0x1a7: {  	_ =	swait.ge [sflag:s12], $0x2800  }
0x1a8: {  	s10 =	sld [smem:$0x7F6]  }
0x1a9: {  	[sflag:s12] =	ssyncset.done $0x0  }
0x1aa: {  	[sflag:s12] =	ssyncadd.s32 $0xFFFFD800  }
0x1ab: {  	[tilespmem:s18], [sflag:$0x3] =	stream.indirect.gather [hbm4b:s4+s15], $0x80, s10, s15, $0xb8;
	[tilespmem:$0x1F880] =	vst v63  }
0x1ac: {  	_ =	swait.ge [sflag:s23], $0x2800  }
0x1ad: {  	s10 =	sld [smem:$0x7F7]  }
0x1ae: {  	[sflag:s23] =	ssyncset.done $0x0  }
0x1af: {  	[sflag:s23] =	ssyncadd.s32 $0xFFFFD800  }
0x1b0: {  	[spmem:s2] =	stream.indirect.scatter.add.f32 [tilespmem:s19], [sflag:$0x5], $0x80, s10, s15, $0xb8;
	[tilespmem:$0x1F880] =	vst v63  }
0x1b1: {  	_ =	swait.ge [sflag:s12], $0x2800  }
0x1b2: {  	s10 =	sld [smem:$0x7F8]  }
0x1b3: {  	[sflag:s12] =	ssyncset.done $0x0  }
0x1b4: {  	[sflag:s12] =	ssyncadd.s32 $0xFFFFD800  }
0x1b5: {  	[tilespmem:s19], [sflag:$0x4] =	stream.indirect.gather [hbm4b:s4+s15], $0x80, s10, s15, $0xb8;
	[tilespmem:$0x1F880] =	vst v63  }
0x1b6: {  	_ =	swait.ge [sflag:s20], $0x2800  }
0x1b7: {  	s10 =	sld [smem:$0x7F9]  }
0x1b8: {  	[sflag:s20] =	ssyncset.done $0x0  }
0x1b9: {  	[sflag:s20] =	ssyncadd.s32 $0xFFFFD800  }
0x1ba: {  	[spmem:s2] =	stream.indirect.scatter.add.f32 [tilespmem:s16], [sflag:$0x5], $0x80, s10, s15, $0xb8;
	[tilespmem:$0x1F880] =	vst v63  }
0x1bb: {  	_ =	swait.ge [sflag:s12], $0x2800  }
0x1bc: {  	[sflag:s12] =	ssyncset.done $0x0  }
0x1bd: {  	[sflag:s12] =	ssyncadd.s32 $0xFFFFD800  }
0x1be: {  	[tilespmem:s16], [sflag:$0x1] =	stream.indirect.gather [hbm4b:s4+s15], $0x80, s24, s15, $0xb8;
	[tilespmem:$0x1F880] =	vst v63  }
0x1bf: {  	_ =	swait.ge [sflag:s21], $0x2800  }
0x1c0: {  	[sflag:s21] =	ssyncset.done $0x0  }
0x1c1: {  	[sflag:s21] =	ssyncadd.s32 $0xFFFFD800  }
0x1c2: {  	[spmem:s2] =	stream.indirect.scatter.add.f32 [tilespmem:s17], [sflag:$0x5], $0x80, s25, s15, $0xb8;
	[tilespmem:$0x1F880] =	vst v63  }
0x1c3: {  	_ =	swait.ge [sflag:s12], $0x2800  }
0x1c4: {  	[sflag:s12] =	ssyncset.done $0x0  }
0x1c5: {  	[sflag:s12] =	ssyncadd.s32 $0xFFFFD800  }
0x1c6: {  	[tilespmem:s17], [sflag:$0x2] =	stream.indirect.gather [hbm4b:s4+s15], $0x80, s26, s15, $0xb8;
	[tilespmem:$0x1F880] =	vst v63  }
0x1c7: {  	_ =	swait.ge [sflag:s22], $0x2800  }
0x1c8: {  	[sflag:s22] =	ssyncset.done $0x0  }
0x1c9: {  	[sflag:s22] =	ssyncadd.s32 $0xFFFFD800  }
0x1ca: {  	[spmem:s2] =	stream.indirect.scatter.add.f32 [tilespmem:s18], [sflag:$0x5], $0x80, s28, s15, $0xb8;
	[tilespmem:$0x1F880] =	vst v63  }
0x1cb: {  	_ =	swait.ge [sflag:s12], $0x2800  }
0x1cc: {  	[sflag:s12] =	ssyncset.done $0x0  }
0x1cd: {  	[sflag:s12] =	ssyncadd.s32 $0xFFFFD800  }
0x1ce: {  	[tilespmem:s18], [sflag:$0x3] =	stream.indirect.gather [hbm4b:s4+s15], $0x80, s29, s15, $0xb8;
	[tilespmem:$0x1F880] =	vst v63  }
0x1cf: {  	_ =	swait.ge [sflag:s23], $0x2800  }
0x1d0: {  	[sflag:s23] =	ssyncset.done $0x0  }
0x1d1: {  	[sflag:s23] =	ssyncadd.s32 $0xFFFFD800  }
0x1d2: {  	[spmem:s2] =	stream.indirect.scatter.add.f32 [tilespmem:s19], [sflag:$0x5], $0x80, s30, s15, $0xb8;
	[tilespmem:$0x1F880] =	vst v63  }
0x1d3: {  	_ =	swait.ge [sflag:s12], $0x2800  }
0x1d4: {  	[sflag:s12] =	ssyncset.done $0x0  }
0x1d5: {  	[sflag:s12] =	ssyncadd.s32 $0xFFFFD800  }
0x1d6: {  	[tilespmem:s19], [sflag:$0x4] =	stream.indirect.gather [hbm4b:s4+s15], $0x80, s31, s15, $0xb8;
	[tilespmem:$0x1F880] =	vst v63  }
0x1d7: {  	_ =	swait.ge [sflag:s20], $0x2800  }
0x1d8: {  	[sflag:s20] =	ssyncset.done $0x0  }
0x1d9: {  	[sflag:s20] =	ssyncadd.s32 $0xFFFFD800  }
0x1da: {  	[spmem:s2] =	stream.indirect.scatter.add.f32 [tilespmem:s16], [sflag:$0x5], $0x80, s1, s15, $0xb8;
	[tilespmem:$0x1F880] =	vst v63  }
0x1db: {  	_ =	swait.ge [sflag:s12], $0x2800  }
0x1dc: {  	[sflag:s12] =	ssyncset.done $0x0  }
0x1dd: {  	[sflag:s12] =	ssyncadd.s32 $0xFFFFD800  }
0x1de: {  	[tilespmem:s16], [sflag:$0x1] =	stream.indirect.gather [hbm4b:s4+s15], $0x80, s0, s15, $0xb8;
	[tilespmem:$0x1F880] =	vst v63  }
0x1df: {  	_ =	swait.ge [sflag:s21], $0x2800  }
0x1e0: {  	[sflag:s21] =	ssyncset.done $0x0  }
0x1e1: {  	[sflag:s21] =	ssyncadd.s32 $0xFFFFD800  }
0x1e2: {  	[spmem:s2] =	stream.indirect.scatter.add.f32 [tilespmem:s17], [sflag:$0x5], $0x80, s5, s15, $0xb8;
	[tilespmem:$0x1F880] =	vst v63  }
0x1e3: {  	_ =	swait.ge [sflag:s12], $0x2800  }
0x1e4: {  	[sflag:s12] =	ssyncset.done $0x0  }
0x1e5: {  	[sflag:s12] =	ssyncadd.s32 $0xFFFFD800  }
0x1e6: {  	_ =	swait.ge [sflag:s22], $0x2800  }
0x1e7: {  	[sflag:s22] =	ssyncset.done $0x0  }
0x1e8: {  	[sflag:s22] =	ssyncadd.s32 $0xFFFFD800  }
0x1e9: {  	[spmem:s2] =	stream.indirect.scatter.add.f32 [tilespmem:s18], [sflag:$0x5], $0x80, s7, s15, $0xb8;
	[tilespmem:$0x1F880] =	vst v63  }
0x1ea: {  	_ =	swait.ge [sflag:s12], $0x2800  }
0x1eb: {  	[sflag:s12] =	ssyncset.done $0x0  }
0x1ec: {  	[sflag:s12] =	ssyncadd.s32 $0xFFFFD800  }
0x1ed: {  	_ =	swait.ge [sflag:s23], $0x2800  }
0x1ee: {  	[sflag:s23] =	ssyncset.done $0x0  }
0x1ef: {  	[sflag:s23] =	ssyncadd.s32 $0xFFFFD800  }
0x1f0: {  	[spmem:s2] =	stream.indirect.scatter.add.f32 [tilespmem:s19], [sflag:$0x5], $0x80, s8, s15, $0xb8;
	[tilespmem:$0x1F880] =	vst v63  }
0x1f1: {  	_ =	swait.ge [sflag:s12], $0x2800  }
0x1f2: {  	[sflag:s12] =	ssyncset.done $0x0  }
0x1f3: {  	[sflag:s12] =	ssyncadd.s32 $0xFFFFD800  }
0x1f4: {  	p1 =	sne.s32 s13, $0x800;
	_ =	swait.ge [sflag:s20], $0x2800  }
.Ltmp0:
0x1f5: {  	[sflag:s20] =	ssyncset.done $0x0;
	(pc) =	sbr.rel @p1 .LBB2_2-.Ltmp0, $4  }
0x1f6: {  	[sflag:s20] =	ssyncadd.s32 $0xFFFFD800  }
0x1f7: {  	[spmem:s2] =	stream.indirect.scatter.add.f32 [tilespmem:s16], [sflag:$0x5], $0x80, s9, s15, $0xb8;
	[tilespmem:$0x1F880] =	vst v63  }
0x1f8: {  	_ =	swait.ge [sflag:s12], $0x2800  }
0x1f9: {  	s13 =	sadd.s32 $0x200, s13;
	s6 =	rddreg [dreg:$0x5];
	[sflag:s12] =	ssyncset.done $0x0  }
0x1fa: {  	[sflag:s12] =	ssyncadd.s32 $0xFFFFD800;
	s6 =	sadd.s32 s11, s6  }
0x1fb: {  	[tilespmem:s3], [sflag:$0x5] =	stream.linear.gather [hbm4b:s6+s3], $0xC80, $0x38;
	[tilespmem:$0x1F880] =	vst v63  }
0x1fc: {  	_ =	swait.ge [sflag:s12], $0xC80  }
0x1fd: {  	s10 =	rddreg [dreg:$0x4];
	[sflag:s12] =	ssyncset.done $0x0  }
0x1fe: {  	[sflag:s12] =	ssyncadd.s32 $0xFFFFF380;
	s6 =	sadd.s32 s11, s10  }
0x1ff: {  	[tilespmem:s14], [sflag:$0x5] =	stream.linear.gather [hbm4b:s6+s3], $0xC80, $0x38;
	[tilespmem:$0x1F880] =	vst v63  }
0x200: {  	_ =	swait.ge [sflag:s12], $0xC80  }
0x201: {  	[sflag:s12] =	ssyncset.done $0x0  }
0x202: {  	[sflag:s12] =	ssyncadd.s32 $0xFFFFF380  }
0x203: {  	[tilespmem:s16], [sflag:$0x1] =	stream.indirect.gather [hbm4b:s4+s15], $0x80, s3, s15, $0xb8;
	[tilespmem:$0x1F880] =	vst v63  }
0x204: {  	s11 =	rddreg [dreg:$0x6]  }
0x205: {  	[tilespmem:s17], [sflag:$0x2] =	stream.indirect.gather [hbm4b:s4+s15], $0x80, s11, s15, $0xb8;
	[tilespmem:$0x1F880] =	vst v63  }
0x206: {  	s10 =	rddreg [dreg:$0x7]  }
0x207: {  	[tilespmem:s18], [sflag:$0x3] =	stream.indirect.gather [hbm4b:s4+s15], $0x80, s10, s15, $0xb8;
	[tilespmem:$0x1F880] =	vst v63  }
0x208: {  	s13 =	rddreg [dreg:$0x8]  }
0x209: {  	[tilespmem:s19], [sflag:$0x4] =	stream.indirect.gather [hbm4b:s4+s15], $0x80, s13, s15, $0xb8;
	[tilespmem:$0x1F880] =	vst v63  }
0x20a: {  	_ =	swait.ge [sflag:s20], $0x2800  }
0x20b: {  	[sflag:s20] =	ssyncset.done $0x0  }
0x20c: {  	[sflag:s20] =	ssyncadd.s32 $0xFFFFD800  }
0x20d: {  	[spmem:s2] =	stream.indirect.scatter.add.f32 [tilespmem:s16], [sflag:$0x5], $0x80, s14, s15, $0xb8;
	[tilespmem:$0x1F880] =	vst v63  }
0x20e: {  	_ =	swait.ge [sflag:s12], $0x2800  }
0x20f: {  	[sflag:s12] =	ssyncset.done $0x0  }
0x210: {  	s11 =	rddreg [dreg:$0x9];
	[sflag:s12] =	ssyncadd.s32 $0xFFFFD800  }
0x211: {  	[tilespmem:s16], [sflag:$0x1] =	stream.indirect.gather [hbm4b:s4+s15], $0x80, s11, s15, $0xb8;
	[tilespmem:$0x1F880] =	vst v63  }
0x212: {  	_ =	swait.ge [sflag:s21], $0x2800  }
0x213: {  	[sflag:s21] =	ssyncset.done $0x0  }
0x214: {  	s13 =	rddreg [dreg:$0xa];
	[sflag:s21] =	ssyncadd.s32 $0xFFFFD800  }
0x215: {  	[spmem:s2] =	stream.indirect.scatter.add.f32 [tilespmem:s17], [sflag:$0x5], $0x80, s13, s15, $0xb8;
	[tilespmem:$0x1F880] =	vst v63  }
0x216: {  	_ =	swait.ge [sflag:s12], $0x2800  }
0x217: {  	[sflag:s12] =	ssyncset.done $0x0  }
0x218: {  	s10 =	rddreg [dreg:$0xb];
	[sflag:s12] =	ssyncadd.s32 $0xFFFFD800  }
0x219: {  	[tilespmem:s17], [sflag:$0x2] =	stream.indirect.gather [hbm4b:s4+s15], $0x80, s10, s15, $0xb8;
	[tilespmem:$0x1F880] =	vst v63  }
0x21a: {  	_ =	swait.ge [sflag:s22], $0x2800  }
0x21b: {  	[sflag:s22] =	ssyncset.done $0x0  }
0x21c: {  	s11 =	rddreg [dreg:$0xc];
	[sflag:s22] =	ssyncadd.s32 $0xFFFFD800  }
0x21d: {  	[spmem:s2] =	stream.indirect.scatter.add.f32 [tilespmem:s18], [sflag:$0x5], $0x80, s11, s15, $0xb8;
	[tilespmem:$0x1F880] =	vst v63  }
0x21e: {  	_ =	swait.ge [sflag:s12], $0x2800  }
0x21f: {  	[sflag:s12] =	ssyncset.done $0x0  }
0x220: {  	s13 =	rddreg [dreg:$0xd];
	[sflag:s12] =	ssyncadd.s32 $0xFFFFD800  }
0x221: {  	[tilespmem:s18], [sflag:$0x3] =	stream.indirect.gather [hbm4b:s4+s15], $0x80, s13, s15, $0xb8;
	[tilespmem:$0x1F880] =	vst v63  }
0x222: {  	_ =	swait.ge [sflag:s23], $0x2800  }
0x223: {  	[sflag:s23] =	ssyncset.done $0x0  }
0x224: {  	s10 =	rddreg [dreg:$0xe];
	[sflag:s23] =	ssyncadd.s32 $0xFFFFD800  }
0x225: {  	[spmem:s2] =	stream.indirect.scatter.add.f32 [tilespmem:s19], [sflag:$0x5], $0x80, s10, s15, $0xb8;
	[tilespmem:$0x1F880] =	vst v63  }
0x226: {  	_ =	swait.ge [sflag:s12], $0x2800  }
0x227: {  	[sflag:s12] =	ssyncset.done $0x0  }
0x228: {  	s11 =	rddreg [dreg:$0xf];
	[sflag:s12] =	ssyncadd.s32 $0xFFFFD800  }
0x229: {  	[tilespmem:s19], [sflag:$0x4] =	stream.indirect.gather [hbm4b:s4+s15], $0x80, s11, s15, $0xb8;
	[tilespmem:$0x1F880] =	vst v63  }
0x22a: {  	_ =	swait.ge [sflag:s20], $0x2800  }
0x22b: {  	[sflag:s20] =	ssyncset.done $0x0  }
0x22c: {  	s13 =	rddreg [dreg:$0x10];
	[sflag:s20] =	ssyncadd.s32 $0xFFFFD800  }
0x22d: {  	[spmem:s2] =	stream.indirect.scatter.add.f32 [tilespmem:s16], [sflag:$0x5], $0x80, s13, s15, $0xb8;
	[tilespmem:$0x1F880] =	vst v63  }
0x22e: {  	_ =	swait.ge [sflag:s12], $0x2800  }
0x22f: {  	[sflag:s12] =	ssyncset.done $0x0  }
0x230: {  	s10 =	rddreg [dreg:$0x11];
	[sflag:s12] =	ssyncadd.s32 $0xFFFFD800  }
0x231: {  	[tilespmem:s16], [sflag:$0x1] =	stream.indirect.gather [hbm4b:s4+s15], $0x80, s10, s15, $0xb8;
	[tilespmem:$0x1F880] =	vst v63  }
0x232: {  	_ =	swait.ge [sflag:s21], $0x2800  }
0x233: {  	[sflag:s21] =	ssyncset.done $0x0  }
0x234: {  	s11 =	rddreg [dreg:$0x12];
	[sflag:s21] =	ssyncadd.s32 $0xFFFFD800  }
0x235: {  	[spmem:s2] =	stream.indirect.scatter.add.f32 [tilespmem:s17], [sflag:$0x5], $0x80, s11, s15, $0xb8;
	[tilespmem:$0x1F880] =	vst v63  }
0x236: {  	_ =	swait.ge [sflag:s12], $0x2800  }
0x237: {  	[sflag:s12] =	ssyncset.done $0x0  }
0x238: {  	s13 =	rddreg [dreg:$0x13];
	[sflag:s12] =	ssyncadd.s32 $0xFFFFD800  }
0x239: {  	[tilespmem:s17], [sflag:$0x2] =	stream.indirect.gather [hbm4b:s4+s15], $0x80, s13, s15, $0xb8;
	[tilespmem:$0x1F880] =	vst v63  }
0x23a: {  	_ =	swait.ge [sflag:s22], $0x2800  }
0x23b: {  	[sflag:s22] =	ssyncset.done $0x0  }
0x23c: {  	s10 =	rddreg [dreg:$0x14];
	[sflag:s22] =	ssyncadd.s32 $0xFFFFD800  }
0x23d: {  	[spmem:s2] =	stream.indirect.scatter.add.f32 [tilespmem:s18], [sflag:$0x5], $0x80, s10, s15, $0xb8;
	[tilespmem:$0x1F880] =	vst v63  }
0x23e: {  	_ =	swait.ge [sflag:s12], $0x2800  }
0x23f: {  	[sflag:s12] =	ssyncset.done $0x0  }
0x240: {  	s11 =	rddreg [dreg:$0x15];
	[sflag:s12] =	ssyncadd.s32 $0xFFFFD800  }
0x241: {  	[tilespmem:s18], [sflag:$0x3] =	stream.indirect.gather [hbm4b:s4+s15], $0x80, s11, s15, $0xb8;
	[tilespmem:$0x1F880] =	vst v63  }
0x242: {  	_ =	swait.ge [sflag:s23], $0x2800  }
0x243: {  	[sflag:s23] =	ssyncset.done $0x0  }
0x244: {  	s13 =	rddreg [dreg:$0x16];
	[sflag:s23] =	ssyncadd.s32 $0xFFFFD800  }
0x245: {  	[spmem:s2] =	stream.indirect.scatter.add.f32 [tilespmem:s19], [sflag:$0x5], $0x80, s13, s15, $0xb8;
	[tilespmem:$0x1F880] =	vst v63  }
0x246: {  	_ =	swait.ge [sflag:s12], $0x2800  }
0x247: {  	[sflag:s12] =	ssyncset.done $0x0  }
0x248: {  	s10 =	rddreg [dreg:$0x17];
	[sflag:s12] =	ssyncadd.s32 $0xFFFFD800  }
0x249: {  	[tilespmem:s19], [sflag:$0x4] =	stream.indirect.gather [hbm4b:s4+s15], $0x80, s10, s15, $0xb8;
	[tilespmem:$0x1F880] =	vst v63  }
0x24a: {  	_ =	swait.ge [sflag:s20], $0x2800  }
0x24b: {  	[sflag:s20] =	ssyncset.done $0x0  }
0x24c: {  	s11 =	rddreg [dreg:$0x18];
	[sflag:s20] =	ssyncadd.s32 $0xFFFFD800  }
0x24d: {  	[spmem:s2] =	stream.indirect.scatter.add.f32 [tilespmem:s16], [sflag:$0x5], $0x80, s11, s15, $0xb8;
	[tilespmem:$0x1F880] =	vst v63  }
0x24e: {  	_ =	swait.ge [sflag:s12], $0x2800  }
0x24f: {  	[sflag:s12] =	ssyncset.done $0x0  }
0x250: {  	s13 =	rddreg [dreg:$0x19];
	[sflag:s12] =	ssyncadd.s32 $0xFFFFD800  }
0x251: {  	[tilespmem:s16], [sflag:$0x1] =	stream.indirect.gather [hbm4b:s4+s15], $0x80, s13, s15, $0xb8;
	[tilespmem:$0x1F880] =	vst v63  }
0x252: {  	_ =	swait.ge [sflag:s21], $0x2800  }
0x253: {  	[sflag:s21] =	ssyncset.done $0x0  }
0x254: {  	s10 =	rddreg [dreg:$0x1a];
	[sflag:s21] =	ssyncadd.s32 $0xFFFFD800  }
0x255: {  	[spmem:s2] =	stream.indirect.scatter.add.f32 [tilespmem:s17], [sflag:$0x5], $0x80, s10, s15, $0xb8;
	[tilespmem:$0x1F880] =	vst v63  }
0x256: {  	_ =	swait.ge [sflag:s12], $0x2800  }
0x257: {  	[sflag:s12] =	ssyncset.done $0x0  }
0x258: {  	s11 =	rddreg [dreg:$0x1b];
	[sflag:s12] =	ssyncadd.s32 $0xFFFFD800  }
0x259: {  	[tilespmem:s17], [sflag:$0x2] =	stream.indirect.gather [hbm4b:s4+s15], $0x80, s11, s15, $0xb8;
	[tilespmem:$0x1F880] =	vst v63  }
0x25a: {  	_ =	swait.ge [sflag:s22], $0x2800  }
0x25b: {  	[sflag:s22] =	ssyncset.done $0x0  }
0x25c: {  	s13 =	rddreg [dreg:$0x1c];
	[sflag:s22] =	ssyncadd.s32 $0xFFFFD800  }
0x25d: {  	[spmem:s2] =	stream.indirect.scatter.add.f32 [tilespmem:s18], [sflag:$0x5], $0x80, s13, s15, $0xb8;
	[tilespmem:$0x1F880] =	vst v63  }
0x25e: {  	_ =	swait.ge [sflag:s12], $0x2800  }
0x25f: {  	[sflag:s12] =	ssyncset.done $0x0  }
0x260: {  	s10 =	rddreg [dreg:$0x1d];
	[sflag:s12] =	ssyncadd.s32 $0xFFFFD800  }
0x261: {  	[tilespmem:s18], [sflag:$0x3] =	stream.indirect.gather [hbm4b:s4+s15], $0x80, s10, s15, $0xb8;
	[tilespmem:$0x1F880] =	vst v63  }
0x262: {  	_ =	swait.ge [sflag:s23], $0x2800  }
0x263: {  	[sflag:s23] =	ssyncset.done $0x0  }
0x264: {  	s11 =	rddreg [dreg:$0x1e];
	[sflag:s23] =	ssyncadd.s32 $0xFFFFD800  }
0x265: {  	[spmem:s2] =	stream.indirect.scatter.add.f32 [tilespmem:s19], [sflag:$0x5], $0x80, s11, s15, $0xb8;
	[tilespmem:$0x1F880] =	vst v63  }
0x266: {  	_ =	swait.ge [sflag:s12], $0x2800  }
0x267: {  	[sflag:s12] =	ssyncset.done $0x0  }
0x268: {  	s13 =	rddreg [dreg:$0x1f];
	[sflag:s12] =	ssyncadd.s32 $0xFFFFD800  }
0x269: {  	[tilespmem:s19], [sflag:$0x4] =	stream.indirect.gather [hbm4b:s4+s15], $0x80, s13, s15, $0xb8;
	[tilespmem:$0x1F880] =	vst v63  }
0x26a: {  	_ =	swait.ge [sflag:s20], $0x2800  }
0x26b: {  	s10 =	sld [smem:$0x7F1]  }
0x26c: {  	[sflag:s20] =	ssyncset.done $0x0  }
0x26d: {  	[sflag:s20] =	ssyncadd.s32 $0xFFFFD800  }
0x26e: {  	[spmem:s2] =	stream.indirect.scatter.add.f32 [tilespmem:s16], [sflag:$0x5], $0x80, s10, s15, $0xb8;
	[tilespmem:$0x1F880] =	vst v63  }
0x26f: {  	_ =	swait.ge [sflag:s12], $0x2800  }
0x270: {  	s11 =	sld [smem:$0x7F2]  }
0x271: {  	[sflag:s12] =	ssyncset.done $0x0  }
0x272: {  	[sflag:s12] =	ssyncadd.s32 $0xFFFFD800  }
0x273: {  	[tilespmem:s16], [sflag:$0x1] =	stream.indirect.gather [hbm4b:s4+s15], $0x80, s11, s15, $0xb8;
	[tilespmem:$0x1F880] =	vst v63  }
0x274: {  	_ =	swait.ge [sflag:s21], $0x2800  }
0x275: {  	s13 =	sld [smem:$0x7F3]  }
0x276: {  	[sflag:s21] =	ssyncset.done $0x0  }
0x277: {  	[sflag:s21] =	ssyncadd.s32 $0xFFFFD800  }
0x278: {  	[spmem:s2] =	stream.indirect.scatter.add.f32 [tilespmem:s17], [sflag:$0x5], $0x80, s13, s15, $0xb8;
	[tilespmem:$0x1F880] =	vst v63  }
0x279: {  	_ =	swait.ge [sflag:s12], $0x2800  }
0x27a: {  	s10 =	sld [smem:$0x7F4]  }
0x27b: {  	[sflag:s12] =	ssyncset.done $0x0  }
0x27c: {  	[sflag:s12] =	ssyncadd.s32 $0xFFFFD800  }
0x27d: {  	[tilespmem:s17], [sflag:$0x2] =	stream.indirect.gather [hbm4b:s4+s15], $0x80, s10, s15, $0xb8;
	[tilespmem:$0x1F880] =	vst v63  }
0x27e: {  	_ =	swait.ge [sflag:s22], $0x2800  }
0x27f: {  	s11 =	sld [smem:$0x7F5]  }
0x280: {  	[sflag:s22] =	ssyncset.done $0x0  }
0x281: {  	[sflag:s22] =	ssyncadd.s32 $0xFFFFD800  }
0x282: {  	[spmem:s2] =	stream.indirect.scatter.add.f32 [tilespmem:s18], [sflag:$0x5], $0x80, s11, s15, $0xb8;
	[tilespmem:$0x1F880] =	vst v63  }
0x283: {  	_ =	swait.ge [sflag:s12], $0x2800  }
0x284: {  	s13 =	sld [smem:$0x7F6]  }
0x285: {  	[sflag:s12] =	ssyncset.done $0x0  }
0x286: {  	[sflag:s12] =	ssyncadd.s32 $0xFFFFD800  }
0x287: {  	[tilespmem:s18], [sflag:$0x3] =	stream.indirect.gather [hbm4b:s4+s15], $0x80, s13, s15, $0xb8;
	[tilespmem:$0x1F880] =	vst v63  }
0x288: {  	_ =	swait.ge [sflag:s23], $0x2800  }
0x289: {  	s10 =	sld [smem:$0x7F7]  }
0x28a: {  	[sflag:s23] =	ssyncset.done $0x0  }
0x28b: {  	[sflag:s23] =	ssyncadd.s32 $0xFFFFD800  }
0x28c: {  	[spmem:s2] =	stream.indirect.scatter.add.f32 [tilespmem:s19], [sflag:$0x5], $0x80, s10, s15, $0xb8;
	[tilespmem:$0x1F880] =	vst v63  }
0x28d: {  	_ =	swait.ge [sflag:s12], $0x2800  }
0x28e: {  	s11 =	sld [smem:$0x7F8]  }
0x28f: {  	[sflag:s12] =	ssyncset.done $0x0  }
0x290: {  	[sflag:s12] =	ssyncadd.s32 $0xFFFFD800  }
0x291: {  	[tilespmem:s19], [sflag:$0x4] =	stream.indirect.gather [hbm4b:s4+s15], $0x80, s11, s15, $0xb8;
	[tilespmem:$0x1F880] =	vst v63  }
0x292: {  	_ =	swait.ge [sflag:s20], $0x2800  }
0x293: {  	s13 =	sld [smem:$0x7F9]  }
0x294: {  	[sflag:s20] =	ssyncset.done $0x0  }
0x295: {  	[sflag:s20] =	ssyncadd.s32 $0xFFFFD800  }
0x296: {  	[spmem:s2] =	stream.indirect.scatter.add.f32 [tilespmem:s16], [sflag:$0x5], $0x80, s13, s15, $0xb8;
	[tilespmem:$0x1F880] =	vst v63  }
0x297: {  	_ =	swait.ge [sflag:s12], $0x2800  }
0x298: {  	[sflag:s12] =	ssyncset.done $0x0  }
0x299: {  	[sflag:s12] =	ssyncadd.s32 $0xFFFFD800  }
0x29a: {  	[tilespmem:s16], [sflag:$0x1] =	stream.indirect.gather [hbm4b:s4+s15], $0x80, s24, s15, $0xb8;
	[tilespmem:$0x1F880] =	vst v63  }
0x29b: {  	_ =	swait.ge [sflag:s21], $0x2800  }
0x29c: {  	[sflag:s21] =	ssyncset.done $0x0  }
0x29d: {  	[sflag:s21] =	ssyncadd.s32 $0xFFFFD800  }
0x29e: {  	[spmem:s2] =	stream.indirect.scatter.add.f32 [tilespmem:s17], [sflag:$0x5], $0x80, s25, s15, $0xb8;
	[tilespmem:$0x1F880] =	vst v63  }
0x29f: {  	_ =	swait.ge [sflag:s12], $0x2800  }
0x2a0: {  	[sflag:s12] =	ssyncset.done $0x0  }
0x2a1: {  	[sflag:s12] =	ssyncadd.s32 $0xFFFFD800  }
0x2a2: {  	[tilespmem:s17], [sflag:$0x2] =	stream.indirect.gather [hbm4b:s4+s15], $0x80, s26, s15, $0xb8;
	[tilespmem:$0x1F880] =	vst v63  }
0x2a3: {  	_ =	swait.ge [sflag:s22], $0x2800  }
0x2a4: {  	[sflag:s22] =	ssyncset.done $0x0  }
0x2a5: {  	[sflag:s22] =	ssyncadd.s32 $0xFFFFD800  }
0x2a6: {  	[spmem:s2] =	stream.indirect.scatter.add.f32 [tilespmem:s18], [sflag:$0x5], $0x80, s28, s15, $0xb8;
	[tilespmem:$0x1F880] =	vst v63  }
0x2a7: {  	_ =	swait.ge [sflag:s12], $0x2800  }
0x2a8: {  	[sflag:s12] =	ssyncset.done $0x0  }
0x2a9: {  	[sflag:s12] =	ssyncadd.s32 $0xFFFFD800  }
0x2aa: {  	[tilespmem:s18], [sflag:$0x3] =	stream.indirect.gather [hbm4b:s4+s15], $0x80, s29, s15, $0xb8;
	[tilespmem:$0x1F880] =	vst v63  }
0x2ab: {  	_ =	swait.ge [sflag:s23], $0x2800  }
0x2ac: {  	[sflag:s23] =	ssyncset.done $0x0  }
0x2ad: {  	[sflag:s23] =	ssyncadd.s32 $0xFFFFD800  }
0x2ae: {  	[spmem:s2] =	stream.indirect.scatter.add.f32 [tilespmem:s19], [sflag:$0x5], $0x80, s30, s15, $0xb8;
	[tilespmem:$0x1F880] =	vst v63  }
0x2af: {  	_ =	swait.ge [sflag:s12], $0x2800  }
0x2b0: {  	[sflag:s12] =	ssyncset.done $0x0  }
0x2b1: {  	[sflag:s12] =	ssyncadd.s32 $0xFFFFD800  }
0x2b2: {  	[tilespmem:s19], [sflag:$0x4] =	stream.indirect.gather [hbm4b:s4+s15], $0x80, s31, s15, $0xb8;
	[tilespmem:$0x1F880] =	vst v63  }
0x2b3: {  	_ =	swait.ge [sflag:s20], $0x2800  }
0x2b4: {  	[sflag:s20] =	ssyncset.done $0x0  }
0x2b5: {  	[sflag:s20] =	ssyncadd.s32 $0xFFFFD800  }
0x2b6: {  	[spmem:s2] =	stream.indirect.scatter.add.f32 [tilespmem:s16], [sflag:$0x5], $0x80, s1, s15, $0xb8;
	[tilespmem:$0x1F880] =	vst v63  }
0x2b7: {  	_ =	swait.ge [sflag:s12], $0x2800  }
0x2b8: {  	[sflag:s12] =	ssyncset.done $0x0  }
0x2b9: {  	[sflag:s12] =	ssyncadd.s32 $0xFFFFD800  }
0x2ba: {  	[tilespmem:s16], [sflag:$0x1] =	stream.indirect.gather [hbm4b:s4+s15], $0x80, s0, s15, $0xb8;
	[tilespmem:$0x1F880] =	vst v63  }
0x2bb: {  	_ =	swait.ge [sflag:s21], $0x2800  }
0x2bc: {  	[sflag:s21] =	ssyncset.done $0x0  }
0x2bd: {  	[sflag:s21] =	ssyncadd.s32 $0xFFFFD800  }
0x2be: {  	[spmem:s2] =	stream.indirect.scatter.add.f32 [tilespmem:s17], [sflag:$0x5], $0x80, s5, s15, $0xb8;
	[tilespmem:$0x1F880] =	vst v63  }
0x2bf: {  	_ =	swait.ge [sflag:s12], $0x2800  }
0x2c0: {  	[sflag:s12] =	ssyncset.done $0x0  }
0x2c1: {  	[sflag:s12] =	ssyncadd.s32 $0xFFFFD800  }
0x2c2: {  	_ =	swait.ge [sflag:s22], $0x2800  }
0x2c3: {  	[sflag:s22] =	ssyncset.done $0x0  }
0x2c4: {  	[sflag:s22] =	ssyncadd.s32 $0xFFFFD800  }
0x2c5: {  	[spmem:s2] =	stream.indirect.scatter.add.f32 [tilespmem:s18], [sflag:$0x5], $0x80, s7, s15, $0xb8;
	[tilespmem:$0x1F880] =	vst v63  }
0x2c6: {  	_ =	swait.ge [sflag:s12], $0x2800  }
0x2c7: {  	[sflag:s12] =	ssyncset.done $0x0  }
0x2c8: {  	[sflag:s12] =	ssyncadd.s32 $0xFFFFD800  }
0x2c9: {  	_ =	swait.ge [sflag:s23], $0x2800  }
0x2ca: {  	[sflag:s23] =	ssyncset.done $0x0  }
0x2cb: {  	[sflag:s23] =	ssyncadd.s32 $0xFFFFD800  }
0x2cc: {  	[spmem:s2] =	stream.indirect.scatter.add.f32 [tilespmem:s19], [sflag:$0x5], $0x80, s8, s15, $0xb8;
	[tilespmem:$0x1F880] =	vst v63  }
0x2cd: {  	_ =	swait.ge [sflag:s12], $0x2800  }
0x2ce: {  	[sflag:s12] =	ssyncset.done $0x0  }
0x2cf: {  	[sflag:s12] =	ssyncadd.s32 $0xFFFFD800  }
0x2d0: {  	_ =	swait.ge [sflag:s20], $0x2800  }
0x2d1: {  	[sflag:s20] =	ssyncset.done $0x0  }
0x2d2: {  	[sflag:s20] =	ssyncadd.s32 $0xFFFFD800  }
0x2d3: {  	[spmem:s2] =	stream.indirect.scatter.add.f32 [tilespmem:s16], [sflag:$0x5], $0x80, s9, s15, $0xb8;
	[tilespmem:$0x1F880] =	vst v63  }
0x2d4: {  	_ =	swait.ge [sflag:s12], $0x2800  }
0x2d5: {  	[sflag:s12] =	ssyncset.done $0x0  }
0x2d6: {  	[sflag:s12] =	ssyncadd.s32 $0xFFFFD800  }
0x2d7: {  	[bflag:$0x0] =	sbarrier.arrive $0xFFFF  }
0x2d8: {  	s13 =	sld [smem:$0x7FB]  }
0x2d9: {  	s10 =	sld [smem:$0x7EE]  }
0x2da: {  	s11 =	sld [smem:$0x7FC];
	_ =	sdelay $0x2  }
0x2db: {  	[hbm:s10], [sflag:s13] =	dma.local [spmem:s11], $0x2700  }
0x2dc: {  	_ =	swait.ge [sflag:s12], $0x2700  }
0x2dd: {  	s6 =	sld [smem:$0x7EF]  }
0x2de: {  	s10 =	sld [smem:$0x7FD]  }
0x2df: {  	[sflag:s12] =	ssyncset.done $0x0  }
0x2e0: {  	[sflag:s12] =	ssyncadd.s32 $0xFFFFD900  }
0x2e1: {  	[hbm:s6], [sflag:s13] =	dma.local @!p0 [spmem:s10], $0x100  }
0x2e2: {  	s6 =	smov.u32 s10;
	s10 =	simm.s32 @!p0 $0x5  }
0x2e3: {  	_ =	swait.ge @!p0 [sflag:s10], $0x100  }
0x2e4: {  	s11 =	sld [smem:$0x7FA]  }
0x2e5: {  	[sflag:s10] =	ssyncset.done @!p0 $0x0;
	s10 =	sld [smem:$0x7F0];
	_ =	sdelay $0x1  }
0x2e6: {  	s11 =	sadd.s32 $0x1, s11  }
0x2e7: {  	p1 =	sne.s32 s11, s10  }
.Ltmp1:
0x2e8: {  	_ = 	snop;
	(pc) =	sbr.rel @p1 .LBB2_1-.Ltmp1, $3  }
0x2e9: {  	_ =	sdelay $0x1  }
0x2ea: {  	[smem:$0x7FA] =	sst s11;
	s10 =	smov.u32 s6;
	s6 =	simm.s32 @!p0 $0x5  }
0x2eb: {  	s11 =	sld [smem:$0x7FC];
	[sflag:s6] =	ssyncadd.s32 @!p0 $0xFFFFFF00  }
0x2ec: {  	_ =	sfence.sel $0x180000  }
0x2ed: {  	[bflag:$0x0] =	sbarrier.arrive $0xFFFF  }
0x2ee: {  	_ =	strace $0x9000004D  }
0x2ef: {  	s0 =	stileid.u32;
	[bflag:$0x2] =	sbarrier.arrive $0xFFFF  }
0x2f0: {  	p0 =	sne.s32 s0, $0x0;
	s0 =	rddreg [dreg:$0x3]  }
0x2f1: {  	s0 =	sadd.s32 @!p0 $0x100000, s0  }
0x2f2: {  	[sflag:s0] =	ssyncadd.tile.s32 @!p0 $0x1;
	_ =	shalt  }
.Lfunc_end2:
_tile_overlayer_lowered:
.L_overlay_start_2:
0x2f3: {  	(tag) =	ssettag $0x2  }
0x2f4: {  	s0 =	rddreg [dreg:$0x0];
	s2 =	stileid.u32  }
0x2f5: {  	s1 =	rddreg [dreg:$0x1];
	p0 =	sne.s32 s2, $0x0  }
0x2f6: {  	s3 =	rddreg [dreg:$0x2];
	[bflag:$0x3] =	sbarrier.arrive $0xFFFF;
	s2 =	simm.s32 @!p0 $0x1C05  }
0x2f7: {  	[timem:s3], [sflag:s2] =	dma.local @!p0 [hbm:s0], s1  }
0x2f8: {  	s0 =	simm.s32 @!p0 $0x5  }
0x2f9: {  	_ =	swait.ge @!p0 [sflag:s0], s1  }
0x2fa: {  	s1 =	ssub.s32 @!p0 $0x0, s1;
	[sflag:s0] =	ssyncset.done @!p0 $0x0  }
0x2fb: {  	[sflag:s0] =	ssyncadd.s32 @!p0 s1  }
0x2fc: {  	[bflag:$0x3] =	sbarrier.arrive $0xFFFF  }
0x2fd: {  	_ =	shalt  }

// kernel: kernel.8.cloned.1.call-start
scs
__scs_entry_jumppad:
0x0: {  	(pc) =	sbr.rel $0x88, $3  }
0x1: {  	(tag) =	ssettag $0x0;
	lr =	simm.s32 $0x1  }
0x2: {  	[smem:$0x3F96] =	sst lr;
	_ =	strace $0xD0000000  }
0x3: {  	_ = 	snop  }
0x4: {  	_ = 	snop  }
0x5: {  	_ = 	snop  }
0x6: {  	_ = 	snop  }
0x7: {  	_ = 	snop  }
__scs_overlays_trampoline_lowered:
0x8: {  	[smem:$0x3FA5] =	sst s0  }
0x9: {  	[smem:$0x3FA6] =	sst s1  }
0xa: {  	[smem:$0x3FA7] =	sst s2  }
0xb: {  	[smem:$0x3FA8] =	sst s3  }
0xc: {  	[smem:$0x3FA9] =	sst s4  }
0xd: {  	[smem:$0x3FAA] =	sst s5  }
0xe: {  	[smem:$0x3FAB] =	sst s6  }
0xf: {  	[smem:$0x3FAC] =	sst s7  }
0x10: {  	[smem:$0x3FAD] =	sst s8  }
0x11: {  	[smem:$0x3FAE] =	sst s9;
	s0 =	simm.s32 @!p0 $0x0  }
0x12: {  	s1 =	sld [smem:$0x3F94];
	s0 =	simm.s32 @p0 $0x1  }
0x13: {  	[smem:$0x3FAF] =	sst s0;
	s0 =	simm.s32 @!p1 $0x0  }
0x14: {  	s2 =	sld [smem:$0x3F93];
	s0 =	simm.s32 @p1 $0x1  }
0x15: {  	[smem:$0x3FB0] =	sst s0;
	s0 =	simm.s32 @!p2 $0x0  }
0x16: {  	s3 =	sld [smem:$0x3FDB];
	s0 =	simm.s32 @p2 $0x1  }
0x17: {  	s4 =	simm.s32 $0x1BF5;
	[smem:$0x3FB2] =	sst s0  }
0x18: {  	s0 =	sld [smem:$0x3F95];
	_ =	swait.ge [sflag:s4], $0x0  }
0x19: {  	s7 =	sld [smem:$0x3F96]  }
0x1a: {  	s8 =	sadd.s32 $0xFFFFE003, lr  }
0x1b: {  	s9 =	sadd.s32 $0xFFFFFEF7, lr;
	s5 =	simm.s32 $0xFFFFFFFF;
	p2 =	slt.u32 s8, $0xFFFFF086  }
0x1c: {  	p1 =	slt.u32 s9, $0xF7A;
	s5 =	simm.s32 @!p2 $0x0  }
0x1d: {  	s5 =	simm.s32 @p1 $0x1;
	p0 =	seq.s32 s7, s2  }
0x1e: {  	s7 =	smul.u32 @!p0 $0xF7A, s2;
	p2 =	seq.s32 @!p0 s5, $0x0  }
0x1f: {  	s9 =	smul.u32 $0xF7A, s1;
	s8 =	simm.s32 @!p0 $0x1BF5;
	p2 =	por !p2, p0  }
0x20: {  	[sflag:s8] =	ssyncset.s32 @!p0 $0xFFFFF086;
	s6 =	sadd.s32 @!p0 s3, s7;
	s7 =	simm.s32 @!p0 $0x108  }
0x21: {  	s3 =	sadd.s32 s3, s9;
	s6 =	sadd.s32 @!p0 $0x88, s6;
	s7 =	simm.s32 @p2 $0x1082  }
0x22: {  	[simem:s7], [sflag:s8] =	dma.local @!p0 [hbm:s6], $0xF7A  }
0x23: {  	s9 =	sor.u32 $0xD0000000, s2;
	s6 =	simm.s32 $0x108;
	_ =	swait.ge @!p0 [sflag:s8], $0x0  }
0x24: {  	s3 =	sadd.s32 $0x88, s3;
	s6 =	simm.s32 @!p1 $0x1082;
	[sflag:s4] =	ssyncset.s32 $0xFFFFF086  }
0x25: {  	[simem:s6], [sflag:s4] =	dma.local [hbm:s3], $0xF7A  }
0x26: {  	[smem:$0x3F96] =	sst s1;
	(tag) =	ssettag s2;
	_ =	strace s9  }
0x27: {  	s1 =	sld [smem:$0x3FA6]  }
0x28: {  	s2 =	sld [smem:$0x3FA7]  }
0x29: {  	s4 =	sld [smem:$0x3FA9]  }
0x2a: {  	p0 =	seq.s32 s5, $0x0;
	s5 =	sld [smem:$0x3FAA]  }
0x2b: {  	s6 =	sld [smem:$0x3FAB]  }
0x2c: {  	s7 =	sld [smem:$0x3FAC]  }
0x2d: {  	s3 =	simm.s32 $0x108;
	s8 =	sld [smem:$0x3FAD]  }
0x2e: {  	s3 =	simm.s32 @!p0 $0x1082;
	s9 =	sld [smem:$0x3FAE]  }
0x2f: {  	lr =	sadd.s32 s0, s3;
	s0 =	sld [smem:$0x3FA5]  }
0x30: {  	s3 =	sld [smem:$0x3FA8]  }
0x31: {  	[smem:$0x3FB1] =	sst s10  }
0x32: {  	s10 =	sld [smem:$0x3FAF];
	_ =	sdelay $0x3  }
0x33: {  	p0 =	seq.s32 s10, $0x1;
	s10 =	sld [smem:$0x3FB1];
	_ =	sdelay $0x3  }
0x34: {  	[smem:$0x3FB1] =	sst s10  }
0x35: {  	s10 =	sld [smem:$0x3FB0];
	_ =	sdelay $0x3  }
0x36: {  	p1 =	seq.s32 s10, $0x1;
	s10 =	sld [smem:$0x3FB1];
	_ =	sdelay $0x3  }
0x37: {  	[smem:$0x3FB1] =	sst s10  }
0x38: {  	s10 =	sld [smem:$0x3FB2]  }
0x39: {  	_ = 	snop;
	(pc) =	sbr.ind lr, $3  }
0x3a: {  	_ = 	snop  }
0x3b: {  	_ = 	snop  }
0x3c: {  	p2 =	seq.s32 s10, $0x1;
	s10 =	sld [smem:$0x3FB1]  }
0x3d: {  	_ =	shalt  }
0x3e: {  	_ =	shalt  }
0x3f: {  	_ =	shalt  }
0x40: {  	_ =	shalt  }
0x41: {  	_ =	shalt  }
0x42: {  	_ =	shalt  }
0x43: {  	_ =	shalt  }
0x44: {  	_ =	shalt  }
0x45: {  	_ =	shalt  }
0x46: {  	_ =	shalt  }
0x47: {  	_ =	shalt  }
0x48: {  	_ =	shalt  }
0x49: {  	_ =	shalt  }
0x4a: {  	_ =	shalt  }
0x4b: {  	_ =	shalt  }
0x4c: {  	_ =	shalt  }
0x4d: {  	_ =	shalt  }
0x4e: {  	_ =	shalt  }
0x4f: {  	_ =	shalt  }
0x50: {  	_ =	shalt  }
0x51: {  	_ =	shalt  }
0x52: {  	_ =	shalt  }
0x53: {  	_ =	shalt  }
0x54: {  	_ =	shalt  }
0x55: {  	_ =	shalt  }
0x56: {  	_ =	shalt  }
0x57: {  	_ =	shalt  }
0x58: {  	_ =	shalt  }
0x59: {  	_ =	shalt  }
0x5a: {  	_ =	shalt  }
0x5b: {  	_ =	shalt  }
0x5c: {  	_ =	shalt  }
0x5d: {  	_ =	shalt  }
0x5e: {  	_ =	shalt  }
0x5f: {  	_ =	shalt  }
0x60: {  	_ =	shalt  }
0x61: {  	_ =	shalt  }
0x62: {  	_ =	shalt  }
0x63: {  	_ =	shalt  }
0x64: {  	_ =	shalt  }
0x65: {  	_ =	shalt  }
0x66: {  	_ =	shalt  }
0x67: {  	_ =	shalt  }
0x68: {  	_ =	shalt  }
0x69: {  	_ =	shalt  }
0x6a: {  	_ =	shalt  }
0x6b: {  	_ =	shalt  }
0x6c: {  	_ =	shalt  }
0x6d: {  	_ =	shalt  }
0x6e: {  	_ =	shalt  }
0x6f: {  	_ =	shalt  }
0x70: {  	_ =	shalt  }
0x71: {  	_ =	shalt  }
0x72: {  	_ =	shalt  }
0x73: {  	_ =	shalt  }
0x74: {  	_ =	shalt  }
0x75: {  	_ =	shalt  }
0x76: {  	_ =	shalt  }
0x77: {  	_ =	shalt  }
0x78: {  	_ =	shalt  }
0x79: {  	_ =	shalt  }
0x7a: {  	_ =	shalt  }
0x7b: {  	_ =	shalt  }
0x7c: {  	_ =	shalt  }
0x7d: {  	_ =	shalt  }
0x7e: {  	_ =	shalt  }
0x7f: {  	_ =	shalt  }
0x80: {  	_ =	shalt  }
0x81: {  	_ =	shalt  }
0x82: {  	_ =	shalt  }
0x83: {  	_ =	shalt  }
0x84: {  	_ =	shalt  }
0x85: {  	_ =	shalt  }
0x86: {  	_ =	shalt  }
0x87: {  	_ =	shalt  }
.Lfunc_end0:
.L_simem_size_0:
called_computation_lowered:
.L_overlay_start_0:
0x88: {  	s2 =	sld [smem:$0x3FD9]  }
0x89: {  	s3 =	sld [smem:$0x3FFE];
	_ =	sdelay $0x1  }
0x8a: {  	s1 =	srdreg.scid  }
0x8b: {  	s0 =	sand.u32 $0x1, s1  }
0x8c: {  	s17 =	sshll.u32 s0, $0xA;
	s2 =	sadd.s32 s3, s2  }
0x8d: {  	s2 =	sadd.s32 s2, s17  }
0x8e: {  	[smem:$0x3FBD] =	sst s2  }
0x8f: {  	_ = 	snop  }
0x90: {  	s2 =	sld [smem:$0x3FC9]  }
0x91: {  	s18 =	sld [smem:$0x3FD0];
	(tm) =	ssettm $0x1  }
0x92: {  	s4 =	sld [smem:$0x3FFB];
	_ =	sdelay $0x3  }
0x93: {  	_ =	strace s4  }
0x94: {  	s4 =	sld [smem:$0x3FFC];
	_ =	sdelay $0x3  }
0x95: {  	_ =	strace s4  }
0x96: {  	s4 =	sld [smem:$0x3FFD];
	_ =	sdelay $0x3  }
0x97: {  	_ =	strace s4  }
0x98: {  	_ =	strace $0x8FFFFFFF  }
0x99: {  	s19 =	sld [smem:$0x3FDB];
	_ =	sdelay $0x1  }
0x9a: {  	s5 =	simm.s32 $_scs_section_size  }
0x9b: {  	s6 =	simm.s32 $_size__tile_overlayer_lowered;
	s7 =	simm.s32 $_tile_overlayer_lowered  }
0x9c: {  	s22 =	simm.s32 $0x1BFF;
	s21 =	sshll.u32 s7, $0x1;
	s4 =	sadd.s32 s5, s19  }
0x9d: {  	s8 =	simm.s32 $0x0;
	s20 =	sshll.u32 s6, $0x1;
	s6 =	sadd.s32 s21, s4  }
0x9e: {  	[timem:s8], [sflag:s22] =	dma.local [hbm:s6], s20  }
0x9f: {  	_ =	swait.ge [sflag:s22], s20  }
0xa0: {  	s5 =	ssub.s32 $0x0, s20;
	[sflag:s22] =	ssyncset.done $0x0  }
0xa1: {  	[sflag:s22] =	ssyncadd.s32 s5;
	_ =	sdelay $0x1  }
0xa2: {  	s23 =	simm.s32 $0x1B8B  }
0xa3: {  	_ =	swait.ge [sflag:s23], $0x1  }
0xa4: {  	[sflag:s23] =	ssyncset.done $0x0  }
0xa5: {  	s25 =	simm.s32 $0x1B8E;
	s24 =	sld [smem:$0x3FFE];
	[sflag:s23] =	ssyncadd.s32 $0xFFFFFFFF  }
0xa6: {  	s26 =	simm.s32 $execute0_lowered;
	[smem:$0x3FD2] =	sst s25  }
0xa7: {  	s6 =	sshll.u32 s26, $0x1;
	_ =	strace $0x80000046;
	[dreg:$0x1] =	wrdreg $0xFFFFFFFF  }
0xa8: {  	s28 =	simm.s32 $_size_execute0_lowered;
	s4 =	sadd.s32 s4, s6;
	[dreg:$0x0] =	wrdreg $0x0  }
0xa9: {  	s6 =	sshll.u32 s28, $0x1;
	[dreg:$0x2] =	wrdreg s4  }
0xaa: {  	[dreg:$0x3] =	wrdreg s6  }
0xab: {  	[dreg:$0x4] =	wrdreg $0xC0  }
0xac: {  	_ =	task [dreg:s8], $0x5FFFF  }
0xad: {  	[dreg:$0x1] =	wrdreg $0xFFFFFFFF  }
0xae: {  	[dreg:$0x0] =	wrdreg $0x60  }
0xaf: {  	[dreg:$0x2] =	wrdreg s2  }
0xb0: {  	[dreg:$0x3] =	wrdreg s24  }
0xb1: {  	[dreg:$0x4] =	wrdreg s18  }
0xb2: {  	[dreg:$0x5] =	wrdreg $0xC0000  }
0xb3: {  	[dreg:$0x6] =	wrdreg $0x9  }
0xb4: {  	_ =	task.clear_ibuf [dreg:s8], $0x7FFFF;
	_ =	strace $0x90000046  }
0xb5: {  	s29 =	simm.s32 $0x9;
	_ =	strace $0x80000048  }
0xb6: {  	_ =	swait.ge [sflag:s29], $0x1  }
0xb7: {  	[sflag:s29] =	ssyncadd.s32 $0xFFFFFFFF  }
0xb8: {  	_ =	strace $0x90000048  }
0xb9: {  	_ =	sfence  }
0xba: {  	s30 =	sld [smem:$0x0];
	_ =	sdelay $0x2  }
0xbb: {  	s31 =	sshll.u32 s1, $0xD;
	s1 =	sshrl.u32 s1, $0x2  }
0xbc: {  	s3 =	sand.u32 $0x4000, s31;
	s1 =	sadd.s32 s1, s30  }
0xbd: {  	s0 =	sor.u32 s3, s0;
	s1 =	sshll.u32 s1, $0x11  }
0xbe: {  	s0 =	sor.u32 s1, s0  }
0xbf: {  	s0 =	sadd.s32 $0x8F2B, s0  }
0xc0: {  	[sflag:s0] =	ssyncadd.remote.s32 $0x1  }
0xc1: {  	_ =	sfence.sel $0xFFFF  }
0xc2: {  	[dreg:$0x0] =	wrdreg $0xFFFFFFFF;
	(pc) =	sbr.abs _section_cstart, $3  }
0xc3: {  	[dreg:$0x1] =	wrdreg $0xFFFFFFFF  }
0xc4: {  	_ =	task.clear_ibuf [dreg:s8], $0x2FFFF;
	_ =	strace $0x9FFFFFFF  }
0xc5: {  	(tm) =	ssettm $0x7FFFFFFF  }
tec
execute0_lowered:
.L_overlay_start_1:
0x0: {  	(tag) =	ssettag $0x1  }
0x1: {  	s0 =	srdreg.scid;
	s11 =	stileid.u32  }
0x2: {  	s1 =	rddreg [dreg:$0x0];
	s0 =	sand.u32 $0x1, s0;
	s4 =	smul.u32 $0x5000, s11  }
0x3: {  	s5 =	rddreg [dreg:$0x1];
	s2 =	smul.u32 $0x50000, s0  }
0x4: {  	s6 =	rddreg [dreg:$0x2]  }
0x5: {  	s3 =	rddreg [dreg:$0x3];
	s2 =	sadd.s32 s4, s2;
	s4 =	simm.s32 $0x0  }
0x6: {  	s20 =	simm.s32 $0x80;
	[smem:$0x7FF] =	sst s4  }
0x7: {  	s21 =	simm.s32 $0x100;
	_ =	strace $0x80000047;
	[dreg:$0x7] =	wrdreg s20  }
0x8: {  	s22 =	simm.s32 $0x180;
	[dreg:$0x8] =	wrdreg s21  }
0x9: {  	s23 =	simm.s32 $0x200;
	[dreg:$0x9] =	wrdreg s22  }
0xa: {  	s25 =	simm.s32 $0x1080;
	s26 =	smul.u32 $0x13800, s11;
	[dreg:$0xa] =	wrdreg s23  }
0xb: {  	s12 =	simm.s32 $0x280;
	[dreg:$0xb] =	wrdreg s25  }
0xc: {  	s13 =	simm.s32 $0x1100;
	s10 =	sshrl.u32 s26, $0x3;
	[dreg:$0xc] =	wrdreg s12  }
0xd: {  	s14 =	simm.s32 $0x300;
	s10 =	sadd.s32 s6, s10;
	[dreg:$0xd] =	wrdreg s13  }
0xe: {  	s15 =	simm.s32 $0x1180;
	s17 =	simm.s32 $0x380;
	[smem:$0x7EB] =	sst s10  }
0xf: {  	s18 =	simm.s32 $0x1200;
	s28 =	simm.s32 $0x1900;
	[dreg:$0xe] =	wrdreg s14  }
0x10: {  	s29 =	simm.s32 $0xB00;
	s30 =	simm.s32 $0x1980;
	[dreg:$0xf] =	wrdreg s15  }
0x11: {  	s31 =	simm.s32 $0xB80;
	s9 =	smul.u32 $0x4E000, s11;
	[dreg:$0x10] =	wrdreg s17  }
0x12: {  	s16 =	sshll.u32 s11, $0x6;
	s6 =	sadd.s32 $0x27000, s6;
	[dreg:$0x11] =	wrdreg s18  }
0x13: {  	s24 =	sshrl.u32 s9, $0x2;
	s9 =	simm.s32 $0x1480;
	[smem:$0x7EC] =	sst s6  }
0x14: {  	p0 =	sne.s32 s11, $0xF;
	s20 =	simm.s32 $0x1280;
	[dreg:$0x1b] =	wrdreg s9  }
0x15: {  	s19 =	ssub.s32 $0x2, s0;
	s21 =	simm.s32 $0x480;
	[dreg:$0x13] =	wrdreg s20  }
0x16: {  	s0 =	smul.u32 $0x138800, s0;
	s23 =	simm.s32 $0x1300;
	[dreg:$0x14] =	wrdreg s21  }
0x17: {  	s8 =	sshrl.u32 s19, $0x1;
	s25 =	simm.s32 $0x1380;
	[dreg:$0x15] =	wrdreg s23  }
0x18: {  	s22 =	sadd.s32 s26, s0;
	s26 =	simm.s32 $0x580;
	[dreg:$0x17] =	wrdreg s25  }
0x19: {  	s2 =	sshrl.u32 s2, $0x3;
	s12 =	simm.s32 $0x680;
	[dreg:$0x18] =	wrdreg s26  }
0x1a: {  	s2 =	sadd.s32 s2, s5;
	s14 =	simm.s32 $0x1500;
	[dreg:$0x1c] =	wrdreg s12  }
0x1b: {  	s5 =	sadd.s32 $0x2C600, s5;
	s15 =	simm.s32 $0x700;
	[dreg:$0x1d] =	wrdreg s14  }
0x1c: {  	s13 =	sor.u32 $0x1C05, s16;
	s16 =	simm.s32 $0x1580;
	[dreg:$0x1e] =	wrdreg s15  }
0x1d: {  	s10 =	sadd.s32 $0x138000, s3;
	s17 =	simm.s32 $0x780;
	[dreg:$0x1f] =	wrdreg s16  }
0x1e: {  	s0 =	sshrl.u32 s0, $0x3;
	s18 =	simm.s32 $0x1600;
	[smem:$0x7F0] =	sst s17  }
0x1f: {  	s9 =	simm.s32 $0x1C00;
	s7 =	sadd.s32 $0x4600, s2;
	[smem:$0x7F1] =	sst s18  }
0x20: {  	s2 =	sadd.s32 $0x18600, s2;
	s6 =	sshrl.u32 s22, $0x3;
	[smem:$0x7FB] =	sst s13  }
0x21: {  	s0 =	sadd.s32 s5, s0;
	s12 =	simm.s32 $0x5;
	[dreg:$0x5] =	wrdreg s7  }
0x22: {  	s10 =	sshrl.u32 @!p0 s10, $0x3;
	s20 =	simm.s32 $0x1680;
	[dreg:$0x6] =	wrdreg s2  }
0x23: {  	s14 =	simm.s32 $0x1000;
	s21 =	simm.s32 $0x880;
	[smem:$0x7F3] =	sst s20  }
0x24: {  	s15 =	simm.s32 $0x50;
	s22 =	simm.s32 $0x1700;
	[smem:$0x7F4] =	sst s21  }
0x25: {  	s16 =	simm.s32 $0x2000;
	s23 =	simm.s32 $0x900;
	[smem:$0x7F5] =	sst s22  }
0x26: {  	s17 =	simm.s32 $0x4800;
	s25 =	simm.s32 $0x980;
	[smem:$0x7F6] =	sst s23  }
0x27: {  	s18 =	simm.s32 $0x7000;
	s26 =	simm.s32 $0x1800;
	[smem:$0x7F8] =	sst s25  }
0x28: {  	s7 =	ssub.s32 s19, s8;
	s8 =	sadd.s32 s24, s3;
	[smem:$0x7F9] =	sst s26  }
0x29: {  	s19 =	simm.s32 $0x400;
	s24 =	simm.s32 $0x500;
	[smem:$0x7FD] =	sst s10  }
0x2a: {  	s6 =	sadd.s32 s5, s6;
	s5 =	simm.s32 $0x1400;
	[dreg:$0x12] =	wrdreg s19  }
0x2b: {  	s0 =	sadd.s32 $0x27000, s0;
	s20 =	simm.s32 $0x1;
	[smem:$0x7ED] =	sst s6  }
0x2c: {  	s21 =	simm.s32 $0x2;
	s22 =	simm.s32 $0x3;
	[dreg:$0x16] =	wrdreg s24  }
0x2d: {  	s23 =	simm.s32 $0x4;
	s25 =	simm.s32 $0x1880;
	[smem:$0x7EE] =	sst s0  }
0x2e: {  	s26 =	simm.s32 $0xA80;
	[dreg:$0x19] =	wrdreg s5;
	s7 =	smax.u32 s7, $0x1  }
0x2f: {  	s2 =	simm.s32 $0x1A00;
	s6 =	simm.s32 $0x600;
	[smem:$0x7EF] =	sst s7  }
0x30: {  	s11 =	sshrl.u32 s8, $0x3;
	s19 =	simm.s32 $0x800;
	[dreg:$0x1a] =	wrdreg s6  }
0x31: {  	s24 =	simm.s32 $0x1780;
	s0 =	simm.s32 $0xC00;
	[smem:$0x7F2] =	sst s19  }
0x32: {  	s5 =	simm.s32 $0x1A80;
	s8 =	simm.s32 $0x1B80;
	[smem:$0x7F7] =	sst s24  }
0x33: {  	s19 =	simm.s32 $0x9800;
	s6 =	simm.s32 $0x0;
	[smem:$0x7FC] =	sst s11  }
0x34: {  	s24 =	simm.s32 $0xA00;
	s7 =	simm.s32 $0x1B00;
	[smem:$0x7FA] =	sst s6  }
.LBB2_1:
0x35: {  	s6 =	sld [smem:$0x7EB];
	_ =	sdelay $0x2  }
0x36: {  	[spmem:s11], [sflag:s13] =	dma.local [hbm:s6], $0x2700  }
0x37: {  	_ =	swait.ge [sflag:s12], $0x2700  }
0x38: {  	s6 =	sld [smem:$0x7EC]  }
0x39: {  	[sflag:s12] =	ssyncset.done $0x0  }
0x3a: {  	[sflag:s12] =	ssyncadd.s32 $0xFFFFD900  }
0x3b: {  	[spmem:s10], [sflag:s13] =	dma.local @!p0 [hbm:s6], $0x100  }
0x3c: {  	s6 =	simm.s32 @!p0 $0x5  }
0x3d: {  	_ =	swait.ge @!p0 [sflag:s6], $0x100  }
0x3e: {  	[sflag:s6] =	ssyncset.done @!p0 $0x0  }
0x3f: {  	[sflag:s6] =	ssyncadd.s32 @!p0 $0xFFFFFF00  }
0x40: {  	[bflag:$0x0] =	sbarrier.arrive $0xFFFF  }
0x41: {  	s13 =	rddreg [dreg:$0x6]  }
0x42: {  	s6 =	sadd.s32 $0x0, s13  }
0x43: {  	[tilespmem:s4], [sflag:$0x5] =	stream.linear.gather [hbm4b:s6+s4], $0xC80, $0x38;
	[tilespmem:$0x1F880] =	vst v63  }
0x44: {  	_ =	swait.ge [sflag:s12], $0xC80  }
0x45: {  	s10 =	rddreg [dreg:$0x5];
	[sflag:s12] =	ssyncset.done $0x0  }
0x46: {  	[sflag:s12] =	ssyncadd.s32 $0xFFFFF380;
	s6 =	sadd.s32 $0x0, s10  }
0x47: {  	[tilespmem:s14], [sflag:$0x5] =	stream.linear.gather [hbm4b:s6+s4], $0xC80, $0x38;
	[tilespmem:$0x1F880] =	vst v63  }
0x48: {  	_ =	swait.ge [sflag:s12], $0xC80  }
0x49: {  	[sflag:s12] =	ssyncset.done $0x0  }
0x4a: {  	[sflag:s12] =	ssyncadd.s32 $0xFFFFF380  }
0x4b: {  	[tilespmem:s16], [sflag:$0x1] =	stream.indirect.gather [hbm4b:s1+s15], $0x80, s4, s15, $0xb8;
	[tilespmem:$0x1F880] =	vst v63  }
0x4c: {  	s11 =	rddreg [dreg:$0x7]  }
0x4d: {  	[tilespmem:s17], [sflag:$0x2] =	stream.indirect.gather [hbm4b:s1+s15], $0x80, s11, s15, $0xb8;
	[tilespmem:$0x1F880] =	vst v63  }
0x4e: {  	s13 =	rddreg [dreg:$0x8]  }
0x4f: {  	[tilespmem:s18], [sflag:$0x3] =	stream.indirect.gather [hbm4b:s1+s15], $0x80, s13, s15, $0xb8;
	[tilespmem:$0x1F880] =	vst v63  }
0x50: {  	s10 =	rddreg [dreg:$0x9]  }
0x51: {  	[tilespmem:s19], [sflag:$0x4] =	stream.indirect.gather [hbm4b:s1+s15], $0x80, s10, s15, $0xb8;
	[tilespmem:$0x1F880] =	vst v63  }
0x52: {  	_ =	swait.ge [sflag:s20], $0x2800  }
0x53: {  	[sflag:s20] =	ssyncset.done $0x0  }
0x54: {  	[sflag:s20] =	ssyncadd.s32 $0xFFFFD800  }
0x55: {  	[spmem:s3] =	stream.indirect.scatter.add.f32 [tilespmem:s16], [sflag:$0x5], $0x80, s14, s15, $0xb8;
	[tilespmem:$0x1F880] =	vst v63  }
0x56: {  	_ =	swait.ge [sflag:s12], $0x2800  }
0x57: {  	[sflag:s12] =	ssyncset.done $0x0  }
0x58: {  	s11 =	rddreg [dreg:$0xa];
	[sflag:s12] =	ssyncadd.s32 $0xFFFFD800  }
0x59: {  	[tilespmem:s16], [sflag:$0x1] =	stream.indirect.gather [hbm4b:s1+s15], $0x80, s11, s15, $0xb8;
	[tilespmem:$0x1F880] =	vst v63  }
0x5a: {  	_ =	swait.ge [sflag:s21], $0x2800  }
0x5b: {  	[sflag:s21] =	ssyncset.done $0x0  }
0x5c: {  	s13 =	rddreg [dreg:$0xb];
	[sflag:s21] =	ssyncadd.s32 $0xFFFFD800  }
0x5d: {  	[spmem:s3] =	stream.indirect.scatter.add.f32 [tilespmem:s17], [sflag:$0x5], $0x80, s13, s15, $0xb8;
	[tilespmem:$0x1F880] =	vst v63  }
0x5e: {  	_ =	swait.ge [sflag:s12], $0x2800  }
0x5f: {  	[sflag:s12] =	ssyncset.done $0x0  }
0x60: {  	s10 =	rddreg [dreg:$0xc];
	[sflag:s12] =	ssyncadd.s32 $0xFFFFD800  }
0x61: {  	[tilespmem:s17], [sflag:$0x2] =	stream.indirect.gather [hbm4b:s1+s15], $0x80, s10, s15, $0xb8;
	[tilespmem:$0x1F880] =	vst v63  }
0x62: {  	_ =	swait.ge [sflag:s22], $0x2800  }
0x63: {  	[sflag:s22] =	ssyncset.done $0x0  }
0x64: {  	s11 =	rddreg [dreg:$0xd];
	[sflag:s22] =	ssyncadd.s32 $0xFFFFD800  }
0x65: {  	[spmem:s3] =	stream.indirect.scatter.add.f32 [tilespmem:s18], [sflag:$0x5], $0x80, s11, s15, $0xb8;
	[tilespmem:$0x1F880] =	vst v63  }
0x66: {  	_ =	swait.ge [sflag:s12], $0x2800  }
0x67: {  	[sflag:s12] =	ssyncset.done $0x0  }
0x68: {  	s13 =	rddreg [dreg:$0xe];
	[sflag:s12] =	ssyncadd.s32 $0xFFFFD800  }
0x69: {  	[tilespmem:s18], [sflag:$0x3] =	stream.indirect.gather [hbm4b:s1+s15], $0x80, s13, s15, $0xb8;
	[tilespmem:$0x1F880] =	vst v63  }
0x6a: {  	_ =	swait.ge [sflag:s23], $0x2800  }
0x6b: {  	[sflag:s23] =	ssyncset.done $0x0  }
0x6c: {  	s10 =	rddreg [dreg:$0xf];
	[sflag:s23] =	ssyncadd.s32 $0xFFFFD800  }
0x6d: {  	[spmem:s3] =	stream.indirect.scatter.add.f32 [tilespmem:s19], [sflag:$0x5], $0x80, s10, s15, $0xb8;
	[tilespmem:$0x1F880] =	vst v63  }
0x6e: {  	_ =	swait.ge [sflag:s12], $0x2800  }
0x6f: {  	[sflag:s12] =	ssyncset.done $0x0  }
0x70: {  	s11 =	rddreg [dreg:$0x10];
	[sflag:s12] =	ssyncadd.s32 $0xFFFFD800  }
0x71: {  	[tilespmem:s19], [sflag:$0x4] =	stream.indirect.gather [hbm4b:s1+s15], $0x80, s11, s15, $0xb8;
	[tilespmem:$0x1F880] =	vst v63  }
0x72: {  	_ =	swait.ge [sflag:s20], $0x2800  }
0x73: {  	[sflag:s20] =	ssyncset.done $0x0  }
0x74: {  	s13 =	rddreg [dreg:$0x11];
	[sflag:s20] =	ssyncadd.s32 $0xFFFFD800  }
0x75: {  	[spmem:s3] =	stream.indirect.scatter.add.f32 [tilespmem:s16], [sflag:$0x5], $0x80, s13, s15, $0xb8;
	[tilespmem:$0x1F880] =	vst v63  }
0x76: {  	_ =	swait.ge [sflag:s12], $0x2800  }
0x77: {  	[sflag:s12] =	ssyncset.done $0x0  }
0x78: {  	s10 =	rddreg [dreg:$0x12];
	[sflag:s12] =	ssyncadd.s32 $0xFFFFD800  }
0x79: {  	[tilespmem:s16], [sflag:$0x1] =	stream.indirect.gather [hbm4b:s1+s15], $0x80, s10, s15, $0xb8;
	[tilespmem:$0x1F880] =	vst v63  }
0x7a: {  	_ =	swait.ge [sflag:s21], $0x2800  }
0x7b: {  	[sflag:s21] =	ssyncset.done $0x0  }
0x7c: {  	s11 =	rddreg [dreg:$0x13];
	[sflag:s21] =	ssyncadd.s32 $0xFFFFD800  }
0x7d: {  	[spmem:s3] =	stream.indirect.scatter.add.f32 [tilespmem:s17], [sflag:$0x5], $0x80, s11, s15, $0xb8;
	[tilespmem:$0x1F880] =	vst v63  }
0x7e: {  	_ =	swait.ge [sflag:s12], $0x2800  }
0x7f: {  	[sflag:s12] =	ssyncset.done $0x0  }
0x80: {  	s13 =	rddreg [dreg:$0x14];
	[sflag:s12] =	ssyncadd.s32 $0xFFFFD800  }
0x81: {  	[tilespmem:s17], [sflag:$0x2] =	stream.indirect.gather [hbm4b:s1+s15], $0x80, s13, s15, $0xb8;
	[tilespmem:$0x1F880] =	vst v63  }
0x82: {  	_ =	swait.ge [sflag:s22], $0x2800  }
0x83: {  	[sflag:s22] =	ssyncset.done $0x0  }
0x84: {  	s10 =	rddreg [dreg:$0x15];
	[sflag:s22] =	ssyncadd.s32 $0xFFFFD800  }
0x85: {  	[spmem:s3] =	stream.indirect.scatter.add.f32 [tilespmem:s18], [sflag:$0x5], $0x80, s10, s15, $0xb8;
	[tilespmem:$0x1F880] =	vst v63  }
0x86: {  	_ =	swait.ge [sflag:s12], $0x2800  }
0x87: {  	[sflag:s12] =	ssyncset.done $0x0  }
0x88: {  	s11 =	rddreg [dreg:$0x16];
	[sflag:s12] =	ssyncadd.s32 $0xFFFFD800  }
0x89: {  	[tilespmem:s18], [sflag:$0x3] =	stream.indirect.gather [hbm4b:s1+s15], $0x80, s11, s15, $0xb8;
	[tilespmem:$0x1F880] =	vst v63  }
0x8a: {  	_ =	swait.ge [sflag:s23], $0x2800  }
0x8b: {  	[sflag:s23] =	ssyncset.done $0x0  }
0x8c: {  	s13 =	rddreg [dreg:$0x17];
	[sflag:s23] =	ssyncadd.s32 $0xFFFFD800  }
0x8d: {  	[spmem:s3] =	stream.indirect.scatter.add.f32 [tilespmem:s19], [sflag:$0x5], $0x80, s13, s15, $0xb8;
	[tilespmem:$0x1F880] =	vst v63  }
0x8e: {  	_ =	swait.ge [sflag:s12], $0x2800  }
0x8f: {  	[sflag:s12] =	ssyncset.done $0x0  }
0x90: {  	s10 =	rddreg [dreg:$0x18];
	[sflag:s12] =	ssyncadd.s32 $0xFFFFD800  }
0x91: {  	[tilespmem:s19], [sflag:$0x4] =	stream.indirect.gather [hbm4b:s1+s15], $0x80, s10, s15, $0xb8;
	[tilespmem:$0x1F880] =	vst v63  }
0x92: {  	_ =	swait.ge [sflag:s20], $0x2800  }
0x93: {  	[sflag:s20] =	ssyncset.done $0x0  }
0x94: {  	s11 =	rddreg [dreg:$0x19];
	[sflag:s20] =	ssyncadd.s32 $0xFFFFD800  }
0x95: {  	[spmem:s3] =	stream.indirect.scatter.add.f32 [tilespmem:s16], [sflag:$0x5], $0x80, s11, s15, $0xb8;
	[tilespmem:$0x1F880] =	vst v63  }
0x96: {  	_ =	swait.ge [sflag:s12], $0x2800  }
0x97: {  	[sflag:s12] =	ssyncset.done $0x0  }
0x98: {  	s13 =	rddreg [dreg:$0x1a];
	[sflag:s12] =	ssyncadd.s32 $0xFFFFD800  }
0x99: {  	[tilespmem:s16], [sflag:$0x1] =	stream.indirect.gather [hbm4b:s1+s15], $0x80, s13, s15, $0xb8;
	[tilespmem:$0x1F880] =	vst v63  }
0x9a: {  	_ =	swait.ge [sflag:s21], $0x2800  }
0x9b: {  	[sflag:s21] =	ssyncset.done $0x0  }
0x9c: {  	s10 =	rddreg [dreg:$0x1b];
	[sflag:s21] =	ssyncadd.s32 $0xFFFFD800  }
0x9d: {  	[spmem:s3] =	stream.indirect.scatter.add.f32 [tilespmem:s17], [sflag:$0x5], $0x80, s10, s15, $0xb8;
	[tilespmem:$0x1F880] =	vst v63  }
0x9e: {  	_ =	swait.ge [sflag:s12], $0x2800  }
0x9f: {  	[sflag:s12] =	ssyncset.done $0x0  }
0xa0: {  	s11 =	rddreg [dreg:$0x1c];
	[sflag:s12] =	ssyncadd.s32 $0xFFFFD800  }
0xa1: {  	[tilespmem:s17], [sflag:$0x2] =	stream.indirect.gather [hbm4b:s1+s15], $0x80, s11, s15, $0xb8;
	[tilespmem:$0x1F880] =	vst v63  }
0xa2: {  	_ =	swait.ge [sflag:s22], $0x2800  }
0xa3: {  	[sflag:s22] =	ssyncset.done $0x0  }
0xa4: {  	s13 =	rddreg [dreg:$0x1d];
	[sflag:s22] =	ssyncadd.s32 $0xFFFFD800  }
0xa5: {  	[spmem:s3] =	stream.indirect.scatter.add.f32 [tilespmem:s18], [sflag:$0x5], $0x80, s13, s15, $0xb8;
	[tilespmem:$0x1F880] =	vst v63  }
0xa6: {  	_ =	swait.ge [sflag:s12], $0x2800  }
0xa7: {  	[sflag:s12] =	ssyncset.done $0x0  }
0xa8: {  	s10 =	rddreg [dreg:$0x1e];
	[sflag:s12] =	ssyncadd.s32 $0xFFFFD800  }
0xa9: {  	[tilespmem:s18], [sflag:$0x3] =	stream.indirect.gather [hbm4b:s1+s15], $0x80, s10, s15, $0xb8;
	[tilespmem:$0x1F880] =	vst v63  }
0xaa: {  	_ =	swait.ge [sflag:s23], $0x2800  }
0xab: {  	[sflag:s23] =	ssyncset.done $0x0  }
0xac: {  	s11 =	rddreg [dreg:$0x1f];
	[sflag:s23] =	ssyncadd.s32 $0xFFFFD800  }
0xad: {  	[spmem:s3] =	stream.indirect.scatter.add.f32 [tilespmem:s19], [sflag:$0x5], $0x80, s11, s15, $0xb8;
	[tilespmem:$0x1F880] =	vst v63  }
0xae: {  	_ =	swait.ge [sflag:s12], $0x2800  }
0xaf: {  	s13 =	sld [smem:$0x7F0]  }
0xb0: {  	[sflag:s12] =	ssyncset.done $0x0  }
0xb1: {  	[sflag:s12] =	ssyncadd.s32 $0xFFFFD800  }
0xb2: {  	[tilespmem:s19], [sflag:$0x4] =	stream.indirect.gather [hbm4b:s1+s15], $0x80, s13, s15, $0xb8;
	[tilespmem:$0x1F880] =	vst v63  }
0xb3: {  	_ =	swait.ge [sflag:s20], $0x2800  }
0xb4: {  	s10 =	sld [smem:$0x7F1]  }
0xb5: {  	[sflag:s20] =	ssyncset.done $0x0  }
0xb6: {  	[sflag:s20] =	ssyncadd.s32 $0xFFFFD800  }
0xb7: {  	[spmem:s3] =	stream.indirect.scatter.add.f32 [tilespmem:s16], [sflag:$0x5], $0x80, s10, s15, $0xb8;
	[tilespmem:$0x1F880] =	vst v63  }
0xb8: {  	_ =	swait.ge [sflag:s12], $0x2800  }
0xb9: {  	s11 =	sld [smem:$0x7F2]  }
0xba: {  	[sflag:s12] =	ssyncset.done $0x0  }
0xbb: {  	[sflag:s12] =	ssyncadd.s32 $0xFFFFD800  }
0xbc: {  	[tilespmem:s16], [sflag:$0x1] =	stream.indirect.gather [hbm4b:s1+s15], $0x80, s11, s15, $0xb8;
	[tilespmem:$0x1F880] =	vst v63  }
0xbd: {  	_ =	swait.ge [sflag:s21], $0x2800  }
0xbe: {  	s13 =	sld [smem:$0x7F3]  }
0xbf: {  	[sflag:s21] =	ssyncset.done $0x0  }
0xc0: {  	[sflag:s21] =	ssyncadd.s32 $0xFFFFD800  }
0xc1: {  	[spmem:s3] =	stream.indirect.scatter.add.f32 [tilespmem:s17], [sflag:$0x5], $0x80, s13, s15, $0xb8;
	[tilespmem:$0x1F880] =	vst v63  }
0xc2: {  	_ =	swait.ge [sflag:s12], $0x2800  }
0xc3: {  	s10 =	sld [smem:$0x7F4]  }
0xc4: {  	[sflag:s12] =	ssyncset.done $0x0  }
0xc5: {  	[sflag:s12] =	ssyncadd.s32 $0xFFFFD800  }
0xc6: {  	[tilespmem:s17], [sflag:$0x2] =	stream.indirect.gather [hbm4b:s1+s15], $0x80, s10, s15, $0xb8;
	[tilespmem:$0x1F880] =	vst v63  }
0xc7: {  	_ =	swait.ge [sflag:s22], $0x2800  }
0xc8: {  	s11 =	sld [smem:$0x7F5]  }
0xc9: {  	[sflag:s22] =	ssyncset.done $0x0  }
0xca: {  	[sflag:s22] =	ssyncadd.s32 $0xFFFFD800  }
0xcb: {  	[spmem:s3] =	stream.indirect.scatter.add.f32 [tilespmem:s18], [sflag:$0x5], $0x80, s11, s15, $0xb8;
	[tilespmem:$0x1F880] =	vst v63  }
0xcc: {  	_ =	swait.ge [sflag:s12], $0x2800  }
0xcd: {  	s13 =	sld [smem:$0x7F6]  }
0xce: {  	[sflag:s12] =	ssyncset.done $0x0  }
0xcf: {  	[sflag:s12] =	ssyncadd.s32 $0xFFFFD800  }
0xd0: {  	[tilespmem:s18], [sflag:$0x3] =	stream.indirect.gather [hbm4b:s1+s15], $0x80, s13, s15, $0xb8;
	[tilespmem:$0x1F880] =	vst v63  }
0xd1: {  	_ =	swait.ge [sflag:s23], $0x2800  }
0xd2: {  	s10 =	sld [smem:$0x7F7]  }
0xd3: {  	[sflag:s23] =	ssyncset.done $0x0  }
0xd4: {  	[sflag:s23] =	ssyncadd.s32 $0xFFFFD800  }
0xd5: {  	[spmem:s3] =	stream.indirect.scatter.add.f32 [tilespmem:s19], [sflag:$0x5], $0x80, s10, s15, $0xb8;
	[tilespmem:$0x1F880] =	vst v63  }
0xd6: {  	_ =	swait.ge [sflag:s12], $0x2800  }
0xd7: {  	s11 =	sld [smem:$0x7F8]  }
0xd8: {  	[sflag:s12] =	ssyncset.done $0x0  }
0xd9: {  	[sflag:s12] =	ssyncadd.s32 $0xFFFFD800  }
0xda: {  	[tilespmem:s19], [sflag:$0x4] =	stream.indirect.gather [hbm4b:s1+s15], $0x80, s11, s15, $0xb8;
	[tilespmem:$0x1F880] =	vst v63  }
0xdb: {  	_ =	swait.ge [sflag:s20], $0x2800  }
0xdc: {  	s13 =	sld [smem:$0x7F9]  }
0xdd: {  	[sflag:s20] =	ssyncset.done $0x0  }
0xde: {  	[sflag:s20] =	ssyncadd.s32 $0xFFFFD800  }
0xdf: {  	[spmem:s3] =	stream.indirect.scatter.add.f32 [tilespmem:s16], [sflag:$0x5], $0x80, s13, s15, $0xb8;
	[tilespmem:$0x1F880] =	vst v63  }
0xe0: {  	_ =	swait.ge [sflag:s12], $0x2800  }
0xe1: {  	[sflag:s12] =	ssyncset.done $0x0  }
0xe2: {  	[sflag:s12] =	ssyncadd.s32 $0xFFFFD800  }
0xe3: {  	[tilespmem:s16], [sflag:$0x1] =	stream.indirect.gather [hbm4b:s1+s15], $0x80, s24, s15, $0xb8;
	[tilespmem:$0x1F880] =	vst v63  }
0xe4: {  	_ =	swait.ge [sflag:s21], $0x2800  }
0xe5: {  	[sflag:s21] =	ssyncset.done $0x0  }
0xe6: {  	[sflag:s21] =	ssyncadd.s32 $0xFFFFD800  }
0xe7: {  	[spmem:s3] =	stream.indirect.scatter.add.f32 [tilespmem:s17], [sflag:$0x5], $0x80, s25, s15, $0xb8;
	[tilespmem:$0x1F880] =	vst v63  }
0xe8: {  	_ =	swait.ge [sflag:s12], $0x2800  }
0xe9: {  	[sflag:s12] =	ssyncset.done $0x0  }
0xea: {  	[sflag:s12] =	ssyncadd.s32 $0xFFFFD800  }
0xeb: {  	[tilespmem:s17], [sflag:$0x2] =	stream.indirect.gather [hbm4b:s1+s15], $0x80, s26, s15, $0xb8;
	[tilespmem:$0x1F880] =	vst v63  }
0xec: {  	_ =	swait.ge [sflag:s22], $0x2800  }
0xed: {  	[sflag:s22] =	ssyncset.done $0x0  }
0xee: {  	[sflag:s22] =	ssyncadd.s32 $0xFFFFD800  }
0xef: {  	[spmem:s3] =	stream.indirect.scatter.add.f32 [tilespmem:s18], [sflag:$0x5], $0x80, s28, s15, $0xb8;
	[tilespmem:$0x1F880] =	vst v63  }
0xf0: {  	_ =	swait.ge [sflag:s12], $0x2800  }
0xf1: {  	[sflag:s12] =	ssyncset.done $0x0  }
0xf2: {  	[sflag:s12] =	ssyncadd.s32 $0xFFFFD800  }
0xf3: {  	[tilespmem:s18], [sflag:$0x3] =	stream.indirect.gather [hbm4b:s1+s15], $0x80, s29, s15, $0xb8;
	[tilespmem:$0x1F880] =	vst v63  }
0xf4: {  	_ =	swait.ge [sflag:s23], $0x2800  }
0xf5: {  	[sflag:s23] =	ssyncset.done $0x0  }
0xf6: {  	[sflag:s23] =	ssyncadd.s32 $0xFFFFD800  }
0xf7: {  	[spmem:s3] =	stream.indirect.scatter.add.f32 [tilespmem:s19], [sflag:$0x5], $0x80, s30, s15, $0xb8;
	[tilespmem:$0x1F880] =	vst v63  }
0xf8: {  	_ =	swait.ge [sflag:s12], $0x2800  }
0xf9: {  	[sflag:s12] =	ssyncset.done $0x0  }
0xfa: {  	[sflag:s12] =	ssyncadd.s32 $0xFFFFD800  }
0xfb: {  	[tilespmem:s19], [sflag:$0x4] =	stream.indirect.gather [hbm4b:s1+s15], $0x80, s31, s15, $0xb8;
	[tilespmem:$0x1F880] =	vst v63  }
0xfc: {  	_ =	swait.ge [sflag:s20], $0x2800  }
0xfd: {  	[sflag:s20] =	ssyncset.done $0x0  }
0xfe: {  	[sflag:s20] =	ssyncadd.s32 $0xFFFFD800  }
0xff: {  	[spmem:s3] =	stream.indirect.scatter.add.f32 [tilespmem:s16], [sflag:$0x5], $0x80, s2, s15, $0xb8;
	[tilespmem:$0x1F880] =	vst v63  }
0x100: {  	_ =	swait.ge [sflag:s12], $0x2800  }
0x101: {  	[sflag:s12] =	ssyncset.done $0x0  }
0x102: {  	[sflag:s12] =	ssyncadd.s32 $0xFFFFD800  }
0x103: {  	[tilespmem:s16], [sflag:$0x1] =	stream.indirect.gather [hbm4b:s1+s15], $0x80, s0, s15, $0xb8;
	[tilespmem:$0x1F880] =	vst v63  }
0x104: {  	_ =	swait.ge [sflag:s21], $0x2800  }
0x105: {  	[sflag:s21] =	ssyncset.done $0x0  }
0x106: {  	[sflag:s21] =	ssyncadd.s32 $0xFFFFD800  }
0x107: {  	[spmem:s3] =	stream.indirect.scatter.add.f32 [tilespmem:s17], [sflag:$0x5], $0x80, s5, s15, $0xb8;
	[tilespmem:$0x1F880] =	vst v63  }
0x108: {  	_ =	swait.ge [sflag:s12], $0x2800  }
0x109: {  	[sflag:s12] =	ssyncset.done $0x0  }
0x10a: {  	[sflag:s12] =	ssyncadd.s32 $0xFFFFD800  }
0x10b: {  	_ =	swait.ge [sflag:s22], $0x2800  }
0x10c: {  	[sflag:s22] =	ssyncset.done $0x0  }
0x10d: {  	[sflag:s22] =	ssyncadd.s32 $0xFFFFD800  }
0x10e: {  	[spmem:s3] =	stream.indirect.scatter.add.f32 [tilespmem:s18], [sflag:$0x5], $0x80, s7, s15, $0xb8;
	[tilespmem:$0x1F880] =	vst v63  }
0x10f: {  	_ =	swait.ge [sflag:s12], $0x2800  }
0x110: {  	[sflag:s12] =	ssyncset.done $0x0  }
0x111: {  	[sflag:s12] =	ssyncadd.s32 $0xFFFFD800  }
0x112: {  	_ =	swait.ge [sflag:s23], $0x2800  }
0x113: {  	[sflag:s23] =	ssyncset.done $0x0  }
0x114: {  	[sflag:s23] =	ssyncadd.s32 $0xFFFFD800  }
0x115: {  	[spmem:s3] =	stream.indirect.scatter.add.f32 [tilespmem:s19], [sflag:$0x5], $0x80, s8, s15, $0xb8;
	[tilespmem:$0x1F880] =	vst v63  }
0x116: {  	_ =	swait.ge [sflag:s12], $0x2800  }
0x117: {  	[sflag:s12] =	ssyncset.done $0x0  }
0x118: {  	[sflag:s12] =	ssyncadd.s32 $0xFFFFD800  }
0x119: {  	_ =	swait.ge [sflag:s20], $0x2800  }
0x11a: {  	[sflag:s20] =	ssyncset.done $0x0  }
0x11b: {  	[sflag:s20] =	ssyncadd.s32 $0xFFFFD800  }
0x11c: {  	[spmem:s3] =	stream.indirect.scatter.add.f32 [tilespmem:s16], [sflag:$0x5], $0x80, s9, s15, $0xb8;
	[tilespmem:$0x1F880] =	vst v63  }
0x11d: {  	s11 =	simm.s32 $0x200;
	_ =	swait.ge [sflag:s12], $0x2800  }
0x11e: {  	s13 =	simm.s32 $0x400;
	s6 =	rddreg [dreg:$0x6];
	[sflag:s12] =	ssyncset.done $0x0  }
.LBB2_2:
0x11f: {  	[sflag:s12] =	ssyncadd.s32 $0xFFFFD800;
	s6 =	sadd.s32 s11, s6  }
0x120: {  	[tilespmem:s4], [sflag:$0x5] =	stream.linear.gather [hbm4b:s6+s4], $0xC80, $0x38;
	[tilespmem:$0x1F880] =	vst v63  }
0x121: {  	_ =	swait.ge [sflag:s12], $0xC80  }
0x122: {  	s6 =	rddreg [dreg:$0x5];
	[sflag:s12] =	ssyncset.done $0x0  }
0x123: {  	[sflag:s12] =	ssyncadd.s32 $0xFFFFF380;
	s6 =	sadd.s32 s11, s6  }
0x124: {  	[tilespmem:s14], [sflag:$0x5] =	stream.linear.gather [hbm4b:s6+s4], $0xC80, $0x38;
	[tilespmem:$0x1F880] =	vst v63  }
0x125: {  	_ =	swait.ge [sflag:s12], $0xC80  }
0x126: {  	[sflag:s12] =	ssyncset.done $0x0  }
0x127: {  	[sflag:s12] =	ssyncadd.s32 $0xFFFFF380  }
0x128: {  	[tilespmem:s16], [sflag:$0x1] =	stream.indirect.gather [hbm4b:s1+s15], $0x80, s4, s15, $0xb8;
	[tilespmem:$0x1F880] =	vst v63  }
0x129: {  	s10 =	smov.u32 s13;
	s6 =	rddreg [dreg:$0x7]  }
0x12a: {  	[tilespmem:s17], [sflag:$0x2] =	stream.indirect.gather [hbm4b:s1+s15], $0x80, s6, s15, $0xb8;
	[tilespmem:$0x1F880] =	vst v63  }
0x12b: {  	s11 =	smov.u32 s10;
	s10 =	rddreg [dreg:$0x8]  }
0x12c: {  	[tilespmem:s18], [sflag:$0x3] =	stream.indirect.gather [hbm4b:s1+s15], $0x80, s10, s15, $0xb8;
	[tilespmem:$0x1F880] =	vst v63  }
0x12d: {  	s6 =	rddreg [dreg:$0x9]  }
0x12e: {  	[tilespmem:s19], [sflag:$0x4] =	stream.indirect.gather [hbm4b:s1+s15], $0x80, s6, s15, $0xb8;
	[tilespmem:$0x1F880] =	vst v63  }
0x12f: {  	_ =	swait.ge [sflag:s20], $0x2800  }
0x130: {  	[sflag:s20] =	ssyncset.done $0x0  }
0x131: {  	[sflag:s20] =	ssyncadd.s32 $0xFFFFD800  }
0x132: {  	[spmem:s3] =	stream.indirect.scatter.add.f32 [tilespmem:s16], [sflag:$0x5], $0x80, s14, s15, $0xb8;
	[tilespmem:$0x1F880] =	vst v63  }
0x133: {  	_ =	swait.ge [sflag:s12], $0x2800  }
0x134: {  	[sflag:s12] =	ssyncset.done $0x0  }
0x135: {  	s10 =	rddreg [dreg:$0xa];
	[sflag:s12] =	ssyncadd.s32 $0xFFFFD800  }
0x136: {  	[tilespmem:s16], [sflag:$0x1] =	stream.indirect.gather [hbm4b:s1+s15], $0x80, s10, s15, $0xb8;
	[tilespmem:$0x1F880] =	vst v63  }
0x137: {  	_ =	swait.ge [sflag:s21], $0x2800  }
0x138: {  	[sflag:s21] =	ssyncset.done $0x0  }
0x139: {  	s10 =	rddreg [dreg:$0xb];
	[sflag:s21] =	ssyncadd.s32 $0xFFFFD800  }
0x13a: {  	[spmem:s3] =	stream.indirect.scatter.add.f32 [tilespmem:s17], [sflag:$0x5], $0x80, s10, s15, $0xb8;
	[tilespmem:$0x1F880] =	vst v63  }
0x13b: {  	_ =	swait.ge [sflag:s12], $0x2800  }
0x13c: {  	[sflag:s12] =	ssyncset.done $0x0  }
0x13d: {  	s10 =	rddreg [dreg:$0xc];
	[sflag:s12] =	ssyncadd.s32 $0xFFFFD800  }
0x13e: {  	[tilespmem:s17], [sflag:$0x2] =	stream.indirect.gather [hbm4b:s1+s15], $0x80, s10, s15, $0xb8;
	[tilespmem:$0x1F880] =	vst v63  }
0x13f: {  	_ =	swait.ge [sflag:s22], $0x2800  }
0x140: {  	[sflag:s22] =	ssyncset.done $0x0  }
0x141: {  	s10 =	rddreg [dreg:$0xd];
	[sflag:s22] =	ssyncadd.s32 $0xFFFFD800  }
0x142: {  	[spmem:s3] =	stream.indirect.scatter.add.f32 [tilespmem:s18], [sflag:$0x5], $0x80, s10, s15, $0xb8;
	[tilespmem:$0x1F880] =	vst v63  }
0x143: {  	_ =	swait.ge [sflag:s12], $0x2800  }
0x144: {  	[sflag:s12] =	ssyncset.done $0x0  }
0x145: {  	s10 =	rddreg [dreg:$0xe];
	[sflag:s12] =	ssyncadd.s32 $0xFFFFD800  }
0x146: {  	[tilespmem:s18], [sflag:$0x3] =	stream.indirect.gather [hbm4b:s1+s15], $0x80, s10, s15, $0xb8;
	[tilespmem:$0x1F880] =	vst v63  }
0x147: {  	_ =	swait.ge [sflag:s23], $0x2800  }
0x148: {  	[sflag:s23] =	ssyncset.done $0x0  }
0x149: {  	s10 =	rddreg [dreg:$0xf];
	[sflag:s23] =	ssyncadd.s32 $0xFFFFD800  }
0x14a: {  	[spmem:s3] =	stream.indirect.scatter.add.f32 [tilespmem:s19], [sflag:$0x5], $0x80, s10, s15, $0xb8;
	[tilespmem:$0x1F880] =	vst v63  }
0x14b: {  	_ =	swait.ge [sflag:s12], $0x2800  }
0x14c: {  	[sflag:s12] =	ssyncset.done $0x0  }
0x14d: {  	s10 =	rddreg [dreg:$0x10];
	[sflag:s12] =	ssyncadd.s32 $0xFFFFD800  }
0x14e: {  	[tilespmem:s19], [sflag:$0x4] =	stream.indirect.gather [hbm4b:s1+s15], $0x80, s10, s15, $0xb8;
	[tilespmem:$0x1F880] =	vst v63  }
0x14f: {  	_ =	swait.ge [sflag:s20], $0x2800  }
0x150: {  	[sflag:s20] =	ssyncset.done $0x0  }
0x151: {  	s10 =	rddreg [dreg:$0x11];
	[sflag:s20] =	ssyncadd.s32 $0xFFFFD800  }
0x152: {  	[spmem:s3] =	stream.indirect.scatter.add.f32 [tilespmem:s16], [sflag:$0x5], $0x80, s10, s15, $0xb8;
	[tilespmem:$0x1F880] =	vst v63  }
0x153: {  	_ =	swait.ge [sflag:s12], $0x2800  }
0x154: {  	[sflag:s12] =	ssyncset.done $0x0  }
0x155: {  	s10 =	rddreg [dreg:$0x12];
	[sflag:s12] =	ssyncadd.s32 $0xFFFFD800  }
0x156: {  	[tilespmem:s16], [sflag:$0x1] =	stream.indirect.gather [hbm4b:s1+s15], $0x80, s10, s15, $0xb8;
	[tilespmem:$0x1F880] =	vst v63  }
0x157: {  	_ =	swait.ge [sflag:s21], $0x2800  }
0x158: {  	[sflag:s21] =	ssyncset.done $0x0  }
0x159: {  	s10 =	rddreg [dreg:$0x13];
	[sflag:s21] =	ssyncadd.s32 $0xFFFFD800  }
0x15a: {  	[spmem:s3] =	stream.indirect.scatter.add.f32 [tilespmem:s17], [sflag:$0x5], $0x80, s10, s15, $0xb8;
	[tilespmem:$0x1F880] =	vst v63  }
0x15b: {  	_ =	swait.ge [sflag:s12], $0x2800  }
0x15c: {  	[sflag:s12] =	ssyncset.done $0x0  }
0x15d: {  	s10 =	rddreg [dreg:$0x14];
	[sflag:s12] =	ssyncadd.s32 $0xFFFFD800  }
0x15e: {  	[tilespmem:s17], [sflag:$0x2] =	stream.indirect.gather [hbm4b:s1+s15], $0x80, s10, s15, $0xb8;
	[tilespmem:$0x1F880] =	vst v63  }
0x15f: {  	_ =	swait.ge [sflag:s22], $0x2800  }
0x160: {  	[sflag:s22] =	ssyncset.done $0x0  }
0x161: {  	s10 =	rddreg [dreg:$0x15];
	[sflag:s22] =	ssyncadd.s32 $0xFFFFD800  }
0x162: {  	[spmem:s3] =	stream.indirect.scatter.add.f32 [tilespmem:s18], [sflag:$0x5], $0x80, s10, s15, $0xb8;
	[tilespmem:$0x1F880] =	vst v63  }
0x163: {  	_ =	swait.ge [sflag:s12], $0x2800  }
0x164: {  	[sflag:s12] =	ssyncset.done $0x0  }
0x165: {  	s10 =	rddreg [dreg:$0x16];
	[sflag:s12] =	ssyncadd.s32 $0xFFFFD800  }
0x166: {  	[tilespmem:s18], [sflag:$0x3] =	stream.indirect.gather [hbm4b:s1+s15], $0x80, s10, s15, $0xb8;
	[tilespmem:$0x1F880] =	vst v63  }
0x167: {  	_ =	swait.ge [sflag:s23], $0x2800  }
0x168: {  	[sflag:s23] =	ssyncset.done $0x0  }
0x169: {  	s10 =	rddreg [dreg:$0x17];
	[sflag:s23] =	ssyncadd.s32 $0xFFFFD800  }
0x16a: {  	[spmem:s3] =	stream.indirect.scatter.add.f32 [tilespmem:s19], [sflag:$0x5], $0x80, s10, s15, $0xb8;
	[tilespmem:$0x1F880] =	vst v63  }
0x16b: {  	_ =	swait.ge [sflag:s12], $0x2800  }
0x16c: {  	[sflag:s12] =	ssyncset.done $0x0  }
0x16d: {  	s10 =	rddreg [dreg:$0x18];
	[sflag:s12] =	ssyncadd.s32 $0xFFFFD800  }
0x16e: {  	[tilespmem:s19], [sflag:$0x4] =	stream.indirect.gather [hbm4b:s1+s15], $0x80, s10, s15, $0xb8;
	[tilespmem:$0x1F880] =	vst v63  }
0x16f: {  	_ =	swait.ge [sflag:s20], $0x2800  }
0x170: {  	[sflag:s20] =	ssyncset.done $0x0  }
0x171: {  	s10 =	rddreg [dreg:$0x19];
	[sflag:s20] =	ssyncadd.s32 $0xFFFFD800  }
0x172: {  	[spmem:s3] =	stream.indirect.scatter.add.f32 [tilespmem:s16], [sflag:$0x5], $0x80, s10, s15, $0xb8;
	[tilespmem:$0x1F880] =	vst v63  }
0x173: {  	_ =	swait.ge [sflag:s12], $0x2800  }
0x174: {  	[sflag:s12] =	ssyncset.done $0x0  }
0x175: {  	s10 =	rddreg [dreg:$0x1a];
	[sflag:s12] =	ssyncadd.s32 $0xFFFFD800  }
0x176: {  	[tilespmem:s16], [sflag:$0x1] =	stream.indirect.gather [hbm4b:s1+s15], $0x80, s10, s15, $0xb8;
	[tilespmem:$0x1F880] =	vst v63  }
0x177: {  	_ =	swait.ge [sflag:s21], $0x2800  }
0x178: {  	[sflag:s21] =	ssyncset.done $0x0  }
0x179: {  	s10 =	rddreg [dreg:$0x1b];
	[sflag:s21] =	ssyncadd.s32 $0xFFFFD800  }
0x17a: {  	[spmem:s3] =	stream.indirect.scatter.add.f32 [tilespmem:s17], [sflag:$0x5], $0x80, s10, s15, $0xb8;
	[tilespmem:$0x1F880] =	vst v63  }
0x17b: {  	_ =	swait.ge [sflag:s12], $0x2800  }
0x17c: {  	[sflag:s12] =	ssyncset.done $0x0  }
0x17d: {  	s10 =	rddreg [dreg:$0x1c];
	[sflag:s12] =	ssyncadd.s32 $0xFFFFD800  }
0x17e: {  	[tilespmem:s17], [sflag:$0x2] =	stream.indirect.gather [hbm4b:s1+s15], $0x80, s10, s15, $0xb8;
	[tilespmem:$0x1F880] =	vst v63  }
0x17f: {  	_ =	swait.ge [sflag:s22], $0x2800  }
0x180: {  	[sflag:s22] =	ssyncset.done $0x0  }
0x181: {  	s10 =	rddreg [dreg:$0x1d];
	[sflag:s22] =	ssyncadd.s32 $0xFFFFD800  }
0x182: {  	[spmem:s3] =	stream.indirect.scatter.add.f32 [tilespmem:s18], [sflag:$0x5], $0x80, s10, s15, $0xb8;
	[tilespmem:$0x1F880] =	vst v63  }
0x183: {  	_ =	swait.ge [sflag:s12], $0x2800  }
0x184: {  	[sflag:s12] =	ssyncset.done $0x0  }
0x185: {  	s10 =	rddreg [dreg:$0x1e];
	[sflag:s12] =	ssyncadd.s32 $0xFFFFD800  }
0x186: {  	[tilespmem:s18], [sflag:$0x3] =	stream.indirect.gather [hbm4b:s1+s15], $0x80, s10, s15, $0xb8;
	[tilespmem:$0x1F880] =	vst v63  }
0x187: {  	_ =	swait.ge [sflag:s23], $0x2800  }
0x188: {  	[sflag:s23] =	ssyncset.done $0x0  }
0x189: {  	s10 =	rddreg [dreg:$0x1f];
	[sflag:s23] =	ssyncadd.s32 $0xFFFFD800  }
0x18a: {  	[spmem:s3] =	stream.indirect.scatter.add.f32 [tilespmem:s19], [sflag:$0x5], $0x80, s10, s15, $0xb8;
	[tilespmem:$0x1F880] =	vst v63  }
0x18b: {  	_ =	swait.ge [sflag:s12], $0x2800  }
0x18c: {  	s10 =	sld [smem:$0x7F0]  }
0x18d: {  	[sflag:s12] =	ssyncset.done $0x0  }
0x18e: {  	[sflag:s12] =	ssyncadd.s32 $0xFFFFD800  }
0x18f: {  	[tilespmem:s19], [sflag:$0x4] =	stream.indirect.gather [hbm4b:s1+s15], $0x80, s10, s15, $0xb8;
	[tilespmem:$0x1F880] =	vst v63  }
0x190: {  	_ =	swait.ge [sflag:s20], $0x2800  }
0x191: {  	s10 =	sld [smem:$0x7F1]  }
0x192: {  	[sflag:s20] =	ssyncset.done $0x0  }
0x193: {  	[sflag:s20] =	ssyncadd.s32 $0xFFFFD800  }
0x194: {  	[spmem:s3] =	stream.indirect.scatter.add.f32 [tilespmem:s16], [sflag:$0x5], $0x80, s10, s15, $0xb8;
	[tilespmem:$0x1F880] =	vst v63  }
0x195: {  	_ =	swait.ge [sflag:s12], $0x2800  }
0x196: {  	s10 =	sld [smem:$0x7F2]  }
0x197: {  	[sflag:s12] =	ssyncset.done $0x0  }
0x198: {  	[sflag:s12] =	ssyncadd.s32 $0xFFFFD800  }
0x199: {  	[tilespmem:s16], [sflag:$0x1] =	stream.indirect.gather [hbm4b:s1+s15], $0x80, s10, s15, $0xb8;
	[tilespmem:$0x1F880] =	vst v63  }
0x19a: {  	_ =	swait.ge [sflag:s21], $0x2800  }
0x19b: {  	s10 =	sld [smem:$0x7F3]  }
0x19c: {  	[sflag:s21] =	ssyncset.done $0x0  }
0x19d: {  	[sflag:s21] =	ssyncadd.s32 $0xFFFFD800  }
0x19e: {  	[spmem:s3] =	stream.indirect.scatter.add.f32 [tilespmem:s17], [sflag:$0x5], $0x80, s10, s15, $0xb8;
	[tilespmem:$0x1F880] =	vst v63  }
0x19f: {  	_ =	swait.ge [sflag:s12], $0x2800  }
0x1a0: {  	s10 =	sld [smem:$0x7F4]  }
0x1a1: {  	[sflag:s12] =	ssyncset.done $0x0  }
0x1a2: {  	[sflag:s12] =	ssyncadd.s32 $0xFFFFD800  }
0x1a3: {  	[tilespmem:s17], [sflag:$0x2] =	stream.indirect.gather [hbm4b:s1+s15], $0x80, s10, s15, $0xb8;
	[tilespmem:$0x1F880] =	vst v63  }
0x1a4: {  	_ =	swait.ge [sflag:s22], $0x2800  }
0x1a5: {  	s10 =	sld [smem:$0x7F5]  }
0x1a6: {  	[sflag:s22] =	ssyncset.done $0x0  }
0x1a7: {  	[sflag:s22] =	ssyncadd.s32 $0xFFFFD800  }
0x1a8: {  	[spmem:s3] =	stream.indirect.scatter.add.f32 [tilespmem:s18], [sflag:$0x5], $0x80, s10, s15, $0xb8;
	[tilespmem:$0x1F880] =	vst v63  }
0x1a9: {  	_ =	swait.ge [sflag:s12], $0x2800  }
0x1aa: {  	s10 =	sld [smem:$0x7F6]  }
0x1ab: {  	[sflag:s12] =	ssyncset.done $0x0  }
0x1ac: {  	[sflag:s12] =	ssyncadd.s32 $0xFFFFD800  }
0x1ad: {  	[tilespmem:s18], [sflag:$0x3] =	stream.indirect.gather [hbm4b:s1+s15], $0x80, s10, s15, $0xb8;
	[tilespmem:$0x1F880] =	vst v63  }
0x1ae: {  	_ =	swait.ge [sflag:s23], $0x2800  }
0x1af: {  	s10 =	sld [smem:$0x7F7]  }
0x1b0: {  	[sflag:s23] =	ssyncset.done $0x0  }
0x1b1: {  	[sflag:s23] =	ssyncadd.s32 $0xFFFFD800  }
0x1b2: {  	[spmem:s3] =	stream.indirect.scatter.add.f32 [tilespmem:s19], [sflag:$0x5], $0x80, s10, s15, $0xb8;
	[tilespmem:$0x1F880] =	vst v63  }
0x1b3: {  	_ =	swait.ge [sflag:s12], $0x2800  }
0x1b4: {  	s10 =	sld [smem:$0x7F8]  }
0x1b5: {  	[sflag:s12] =	ssyncset.done $0x0  }
0x1b6: {  	[sflag:s12] =	ssyncadd.s32 $0xFFFFD800  }
0x1b7: {  	[tilespmem:s19], [sflag:$0x4] =	stream.indirect.gather [hbm4b:s1+s15], $0x80, s10, s15, $0xb8;
	[tilespmem:$0x1F880] =	vst v63  }
0x1b8: {  	_ =	swait.ge [sflag:s20], $0x2800  }
0x1b9: {  	s10 =	sld [smem:$0x7F9]  }
0x1ba: {  	[sflag:s20] =	ssyncset.done $0x0  }
0x1bb: {  	[sflag:s20] =	ssyncadd.s32 $0xFFFFD800  }
0x1bc: {  	[spmem:s3] =	stream.indirect.scatter.add.f32 [tilespmem:s16], [sflag:$0x5], $0x80, s10, s15, $0xb8;
	[tilespmem:$0x1F880] =	vst v63  }
0x1bd: {  	_ =	swait.ge [sflag:s12], $0x2800  }
0x1be: {  	[sflag:s12] =	ssyncset.done $0x0  }
0x1bf: {  	[sflag:s12] =	ssyncadd.s32 $0xFFFFD800  }
0x1c0: {  	[tilespmem:s16], [sflag:$0x1] =	stream.indirect.gather [hbm4b:s1+s15], $0x80, s24, s15, $0xb8;
	[tilespmem:$0x1F880] =	vst v63  }
0x1c1: {  	_ =	swait.ge [sflag:s21], $0x2800  }
0x1c2: {  	[sflag:s21] =	ssyncset.done $0x0  }
0x1c3: {  	[sflag:s21] =	ssyncadd.s32 $0xFFFFD800  }
0x1c4: {  	[spmem:s3] =	stream.indirect.scatter.add.f32 [tilespmem:s17], [sflag:$0x5], $0x80, s25, s15, $0xb8;
	[tilespmem:$0x1F880] =	vst v63  }
0x1c5: {  	_ =	swait.ge [sflag:s12], $0x2800  }
0x1c6: {  	[sflag:s12] =	ssyncset.done $0x0  }
0x1c7: {  	[sflag:s12] =	ssyncadd.s32 $0xFFFFD800  }
0x1c8: {  	[tilespmem:s17], [sflag:$0x2] =	stream.indirect.gather [hbm4b:s1+s15], $0x80, s26, s15, $0xb8;
	[tilespmem:$0x1F880] =	vst v63  }
0x1c9: {  	_ =	swait.ge [sflag:s22], $0x2800  }
0x1ca: {  	[sflag:s22] =	ssyncset.done $0x0  }
0x1cb: {  	[sflag:s22] =	ssyncadd.s32 $0xFFFFD800  }
0x1cc: {  	[spmem:s3] =	stream.indirect.scatter.add.f32 [tilespmem:s18], [sflag:$0x5], $0x80, s28, s15, $0xb8;
	[tilespmem:$0x1F880] =	vst v63  }
0x1cd: {  	_ =	swait.ge [sflag:s12], $0x2800  }
0x1ce: {  	[sflag:s12] =	ssyncset.done $0x0  }
0x1cf: {  	[sflag:s12] =	ssyncadd.s32 $0xFFFFD800  }
0x1d0: {  	[tilespmem:s18], [sflag:$0x3] =	stream.indirect.gather [hbm4b:s1+s15], $0x80, s29, s15, $0xb8;
	[tilespmem:$0x1F880] =	vst v63  }
0x1d1: {  	_ =	swait.ge [sflag:s23], $0x2800  }
0x1d2: {  	[sflag:s23] =	ssyncset.done $0x0  }
0x1d3: {  	[sflag:s23] =	ssyncadd.s32 $0xFFFFD800  }
0x1d4: {  	[spmem:s3] =	stream.indirect.scatter.add.f32 [tilespmem:s19], [sflag:$0x5], $0x80, s30, s15, $0xb8;
	[tilespmem:$0x1F880] =	vst v63  }
0x1d5: {  	_ =	swait.ge [sflag:s12], $0x2800  }
0x1d6: {  	[sflag:s12] =	ssyncset.done $0x0  }
0x1d7: {  	[sflag:s12] =	ssyncadd.s32 $0xFFFFD800  }
0x1d8: {  	[tilespmem:s19], [sflag:$0x4] =	stream.indirect.gather [hbm4b:s1+s15], $0x80, s31, s15, $0xb8;
	[tilespmem:$0x1F880] =	vst v63  }
0x1d9: {  	_ =	swait.ge [sflag:s20], $0x2800  }
0x1da: {  	[sflag:s20] =	ssyncset.done $0x0  }
0x1db: {  	[sflag:s20] =	ssyncadd.s32 $0xFFFFD800  }
0x1dc: {  	[spmem:s3] =	stream.indirect.scatter.add.f32 [tilespmem:s16], [sflag:$0x5], $0x80, s2, s15, $0xb8;
	[tilespmem:$0x1F880] =	vst v63  }
0x1dd: {  	_ =	swait.ge [sflag:s12], $0x2800  }
0x1de: {  	[sflag:s12] =	ssyncset.done $0x0  }
0x1df: {  	[sflag:s12] =	ssyncadd.s32 $0xFFFFD800  }
0x1e0: {  	[tilespmem:s16], [sflag:$0x1] =	stream.indirect.gather [hbm4b:s1+s15], $0x80, s0, s15, $0xb8;
	[tilespmem:$0x1F880] =	vst v63  }
0x1e1: {  	_ =	swait.ge [sflag:s21], $0x2800  }
0x1e2: {  	[sflag:s21] =	ssyncset.done $0x0  }
0x1e3: {  	[sflag:s21] =	ssyncadd.s32 $0xFFFFD800  }
0x1e4: {  	[spmem:s3] =	stream.indirect.scatter.add.f32 [tilespmem:s17], [sflag:$0x5], $0x80, s5, s15, $0xb8;
	[tilespmem:$0x1F880] =	vst v63  }
0x1e5: {  	_ =	swait.ge [sflag:s12], $0x2800  }
0x1e6: {  	[sflag:s12] =	ssyncset.done $0x0  }
0x1e7: {  	[sflag:s12] =	ssyncadd.s32 $0xFFFFD800  }
0x1e8: {  	_ =	swait.ge [sflag:s22], $0x2800  }
0x1e9: {  	[sflag:s22] =	ssyncset.done $0x0  }
0x1ea: {  	[sflag:s22] =	ssyncadd.s32 $0xFFFFD800  }
0x1eb: {  	[spmem:s3] =	stream.indirect.scatter.add.f32 [tilespmem:s18], [sflag:$0x5], $0x80, s7, s15, $0xb8;
	[tilespmem:$0x1F880] =	vst v63  }
0x1ec: {  	_ =	swait.ge [sflag:s12], $0x2800  }
0x1ed: {  	[sflag:s12] =	ssyncset.done $0x0  }
0x1ee: {  	[sflag:s12] =	ssyncadd.s32 $0xFFFFD800  }
0x1ef: {  	_ =	swait.ge [sflag:s23], $0x2800  }
0x1f0: {  	[sflag:s23] =	ssyncset.done $0x0  }
0x1f1: {  	[sflag:s23] =	ssyncadd.s32 $0xFFFFD800  }
0x1f2: {  	[spmem:s3] =	stream.indirect.scatter.add.f32 [tilespmem:s19], [sflag:$0x5], $0x80, s8, s15, $0xb8;
	[tilespmem:$0x1F880] =	vst v63  }
0x1f3: {  	_ =	swait.ge [sflag:s12], $0x2800  }
0x1f4: {  	[sflag:s12] =	ssyncset.done $0x0  }
0x1f5: {  	[sflag:s12] =	ssyncadd.s32 $0xFFFFD800  }
0x1f6: {  	p1 =	sne.s32 s13, $0x800;
	_ =	swait.ge [sflag:s20], $0x2800  }
.Ltmp0:
0x1f7: {  	[sflag:s20] =	ssyncset.done $0x0;
	(pc) =	sbr.rel @p1 .LBB2_2-.Ltmp0, $4  }
0x1f8: {  	[sflag:s20] =	ssyncadd.s32 $0xFFFFD800  }
0x1f9: {  	[spmem:s3] =	stream.indirect.scatter.add.f32 [tilespmem:s16], [sflag:$0x5], $0x80, s9, s15, $0xb8;
	[tilespmem:$0x1F880] =	vst v63  }
0x1fa: {  	_ =	swait.ge [sflag:s12], $0x2800  }
0x1fb: {  	s13 =	sadd.s32 $0x200, s13;
	s6 =	rddreg [dreg:$0x6];
	[sflag:s12] =	ssyncset.done $0x0  }
0x1fc: {  	[sflag:s12] =	ssyncadd.s32 $0xFFFFD800;
	s6 =	sadd.s32 s11, s6  }
0x1fd: {  	[tilespmem:s4], [sflag:$0x5] =	stream.linear.gather [hbm4b:s6+s4], $0xC80, $0x38;
	[tilespmem:$0x1F880] =	vst v63  }
0x1fe: {  	_ =	swait.ge [sflag:s12], $0xC80  }
0x1ff: {  	s10 =	rddreg [dreg:$0x5];
	[sflag:s12] =	ssyncset.done $0x0  }
0x200: {  	[sflag:s12] =	ssyncadd.s32 $0xFFFFF380;
	s6 =	sadd.s32 s11, s10  }
0x201: {  	[tilespmem:s14], [sflag:$0x5] =	stream.linear.gather [hbm4b:s6+s4], $0xC80, $0x38;
	[tilespmem:$0x1F880] =	vst v63  }
0x202: {  	_ =	swait.ge [sflag:s12], $0xC80  }
0x203: {  	[sflag:s12] =	ssyncset.done $0x0  }
0x204: {  	[sflag:s12] =	ssyncadd.s32 $0xFFFFF380  }
0x205: {  	[tilespmem:s16], [sflag:$0x1] =	stream.indirect.gather [hbm4b:s1+s15], $0x80, s4, s15, $0xb8;
	[tilespmem:$0x1F880] =	vst v63  }
0x206: {  	s11 =	rddreg [dreg:$0x7]  }
0x207: {  	[tilespmem:s17], [sflag:$0x2] =	stream.indirect.gather [hbm4b:s1+s15], $0x80, s11, s15, $0xb8;
	[tilespmem:$0x1F880] =	vst v63  }
0x208: {  	s10 =	rddreg [dreg:$0x8]  }
0x209: {  	[tilespmem:s18], [sflag:$0x3] =	stream.indirect.gather [hbm4b:s1+s15], $0x80, s10, s15, $0xb8;
	[tilespmem:$0x1F880] =	vst v63  }
0x20a: {  	s13 =	rddreg [dreg:$0x9]  }
0x20b: {  	[tilespmem:s19], [sflag:$0x4] =	stream.indirect.gather [hbm4b:s1+s15], $0x80, s13, s15, $0xb8;
	[tilespmem:$0x1F880] =	vst v63  }
0x20c: {  	_ =	swait.ge [sflag:s20], $0x2800  }
0x20d: {  	[sflag:s20] =	ssyncset.done $0x0  }
0x20e: {  	[sflag:s20] =	ssyncadd.s32 $0xFFFFD800  }
0x20f: {  	[spmem:s3] =	stream.indirect.scatter.add.f32 [tilespmem:s16], [sflag:$0x5], $0x80, s14, s15, $0xb8;
	[tilespmem:$0x1F880] =	vst v63  }
0x210: {  	_ =	swait.ge [sflag:s12], $0x2800  }
0x211: {  	[sflag:s12] =	ssyncset.done $0x0  }
0x212: {  	s11 =	rddreg [dreg:$0xa];
	[sflag:s12] =	ssyncadd.s32 $0xFFFFD800  }
0x213: {  	[tilespmem:s16], [sflag:$0x1] =	stream.indirect.gather [hbm4b:s1+s15], $0x80, s11, s15, $0xb8;
	[tilespmem:$0x1F880] =	vst v63  }
0x214: {  	_ =	swait.ge [sflag:s21], $0x2800  }
0x215: {  	[sflag:s21] =	ssyncset.done $0x0  }
0x216: {  	s13 =	rddreg [dreg:$0xb];
	[sflag:s21] =	ssyncadd.s32 $0xFFFFD800  }
0x217: {  	[spmem:s3] =	stream.indirect.scatter.add.f32 [tilespmem:s17], [sflag:$0x5], $0x80, s13, s15, $0xb8;
	[tilespmem:$0x1F880] =	vst v63  }
0x218: {  	_ =	swait.ge [sflag:s12], $0x2800  }
0x219: {  	[sflag:s12] =	ssyncset.done $0x0  }
0x21a: {  	s10 =	rddreg [dreg:$0xc];
	[sflag:s12] =	ssyncadd.s32 $0xFFFFD800  }
0x21b: {  	[tilespmem:s17], [sflag:$0x2] =	stream.indirect.gather [hbm4b:s1+s15], $0x80, s10, s15, $0xb8;
	[tilespmem:$0x1F880] =	vst v63  }
0x21c: {  	_ =	swait.ge [sflag:s22], $0x2800  }
0x21d: {  	[sflag:s22] =	ssyncset.done $0x0  }
0x21e: {  	s11 =	rddreg [dreg:$0xd];
	[sflag:s22] =	ssyncadd.s32 $0xFFFFD800  }
0x21f: {  	[spmem:s3] =	stream.indirect.scatter.add.f32 [tilespmem:s18], [sflag:$0x5], $0x80, s11, s15, $0xb8;
	[tilespmem:$0x1F880] =	vst v63  }
0x220: {  	_ =	swait.ge [sflag:s12], $0x2800  }
0x221: {  	[sflag:s12] =	ssyncset.done $0x0  }
0x222: {  	s13 =	rddreg [dreg:$0xe];
	[sflag:s12] =	ssyncadd.s32 $0xFFFFD800  }
0x223: {  	[tilespmem:s18], [sflag:$0x3] =	stream.indirect.gather [hbm4b:s1+s15], $0x80, s13, s15, $0xb8;
	[tilespmem:$0x1F880] =	vst v63  }
0x224: {  	_ =	swait.ge [sflag:s23], $0x2800  }
0x225: {  	[sflag:s23] =	ssyncset.done $0x0  }
0x226: {  	s10 =	rddreg [dreg:$0xf];
	[sflag:s23] =	ssyncadd.s32 $0xFFFFD800  }
0x227: {  	[spmem:s3] =	stream.indirect.scatter.add.f32 [tilespmem:s19], [sflag:$0x5], $0x80, s10, s15, $0xb8;
	[tilespmem:$0x1F880] =	vst v63  }
0x228: {  	_ =	swait.ge [sflag:s12], $0x2800  }
0x229: {  	[sflag:s12] =	ssyncset.done $0x0  }
0x22a: {  	s11 =	rddreg [dreg:$0x10];
	[sflag:s12] =	ssyncadd.s32 $0xFFFFD800  }
0x22b: {  	[tilespmem:s19], [sflag:$0x4] =	stream.indirect.gather [hbm4b:s1+s15], $0x80, s11, s15, $0xb8;
	[tilespmem:$0x1F880] =	vst v63  }
0x22c: {  	_ =	swait.ge [sflag:s20], $0x2800  }
0x22d: {  	[sflag:s20] =	ssyncset.done $0x0  }
0x22e: {  	s13 =	rddreg [dreg:$0x11];
	[sflag:s20] =	ssyncadd.s32 $0xFFFFD800  }
0x22f: {  	[spmem:s3] =	stream.indirect.scatter.add.f32 [tilespmem:s16], [sflag:$0x5], $0x80, s13, s15, $0xb8;
	[tilespmem:$0x1F880] =	vst v63  }
0x230: {  	_ =	swait.ge [sflag:s12], $0x2800  }
0x231: {  	[sflag:s12] =	ssyncset.done $0x0  }
0x232: {  	s10 =	rddreg [dreg:$0x12];
	[sflag:s12] =	ssyncadd.s32 $0xFFFFD800  }
0x233: {  	[tilespmem:s16], [sflag:$0x1] =	stream.indirect.gather [hbm4b:s1+s15], $0x80, s10, s15, $0xb8;
	[tilespmem:$0x1F880] =	vst v63  }
0x234: {  	_ =	swait.ge [sflag:s21], $0x2800  }
0x235: {  	[sflag:s21] =	ssyncset.done $0x0  }
0x236: {  	s11 =	rddreg [dreg:$0x13];
	[sflag:s21] =	ssyncadd.s32 $0xFFFFD800  }
0x237: {  	[spmem:s3] =	stream.indirect.scatter.add.f32 [tilespmem:s17], [sflag:$0x5], $0x80, s11, s15, $0xb8;
	[tilespmem:$0x1F880] =	vst v63  }
0x238: {  	_ =	swait.ge [sflag:s12], $0x2800  }
0x239: {  	[sflag:s12] =	ssyncset.done $0x0  }
0x23a: {  	s13 =	rddreg [dreg:$0x14];
	[sflag:s12] =	ssyncadd.s32 $0xFFFFD800  }
0x23b: {  	[tilespmem:s17], [sflag:$0x2] =	stream.indirect.gather [hbm4b:s1+s15], $0x80, s13, s15, $0xb8;
	[tilespmem:$0x1F880] =	vst v63  }
0x23c: {  	_ =	swait.ge [sflag:s22], $0x2800  }
0x23d: {  	[sflag:s22] =	ssyncset.done $0x0  }
0x23e: {  	s10 =	rddreg [dreg:$0x15];
	[sflag:s22] =	ssyncadd.s32 $0xFFFFD800  }
0x23f: {  	[spmem:s3] =	stream.indirect.scatter.add.f32 [tilespmem:s18], [sflag:$0x5], $0x80, s10, s15, $0xb8;
	[tilespmem:$0x1F880] =	vst v63  }
0x240: {  	_ =	swait.ge [sflag:s12], $0x2800  }
0x241: {  	[sflag:s12] =	ssyncset.done $0x0  }
0x242: {  	s11 =	rddreg [dreg:$0x16];
	[sflag:s12] =	ssyncadd.s32 $0xFFFFD800  }
0x243: {  	[tilespmem:s18], [sflag:$0x3] =	stream.indirect.gather [hbm4b:s1+s15], $0x80, s11, s15, $0xb8;
	[tilespmem:$0x1F880] =	vst v63  }
0x244: {  	_ =	swait.ge [sflag:s23], $0x2800  }
0x245: {  	[sflag:s23] =	ssyncset.done $0x0  }
0x246: {  	s13 =	rddreg [dreg:$0x17];
	[sflag:s23] =	ssyncadd.s32 $0xFFFFD800  }
0x247: {  	[spmem:s3] =	stream.indirect.scatter.add.f32 [tilespmem:s19], [sflag:$0x5], $0x80, s13, s15, $0xb8;
	[tilespmem:$0x1F880] =	vst v63  }
0x248: {  	_ =	swait.ge [sflag:s12], $0x2800  }
0x249: {  	[sflag:s12] =	ssyncset.done $0x0  }
0x24a: {  	s10 =	rddreg [dreg:$0x18];
	[sflag:s12] =	ssyncadd.s32 $0xFFFFD800  }
0x24b: {  	[tilespmem:s19], [sflag:$0x4] =	stream.indirect.gather [hbm4b:s1+s15], $0x80, s10, s15, $0xb8;
	[tilespmem:$0x1F880] =	vst v63  }
0x24c: {  	_ =	swait.ge [sflag:s20], $0x2800  }
0x24d: {  	[sflag:s20] =	ssyncset.done $0x0  }
0x24e: {  	s11 =	rddreg [dreg:$0x19];
	[sflag:s20] =	ssyncadd.s32 $0xFFFFD800  }
0x24f: {  	[spmem:s3] =	stream.indirect.scatter.add.f32 [tilespmem:s16], [sflag:$0x5], $0x80, s11, s15, $0xb8;
	[tilespmem:$0x1F880] =	vst v63  }
0x250: {  	_ =	swait.ge [sflag:s12], $0x2800  }
0x251: {  	[sflag:s12] =	ssyncset.done $0x0  }
0x252: {  	s13 =	rddreg [dreg:$0x1a];
	[sflag:s12] =	ssyncadd.s32 $0xFFFFD800  }
0x253: {  	[tilespmem:s16], [sflag:$0x1] =	stream.indirect.gather [hbm4b:s1+s15], $0x80, s13, s15, $0xb8;
	[tilespmem:$0x1F880] =	vst v63  }
0x254: {  	_ =	swait.ge [sflag:s21], $0x2800  }
0x255: {  	[sflag:s21] =	ssyncset.done $0x0  }
0x256: {  	s10 =	rddreg [dreg:$0x1b];
	[sflag:s21] =	ssyncadd.s32 $0xFFFFD800  }
0x257: {  	[spmem:s3] =	stream.indirect.scatter.add.f32 [tilespmem:s17], [sflag:$0x5], $0x80, s10, s15, $0xb8;
	[tilespmem:$0x1F880] =	vst v63  }
0x258: {  	_ =	swait.ge [sflag:s12], $0x2800  }
0x259: {  	[sflag:s12] =	ssyncset.done $0x0  }
0x25a: {  	s11 =	rddreg [dreg:$0x1c];
	[sflag:s12] =	ssyncadd.s32 $0xFFFFD800  }
0x25b: {  	[tilespmem:s17], [sflag:$0x2] =	stream.indirect.gather [hbm4b:s1+s15], $0x80, s11, s15, $0xb8;
	[tilespmem:$0x1F880] =	vst v63  }
0x25c: {  	_ =	swait.ge [sflag:s22], $0x2800  }
0x25d: {  	[sflag:s22] =	ssyncset.done $0x0  }
0x25e: {  	s13 =	rddreg [dreg:$0x1d];
	[sflag:s22] =	ssyncadd.s32 $0xFFFFD800  }
0x25f: {  	[spmem:s3] =	stream.indirect.scatter.add.f32 [tilespmem:s18], [sflag:$0x5], $0x80, s13, s15, $0xb8;
	[tilespmem:$0x1F880] =	vst v63  }
0x260: {  	_ =	swait.ge [sflag:s12], $0x2800  }
0x261: {  	[sflag:s12] =	ssyncset.done $0x0  }
0x262: {  	s10 =	rddreg [dreg:$0x1e];
	[sflag:s12] =	ssyncadd.s32 $0xFFFFD800  }
0x263: {  	[tilespmem:s18], [sflag:$0x3] =	stream.indirect.gather [hbm4b:s1+s15], $0x80, s10, s15, $0xb8;
	[tilespmem:$0x1F880] =	vst v63  }
0x264: {  	_ =	swait.ge [sflag:s23], $0x2800  }
0x265: {  	[sflag:s23] =	ssyncset.done $0x0  }
0x266: {  	s11 =	rddreg [dreg:$0x1f];
	[sflag:s23] =	ssyncadd.s32 $0xFFFFD800  }
0x267: {  	[spmem:s3] =	stream.indirect.scatter.add.f32 [tilespmem:s19], [sflag:$0x5], $0x80, s11, s15, $0xb8;
	[tilespmem:$0x1F880] =	vst v63  }
0x268: {  	_ =	swait.ge [sflag:s12], $0x2800  }
0x269: {  	s13 =	sld [smem:$0x7F0]  }
0x26a: {  	[sflag:s12] =	ssyncset.done $0x0  }
0x26b: {  	[sflag:s12] =	ssyncadd.s32 $0xFFFFD800  }
0x26c: {  	[tilespmem:s19], [sflag:$0x4] =	stream.indirect.gather [hbm4b:s1+s15], $0x80, s13, s15, $0xb8;
	[tilespmem:$0x1F880] =	vst v63  }
0x26d: {  	_ =	swait.ge [sflag:s20], $0x2800  }
0x26e: {  	s10 =	sld [smem:$0x7F1]  }
0x26f: {  	[sflag:s20] =	ssyncset.done $0x0  }
0x270: {  	[sflag:s20] =	ssyncadd.s32 $0xFFFFD800  }
0x271: {  	[spmem:s3] =	stream.indirect.scatter.add.f32 [tilespmem:s16], [sflag:$0x5], $0x80, s10, s15, $0xb8;
	[tilespmem:$0x1F880] =	vst v63  }
0x272: {  	_ =	swait.ge [sflag:s12], $0x2800  }
0x273: {  	s11 =	sld [smem:$0x7F2]  }
0x274: {  	[sflag:s12] =	ssyncset.done $0x0  }
0x275: {  	[sflag:s12] =	ssyncadd.s32 $0xFFFFD800  }
0x276: {  	[tilespmem:s16], [sflag:$0x1] =	stream.indirect.gather [hbm4b:s1+s15], $0x80, s11, s15, $0xb8;
	[tilespmem:$0x1F880] =	vst v63  }
0x277: {  	_ =	swait.ge [sflag:s21], $0x2800  }
0x278: {  	s13 =	sld [smem:$0x7F3]  }
0x279: {  	[sflag:s21] =	ssyncset.done $0x0  }
0x27a: {  	[sflag:s21] =	ssyncadd.s32 $0xFFFFD800  }
0x27b: {  	[spmem:s3] =	stream.indirect.scatter.add.f32 [tilespmem:s17], [sflag:$0x5], $0x80, s13, s15, $0xb8;
	[tilespmem:$0x1F880] =	vst v63  }
0x27c: {  	_ =	swait.ge [sflag:s12], $0x2800  }
0x27d: {  	s10 =	sld [smem:$0x7F4]  }
0x27e: {  	[sflag:s12] =	ssyncset.done $0x0  }
0x27f: {  	[sflag:s12] =	ssyncadd.s32 $0xFFFFD800  }
0x280: {  	[tilespmem:s17], [sflag:$0x2] =	stream.indirect.gather [hbm4b:s1+s15], $0x80, s10, s15, $0xb8;
	[tilespmem:$0x1F880] =	vst v63  }
0x281: {  	_ =	swait.ge [sflag:s22], $0x2800  }
0x282: {  	s11 =	sld [smem:$0x7F5]  }
0x283: {  	[sflag:s22] =	ssyncset.done $0x0  }
0x284: {  	[sflag:s22] =	ssyncadd.s32 $0xFFFFD800  }
0x285: {  	[spmem:s3] =	stream.indirect.scatter.add.f32 [tilespmem:s18], [sflag:$0x5], $0x80, s11, s15, $0xb8;
	[tilespmem:$0x1F880] =	vst v63  }
0x286: {  	_ =	swait.ge [sflag:s12], $0x2800  }
0x287: {  	s13 =	sld [smem:$0x7F6]  }
0x288: {  	[sflag:s12] =	ssyncset.done $0x0  }
0x289: {  	[sflag:s12] =	ssyncadd.s32 $0xFFFFD800  }
0x28a: {  	[tilespmem:s18], [sflag:$0x3] =	stream.indirect.gather [hbm4b:s1+s15], $0x80, s13, s15, $0xb8;
	[tilespmem:$0x1F880] =	vst v63  }
0x28b: {  	_ =	swait.ge [sflag:s23], $0x2800  }
0x28c: {  	s10 =	sld [smem:$0x7F7]  }
0x28d: {  	[sflag:s23] =	ssyncset.done $0x0  }
0x28e: {  	[sflag:s23] =	ssyncadd.s32 $0xFFFFD800  }
0x28f: {  	[spmem:s3] =	stream.indirect.scatter.add.f32 [tilespmem:s19], [sflag:$0x5], $0x80, s10, s15, $0xb8;
	[tilespmem:$0x1F880] =	vst v63  }
0x290: {  	_ =	swait.ge [sflag:s12], $0x2800  }
0x291: {  	s11 =	sld [smem:$0x7F8]  }
0x292: {  	[sflag:s12] =	ssyncset.done $0x0  }
0x293: {  	[sflag:s12] =	ssyncadd.s32 $0xFFFFD800  }
0x294: {  	[tilespmem:s19], [sflag:$0x4] =	stream.indirect.gather [hbm4b:s1+s15], $0x80, s11, s15, $0xb8;
	[tilespmem:$0x1F880] =	vst v63  }
0x295: {  	_ =	swait.ge [sflag:s20], $0x2800  }
0x296: {  	s13 =	sld [smem:$0x7F9]  }
0x297: {  	[sflag:s20] =	ssyncset.done $0x0  }
0x298: {  	[sflag:s20] =	ssyncadd.s32 $0xFFFFD800  }
0x299: {  	[spmem:s3] =	stream.indirect.scatter.add.f32 [tilespmem:s16], [sflag:$0x5], $0x80, s13, s15, $0xb8;
	[tilespmem:$0x1F880] =	vst v63  }
0x29a: {  	_ =	swait.ge [sflag:s12], $0x2800  }
0x29b: {  	[sflag:s12] =	ssyncset.done $0x0  }
0x29c: {  	[sflag:s12] =	ssyncadd.s32 $0xFFFFD800  }
0x29d: {  	[tilespmem:s16], [sflag:$0x1] =	stream.indirect.gather [hbm4b:s1+s15], $0x80, s24, s15, $0xb8;
	[tilespmem:$0x1F880] =	vst v63  }
0x29e: {  	_ =	swait.ge [sflag:s21], $0x2800  }
0x29f: {  	[sflag:s21] =	ssyncset.done $0x0  }
0x2a0: {  	[sflag:s21] =	ssyncadd.s32 $0xFFFFD800  }
0x2a1: {  	[spmem:s3] =	stream.indirect.scatter.add.f32 [tilespmem:s17], [sflag:$0x5], $0x80, s25, s15, $0xb8;
	[tilespmem:$0x1F880] =	vst v63  }
0x2a2: {  	_ =	swait.ge [sflag:s12], $0x2800  }
0x2a3: {  	[sflag:s12] =	ssyncset.done $0x0  }
0x2a4: {  	[sflag:s12] =	ssyncadd.s32 $0xFFFFD800  }
0x2a5: {  	[tilespmem:s17], [sflag:$0x2] =	stream.indirect.gather [hbm4b:s1+s15], $0x80, s26, s15, $0xb8;
	[tilespmem:$0x1F880] =	vst v63  }
0x2a6: {  	_ =	swait.ge [sflag:s22], $0x2800  }
0x2a7: {  	[sflag:s22] =	ssyncset.done $0x0  }
0x2a8: {  	[sflag:s22] =	ssyncadd.s32 $0xFFFFD800  }
0x2a9: {  	[spmem:s3] =	stream.indirect.scatter.add.f32 [tilespmem:s18], [sflag:$0x5], $0x80, s28, s15, $0xb8;
	[tilespmem:$0x1F880] =	vst v63  }
0x2aa: {  	_ =	swait.ge [sflag:s12], $0x2800  }
0x2ab: {  	[sflag:s12] =	ssyncset.done $0x0  }
0x2ac: {  	[sflag:s12] =	ssyncadd.s32 $0xFFFFD800  }
0x2ad: {  	[tilespmem:s18], [sflag:$0x3] =	stream.indirect.gather [hbm4b:s1+s15], $0x80, s29, s15, $0xb8;
	[tilespmem:$0x1F880] =	vst v63  }
0x2ae: {  	_ =	swait.ge [sflag:s23], $0x2800  }
0x2af: {  	[sflag:s23] =	ssyncset.done $0x0  }
0x2b0: {  	[sflag:s23] =	ssyncadd.s32 $0xFFFFD800  }
0x2b1: {  	[spmem:s3] =	stream.indirect.scatter.add.f32 [tilespmem:s19], [sflag:$0x5], $0x80, s30, s15, $0xb8;
	[tilespmem:$0x1F880] =	vst v63  }
0x2b2: {  	_ =	swait.ge [sflag:s12], $0x2800  }
0x2b3: {  	[sflag:s12] =	ssyncset.done $0x0  }
0x2b4: {  	[sflag:s12] =	ssyncadd.s32 $0xFFFFD800  }
0x2b5: {  	[tilespmem:s19], [sflag:$0x4] =	stream.indirect.gather [hbm4b:s1+s15], $0x80, s31, s15, $0xb8;
	[tilespmem:$0x1F880] =	vst v63  }
0x2b6: {  	_ =	swait.ge [sflag:s20], $0x2800  }
0x2b7: {  	[sflag:s20] =	ssyncset.done $0x0  }
0x2b8: {  	[sflag:s20] =	ssyncadd.s32 $0xFFFFD800  }
0x2b9: {  	[spmem:s3] =	stream.indirect.scatter.add.f32 [tilespmem:s16], [sflag:$0x5], $0x80, s2, s15, $0xb8;
	[tilespmem:$0x1F880] =	vst v63  }
0x2ba: {  	_ =	swait.ge [sflag:s12], $0x2800  }
0x2bb: {  	[sflag:s12] =	ssyncset.done $0x0  }
0x2bc: {  	[sflag:s12] =	ssyncadd.s32 $0xFFFFD800  }
0x2bd: {  	[tilespmem:s16], [sflag:$0x1] =	stream.indirect.gather [hbm4b:s1+s15], $0x80, s0, s15, $0xb8;
	[tilespmem:$0x1F880] =	vst v63  }
0x2be: {  	_ =	swait.ge [sflag:s21], $0x2800  }
0x2bf: {  	[sflag:s21] =	ssyncset.done $0x0  }
0x2c0: {  	[sflag:s21] =	ssyncadd.s32 $0xFFFFD800  }
0x2c1: {  	[spmem:s3] =	stream.indirect.scatter.add.f32 [tilespmem:s17], [sflag:$0x5], $0x80, s5, s15, $0xb8;
	[tilespmem:$0x1F880] =	vst v63  }
0x2c2: {  	_ =	swait.ge [sflag:s12], $0x2800  }
0x2c3: {  	[sflag:s12] =	ssyncset.done $0x0  }
0x2c4: {  	[sflag:s12] =	ssyncadd.s32 $0xFFFFD800  }
0x2c5: {  	_ =	swait.ge [sflag:s22], $0x2800  }
0x2c6: {  	[sflag:s22] =	ssyncset.done $0x0  }
0x2c7: {  	[sflag:s22] =	ssyncadd.s32 $0xFFFFD800  }
0x2c8: {  	[spmem:s3] =	stream.indirect.scatter.add.f32 [tilespmem:s18], [sflag:$0x5], $0x80, s7, s15, $0xb8;
	[tilespmem:$0x1F880] =	vst v63  }
0x2c9: {  	_ =	swait.ge [sflag:s12], $0x2800  }
0x2ca: {  	[sflag:s12] =	ssyncset.done $0x0  }
0x2cb: {  	[sflag:s12] =	ssyncadd.s32 $0xFFFFD800  }
0x2cc: {  	_ =	swait.ge [sflag:s23], $0x2800  }
0x2cd: {  	[sflag:s23] =	ssyncset.done $0x0  }
0x2ce: {  	[sflag:s23] =	ssyncadd.s32 $0xFFFFD800  }
0x2cf: {  	[spmem:s3] =	stream.indirect.scatter.add.f32 [tilespmem:s19], [sflag:$0x5], $0x80, s8, s15, $0xb8;
	[tilespmem:$0x1F880] =	vst v63  }
0x2d0: {  	_ =	swait.ge [sflag:s12], $0x2800  }
0x2d1: {  	[sflag:s12] =	ssyncset.done $0x0  }
0x2d2: {  	[sflag:s12] =	ssyncadd.s32 $0xFFFFD800  }
0x2d3: {  	_ =	swait.ge [sflag:s20], $0x2800  }
0x2d4: {  	[sflag:s20] =	ssyncset.done $0x0  }
0x2d5: {  	[sflag:s20] =	ssyncadd.s32 $0xFFFFD800  }
0x2d6: {  	[spmem:s3] =	stream.indirect.scatter.add.f32 [tilespmem:s16], [sflag:$0x5], $0x80, s9, s15, $0xb8;
	[tilespmem:$0x1F880] =	vst v63  }
0x2d7: {  	_ =	swait.ge [sflag:s12], $0x2800  }
0x2d8: {  	[sflag:s12] =	ssyncset.done $0x0  }
0x2d9: {  	[sflag:s12] =	ssyncadd.s32 $0xFFFFD800  }
0x2da: {  	[bflag:$0x0] =	sbarrier.arrive $0xFFFF  }
0x2db: {  	s13 =	sld [smem:$0x7FB]  }
0x2dc: {  	s10 =	sld [smem:$0x7ED]  }
0x2dd: {  	s11 =	sld [smem:$0x7FC];
	_ =	sdelay $0x2  }
0x2de: {  	[hbm:s10], [sflag:s13] =	dma.local [spmem:s11], $0x2700  }
0x2df: {  	_ =	swait.ge [sflag:s12], $0x2700  }
0x2e0: {  	s6 =	sld [smem:$0x7EE]  }
0x2e1: {  	s10 =	sld [smem:$0x7FD]  }
0x2e2: {  	[sflag:s12] =	ssyncset.done $0x0  }
0x2e3: {  	[sflag:s12] =	ssyncadd.s32 $0xFFFFD900  }
0x2e4: {  	[hbm:s6], [sflag:s13] =	dma.local @!p0 [spmem:s10], $0x100  }
0x2e5: {  	s6 =	smov.u32 s10;
	s10 =	simm.s32 @!p0 $0x5  }
0x2e6: {  	_ =	swait.ge @!p0 [sflag:s10], $0x100  }
0x2e7: {  	s11 =	sld [smem:$0x7FA]  }
0x2e8: {  	[sflag:s10] =	ssyncset.done @!p0 $0x0;
	s10 =	sld [smem:$0x7EF];
	_ =	sdelay $0x1  }
0x2e9: {  	s11 =	sadd.s32 $0x1, s11  }
0x2ea: {  	p1 =	sne.s32 s11, s10  }
.Ltmp1:
0x2eb: {  	_ = 	snop;
	(pc) =	sbr.rel @p1 .LBB2_1-.Ltmp1, $3  }
0x2ec: {  	_ =	sdelay $0x1  }
0x2ed: {  	[smem:$0x7FA] =	sst s11;
	s10 =	smov.u32 s6;
	s6 =	simm.s32 @!p0 $0x5  }
0x2ee: {  	s11 =	sld [smem:$0x7FC];
	[sflag:s6] =	ssyncadd.s32 @!p0 $0xFFFFFF00  }
0x2ef: {  	_ =	sfence.sel $0x180000  }
0x2f0: {  	[bflag:$0x0] =	sbarrier.arrive $0xFFFF  }
0x2f1: {  	_ =	strace $0x90000047  }
0x2f2: {  	s0 =	stileid.u32;
	[bflag:$0x2] =	sbarrier.arrive $0xFFFF  }
0x2f3: {  	p0 =	sne.s32 s0, $0x0;
	s0 =	rddreg [dreg:$0x4]  }
0x2f4: {  	s0 =	sadd.s32 @!p0 $0x100000, s0  }
0x2f5: {  	[sflag:s0] =	ssyncadd.tile.s32 @!p0 $0x1;
	_ =	shalt  }
.Lfunc_end2:
_tile_overlayer_lowered:
.L_overlay_start_2:
0x2f6: {  	(tag) =	ssettag $0x2  }
0x2f7: {  	s0 =	rddreg [dreg:$0x0];
	s2 =	stileid.u32  }
0x2f8: {  	s1 =	rddreg [dreg:$0x1];
	p0 =	sne.s32 s2, $0x0  }
0x2f9: {  	s3 =	rddreg [dreg:$0x2];
	[bflag:$0x3] =	sbarrier.arrive $0xFFFF;
	s2 =	simm.s32 @!p0 $0x1C05  }
0x2fa: {  	[timem:s3], [sflag:s2] =	dma.local @!p0 [hbm:s0], s1  }
0x2fb: {  	s0 =	simm.s32 @!p0 $0x5  }
0x2fc: {  	_ =	swait.ge @!p0 [sflag:s0], s1  }
0x2fd: {  	s1 =	ssub.s32 @!p0 $0x0, s1;
	[sflag:s0] =	ssyncset.done @!p0 $0x0  }
0x2fe: {  	[sflag:s0] =	ssyncadd.s32 @!p0 s1  }
0x2ff: {  	[bflag:$0x3] =	sbarrier.arrive $0xFFFF  }
0x300: {  	_ =	shalt  }

</sc_bundles>
